<compile_context>
chip_gen: v7x
topology: tpu7x:2x2x1
jax: 0.10.2.dev20260603
libtpu: 0.0.44.dev20260713+nightly
codegen_flags: <defaults>
</compile_context>

<pallas_src>
import functools

import jax
import jax.numpy as jnp
from jax import lax
from jax.experimental import pallas as pl
from jax.experimental.pallas import tpu as pltpu
from jax.experimental.pallas import tpu_sc as plsc

KNN = 20
KPAD = 24
EPS = 1e-5
NWORKERS = 32
CP = 128


def _knn_call(xt):
    B, N, C = xt.shape

    def body(xt_ref, idx_ref, d_scr):
        b = pl.program_id(0)
        x = xt_ref[0]
        g = lax.dot_general(x, x, (((1,), (1,)), ((), ())),
                            preferred_element_type=jnp.float32)
        xx = jnp.sum(x * x, axis=1)
        inner = -2.0 * g
        d_scr[...] = (-xx[:, None] - inner) - xx[None, :]
        jiota = lax.broadcasted_iota(jnp.int32, (N, N), 1)
        for it in range(KNN):
            dd = d_scr[...]
            m = jnp.max(dd, axis=1)
            jj = jnp.min(jnp.where(dd == m[:, None], jiota, jnp.int32(2**30)),
                         axis=1)
            idx_ref[0, :, it] = jj + b * N
            d_scr[...] = jnp.where(jiota == jj[:, None], -jnp.inf, dd)
        niota = lax.broadcasted_iota(jnp.int32, (N, 1), 0)[:, 0] + b * N
        for it in range(KNN, KPAD):
            idx_ref[0, :, it] = niota

    return pl.pallas_call(
        body,
        grid=(B,),
        in_specs=[pl.BlockSpec((1, N, C), lambda b: (b, 0, 0))],
        out_specs=pl.BlockSpec((1, N, KPAD), lambda b: (b, 0, 0)),
        out_shape=jax.ShapeDtypeStruct((B, N, KPAD), jnp.int32),
        scratch_shapes=[pltpu.VMEM((N, N), jnp.float32)],
    )(xt)


def _gather_call(tab, idx):
    T, cp = tab.shape
    M = T * KPAD
    W = 128
    per = M // NWORKERS
    steps = per // W
    NB = 4
    idxg = idx.reshape(M // W, W)
    mesh = plsc.VectorSubcoreMesh(core_axis_name="c", subcore_axis_name="s")

    @functools.partial(
        pl.kernel,
        out_type=jax.ShapeDtypeStruct((M, cp), jnp.float32),
        mesh=mesh,
        scratch_types=[
            pltpu.VMEM((steps, W), jnp.int32),
        ] + [pltpu.VMEM((W, cp), jnp.float32)] * NB
          + [pltpu.SemaphoreType.DMA] * (2 * NB))
    def k(tab_hbm, idx_hbm, xg_hbm, idx_v, *bufs_and_sems):
        rows = bufs_and_sems[:NB]
        gsem = bufs_and_sems[NB:2 * NB]
        osem = bufs_and_sems[2 * NB:]
        wid = lax.axis_index("s") * 2 + lax.axis_index("c")
        base = wid * steps

        pltpu.sync_copy(idx_hbm.at[pl.ds(base, steps), :], idx_v)

        @pl.loop(0, steps // NB)
        def _grp(jj):
            s0 = jj * NB
            gs = [
                pltpu.async_copy(tab_hbm.at[idx_v.at[s0 + b]], rows[b],
                                 gsem[b])
                for b in range(NB)
            ]
            os = []
            for b in range(NB):
                gs[b].wait()
                os.append(pltpu.async_copy(
                    rows[b], xg_hbm.at[pl.ds((base + s0 + b) * W, W), :],
                    osem[b]))
            for o in os:
                o.wait()

    return k(tab, idxg)


def _conv_call(xg, xt, wd, wc, g, b):
    TKP, cp = xg.shape
    T = TKP // KPAD
    O = wd.shape[0]
    TB = 128
    G = T // TB

    def body(xg_ref, xt_ref, wd_ref, wc_ref, g_ref, b_ref,
             ymax_ref, scale_ref, shift_ref, acc):
        i = pl.program_id(0)

        @pl.when(i == 0)
        def _():
            acc[...] = jnp.zeros_like(acc)

        xn = xt_ref[...]
        xg3 = xg_ref[...].reshape(TB, KPAD, cp)
        diff = (xg3 - xn[:, None, :]).reshape(TB * KPAD, cp)
        yd = lax.dot_general(diff, wd_ref[...], (((1,), (1,)), ((), ())),
                             preferred_element_type=jnp.float32)
        yc = lax.dot_general(xn, wc_ref[...], (((1,), (1,)), ((), ())),
                             preferred_element_type=jnp.float32)
        y3 = yd.reshape(TB, KPAD, O) + yc[:, None, :]
        yk = y3[:, :KNN, :]
        ymax_ref[...] = jnp.max(yk, axis=1)
        acc[0, :] += jnp.sum(yk, axis=(0, 1))
        acc[1, :] += jnp.sum(yk * yk, axis=(0, 1))

        @pl.when(i == G - 1)
        def _():
            cnt = jnp.float32(T * KNN)
            mean = acc[0, :] / cnt
            var = acc[1, :] / cnt - mean * mean
            sc = g_ref[0, :] * lax.rsqrt(var + EPS)
            scale_ref[0, :] = sc
            shift_ref[0, :] = b_ref[0, :] - mean * sc

    return pl.pallas_call(
        body,
        grid=(G,),
        in_specs=[pl.BlockSpec((TB * KPAD, cp), lambda i: (i, 0)),
                  pl.BlockSpec((TB, cp), lambda i: (i, 0)),
                  pl.BlockSpec((O, cp), lambda i: (0, 0)),
                  pl.BlockSpec((O, cp), lambda i: (0, 0)),
                  pl.BlockSpec((1, O), lambda i: (0, 0)),
                  pl.BlockSpec((1, O), lambda i: (0, 0))],
        out_specs=[pl.BlockSpec((TB, O), lambda i: (i, 0)),
                   pl.BlockSpec((1, O), lambda i: (0, 0)),
                   pl.BlockSpec((1, O), lambda i: (0, 0))],
        out_shape=[jax.ShapeDtypeStruct((T, O), jnp.float32),
                   jax.ShapeDtypeStruct((1, O), jnp.float32),
                   jax.ShapeDtypeStruct((1, O), jnp.float32)],
        scratch_shapes=[pltpu.VMEM((2, O), jnp.float32)],
    )(xg, xt, wd, wc, g, b)


def _norm_call(ymax, scale, shift):
    T, O = ymax.shape
    R = 2048
    G = T // R

    def body(ymax_ref, scale_ref, shift_ref, o_ref):
        z = scale_ref[0, :] * ymax_ref[...] + shift_ref[0, :]
        o_ref[...] = jnp.where(z >= 0, z, 0.2 * z)

    return pl.pallas_call(
        body,
        grid=(G,),
        in_specs=[pl.BlockSpec((R, O), lambda i: (i, 0)),
                  pl.BlockSpec((1, O), lambda i: (0, 0)),
                  pl.BlockSpec((1, O), lambda i: (0, 0))],
        out_specs=pl.BlockSpec((R, O), lambda i: (i, 0)),
        out_shape=jax.ShapeDtypeStruct((T, O), jnp.float32),
    )(ymax, scale, shift)


def _final_matmul_call(cat, w5, g5, b5):
    B, N, F = cat.shape
    C = w5.shape[0]

    def body(cat_ref, w5_ref, g_ref, b_ref, yt_ref, scale_ref, shift_ref,
             acc):
        i = pl.program_id(0)

        @pl.when(i == 0)
        def _():
            acc[...] = jnp.zeros_like(acc)

        yt = lax.dot_general(w5_ref[...], cat_ref[0], (((1,), (1,)), ((), ())),
                             preferred_element_type=jnp.float32)
        yt_ref[0] = yt
        acc[:, 0:1] += jnp.sum(yt, axis=1, keepdims=True)
        acc[:, 1:2] += jnp.sum(yt * yt, axis=1, keepdims=True)

        @pl.when(i == B - 1)
        def _():
            cnt = jnp.float32(B * N)
            mean = acc[:, 0:1] / cnt
            var = acc[:, 1:2] / cnt - mean * mean
            sc = g_ref[...] * lax.rsqrt(var + EPS)
            scale_ref[...] = sc
            shift_ref[...] = b_ref[...] - mean * sc

    return pl.pallas_call(
        body,
        grid=(B,),
        in_specs=[pl.BlockSpec((1, N, F), lambda i: (i, 0, 0)),
                  pl.BlockSpec((C, F), lambda i: (0, 0)),
                  pl.BlockSpec((C, 1), lambda i: (0, 0)),
                  pl.BlockSpec((C, 1), lambda i: (0, 0))],
        out_specs=[pl.BlockSpec((1, C, N), lambda i: (i, 0, 0)),
                   pl.BlockSpec((C, 1), lambda i: (0, 0)),
                   pl.BlockSpec((C, 1), lambda i: (0, 0))],
        out_shape=[jax.ShapeDtypeStruct((B, C, N), jnp.float32),
                   jax.ShapeDtypeStruct((C, 1), jnp.float32),
                   jax.ShapeDtypeStruct((C, 1), jnp.float32)],
        scratch_shapes=[pltpu.VMEM((C, 2), jnp.float32)],
    )(cat, w5, g5, b5)


def _final_norm_call(yt, scale, shift):
    B, C, N = yt.shape

    def body(yt_ref, scale_ref, shift_ref, o_ref):
        z = scale_ref[...] * yt_ref[0] + shift_ref[...]
        o_ref[0] = jnp.where(z >= 0, z, 0.2 * z)

    return pl.pallas_call(
        body,
        grid=(B,),
        in_specs=[pl.BlockSpec((1, C, N), lambda i: (i, 0, 0)),
                  pl.BlockSpec((C, 1), lambda i: (0, 0)),
                  pl.BlockSpec((C, 1), lambda i: (0, 0))],
        out_specs=pl.BlockSpec((1, C, N), lambda i: (i, 0, 0)),
        out_shape=jax.ShapeDtypeStruct((B, C, N), jnp.float32),
    )(yt, scale, shift)


def _layer(xt, W, g, b, cin):
    B, N, C = xt.shape
    O = W.shape[0]
    wd = jnp.pad(W[:, :cin], ((0, 0), (0, CP - cin)))
    wc = jnp.pad(W[:, cin:], ((0, 0), (0, CP - cin)))
    idx = _knn_call(xt)
    T = B * N
    tab = jnp.pad(xt.reshape(T, C), ((0, 0), (0, CP - C)))
    xg = _gather_call(tab, idx.reshape(T, KPAD))
    ymax, scale, shift = _conv_call(xg, tab, wd, wc, g.reshape(1, O),
                                    b.reshape(1, O))
    return _norm_call(ymax, scale, shift).reshape(B, N, O)


def kernel(x, W1, g1, b1, W2, g2, b2, W3, g3, b3, W4, g4, b4, W5, g5, b5):
    B, _, N = x.shape
    xt0 = jnp.pad(jnp.transpose(x, (0, 2, 1)), ((0, 0), (0, 0), (0, 5)))
    x1 = _layer(xt0, W1, g1, b1, 3)
    x2 = _layer(x1, W2, g2, b2, 64)
    x3 = _layer(x2, W3, g3, b3, 64)
    x4 = _layer(x3, W4, g4, b4, 128)
    cat = jnp.concatenate([x1, x2, x3, x4], axis=2)
    C = W5.shape[0]
    yt, scale, shift = _final_matmul_call(cat, W5, g5.reshape(C, 1),
                                          b5.reshape(C, 1))
    return _final_norm_call(yt, scale, shift)

# --- scband reference (transcript-rebuilt; emitter-appended) ---
"""Pipeline reference for scband-dgcnn-1511828488963 (READ-ONLY COPY).

The authoritative reference and input builder live on the scoring server;
editing this copy changes nothing except your own understanding.
"""

import jax, jax.numpy as jnp
import numpy as np

K = 20
EPS = 1e-5
EMB_DIMS = 1024


def knn(x, k):
    # x: [B, C, N]
    inner = -2.0 * jnp.einsum('bcn,bcm->bnm', x, x)
    xx = jnp.sum(x ** 2, axis=1, keepdims=True)  # [B, 1, N]
    pairwise_distance = -xx - inner - jnp.transpose(xx, (0, 2, 1))
    idx = jax.lax.top_k(pairwise_distance, k)[1]  # [B, N, k]
    return idx


def get_graph_feature(x, k):
    # x: [B, C, N] -> [B, 2C, N, k]
    B, C, N = x.shape
    idx = knn(x, k)  # [B, N, k]
    xt = jnp.transpose(x, (0, 2, 1))  # [B, N, C]
    feature = jax.vmap(lambda pts, ind: pts[ind])(xt, idx)  # [B, N, k, C]
    xc = jnp.broadcast_to(xt[:, :, None, :], (B, N, k, C))
    out = jnp.concatenate([feature - xc, xc], axis=3)  # [B, N, k, 2C]
    return jnp.transpose(out, (0, 3, 1, 2))


def lrelu(x):
    return jnp.where(x >= 0, x, 0.2 * x)


def bn2d(x, g, b):
    m = jnp.mean(x, axis=(0, 2, 3), keepdims=True)
    v = jnp.var(x, axis=(0, 2, 3), keepdims=True)
    return g[None, :, None, None] * (x - m) / jnp.sqrt(v + EPS) + b[None, :, None, None]


def bn1d(x, g, b):
    m = jnp.mean(x, axis=(0, 2), keepdims=True)
    v = jnp.var(x, axis=(0, 2), keepdims=True)
    return g[None, :, None] * (x - m) / jnp.sqrt(v + EPS) + b[None, :, None]


def conv_block2d(x, W, g, b):
    y = jnp.einsum('oc,bcnk->bonk', W, x)
    return lrelu(bn2d(y, g, b))


def setup_inputs(seed: int = 0) -> dict:
    key = jax.random.key(seed)
    ks = jax.random.split(key, 8)
    x = jax.random.normal(ks[0], (16, 3, 1024), dtype=jnp.float32)
    W1 = jax.random.normal(ks[1], (64, 6), dtype=jnp.float32) * 0.1
    W2 = jax.random.normal(ks[2], (64, 128), dtype=jnp.float32) * 0.1
    W3 = jax.random.normal(ks[3], (128, 128), dtype=jnp.float32) * 0.1
    W4 = jax.random.normal(ks[4], (256, 256), dtype=jnp.float32) * 0.1
    W5 = jax.random.normal(ks[5], (EMB_DIMS, 512), dtype=jnp.float32) * 0.05
    return {
        'x': x,
        'W1': W1, 'g1': jnp.ones((64,), jnp.float32), 'b1': jnp.zeros((64,), jnp.float32),
        'W2': W2, 'g2': jnp.ones((64,), jnp.float32), 'b2': jnp.zeros((64,), jnp.float32),
        'W3': W3, 'g3': jnp.ones((128,), jnp.float32), 'b3': jnp.zeros((128,), jnp.float32),
        'W4': W4, 'g4': jnp.ones((256,), jnp.float32), 'b4': jnp.zeros((256,), jnp.float32),
        'W5': W5, 'g5': jnp.ones((EMB_DIMS,), jnp.float32), 'b5': jnp.zeros((EMB_DIMS,), jnp.float32),
    }


def reference(x, W1, g1, b1, W2, g2, b2, W3, g3, b3, W4, g4, b4, W5, g5, b5):
    h = get_graph_feature(x, K)            # [B, 6, N, k]
    h = conv_block2d(h, W1, g1, b1)
    x1 = jnp.max(h, axis=-1)               # [B, 64, N]
    h = get_graph_feature(x1, K)           # [B, 128, N, k]
    h = conv_block2d(h, W2, g2, b2)
    x2 = jnp.max(h, axis=-1)               # [B, 64, N]
    h = get_graph_feature(x2, K)           # [B, 128, N, k]
    h = conv_block2d(h, W3, g3, b3)
    x3 = jnp.max(h, axis=-1)               # [B, 128, N]
    h = get_graph_feature(x3, K)           # [B, 256, N, k]
    h = conv_block2d(h, W4, g4, b4)
    x4 = jnp.max(h, axis=-1)               # [B, 256, N]
    cat = jnp.concatenate([x1, x2, x3, x4], axis=1)  # [B, 512, N]
    y = jnp.einsum('oc,bcn->bon', W5, cat)
    y = lrelu(bn1d(y, g5, b5))
    return y                                # [B, EMB_DIMS, N]

if __name__ == "__main__":
    import jax
    _d = setup_inputs()
    print(jax.jit(kernel)(*tuple(_d.values())))

</pallas_src>

<mosaic_0001>
#map = affine_map<(d0, d1) -> (0, 0)>
module attributes {stable_mosaic.version = 14 : i64} {
  func.func @k(%arg0: i32, %arg1: i32, %arg2: memref<16384x128xf32, #tpu.memory_space<hbm>>, %arg3: memref<3072x128xi32, #tpu.memory_space<hbm>>, %arg4: memref<393216x128xf32, #tpu.memory_space<hbm>>, %arg5: memref<96x128xi32, #tpu.memory_space<vmem>>, %arg6: memref<128x128xf32, #tpu.memory_space<vmem>>, %arg7: memref<128x128xf32, #tpu.memory_space<vmem>>, %arg8: memref<128x128xf32, #tpu.memory_space<vmem>>, %arg9: memref<128x128xf32, #tpu.memory_space<vmem>>, %arg10: memref<!tpu.dma_semaphore, #tpu.memory_space<semaphore_mem>>, %arg11: memref<!tpu.dma_semaphore, #tpu.memory_space<semaphore_mem>>, %arg12: memref<!tpu.dma_semaphore, #tpu.memory_space<semaphore_mem>>, %arg13: memref<!tpu.dma_semaphore, #tpu.memory_space<semaphore_mem>>, %arg14: memref<!tpu.dma_semaphore, #tpu.memory_space<semaphore_mem>>, %arg15: memref<!tpu.dma_semaphore, #tpu.memory_space<semaphore_mem>>, %arg16: memref<!tpu.dma_semaphore, #tpu.memory_space<semaphore_mem>>, %arg17: memref<!tpu.dma_semaphore, #tpu.memory_space<semaphore_mem>>) attributes {dimension_semantics = [#tpu.dimension_semantics<core_parallel>, #tpu.dimension_semantics<subcore_parallel>], iteration_bounds = array<i64: 2, 16>, scalar_prefetch = 0 : i64, scratch_operands = 13 : i64, tpu.core_type = #tpu.core_type<sc_vector_subcore>, window_params = [{transform_indices = #map}, {transform_indices = #map}, {transform_indices = #map}]} {
    %mul3A = arith.constant 2 : i32
    %mul3A_0 = arith.muli %arg1, %mul3A : i32
    %add3A = arith.addi %mul3A_0, %arg0 : i32
    %mul3A_1 = arith.constant 96 : i32
    %mul3A_2 = arith.muli %add3A, %mul3A_1 : i32
    "tpu.region"() ({
      %run_scoped3A = tpu.sem_alloc : memref<!tpu.dma_semaphore, #tpu.memory_space<semaphore_mem>>
      %dma_start3A = arith.constant 0 : i32
      %dma_start3A_7 = tpu.memref_slice %arg3[%mul3A_2, %dma_start3A] : memref<3072x128xi32, #tpu.memory_space<hbm>> -> memref<96x128xi32, #tpu.memory_space<hbm>>
      %dma_start3A_8 = arith.constant 0 : i32
      %dma_start3A_9 = tpu.memref_slice %arg3[%mul3A_2, %dma_start3A_8] : memref<3072x128xi32, #tpu.memory_space<hbm>> -> memref<96x128xi32, #tpu.memory_space<hbm>>
      tpu.enqueue_dma source(%dma_start3A_9 : memref<96x128xi32, #tpu.memory_space<hbm>>) target(%arg5 : memref<96x128xi32, #tpu.memory_space<vmem>>) target_semaphore(%run_scoped3A : memref<!tpu.dma_semaphore, #tpu.memory_space<semaphore_mem>>)
      %dma_wait3A = arith.constant 0 : i32
      %dma_wait3A_10 = tpu.memref_slice %arg3[%mul3A_2, %dma_wait3A] : memref<3072x128xi32, #tpu.memory_space<hbm>> -> memref<96x128xi32, #tpu.memory_space<hbm>>
      %dma_wait3A_11 = arith.constant 0 : i32
      %dma_wait3A_12 = tpu.memref_slice %arg3[%mul3A_2, %dma_wait3A_11] : memref<3072x128xi32, #tpu.memory_space<hbm>> -> memref<96x128xi32, #tpu.memory_space<hbm>>
      tpu.wait_dma2 semaphore(%run_scoped3A : memref<!tpu.dma_semaphore, #tpu.memory_space<semaphore_mem>>) src(%dma_wait3A_12 : memref<96x128xi32, #tpu.memory_space<hbm>>) dst(%arg5 : memref<96x128xi32, #tpu.memory_space<vmem>>)
      tpu.yield
    }) : () -> ()
    %scan3A = arith.constant 0 : i32
    %scan3A_3 = arith.constant 24 : i32
    %scan3A_4 = arith.addi %scan3A, %scan3A_3 : i32
    %scan3A_5 = arith.constant 1 : i32
    scf.for %scan3A_7 = %scan3A to %scan3A_4 step %scan3A_5  : i32 {
      %mul3A_8 = arith.constant 1 : i32
      %mul3A_9 = arith.muli %scan3A_7, %mul3A_8 : i32
      %add3A_10 = arith.constant 0 : i32
      %add3A_11 = arith.addi %add3A_10, %mul3A_9 : i32
      %mul3A_12 = arith.constant 4 : i32
      %mul3A_13 = arith.muli %add3A_11, %mul3A_12 : i32
      %add3A_14 = arith.constant 0 : i32
      %add3A_15 = arith.addi %mul3A_13, %add3A_14 : i32
      %dma_start3A = arith.constant 0 : i32
      %dma_start3A_16 = tpu.memref_slice %arg5[%add3A_15, %dma_start3A] : memref<96x128xi32, #tpu.memory_space<vmem>> -> memref<1x128xi32, #tpu.memory_space<vmem>>
      %dma_start3A_17 = tpu.memref_squeeze %dma_start3A_16 : memref<1x128xi32, #tpu.memory_space<vmem>> -> memref<128xi32, #tpu.memory_space<vmem>>
      %dma_start3A_18 = arith.constant 0 : i32
      %dma_start3A_19 = arith.constant 0 : i32
      %dma_start3A_20 = tpu.memref_slice %arg2[%dma_start3A_18, %dma_start3A_19] : memref<16384x128xf32, #tpu.memory_space<hbm>> -> memref<16384x128xf32, #tpu.memory_space<hbm>>
      tpu.enqueue_indirect_dma source(%dma_start3A_20 : memref<16384x128xf32, #tpu.memory_space<hbm>>) target(%arg6 : memref<128x128xf32, #tpu.memory_space<vmem>>) offsets(%dma_start3A_17 : memref<128xi32, #tpu.memory_space<vmem>>) semaphore(%arg10 : memref<!tpu.dma_semaphore, #tpu.memory_space<semaphore_mem>>)
      %add3A_21 = arith.constant 1 : i32
      %add3A_22 = arith.addi %mul3A_13, %add3A_21 : i32
      %dma_start3A_23 = arith.constant 0 : i32
      %dma_start3A_24 = tpu.memref_slice %arg5[%add3A_22, %dma_start3A_23] : memref<96x128xi32, #tpu.memory_space<vmem>> -> memref<1x128xi32, #tpu.memory_space<vmem>>
      %dma_start3A_25 = tpu.memref_squeeze %dma_start3A_24 : memref<1x128xi32, #tpu.memory_space<vmem>> -> memref<128xi32, #tpu.memory_space<vmem>>
      %dma_start3A_26 = arith.constant 0 : i32
      %dma_start3A_27 = arith.constant 0 : i32
      %dma_start3A_28 = tpu.memref_slice %arg2[%dma_start3A_26, %dma_start3A_27] : memref<16384x128xf32, #tpu.memory_space<hbm>> -> memref<16384x128xf32, #tpu.memory_space<hbm>>
      tpu.enqueue_indirect_dma source(%dma_start3A_28 : memref<16384x128xf32, #tpu.memory_space<hbm>>) target(%arg7 : memref<128x128xf32, #tpu.memory_space<vmem>>) offsets(%dma_start3A_25 : memref<128xi32, #tpu.memory_space<vmem>>) semaphore(%arg11 : memref<!tpu.dma_semaphore, #tpu.memory_space<semaphore_mem>>)
      %add3A_29 = arith.constant 2 : i32
      %add3A_30 = arith.addi %mul3A_13, %add3A_29 : i32
      %dma_start3A_31 = arith.constant 0 : i32
      %dma_start3A_32 = tpu.memref_slice %arg5[%add3A_30, %dma_start3A_31] : memref<96x128xi32, #tpu.memory_space<vmem>> -> memref<1x128xi32, #tpu.memory_space<vmem>>
      %dma_start3A_33 = tpu.memref_squeeze %dma_start3A_32 : memref<1x128xi32, #tpu.memory_space<vmem>> -> memref<128xi32, #tpu.memory_space<vmem>>
      %dma_start3A_34 = arith.constant 0 : i32
      %dma_start3A_35 = arith.constant 0 : i32
      %dma_start3A_36 = tpu.memref_slice %arg2[%dma_start3A_34, %dma_start3A_35] : memref<16384x128xf32, #tpu.memory_space<hbm>> -> memref<16384x128xf32, #tpu.memory_space<hbm>>
      tpu.enqueue_indirect_dma source(%dma_start3A_36 : memref<16384x128xf32, #tpu.memory_space<hbm>>) target(%arg8 : memref<128x128xf32, #tpu.memory_space<vmem>>) offsets(%dma_start3A_33 : memref<128xi32, #tpu.memory_space<vmem>>) semaphore(%arg12 : memref<!tpu.dma_semaphore, #tpu.memory_space<semaphore_mem>>)
      %add3A_37 = arith.constant 3 : i32
      %add3A_38 = arith.addi %mul3A_13, %add3A_37 : i32
      %dma_start3A_39 = arith.constant 0 : i32
      %dma_start3A_40 = tpu.memref_slice %arg5[%add3A_38, %dma_start3A_39] : memref<96x128xi32, #tpu.memory_space<vmem>> -> memref<1x128xi32, #tpu.memory_space<vmem>>
      %dma_start3A_41 = tpu.memref_squeeze %dma_start3A_40 : memref<1x128xi32, #tpu.memory_space<vmem>> -> memref<128xi32, #tpu.memory_space<vmem>>
      %dma_start3A_42 = arith.constant 0 : i32
      %dma_start3A_43 = arith.constant 0 : i32
      %dma_start3A_44 = tpu.memref_slice %arg2[%dma_start3A_42, %dma_start3A_43] : memref<16384x128xf32, #tpu.memory_space<hbm>> -> memref<16384x128xf32, #tpu.memory_space<hbm>>
      tpu.enqueue_indirect_dma source(%dma_start3A_44 : memref<16384x128xf32, #tpu.memory_space<hbm>>) target(%arg9 : memref<128x128xf32, #tpu.memory_space<vmem>>) offsets(%dma_start3A_41 : memref<128xi32, #tpu.memory_space<vmem>>) semaphore(%arg13 : memref<!tpu.dma_semaphore, #tpu.memory_space<semaphore_mem>>)
      %dma_wait3A = arith.constant 0 : i32
      %dma_wait3A_45 = tpu.memref_slice %arg5[%add3A_15, %dma_wait3A] : memref<96x128xi32, #tpu.memory_space<vmem>> -> memref<1x128xi32, #tpu.memory_space<vmem>>
      %dma_wait3A_46 = tpu.memref_squeeze %dma_wait3A_45 : memref<1x128xi32, #tpu.memory_space<vmem>> -> memref<128xi32, #tpu.memory_space<vmem>>
      %dma_wait3A_47 = arith.constant 0 : i32
      %dma_wait3A_48 = arith.constant 0 : i32
      %dma_wait3A_49 = tpu.memref_slice %arg2[%dma_wait3A_47, %dma_wait3A_48] : memref<16384x128xf32, #tpu.memory_space<hbm>> -> memref<16384x128xf32, #tpu.memory_space<hbm>>
      tpu.wait_indirect_dma semaphore(%arg10 : memref<!tpu.dma_semaphore, #tpu.memory_space<semaphore_mem>>) src(%dma_wait3A_49 : memref<16384x128xf32, #tpu.memory_space<hbm>>) dst(%arg6 : memref<128x128xf32, #tpu.memory_space<vmem>>)
      %add3A_50 = arith.addi %mul3A_2, %mul3A_13 : i32
      %add3A_51 = arith.constant 0 : i32
      %add3A_52 = arith.addi %add3A_50, %add3A_51 : i32
      %mul3A_53 = arith.constant 128 : i32
      %mul3A_54 = arith.muli %add3A_52, %mul3A_53 : i32
      %dma_start3A_55 = arith.constant 0 : i32
      %dma_start3A_56 = tpu.memref_slice %arg4[%mul3A_54, %dma_start3A_55] : memref<393216x128xf32, #tpu.memory_space<hbm>> -> memref<128x128xf32, #tpu.memory_space<hbm>>
      %dma_start3A_57 = arith.constant 0 : i32
      %dma_start3A_58 = tpu.memref_slice %arg4[%mul3A_54, %dma_start3A_57] : memref<393216x128xf32, #tpu.memory_space<hbm>> -> memref<128x128xf32, #tpu.memory_space<hbm>>
      tpu.enqueue_dma source(%arg6 : memref<128x128xf32, #tpu.memory_space<vmem>>) target(%dma_start3A_58 : memref<128x128xf32, #tpu.memory_space<hbm>>) target_semaphore(%arg14 : memref<!tpu.dma_semaphore, #tpu.memory_space<semaphore_mem>>)
      %dma_wait3A_59 = arith.constant 0 : i32
      %dma_wait3A_60 = tpu.memref_slice %arg5[%add3A_22, %dma_wait3A_59] : memref<96x128xi32, #tpu.memory_space<vmem>> -> memref<1x128xi32, #tpu.memory_space<vmem>>
      %dma_wait3A_61 = tpu.memref_squeeze %dma_wait3A_60 : memref<1x128xi32, #tpu.memory_space<vmem>> -> memref<128xi32, #tpu.memory_space<vmem>>
      %dma_wait3A_62 = arith.constant 0 : i32
      %dma_wait3A_63 = arith.constant 0 : i32
      %dma_wait3A_64 = tpu.memref_slice %arg2[%dma_wait3A_62, %dma_wait3A_63] : memref<16384x128xf32, #tpu.memory_space<hbm>> -> memref<16384x128xf32, #tpu.memory_space<hbm>>
      tpu.wait_indirect_dma semaphore(%arg11 : memref<!tpu.dma_semaphore, #tpu.memory_space<semaphore_mem>>) src(%dma_wait3A_64 : memref<16384x128xf32, #tpu.memory_space<hbm>>) dst(%arg7 : memref<128x128xf32, #tpu.memory_space<vmem>>)
      %add3A_65 = arith.addi %mul3A_2, %mul3A_13 : i32
      %add3A_66 = arith.constant 1 : i32
      %add3A_67 = arith.addi %add3A_65, %add3A_66 : i32
      %mul3A_68 = arith.constant 128 : i32
      %mul3A_69 = arith.muli %add3A_67, %mul3A_68 : i32
      %dma_start3A_70 = arith.constant 0 : i32
      %dma_start3A_71 = tpu.memref_slice %arg4[%mul3A_69, %dma_start3A_70] : memref<393216x128xf32, #tpu.memory_space<hbm>> -> memref<128x128xf32, #tpu.memory_space<hbm>>
      %dma_start3A_72 = arith.constant 0 : i32
      %dma_start3A_73 = tpu.memref_slice %arg4[%mul3A_69, %dma_start3A_72] : memref<393216x128xf32, #tpu.memory_space<hbm>> -> memref<128x128xf32, #tpu.memory_space<hbm>>
      tpu.enqueue_dma source(%arg7 : memref<128x128xf32, #tpu.memory_space<vmem>>) target(%dma_start3A_73 : memref<128x128xf32, #tpu.memory_space<hbm>>) target_semaphore(%arg15 : memref<!tpu.dma_semaphore, #tpu.memory_space<semaphore_mem>>)
      %dma_wait3A_74 = arith.constant 0 : i32
      %dma_wait3A_75 = tpu.memref_slice %arg5[%add3A_30, %dma_wait3A_74] : memref<96x128xi32, #tpu.memory_space<vmem>> -> memref<1x128xi32, #tpu.memory_space<vmem>>
      %dma_wait3A_76 = tpu.memref_squeeze %dma_wait3A_75 : memref<1x128xi32, #tpu.memory_space<vmem>> -> memref<128xi32, #tpu.memory_space<vmem>>
      %dma_wait3A_77 = arith.constant 0 : i32
      %dma_wait3A_78 = arith.constant 0 : i32
      %dma_wait3A_79 = tpu.memref_slice %arg2[%dma_wait3A_77, %dma_wait3A_78] : memref<16384x128xf32, #tpu.memory_space<hbm>> -> memref<16384x128xf32, #tpu.memory_space<hbm>>
      tpu.wait_indirect_dma semaphore(%arg12 : memref<!tpu.dma_semaphore, #tpu.memory_space<semaphore_mem>>) src(%dma_wait3A_79 : memref<16384x128xf32, #tpu.memory_space<hbm>>) dst(%arg8 : memref<128x128xf32, #tpu.memory_space<vmem>>)
      %add3A_80 = arith.addi %mul3A_2, %mul3A_13 : i32
      %add3A_81 = arith.constant 2 : i32
      %add3A_82 = arith.addi %add3A_80, %add3A_81 : i32
      %mul3A_83 = arith.constant 128 : i32
      %mul3A_84 = arith.muli %add3A_82, %mul3A_83 : i32
      %dma_start3A_85 = arith.constant 0 : i32
      %dma_start3A_86 = tpu.memref_slice %arg4[%mul3A_84, %dma_start3A_85] : memref<393216x128xf32, #tpu.memory_space<hbm>> -> memref<128x128xf32, #tpu.memory_space<hbm>>
      %dma_start3A_87 = arith.constant 0 : i32
      %dma_start3A_88 = tpu.memref_slice %arg4[%mul3A_84, %dma_start3A_87] : memref<393216x128xf32, #tpu.memory_space<hbm>> -> memref<128x128xf32, #tpu.memory_space<hbm>>
      tpu.enqueue_dma source(%arg8 : memref<128x128xf32, #tpu.memory_space<vmem>>) target(%dma_start3A_88 : memref<128x128xf32, #tpu.memory_space<hbm>>) target_semaphore(%arg16 : memref<!tpu.dma_semaphore, #tpu.memory_space<semaphore_mem>>)
      %dma_wait3A_89 = arith.constant 0 : i32
      %dma_wait3A_90 = tpu.memref_slice %arg5[%add3A_38, %dma_wait3A_89] : memref<96x128xi32, #tpu.memory_space<vmem>> -> memref<1x128xi32, #tpu.memory_space<vmem>>
      %dma_wait3A_91 = tpu.memref_squeeze %dma_wait3A_90 : memref<1x128xi32, #tpu.memory_space<vmem>> -> memref<128xi32, #tpu.memory_space<vmem>>
      %dma_wait3A_92 = arith.constant 0 : i32
      %dma_wait3A_93 = arith.constant 0 : i32
      %dma_wait3A_94 = tpu.memref_slice %arg2[%dma_wait3A_92, %dma_wait3A_93] : memref<16384x128xf32, #tpu.memory_space<hbm>> -> memref<16384x128xf32, #tpu.memory_space<hbm>>
      tpu.wait_indirect_dma semaphore(%arg13 : memref<!tpu.dma_semaphore, #tpu.memory_space<semaphore_mem>>) src(%dma_wait3A_94 : memref<16384x128xf32, #tpu.memory_space<hbm>>) dst(%arg9 : memref<128x128xf32, #tpu.memory_space<vmem>>)
      %add3A_95 = arith.addi %mul3A_2, %mul3A_13 : i32
      %add3A_96 = arith.constant 3 : i32
      %add3A_97 = arith.addi %add3A_95, %add3A_96 : i32
      %mul3A_98 = arith.constant 128 : i32
      %mul3A_99 = arith.muli %add3A_97, %mul3A_98 : i32
      %dma_start3A_100 = arith.constant 0 : i32
      %dma_start3A_101 = tpu.memref_slice %arg4[%mul3A_99, %dma_start3A_100] : memref<393216x128xf32, #tpu.memory_space<hbm>> -> memref<128x128xf32, #tpu.memory_space<hbm>>
      %dma_start3A_102 = arith.constant 0 : i32
      %dma_start3A_103 = tpu.memref_slice %arg4[%mul3A_99, %dma_start3A_102] : memref<393216x128xf32, #tpu.memory_space<hbm>> -> memref<128x128xf32, #tpu.memory_space<hbm>>
      tpu.enqueue_dma source(%arg9 : memref<128x128xf32, #tpu.memory_space<vmem>>) target(%dma_start3A_103 : memref<128x128xf32, #tpu.memory_space<hbm>>) target_semaphore(%arg17 : memref<!tpu.dma_semaphore, #tpu.memory_space<semaphore_mem>>)
      %dma_wait3A_104 = arith.constant 0 : i32
      %dma_wait3A_105 = tpu.memref_slice %arg4[%mul3A_54, %dma_wait3A_104] : memref<393216x128xf32, #tpu.memory_space<hbm>> -> memref<128x128xf32, #tpu.memory_space<hbm>>
      %dma_wait3A_106 = arith.constant 0 : i32
      %dma_wait3A_107 = tpu.memref_slice %arg4[%mul3A_54, %dma_wait3A_106] : memref<393216x128xf32, #tpu.memory_space<hbm>> -> memref<128x128xf32, #tpu.memory_space<hbm>>
      tpu.wait_dma2 semaphore(%arg14 : memref<!tpu.dma_semaphore, #tpu.memory_space<semaphore_mem>>) src(%arg6 : memref<128x128xf32, #tpu.memory_space<vmem>>) dst(%dma_wait3A_107 : memref<128x128xf32, #tpu.memory_space<hbm>>)
      %dma_wait3A_108 = arith.constant 0 : i32
      %dma_wait3A_109 = tpu.memref_slice %arg4[%mul3A_69, %dma_wait3A_108] : memref<393216x128xf32, #tpu.memory_space<hbm>> -> memref<128x128xf32, #tpu.memory_space<hbm>>
      %dma_wait3A_110 = arith.constant 0 : i32
      %dma_wait3A_111 = tpu.memref_slice %arg4[%mul3A_69, %dma_wait3A_110] : memref<393216x128xf32, #tpu.memory_space<hbm>> -> memref<128x128xf32, #tpu.memory_space<hbm>>
      tpu.wait_dma2 semaphore(%arg15 : memref<!tpu.dma_semaphore, #tpu.memory_space<semaphore_mem>>) src(%arg7 : memref<128x128xf32, #tpu.memory_space<vmem>>) dst(%dma_wait3A_111 : memref<128x128xf32, #tpu.memory_space<hbm>>)
      %dma_wait3A_112 = arith.constant 0 : i32
      %dma_wait3A_113 = tpu.memref_slice %arg4[%mul3A_84, %dma_wait3A_112] : memref<393216x128xf32, #tpu.memory_space<hbm>> -> memref<128x128xf32, #tpu.memory_space<hbm>>
      %dma_wait3A_114 = arith.constant 0 : i32
      %dma_wait3A_115 = tpu.memref_slice %arg4[%mul3A_84, %dma_wait3A_114] : memref<393216x128xf32, #tpu.memory_space<hbm>> -> memref<128x128xf32, #tpu.memory_space<hbm>>
      tpu.wait_dma2 semaphore(%arg16 : memref<!tpu.dma_semaphore, #tpu.memory_space<semaphore_mem>>) src(%arg8 : memref<128x128xf32, #tpu.memory_space<vmem>>) dst(%dma_wait3A_115 : memref<128x128xf32, #tpu.memory_space<hbm>>)
      %dma_wait3A_116 = arith.constant 0 : i32
      %dma_wait3A_117 = tpu.memref_slice %arg4[%mul3A_99, %dma_wait3A_116] : memref<393216x128xf32, #tpu.memory_space<hbm>> -> memref<128x128xf32, #tpu.memory_space<hbm>>
      %dma_wait3A_118 = arith.constant 0 : i32
      %dma_wait3A_119 = tpu.memref_slice %arg4[%mul3A_99, %dma_wait3A_118] : memref<393216x128xf32, #tpu.memory_space<hbm>> -> memref<128x128xf32, #tpu.memory_space<hbm>>
      tpu.wait_dma2 semaphore(%arg17 : memref<!tpu.dma_semaphore, #tpu.memory_space<semaphore_mem>>) src(%arg9 : memref<128x128xf32, #tpu.memory_space<vmem>>) dst(%dma_wait3A_119 : memref<128x128xf32, #tpu.memory_space<hbm>>)
    }
    %scan3A_6 = arith.constant 24 : i32
    return
  }
}

#map = affine_map<(d0, d1) -> (0, 0)>
module attributes {stable_mosaic.version = 14 : i64} {
  func.func @k(%arg0: i32, %arg1: i32, %arg2: memref<16384x128xf32, #tpu.memory_space<hbm>>, %arg3: memref<3072x128xi32, #tpu.memory_space<hbm>>, %arg4: memref<393216x128xf32, #tpu.memory_space<hbm>>, %arg5: memref<96x128xi32, #tpu.memory_space<vmem>>, %arg6: memref<128x128xf32, #tpu.memory_space<vmem>>, %arg7: memref<128x128xf32, #tpu.memory_space<vmem>>, %arg8: memref<128x128xf32, #tpu.memory_space<vmem>>, %arg9: memref<128x128xf32, #tpu.memory_space<vmem>>, %arg10: memref<!tpu.dma_semaphore, #tpu.memory_space<semaphore_mem>>, %arg11: memref<!tpu.dma_semaphore, #tpu.memory_space<semaphore_mem>>, %arg12: memref<!tpu.dma_semaphore, #tpu.memory_space<semaphore_mem>>, %arg13: memref<!tpu.dma_semaphore, #tpu.memory_space<semaphore_mem>>, %arg14: memref<!tpu.dma_semaphore, #tpu.memory_space<semaphore_mem>>, %arg15: memref<!tpu.dma_semaphore, #tpu.memory_space<semaphore_mem>>, %arg16: memref<!tpu.dma_semaphore, #tpu.memory_space<semaphore_mem>>, %arg17: memref<!tpu.dma_semaphore, #tpu.memory_space<semaphore_mem>>) attributes {dimension_semantics = [#tpu.dimension_semantics<core_parallel>, #tpu.dimension_semantics<subcore_parallel>], iteration_bounds = array<i64: 2, 16>, scalar_prefetch = 0 : i64, scratch_operands = 13 : i64, tpu.core_type = #tpu.core_type<sc_vector_subcore>, window_params = [{transform_indices = #map}, {transform_indices = #map}, {transform_indices = #map}]} {
    %mul3A = arith.constant 2 : i32
    %mul3A_0 = arith.muli %arg1, %mul3A : i32
    %add3A = arith.addi %mul3A_0, %arg0 : i32
    %mul3A_1 = arith.constant 96 : i32
    %mul3A_2 = arith.muli %add3A, %mul3A_1 : i32
    "tpu.region"() ({
      %run_scoped3A = tpu.sem_alloc : memref<!tpu.dma_semaphore, #tpu.memory_space<semaphore_mem>>
      %dma_start3A = arith.constant 0 : i32
      %dma_start3A_7 = tpu.memref_slice %arg3[%mul3A_2, %dma_start3A] : memref<3072x128xi32, #tpu.memory_space<hbm>> -> memref<96x128xi32, #tpu.memory_space<hbm>>
      %dma_start3A_8 = arith.constant 0 : i32
      %dma_start3A_9 = tpu.memref_slice %arg3[%mul3A_2, %dma_start3A_8] : memref<3072x128xi32, #tpu.memory_space<hbm>> -> memref<96x128xi32, #tpu.memory_space<hbm>>
      tpu.enqueue_dma source(%dma_start3A_9 : memref<96x128xi32, #tpu.memory_space<hbm>>) target(%arg5 : memref<96x128xi32, #tpu.memory_space<vmem>>) target_semaphore(%run_scoped3A : memref<!tpu.dma_semaphore, #tpu.memory_space<semaphore_mem>>)
      %dma_wait3A = arith.constant 0 : i32
      %dma_wait3A_10 = tpu.memref_slice %arg3[%mul3A_2, %dma_wait3A] : memref<3072x128xi32, #tpu.memory_space<hbm>> -> memref<96x128xi32, #tpu.memory_space<hbm>>
      %dma_wait3A_11 = arith.constant 0 : i32
      %dma_wait3A_12 = tpu.memref_slice %arg3[%mul3A_2, %dma_wait3A_11] : memref<3072x128xi32, #tpu.memory_space<hbm>> -> memref<96x128xi32, #tpu.memory_space<hbm>>
      tpu.wait_dma2 semaphore(%run_scoped3A : memref<!tpu.dma_semaphore, #tpu.memory_space<semaphore_mem>>) src(%dma_wait3A_12 : memref<96x128xi32, #tpu.memory_space<hbm>>) dst(%arg5 : memref<96x128xi32, #tpu.memory_space<vmem>>)
      tpu.yield
    }) : () -> ()
    %scan3A = arith.constant 0 : i32
    %scan3A_3 = arith.constant 24 : i32
    %scan3A_4 = arith.addi %scan3A, %scan3A_3 : i32
    %scan3A_5 = arith.constant 1 : i32
    scf.for %scan3A_7 = %scan3A to %scan3A_4 step %scan3A_5  : i32 {
      %mul3A_8 = arith.constant 1 : i32
      %mul3A_9 = arith.muli %scan3A_7, %mul3A_8 : i32
      %add3A_10 = arith.constant 0 : i32
      %add3A_11 = arith.addi %add3A_10, %mul3A_9 : i32
      %mul3A_12 = arith.constant 4 : i32
      %mul3A_13 = arith.muli %add3A_11, %mul3A_12 : i32
      %add3A_14 = arith.constant 0 : i32
      %add3A_15 = arith.addi %mul3A_13, %add3A_14 : i32
      %dma_start3A = arith.constant 0 : i32
      %dma_start3A_16 = tpu.memref_slice %arg5[%add3A_15, %dma_start3A] : memref<96x128xi32, #tpu.memory_space<vmem>> -> memref<1x128xi32, #tpu.memory_space<vmem>>
      %dma_start3A_17 = tpu.memref_squeeze %dma_start3A_16 : memref<1x128xi32, #tpu.memory_space<vmem>> -> memref<128xi32, #tpu.memory_space<vmem>>
      %dma_start3A_18 = arith.constant 0 : i32
      %dma_start3A_19 = arith.constant 0 : i32
      %dma_start3A_20 = tpu.memref_slice %arg2[%dma_start3A_18, %dma_start3A_19] : memref<16384x128xf32, #tpu.memory_space<hbm>> -> memref<16384x128xf32, #tpu.memory_space<hbm>>
      tpu.enqueue_indirect_dma source(%dma_start3A_20 : memref<16384x128xf32, #tpu.memory_space<hbm>>) target(%arg6 : memref<128x128xf32, #tpu.memory_space<vmem>>) offsets(%dma_start3A_17 : memref<128xi32, #tpu.memory_space<vmem>>) semaphore(%arg10 : memref<!tpu.dma_semaphore, #tpu.memory_space<semaphore_mem>>)
      %add3A_21 = arith.constant 1 : i32
      %add3A_22 = arith.addi %mul3A_13, %add3A_21 : i32
      %dma_start3A_23 = arith.constant 0 : i32
      %dma_start3A_24 = tpu.memref_slice %arg5[%add3A_22, %dma_start3A_23] : memref<96x128xi32, #tpu.memory_space<vmem>> -> memref<1x128xi32, #tpu.memory_space<vmem>>
      %dma_start3A_25 = tpu.memref_squeeze %dma_start3A_24 : memref<1x128xi32, #tpu.memory_space<vmem>> -> memref<128xi32, #tpu.memory_space<vmem>>
      %dma_start3A_26 = arith.constant 0 : i32
      %dma_start3A_27 = arith.constant 0 : i32
      %dma_start3A_28 = tpu.memref_slice %arg2[%dma_start3A_26, %dma_start3A_27] : memref<16384x128xf32, #tpu.memory_space<hbm>> -> memref<16384x128xf32, #tpu.memory_space<hbm>>
      tpu.enqueue_indirect_dma source(%dma_start3A_28 : memref<16384x128xf32, #tpu.memory_space<hbm>>) target(%arg7 : memref<128x128xf32, #tpu.memory_space<vmem>>) offsets(%dma_start3A_25 : memref<128xi32, #tpu.memory_space<vmem>>) semaphore(%arg11 : memref<!tpu.dma_semaphore, #tpu.memory_space<semaphore_mem>>)
      %add3A_29 = arith.constant 2 : i32
      %add3A_30 = arith.addi %mul3A_13, %add3A_29 : i32
      %dma_start3A_31 = arith.constant 0 : i32
      %dma_start3A_32 = tpu.memref_slice %arg5[%add3A_30, %dma_start3A_31] : memref<96x128xi32, #tpu.memory_space<vmem>> -> memref<1x128xi32, #tpu.memory_space<vmem>>
      %dma_start3A_33 = tpu.memref_squeeze %dma_start3A_32 : memref<1x128xi32, #tpu.memory_space<vmem>> -> memref<128xi32, #tpu.memory_space<vmem>>
      %dma_start3A_34 = arith.constant 0 : i32
      %dma_start3A_35 = arith.constant 0 : i32
      %dma_start3A_36 = tpu.memref_slice %arg2[%dma_start3A_34, %dma_start3A_35] : memref<16384x128xf32, #tpu.memory_space<hbm>> -> memref<16384x128xf32, #tpu.memory_space<hbm>>
      tpu.enqueue_indirect_dma source(%dma_start3A_36 : memref<16384x128xf32, #tpu.memory_space<hbm>>) target(%arg8 : memref<128x128xf32, #tpu.memory_space<vmem>>) offsets(%dma_start3A_33 : memref<128xi32, #tpu.memory_space<vmem>>) semaphore(%arg12 : memref<!tpu.dma_semaphore, #tpu.memory_space<semaphore_mem>>)
      %add3A_37 = arith.constant 3 : i32
      %add3A_38 = arith.addi %mul3A_13, %add3A_37 : i32
      %dma_start3A_39 = arith.constant 0 : i32
      %dma_start3A_40 = tpu.memref_slice %arg5[%add3A_38, %dma_start3A_39] : memref<96x128xi32, #tpu.memory_space<vmem>> -> memref<1x128xi32, #tpu.memory_space<vmem>>
      %dma_start3A_41 = tpu.memref_squeeze %dma_start3A_40 : memref<1x128xi32, #tpu.memory_space<vmem>> -> memref<128xi32, #tpu.memory_space<vmem>>
      %dma_start3A_42 = arith.constant 0 : i32
      %dma_start3A_43 = arith.constant 0 : i32
      %dma_start3A_44 = tpu.memref_slice %arg2[%dma_start3A_42, %dma_start3A_43] : memref<16384x128xf32, #tpu.memory_space<hbm>> -> memref<16384x128xf32, #tpu.memory_space<hbm>>
      tpu.enqueue_indirect_dma source(%dma_start3A_44 : memref<16384x128xf32, #tpu.memory_space<hbm>>) target(%arg9 : memref<128x128xf32, #tpu.memory_space<vmem>>) offsets(%dma_start3A_41 : memref<128xi32, #tpu.memory_space<vmem>>) semaphore(%arg13 : memref<!tpu.dma_semaphore, #tpu.memory_space<semaphore_mem>>)
      %dma_wait3A = arith.constant 0 : i32
      %dma_wait3A_45 = tpu.memref_slice %arg5[%add3A_15, %dma_wait3A] : memref<96x128xi32, #tpu.memory_space<vmem>> -> memref<1x128xi32, #tpu.memory_space<vmem>>
      %dma_wait3A_46 = tpu.memref_squeeze %dma_wait3A_45 : memref<1x128xi32, #tpu.memory_space<vmem>> -> memref<128xi32, #tpu.memory_space<vmem>>
      %dma_wait3A_47 = arith.constant 0 : i32
      %dma_wait3A_48 = arith.constant 0 : i32
      %dma_wait3A_49 = tpu.memref_slice %arg2[%dma_wait3A_47, %dma_wait3A_48] : memref<16384x128xf32, #tpu.memory_space<hbm>> -> memref<16384x128xf32, #tpu.memory_space<hbm>>
      tpu.wait_indirect_dma semaphore(%arg10 : memref<!tpu.dma_semaphore, #tpu.memory_space<semaphore_mem>>) src(%dma_wait3A_49 : memref<16384x128xf32, #tpu.memory_space<hbm>>) dst(%arg6 : memref<128x128xf32, #tpu.memory_space<vmem>>)
      %add3A_50 = arith.addi %mul3A_2, %mul3A_13 : i32
      %add3A_51 = arith.constant 0 : i32
      %add3A_52 = arith.addi %add3A_50, %add3A_51 : i32
      %mul3A_53 = arith.constant 128 : i32
      %mul3A_54 = arith.muli %add3A_52, %mul3A_53 : i32
      %dma_start3A_55 = arith.constant 0 : i32
      %dma_start3A_56 = tpu.memref_slice %arg4[%mul3A_54, %dma_start3A_55] : memref<393216x128xf32, #tpu.memory_space<hbm>> -> memref<128x128xf32, #tpu.memory_space<hbm>>
      %dma_start3A_57 = arith.constant 0 : i32
      %dma_start3A_58 = tpu.memref_slice %arg4[%mul3A_54, %dma_start3A_57] : memref<393216x128xf32, #tpu.memory_space<hbm>> -> memref<128x128xf32, #tpu.memory_space<hbm>>
      tpu.enqueue_dma source(%arg6 : memref<128x128xf32, #tpu.memory_space<vmem>>) target(%dma_start3A_58 : memref<128x128xf32, #tpu.memory_space<hbm>>) target_semaphore(%arg14 : memref<!tpu.dma_semaphore, #tpu.memory_space<semaphore_mem>>)
      %dma_wait3A_59 = arith.constant 0 : i32
      %dma_wait3A_60 = tpu.memref_slice %arg5[%add3A_22, %dma_wait3A_59] : memref<96x128xi32, #tpu.memory_space<vmem>> -> memref<1x128xi32, #tpu.memory_space<vmem>>
      %dma_wait3A_61 = tpu.memref_squeeze %dma_wait3A_60 : memref<1x128xi32, #tpu.memory_space<vmem>> -> memref<128xi32, #tpu.memory_space<vmem>>
      %dma_wait3A_62 = arith.constant 0 : i32
      %dma_wait3A_63 = arith.constant 0 : i32
      %dma_wait3A_64 = tpu.memref_slice %arg2[%dma_wait3A_62, %dma_wait3A_63] : memref<16384x128xf32, #tpu.memory_space<hbm>> -> memref<16384x128xf32, #tpu.memory_space<hbm>>
      tpu.wait_indirect_dma semaphore(%arg11 : memref<!tpu.dma_semaphore, #tpu.memory_space<semaphore_mem>>) src(%dma_wait3A_64 : memref<16384x128xf32, #tpu.memory_space<hbm>>) dst(%arg7 : memref<128x128xf32, #tpu.memory_space<vmem>>)
      %add3A_65 = arith.addi %mul3A_2, %mul3A_13 : i32
      %add3A_66 = arith.constant 1 : i32
      %add3A_67 = arith.addi %add3A_65, %add3A_66 : i32
      %mul3A_68 = arith.constant 128 : i32
      %mul3A_69 = arith.muli %add3A_67, %mul3A_68 : i32
      %dma_start3A_70 = arith.constant 0 : i32
      %dma_start3A_71 = tpu.memref_slice %arg4[%mul3A_69, %dma_start3A_70] : memref<393216x128xf32, #tpu.memory_space<hbm>> -> memref<128x128xf32, #tpu.memory_space<hbm>>
      %dma_start3A_72 = arith.constant 0 : i32
      %dma_start3A_73 = tpu.memref_slice %arg4[%mul3A_69, %dma_start3A_72] : memref<393216x128xf32, #tpu.memory_space<hbm>> -> memref<128x128xf32, #tpu.memory_space<hbm>>
      tpu.enqueue_dma source(%arg7 : memref<128x128xf32, #tpu.memory_space<vmem>>) target(%dma_start3A_73 : memref<128x128xf32, #tpu.memory_space<hbm>>) target_semaphore(%arg15 : memref<!tpu.dma_semaphore, #tpu.memory_space<semaphore_mem>>)
      %dma_wait3A_74 = arith.constant 0 : i32
      %dma_wait3A_75 = tpu.memref_slice %arg5[%add3A_30, %dma_wait3A_74] : memref<96x128xi32, #tpu.memory_space<vmem>> -> memref<1x128xi32, #tpu.memory_space<vmem>>
      %dma_wait3A_76 = tpu.memref_squeeze %dma_wait3A_75 : memref<1x128xi32, #tpu.memory_space<vmem>> -> memref<128xi32, #tpu.memory_space<vmem>>
      %dma_wait3A_77 = arith.constant 0 : i32
      %dma_wait3A_78 = arith.constant 0 : i32
      %dma_wait3A_79 = tpu.memref_slice %arg2[%dma_wait3A_77, %dma_wait3A_78] : memref<16384x128xf32, #tpu.memory_space<hbm>> -> memref<16384x128xf32, #tpu.memory_space<hbm>>
      tpu.wait_indirect_dma semaphore(%arg12 : memref<!tpu.dma_semaphore, #tpu.memory_space<semaphore_mem>>) src(%dma_wait3A_79 : memref<16384x128xf32, #tpu.memory_space<hbm>>) dst(%arg8 : memref<128x128xf32, #tpu.memory_space<vmem>>)
      %add3A_80 = arith.addi %mul3A_2, %mul3A_13 : i32
      %add3A_81 = arith.constant 2 : i32
      %add3A_82 = arith.addi %add3A_80, %add3A_81 : i32
      %mul3A_83 = arith.constant 128 : i32
      %mul3A_84 = arith.muli %add3A_82, %mul3A_83 : i32
      %dma_start3A_85 = arith.constant 0 : i32
      %dma_start3A_86 = tpu.memref_slice %arg4[%mul3A_84, %dma_start3A_85] : memref<393216x128xf32, #tpu.memory_space<hbm>> -> memref<128x128xf32, #tpu.memory_space<hbm>>
      %dma_start3A_87 = arith.constant 0 : i32
      %dma_start3A_88 = tpu.memref_slice %arg4[%mul3A_84, %dma_start3A_87] : memref<393216x128xf32, #tpu.memory_space<hbm>> -> memref<128x128xf32, #tpu.memory_space<hbm>>
      tpu.enqueue_dma source(%arg8 : memref<128x128xf32, #tpu.memory_space<vmem>>) target(%dma_start3A_88 : memref<128x128xf32, #tpu.memory_space<hbm>>) target_semaphore(%arg16 : memref<!tpu.dma_semaphore, #tpu.memory_space<semaphore_mem>>)
      %dma_wait3A_89 = arith.constant 0 : i32
      %dma_wait3A_90 = tpu.memref_slice %arg5[%add3A_38, %dma_wait3A_89] : memref<96x128xi32, #tpu.memory_space<vmem>> -> memref<1x128xi32, #tpu.memory_space<vmem>>
      %dma_wait3A_91 = tpu.memref_squeeze %dma_wait3A_90 : memref<1x128xi32, #tpu.memory_space<vmem>> -> memref<128xi32, #tpu.memory_space<vmem>>
      %dma_wait3A_92 = arith.constant 0 : i32
      %dma_wait3A_93 = arith.constant 0 : i32
      %dma_wait3A_94 = tpu.memref_slice %arg2[%dma_wait3A_92, %dma_wait3A_93] : memref<16384x128xf32, #tpu.memory_space<hbm>> -> memref<16384x128xf32, #tpu.memory_space<hbm>>
      tpu.wait_indirect_dma semaphore(%arg13 : memref<!tpu.dma_semaphore, #tpu.memory_space<semaphore_mem>>) src(%dma_wait3A_94 : memref<16384x128xf32, #tpu.memory_space<hbm>>) dst(%arg9 : memref<128x128xf32, #tpu.memory_space<vmem>>)
      %add3A_95 = arith.addi %mul3A_2, %mul3A_13 : i32
      %add3A_96 = arith.constant 3 : i32
      %add3A_97 = arith.addi %add3A_95, %add3A_96 : i32
      %mul3A_98 = arith.constant 128 : i32
      %mul3A_99 = arith.muli %add3A_97, %mul3A_98 : i32
      %dma_start3A_100 = arith.constant 0 : i32
      %dma_start3A_101 = tpu.memref_slice %arg4[%mul3A_99, %dma_start3A_100] : memref<393216x128xf32, #tpu.memory_space<hbm>> -> memref<128x128xf32, #tpu.memory_space<hbm>>
      %dma_start3A_102 = arith.constant 0 : i32
      %dma_start3A_103 = tpu.memref_slice %arg4[%mul3A_99, %dma_start3A_102] : memref<393216x128xf32, #tpu.memory_space<hbm>> -> memref<128x128xf32, #tpu.memory_space<hbm>>
      tpu.enqueue_dma source(%arg9 : memref<128x128xf32, #tpu.memory_space<vmem>>) target(%dma_start3A_103 : memref<128x128xf32, #tpu.memory_space<hbm>>) target_semaphore(%arg17 : memref<!tpu.dma_semaphore, #tpu.memory_space<semaphore_mem>>)
      %dma_wait3A_104 = arith.constant 0 : i32
      %dma_wait3A_105 = tpu.memref_slice %arg4[%mul3A_54, %dma_wait3A_104] : memref<393216x128xf32, #tpu.memory_space<hbm>> -> memref<128x128xf32, #tpu.memory_space<hbm>>
      %dma_wait3A_106 = arith.constant 0 : i32
      %dma_wait3A_107 = tpu.memref_slice %arg4[%mul3A_54, %dma_wait3A_106] : memref<393216x128xf32, #tpu.memory_space<hbm>> -> memref<128x128xf32, #tpu.memory_space<hbm>>
      tpu.wait_dma2 semaphore(%arg14 : memref<!tpu.dma_semaphore, #tpu.memory_space<semaphore_mem>>) src(%arg6 : memref<128x128xf32, #tpu.memory_space<vmem>>) dst(%dma_wait3A_107 : memref<128x128xf32, #tpu.memory_space<hbm>>)
      %dma_wait3A_108 = arith.constant 0 : i32
      %dma_wait3A_109 = tpu.memref_slice %arg4[%mul3A_69, %dma_wait3A_108] : memref<393216x128xf32, #tpu.memory_space<hbm>> -> memref<128x128xf32, #tpu.memory_space<hbm>>
      %dma_wait3A_110 = arith.constant 0 : i32
      %dma_wait3A_111 = tpu.memref_slice %arg4[%mul3A_69, %dma_wait3A_110] : memref<393216x128xf32, #tpu.memory_space<hbm>> -> memref<128x128xf32, #tpu.memory_space<hbm>>
      tpu.wait_dma2 semaphore(%arg15 : memref<!tpu.dma_semaphore, #tpu.memory_space<semaphore_mem>>) src(%arg7 : memref<128x128xf32, #tpu.memory_space<vmem>>) dst(%dma_wait3A_111 : memref<128x128xf32, #tpu.memory_space<hbm>>)
      %dma_wait3A_112 = arith.constant 0 : i32
      %dma_wait3A_113 = tpu.memref_slice %arg4[%mul3A_84, %dma_wait3A_112] : memref<393216x128xf32, #tpu.memory_space<hbm>> -> memref<128x128xf32, #tpu.memory_space<hbm>>
      %dma_wait3A_114 = arith.constant 0 : i32
      %dma_wait3A_115 = tpu.memref_slice %arg4[%mul3A_84, %dma_wait3A_114] : memref<393216x128xf32, #tpu.memory_space<hbm>> -> memref<128x128xf32, #tpu.memory_space<hbm>>
      tpu.wait_dma2 semaphore(%arg16 : memref<!tpu.dma_semaphore, #tpu.memory_space<semaphore_mem>>) src(%arg8 : memref<128x128xf32, #tpu.memory_space<vmem>>) dst(%dma_wait3A_115 : memref<128x128xf32, #tpu.memory_space<hbm>>)
      %dma_wait3A_116 = arith.constant 0 : i32
      %dma_wait3A_117 = tpu.memref_slice %arg4[%mul3A_99, %dma_wait3A_116] : memref<393216x128xf32, #tpu.memory_space<hbm>> -> memref<128x128xf32, #tpu.memory_space<hbm>>
      %dma_wait3A_118 = arith.constant 0 : i32
      %dma_wait3A_119 = tpu.memref_slice %arg4[%mul3A_99, %dma_wait3A_118] : memref<393216x128xf32, #tpu.memory_space<hbm>> -> memref<128x128xf32, #tpu.memory_space<hbm>>
      tpu.wait_dma2 semaphore(%arg17 : memref<!tpu.dma_semaphore, #tpu.memory_space<semaphore_mem>>) src(%arg9 : memref<128x128xf32, #tpu.memory_space<vmem>>) dst(%dma_wait3A_119 : memref<128x128xf32, #tpu.memory_space<hbm>>)
    }
    %scan3A_6 = arith.constant 24 : i32
    return
  }
}

#map = affine_map<(d0, d1) -> (0, 0)>
module attributes {stable_mosaic.version = 14 : i64} {
  func.func @k(%arg0: i32, %arg1: i32, %arg2: memref<16384x128xf32, #tpu.memory_space<hbm>>, %arg3: memref<3072x128xi32, #tpu.memory_space<hbm>>, %arg4: memref<393216x128xf32, #tpu.memory_space<hbm>>, %arg5: memref<96x128xi32, #tpu.memory_space<vmem>>, %arg6: memref<128x128xf32, #tpu.memory_space<vmem>>, %arg7: memref<128x128xf32, #tpu.memory_space<vmem>>, %arg8: memref<128x128xf32, #tpu.memory_space<vmem>>, %arg9: memref<128x128xf32, #tpu.memory_space<vmem>>, %arg10: memref<!tpu.dma_semaphore, #tpu.memory_space<semaphore_mem>>, %arg11: memref<!tpu.dma_semaphore, #tpu.memory_space<semaphore_mem>>, %arg12: memref<!tpu.dma_semaphore, #tpu.memory_space<semaphore_mem>>, %arg13: memref<!tpu.dma_semaphore, #tpu.memory_space<semaphore_mem>>, %arg14: memref<!tpu.dma_semaphore, #tpu.memory_space<semaphore_mem>>, %arg15: memref<!tpu.dma_semaphore, #tpu.memory_space<semaphore_mem>>, %arg16: memref<!tpu.dma_semaphore, #tpu.memory_space<semaphore_mem>>, %arg17: memref<!tpu.dma_semaphore, #tpu.memory_space<semaphore_mem>>) attributes {dimension_semantics = [#tpu.dimension_semantics<core_parallel>, #tpu.dimension_semantics<subcore_parallel>], iteration_bounds = array<i64: 2, 16>, scalar_prefetch = 0 : i64, scratch_operands = 13 : i64, tpu.core_type = #tpu.core_type<sc_vector_subcore>, window_params = [{transform_indices = #map}, {transform_indices = #map}, {transform_indices = #map}]} {
    %mul3A = arith.constant 2 : i32
    %mul3A_0 = arith.muli %arg1, %mul3A : i32
    %add3A = arith.addi %mul3A_0, %arg0 : i32
    %mul3A_1 = arith.constant 96 : i32
    %mul3A_2 = arith.muli %add3A, %mul3A_1 : i32
    "tpu.region"() ({
      %run_scoped3A = tpu.sem_alloc : memref<!tpu.dma_semaphore, #tpu.memory_space<semaphore_mem>>
      %dma_start3A = arith.constant 0 : i32
      %dma_start3A_7 = tpu.memref_slice %arg3[%mul3A_2, %dma_start3A] : memref<3072x128xi32, #tpu.memory_space<hbm>> -> memref<96x128xi32, #tpu.memory_space<hbm>>
      %dma_start3A_8 = arith.constant 0 : i32
      %dma_start3A_9 = tpu.memref_slice %arg3[%mul3A_2, %dma_start3A_8] : memref<3072x128xi32, #tpu.memory_space<hbm>> -> memref<96x128xi32, #tpu.memory_space<hbm>>
      tpu.enqueue_dma source(%dma_start3A_9 : memref<96x128xi32, #tpu.memory_space<hbm>>) target(%arg5 : memref<96x128xi32, #tpu.memory_space<vmem>>) target_semaphore(%run_scoped3A : memref<!tpu.dma_semaphore, #tpu.memory_space<semaphore_mem>>)
      %dma_wait3A = arith.constant 0 : i32
      %dma_wait3A_10 = tpu.memref_slice %arg3[%mul3A_2, %dma_wait3A] : memref<3072x128xi32, #tpu.memory_space<hbm>> -> memref<96x128xi32, #tpu.memory_space<hbm>>
      %dma_wait3A_11 = arith.constant 0 : i32
      %dma_wait3A_12 = tpu.memref_slice %arg3[%mul3A_2, %dma_wait3A_11] : memref<3072x128xi32, #tpu.memory_space<hbm>> -> memref<96x128xi32, #tpu.memory_space<hbm>>
      tpu.wait_dma2 semaphore(%run_scoped3A : memref<!tpu.dma_semaphore, #tpu.memory_space<semaphore_mem>>) src(%dma_wait3A_12 : memref<96x128xi32, #tpu.memory_space<hbm>>) dst(%arg5 : memref<96x128xi32, #tpu.memory_space<vmem>>)
      tpu.yield
    }) : () -> ()
    %scan3A = arith.constant 0 : i32
    %scan3A_3 = arith.constant 24 : i32
    %scan3A_4 = arith.addi %scan3A, %scan3A_3 : i32
    %scan3A_5 = arith.constant 1 : i32
    scf.for %scan3A_7 = %scan3A to %scan3A_4 step %scan3A_5  : i32 {
      %mul3A_8 = arith.constant 1 : i32
      %mul3A_9 = arith.muli %scan3A_7, %mul3A_8 : i32
      %add3A_10 = arith.constant 0 : i32
      %add3A_11 = arith.addi %add3A_10, %mul3A_9 : i32
      %mul3A_12 = arith.constant 4 : i32
      %mul3A_13 = arith.muli %add3A_11, %mul3A_12 : i32
      %add3A_14 = arith.constant 0 : i32
      %add3A_15 = arith.addi %mul3A_13, %add3A_14 : i32
      %dma_start3A = arith.constant 0 : i32
      %dma_start3A_16 = tpu.memref_slice %arg5[%add3A_15, %dma_start3A] : memref<96x128xi32, #tpu.memory_space<vmem>> -> memref<1x128xi32, #tpu.memory_space<vmem>>
      %dma_start3A_17 = tpu.memref_squeeze %dma_start3A_16 : memref<1x128xi32, #tpu.memory_space<vmem>> -> memref<128xi32, #tpu.memory_space<vmem>>
      %dma_start3A_18 = arith.constant 0 : i32
      %dma_start3A_19 = arith.constant 0 : i32
      %dma_start3A_20 = tpu.memref_slice %arg2[%dma_start3A_18, %dma_start3A_19] : memref<16384x128xf32, #tpu.memory_space<hbm>> -> memref<16384x128xf32, #tpu.memory_space<hbm>>
      tpu.enqueue_indirect_dma source(%dma_start3A_20 : memref<16384x128xf32, #tpu.memory_space<hbm>>) target(%arg6 : memref<128x128xf32, #tpu.memory_space<vmem>>) offsets(%dma_start3A_17 : memref<128xi32, #tpu.memory_space<vmem>>) semaphore(%arg10 : memref<!tpu.dma_semaphore, #tpu.memory_space<semaphore_mem>>)
      %add3A_21 = arith.constant 1 : i32
      %add3A_22 = arith.addi %mul3A_13, %add3A_21 : i32
      %dma_start3A_23 = arith.constant 0 : i32
      %dma_start3A_24 = tpu.memref_slice %arg5[%add3A_22, %dma_start3A_23] : memref<96x128xi32, #tpu.memory_space<vmem>> -> memref<1x128xi32, #tpu.memory_space<vmem>>
      %dma_start3A_25 = tpu.memref_squeeze %dma_start3A_24 : memref<1x128xi32, #tpu.memory_space<vmem>> -> memref<128xi32, #tpu.memory_space<vmem>>
      %dma_start3A_26 = arith.constant 0 : i32
      %dma_start3A_27 = arith.constant 0 : i32
      %dma_start3A_28 = tpu.memref_slice %arg2[%dma_start3A_26, %dma_start3A_27] : memref<16384x128xf32, #tpu.memory_space<hbm>> -> memref<16384x128xf32, #tpu.memory_space<hbm>>
      tpu.enqueue_indirect_dma source(%dma_start3A_28 : memref<16384x128xf32, #tpu.memory_space<hbm>>) target(%arg7 : memref<128x128xf32, #tpu.memory_space<vmem>>) offsets(%dma_start3A_25 : memref<128xi32, #tpu.memory_space<vmem>>) semaphore(%arg11 : memref<!tpu.dma_semaphore, #tpu.memory_space<semaphore_mem>>)
      %add3A_29 = arith.constant 2 : i32
      %add3A_30 = arith.addi %mul3A_13, %add3A_29 : i32
      %dma_start3A_31 = arith.constant 0 : i32
      %dma_start3A_32 = tpu.memref_slice %arg5[%add3A_30, %dma_start3A_31] : memref<96x128xi32, #tpu.memory_space<vmem>> -> memref<1x128xi32, #tpu.memory_space<vmem>>
      %dma_start3A_33 = tpu.memref_squeeze %dma_start3A_32 : memref<1x128xi32, #tpu.memory_space<vmem>> -> memref<128xi32, #tpu.memory_space<vmem>>
      %dma_start3A_34 = arith.constant 0 : i32
      %dma_start3A_35 = arith.constant 0 : i32
      %dma_start3A_36 = tpu.memref_slice %arg2[%dma_start3A_34, %dma_start3A_35] : memref<16384x128xf32, #tpu.memory_space<hbm>> -> memref<16384x128xf32, #tpu.memory_space<hbm>>
      tpu.enqueue_indirect_dma source(%dma_start3A_36 : memref<16384x128xf32, #tpu.memory_space<hbm>>) target(%arg8 : memref<128x128xf32, #tpu.memory_space<vmem>>) offsets(%dma_start3A_33 : memref<128xi32, #tpu.memory_space<vmem>>) semaphore(%arg12 : memref<!tpu.dma_semaphore, #tpu.memory_space<semaphore_mem>>)
      %add3A_37 = arith.constant 3 : i32
      %add3A_38 = arith.addi %mul3A_13, %add3A_37 : i32
      %dma_start3A_39 = arith.constant 0 : i32
      %dma_start3A_40 = tpu.memref_slice %arg5[%add3A_38, %dma_start3A_39] : memref<96x128xi32, #tpu.memory_space<vmem>> -> memref<1x128xi32, #tpu.memory_space<vmem>>
      %dma_start3A_41 = tpu.memref_squeeze %dma_start3A_40 : memref<1x128xi32, #tpu.memory_space<vmem>> -> memref<128xi32, #tpu.memory_space<vmem>>
      %dma_start3A_42 = arith.constant 0 : i32
      %dma_start3A_43 = arith.constant 0 : i32
      %dma_start3A_44 = tpu.memref_slice %arg2[%dma_start3A_42, %dma_start3A_43] : memref<16384x128xf32, #tpu.memory_space<hbm>> -> memref<16384x128xf32, #tpu.memory_space<hbm>>
      tpu.enqueue_indirect_dma source(%dma_start3A_44 : memref<16384x128xf32, #tpu.memory_space<hbm>>) target(%arg9 : memref<128x128xf32, #tpu.memory_space<vmem>>) offsets(%dma_start3A_41 : memref<128xi32, #tpu.memory_space<vmem>>) semaphore(%arg13 : memref<!tpu.dma_semaphore, #tpu.memory_space<semaphore_mem>>)
      %dma_wait3A = arith.constant 0 : i32
      %dma_wait3A_45 = tpu.memref_slice %arg5[%add3A_15, %dma_wait3A] : memref<96x128xi32, #tpu.memory_space<vmem>> -> memref<1x128xi32, #tpu.memory_space<vmem>>
      %dma_wait3A_46 = tpu.memref_squeeze %dma_wait3A_45 : memref<1x128xi32, #tpu.memory_space<vmem>> -> memref<128xi32, #tpu.memory_space<vmem>>
      %dma_wait3A_47 = arith.constant 0 : i32
      %dma_wait3A_48 = arith.constant 0 : i32
      %dma_wait3A_49 = tpu.memref_slice %arg2[%dma_wait3A_47, %dma_wait3A_48] : memref<16384x128xf32, #tpu.memory_space<hbm>> -> memref<16384x128xf32, #tpu.memory_space<hbm>>
      tpu.wait_indirect_dma semaphore(%arg10 : memref<!tpu.dma_semaphore, #tpu.memory_space<semaphore_mem>>) src(%dma_wait3A_49 : memref<16384x128xf32, #tpu.memory_space<hbm>>) dst(%arg6 : memref<128x128xf32, #tpu.memory_space<vmem>>)
      %add3A_50 = arith.addi %mul3A_2, %mul3A_13 : i32
      %add3A_51 = arith.constant 0 : i32
      %add3A_52 = arith.addi %add3A_50, %add3A_51 : i32
      %mul3A_53 = arith.constant 128 : i32
      %mul3A_54 = arith.muli %add3A_52, %mul3A_53 : i32
      %dma_start3A_55 = arith.constant 0 : i32
      %dma_start3A_56 = tpu.memref_slice %arg4[%mul3A_54, %dma_start3A_55] : memref<393216x128xf32, #tpu.memory_space<hbm>> -> memref<128x128xf32, #tpu.memory_space<hbm>>
      %dma_start3A_57 = arith.constant 0 : i32
      %dma_start3A_58 = tpu.memref_slice %arg4[%mul3A_54, %dma_start3A_57] : memref<393216x128xf32, #tpu.memory_space<hbm>> -> memref<128x128xf32, #tpu.memory_space<hbm>>
      tpu.enqueue_dma source(%arg6 : memref<128x128xf32, #tpu.memory_space<vmem>>) target(%dma_start3A_58 : memref<128x128xf32, #tpu.memory_space<hbm>>) target_semaphore(%arg14 : memref<!tpu.dma_semaphore, #tpu.memory_space<semaphore_mem>>)
      %dma_wait3A_59 = arith.constant 0 : i32
      %dma_wait3A_60 = tpu.memref_slice %arg5[%add3A_22, %dma_wait3A_59] : memref<96x128xi32, #tpu.memory_space<vmem>> -> memref<1x128xi32, #tpu.memory_space<vmem>>
      %dma_wait3A_61 = tpu.memref_squeeze %dma_wait3A_60 : memref<1x128xi32, #tpu.memory_space<vmem>> -> memref<128xi32, #tpu.memory_space<vmem>>
      %dma_wait3A_62 = arith.constant 0 : i32
      %dma_wait3A_63 = arith.constant 0 : i32
      %dma_wait3A_64 = tpu.memref_slice %arg2[%dma_wait3A_62, %dma_wait3A_63] : memref<16384x128xf32, #tpu.memory_space<hbm>> -> memref<16384x128xf32, #tpu.memory_space<hbm>>
      tpu.wait_indirect_dma semaphore(%arg11 : memref<!tpu.dma_semaphore, #tpu.memory_space<semaphore_mem>>) src(%dma_wait3A_64 : memref<16384x128xf32, #tpu.memory_space<hbm>>) dst(%arg7 : memref<128x128xf32, #tpu.memory_space<vmem>>)
      %add3A_65 = arith.addi %mul3A_2, %mul3A_13 : i32
      %add3A_66 = arith.constant 1 : i32
      %add3A_67 = arith.addi %add3A_65, %add3A_66 : i32
      %mul3A_68 = arith.constant 128 : i32
      %mul3A_69 = arith.muli %add3A_67, %mul3A_68 : i32
      %dma_start3A_70 = arith.constant 0 : i32
      %dma_start3A_71 = tpu.memref_slice %arg4[%mul3A_69, %dma_start3A_70] : memref<393216x128xf32, #tpu.memory_space<hbm>> -> memref<128x128xf32, #tpu.memory_space<hbm>>
      %dma_start3A_72 = arith.constant 0 : i32
      %dma_start3A_73 = tpu.memref_slice %arg4[%mul3A_69, %dma_start3A_72] : memref<393216x128xf32, #tpu.memory_space<hbm>> -> memref<128x128xf32, #tpu.memory_space<hbm>>
      tpu.enqueue_dma source(%arg7 : memref<128x128xf32, #tpu.memory_space<vmem>>) target(%dma_start3A_73 : memref<128x128xf32, #tpu.memory_space<hbm>>) target_semaphore(%arg15 : memref<!tpu.dma_semaphore, #tpu.memory_space<semaphore_mem>>)
      %dma_wait3A_74 = arith.constant 0 : i32
      %dma_wait3A_75 = tpu.memref_slice %arg5[%add3A_30, %dma_wait3A_74] : memref<96x128xi32, #tpu.memory_space<vmem>> -> memref<1x128xi32, #tpu.memory_space<vmem>>
      %dma_wait3A_76 = tpu.memref_squeeze %dma_wait3A_75 : memref<1x128xi32, #tpu.memory_space<vmem>> -> memref<128xi32, #tpu.memory_space<vmem>>
      %dma_wait3A_77 = arith.constant 0 : i32
      %dma_wait3A_78 = arith.constant 0 : i32
      %dma_wait3A_79 = tpu.memref_slice %arg2[%dma_wait3A_77, %dma_wait3A_78] : memref<16384x128xf32, #tpu.memory_space<hbm>> -> memref<16384x128xf32, #tpu.memory_space<hbm>>
      tpu.wait_indirect_dma semaphore(%arg12 : memref<!tpu.dma_semaphore, #tpu.memory_space<semaphore_mem>>) src(%dma_wait3A_79 : memref<16384x128xf32, #tpu.memory_space<hbm>>) dst(%arg8 : memref<128x128xf32, #tpu.memory_space<vmem>>)
      %add3A_80 = arith.addi %mul3A_2, %mul3A_13 : i32
      %add3A_81 = arith.constant 2 : i32
      %add3A_82 = arith.addi %add3A_80, %add3A_81 : i32
      %mul3A_83 = arith.constant 128 : i32
      %mul3A_84 = arith.muli %add3A_82, %mul3A_83 : i32
      %dma_start3A_85 = arith.constant 0 : i32
      %dma_start3A_86 = tpu.memref_slice %arg4[%mul3A_84, %dma_start3A_85] : memref<393216x128xf32, #tpu.memory_space<hbm>> -> memref<128x128xf32, #tpu.memory_space<hbm>>
      %dma_start3A_87 = arith.constant 0 : i32
      %dma_start3A_88 = tpu.memref_slice %arg4[%mul3A_84, %dma_start3A_87] : memref<393216x128xf32, #tpu.memory_space<hbm>> -> memref<128x128xf32, #tpu.memory_space<hbm>>
      tpu.enqueue_dma source(%arg8 : memref<128x128xf32, #tpu.memory_space<vmem>>) target(%dma_start3A_88 : memref<128x128xf32, #tpu.memory_space<hbm>>) target_semaphore(%arg16 : memref<!tpu.dma_semaphore, #tpu.memory_space<semaphore_mem>>)
      %dma_wait3A_89 = arith.constant 0 : i32
      %dma_wait3A_90 = tpu.memref_slice %arg5[%add3A_38, %dma_wait3A_89] : memref<96x128xi32, #tpu.memory_space<vmem>> -> memref<1x128xi32, #tpu.memory_space<vmem>>
      %dma_wait3A_91 = tpu.memref_squeeze %dma_wait3A_90 : memref<1x128xi32, #tpu.memory_space<vmem>> -> memref<128xi32, #tpu.memory_space<vmem>>
      %dma_wait3A_92 = arith.constant 0 : i32
      %dma_wait3A_93 = arith.constant 0 : i32
      %dma_wait3A_94 = tpu.memref_slice %arg2[%dma_wait3A_92, %dma_wait3A_93] : memref<16384x128xf32, #tpu.memory_space<hbm>> -> memref<16384x128xf32, #tpu.memory_space<hbm>>
      tpu.wait_indirect_dma semaphore(%arg13 : memref<!tpu.dma_semaphore, #tpu.memory_space<semaphore_mem>>) src(%dma_wait3A_94 : memref<16384x128xf32, #tpu.memory_space<hbm>>) dst(%arg9 : memref<128x128xf32, #tpu.memory_space<vmem>>)
      %add3A_95 = arith.addi %mul3A_2, %mul3A_13 : i32
      %add3A_96 = arith.constant 3 : i32
      %add3A_97 = arith.addi %add3A_95, %add3A_96 : i32
      %mul3A_98 = arith.constant 128 : i32
      %mul3A_99 = arith.muli %add3A_97, %mul3A_98 : i32
      %dma_start3A_100 = arith.constant 0 : i32
      %dma_start3A_101 = tpu.memref_slice %arg4[%mul3A_99, %dma_start3A_100] : memref<393216x128xf32, #tpu.memory_space<hbm>> -> memref<128x128xf32, #tpu.memory_space<hbm>>
      %dma_start3A_102 = arith.constant 0 : i32
      %dma_start3A_103 = tpu.memref_slice %arg4[%mul3A_99, %dma_start3A_102] : memref<393216x128xf32, #tpu.memory_space<hbm>> -> memref<128x128xf32, #tpu.memory_space<hbm>>
      tpu.enqueue_dma source(%arg9 : memref<128x128xf32, #tpu.memory_space<vmem>>) target(%dma_start3A_103 : memref<128x128xf32, #tpu.memory_space<hbm>>) target_semaphore(%arg17 : memref<!tpu.dma_semaphore, #tpu.memory_space<semaphore_mem>>)
      %dma_wait3A_104 = arith.constant 0 : i32
      %dma_wait3A_105 = tpu.memref_slice %arg4[%mul3A_54, %dma_wait3A_104] : memref<393216x128xf32, #tpu.memory_space<hbm>> -> memref<128x128xf32, #tpu.memory_space<hbm>>
      %dma_wait3A_106 = arith.constant 0 : i32
      %dma_wait3A_107 = tpu.memref_slice %arg4[%mul3A_54, %dma_wait3A_106] : memref<393216x128xf32, #tpu.memory_space<hbm>> -> memref<128x128xf32, #tpu.memory_space<hbm>>
      tpu.wait_dma2 semaphore(%arg14 : memref<!tpu.dma_semaphore, #tpu.memory_space<semaphore_mem>>) src(%arg6 : memref<128x128xf32, #tpu.memory_space<vmem>>) dst(%dma_wait3A_107 : memref<128x128xf32, #tpu.memory_space<hbm>>)
      %dma_wait3A_108 = arith.constant 0 : i32
      %dma_wait3A_109 = tpu.memref_slice %arg4[%mul3A_69, %dma_wait3A_108] : memref<393216x128xf32, #tpu.memory_space<hbm>> -> memref<128x128xf32, #tpu.memory_space<hbm>>
      %dma_wait3A_110 = arith.constant 0 : i32
      %dma_wait3A_111 = tpu.memref_slice %arg4[%mul3A_69, %dma_wait3A_110] : memref<393216x128xf32, #tpu.memory_space<hbm>> -> memref<128x128xf32, #tpu.memory_space<hbm>>
      tpu.wait_dma2 semaphore(%arg15 : memref<!tpu.dma_semaphore, #tpu.memory_space<semaphore_mem>>) src(%arg7 : memref<128x128xf32, #tpu.memory_space<vmem>>) dst(%dma_wait3A_111 : memref<128x128xf32, #tpu.memory_space<hbm>>)
      %dma_wait3A_112 = arith.constant 0 : i32
      %dma_wait3A_113 = tpu.memref_slice %arg4[%mul3A_84, %dma_wait3A_112] : memref<393216x128xf32, #tpu.memory_space<hbm>> -> memref<128x128xf32, #tpu.memory_space<hbm>>
      %dma_wait3A_114 = arith.constant 0 : i32
      %dma_wait3A_115 = tpu.memref_slice %arg4[%mul3A_84, %dma_wait3A_114] : memref<393216x128xf32, #tpu.memory_space<hbm>> -> memref<128x128xf32, #tpu.memory_space<hbm>>
      tpu.wait_dma2 semaphore(%arg16 : memref<!tpu.dma_semaphore, #tpu.memory_space<semaphore_mem>>) src(%arg8 : memref<128x128xf32, #tpu.memory_space<vmem>>) dst(%dma_wait3A_115 : memref<128x128xf32, #tpu.memory_space<hbm>>)
      %dma_wait3A_116 = arith.constant 0 : i32
      %dma_wait3A_117 = tpu.memref_slice %arg4[%mul3A_99, %dma_wait3A_116] : memref<393216x128xf32, #tpu.memory_space<hbm>> -> memref<128x128xf32, #tpu.memory_space<hbm>>
      %dma_wait3A_118 = arith.constant 0 : i32
      %dma_wait3A_119 = tpu.memref_slice %arg4[%mul3A_99, %dma_wait3A_118] : memref<393216x128xf32, #tpu.memory_space<hbm>> -> memref<128x128xf32, #tpu.memory_space<hbm>>
      tpu.wait_dma2 semaphore(%arg17 : memref<!tpu.dma_semaphore, #tpu.memory_space<semaphore_mem>>) src(%arg9 : memref<128x128xf32, #tpu.memory_space<vmem>>) dst(%dma_wait3A_119 : memref<128x128xf32, #tpu.memory_space<hbm>>)
    }
    %scan3A_6 = arith.constant 24 : i32
    return
  }
}

#map = affine_map<(d0, d1) -> (0, 0)>
module attributes {stable_mosaic.version = 14 : i64} {
  func.func @k(%arg0: i32, %arg1: i32, %arg2: memref<16384x128xf32, #tpu.memory_space<hbm>>, %arg3: memref<3072x128xi32, #tpu.memory_space<hbm>>, %arg4: memref<393216x128xf32, #tpu.memory_space<hbm>>, %arg5: memref<96x128xi32, #tpu.memory_space<vmem>>, %arg6: memref<128x128xf32, #tpu.memory_space<vmem>>, %arg7: memref<128x128xf32, #tpu.memory_space<vmem>>, %arg8: memref<128x128xf32, #tpu.memory_space<vmem>>, %arg9: memref<128x128xf32, #tpu.memory_space<vmem>>, %arg10: memref<!tpu.dma_semaphore, #tpu.memory_space<semaphore_mem>>, %arg11: memref<!tpu.dma_semaphore, #tpu.memory_space<semaphore_mem>>, %arg12: memref<!tpu.dma_semaphore, #tpu.memory_space<semaphore_mem>>, %arg13: memref<!tpu.dma_semaphore, #tpu.memory_space<semaphore_mem>>, %arg14: memref<!tpu.dma_semaphore, #tpu.memory_space<semaphore_mem>>, %arg15: memref<!tpu.dma_semaphore, #tpu.memory_space<semaphore_mem>>, %arg16: memref<!tpu.dma_semaphore, #tpu.memory_space<semaphore_mem>>, %arg17: memref<!tpu.dma_semaphore, #tpu.memory_space<semaphore_mem>>) attributes {dimension_semantics = [#tpu.dimension_semantics<core_parallel>, #tpu.dimension_semantics<subcore_parallel>], iteration_bounds = array<i64: 2, 16>, scalar_prefetch = 0 : i64, scratch_operands = 13 : i64, tpu.core_type = #tpu.core_type<sc_vector_subcore>, window_params = [{transform_indices = #map}, {transform_indices = #map}, {transform_indices = #map}]} {
    %mul3A = arith.constant 2 : i32
    %mul3A_0 = arith.muli %arg1, %mul3A : i32
    %add3A = arith.addi %mul3A_0, %arg0 : i32
    %mul3A_1 = arith.constant 96 : i32
    %mul3A_2 = arith.muli %add3A, %mul3A_1 : i32
    "tpu.region"() ({
      %run_scoped3A = tpu.sem_alloc : memref<!tpu.dma_semaphore, #tpu.memory_space<semaphore_mem>>
      %dma_start3A = arith.constant 0 : i32
      %dma_start3A_7 = tpu.memref_slice %arg3[%mul3A_2, %dma_start3A] : memref<3072x128xi32, #tpu.memory_space<hbm>> -> memref<96x128xi32, #tpu.memory_space<hbm>>
      %dma_start3A_8 = arith.constant 0 : i32
      %dma_start3A_9 = tpu.memref_slice %arg3[%mul3A_2, %dma_start3A_8] : memref<3072x128xi32, #tpu.memory_space<hbm>> -> memref<96x128xi32, #tpu.memory_space<hbm>>
      tpu.enqueue_dma source(%dma_start3A_9 : memref<96x128xi32, #tpu.memory_space<hbm>>) target(%arg5 : memref<96x128xi32, #tpu.memory_space<vmem>>) target_semaphore(%run_scoped3A : memref<!tpu.dma_semaphore, #tpu.memory_space<semaphore_mem>>)
      %dma_wait3A = arith.constant 0 : i32
      %dma_wait3A_10 = tpu.memref_slice %arg3[%mul3A_2, %dma_wait3A] : memref<3072x128xi32, #tpu.memory_space<hbm>> -> memref<96x128xi32, #tpu.memory_space<hbm>>
      %dma_wait3A_11 = arith.constant 0 : i32
      %dma_wait3A_12 = tpu.memref_slice %arg3[%mul3A_2, %dma_wait3A_11] : memref<3072x128xi32, #tpu.memory_space<hbm>> -> memref<96x128xi32, #tpu.memory_space<hbm>>
      tpu.wait_dma2 semaphore(%run_scoped3A : memref<!tpu.dma_semaphore, #tpu.memory_space<semaphore_mem>>) src(%dma_wait3A_12 : memref<96x128xi32, #tpu.memory_space<hbm>>) dst(%arg5 : memref<96x128xi32, #tpu.memory_space<vmem>>)
      tpu.yield
    }) : () -> ()
    %scan3A = arith.constant 0 : i32
    %scan3A_3 = arith.constant 24 : i32
    %scan3A_4 = arith.addi %scan3A, %scan3A_3 : i32
    %scan3A_5 = arith.constant 1 : i32
    scf.for %scan3A_7 = %scan3A to %scan3A_4 step %scan3A_5  : i32 {
      %mul3A_8 = arith.constant 1 : i32
      %mul3A_9 = arith.muli %scan3A_7, %mul3A_8 : i32
      %add3A_10 = arith.constant 0 : i32
      %add3A_11 = arith.addi %add3A_10, %mul3A_9 : i32
      %mul3A_12 = arith.constant 4 : i32
      %mul3A_13 = arith.muli %add3A_11, %mul3A_12 : i32
      %add3A_14 = arith.constant 0 : i32
      %add3A_15 = arith.addi %mul3A_13, %add3A_14 : i32
      %dma_start3A = arith.constant 0 : i32
      %dma_start3A_16 = tpu.memref_slice %arg5[%add3A_15, %dma_start3A] : memref<96x128xi32, #tpu.memory_space<vmem>> -> memref<1x128xi32, #tpu.memory_space<vmem>>
      %dma_start3A_17 = tpu.memref_squeeze %dma_start3A_16 : memref<1x128xi32, #tpu.memory_space<vmem>> -> memref<128xi32, #tpu.memory_space<vmem>>
      %dma_start3A_18 = arith.constant 0 : i32
      %dma_start3A_19 = arith.constant 0 : i32
      %dma_start3A_20 = tpu.memref_slice %arg2[%dma_start3A_18, %dma_start3A_19] : memref<16384x128xf32, #tpu.memory_space<hbm>> -> memref<16384x128xf32, #tpu.memory_space<hbm>>
      tpu.enqueue_indirect_dma source(%dma_start3A_20 : memref<16384x128xf32, #tpu.memory_space<hbm>>) target(%arg6 : memref<128x128xf32, #tpu.memory_space<vmem>>) offsets(%dma_start3A_17 : memref<128xi32, #tpu.memory_space<vmem>>) semaphore(%arg10 : memref<!tpu.dma_semaphore, #tpu.memory_space<semaphore_mem>>)
      %add3A_21 = arith.constant 1 : i32
      %add3A_22 = arith.addi %mul3A_13, %add3A_21 : i32
      %dma_start3A_23 = arith.constant 0 : i32
      %dma_start3A_24 = tpu.memref_slice %arg5[%add3A_22, %dma_start3A_23] : memref<96x128xi32, #tpu.memory_space<vmem>> -> memref<1x128xi32, #tpu.memory_space<vmem>>
      %dma_start3A_25 = tpu.memref_squeeze %dma_start3A_24 : memref<1x128xi32, #tpu.memory_space<vmem>> -> memref<128xi32, #tpu.memory_space<vmem>>
      %dma_start3A_26 = arith.constant 0 : i32
      %dma_start3A_27 = arith.constant 0 : i32
      %dma_start3A_28 = tpu.memref_slice %arg2[%dma_start3A_26, %dma_start3A_27] : memref<16384x128xf32, #tpu.memory_space<hbm>> -> memref<16384x128xf32, #tpu.memory_space<hbm>>
      tpu.enqueue_indirect_dma source(%dma_start3A_28 : memref<16384x128xf32, #tpu.memory_space<hbm>>) target(%arg7 : memref<128x128xf32, #tpu.memory_space<vmem>>) offsets(%dma_start3A_25 : memref<128xi32, #tpu.memory_space<vmem>>) semaphore(%arg11 : memref<!tpu.dma_semaphore, #tpu.memory_space<semaphore_mem>>)
      %add3A_29 = arith.constant 2 : i32
      %add3A_30 = arith.addi %mul3A_13, %add3A_29 : i32
      %dma_start3A_31 = arith.constant 0 : i32
      %dma_start3A_32 = tpu.memref_slice %arg5[%add3A_30, %dma_start3A_31] : memref<96x128xi32, #tpu.memory_space<vmem>> -> memref<1x128xi32, #tpu.memory_space<vmem>>
      %dma_start3A_33 = tpu.memref_squeeze %dma_start3A_32 : memref<1x128xi32, #tpu.memory_space<vmem>> -> memref<128xi32, #tpu.memory_space<vmem>>
      %dma_start3A_34 = arith.constant 0 : i32
      %dma_start3A_35 = arith.constant 0 : i32
      %dma_start3A_36 = tpu.memref_slice %arg2[%dma_start3A_34, %dma_start3A_35] : memref<16384x128xf32, #tpu.memory_space<hbm>> -> memref<16384x128xf32, #tpu.memory_space<hbm>>
      tpu.enqueue_indirect_dma source(%dma_start3A_36 : memref<16384x128xf32, #tpu.memory_space<hbm>>) target(%arg8 : memref<128x128xf32, #tpu.memory_space<vmem>>) offsets(%dma_start3A_33 : memref<128xi32, #tpu.memory_space<vmem>>) semaphore(%arg12 : memref<!tpu.dma_semaphore, #tpu.memory_space<semaphore_mem>>)
      %add3A_37 = arith.constant 3 : i32
      %add3A_38 = arith.addi %mul3A_13, %add3A_37 : i32
      %dma_start3A_39 = arith.constant 0 : i32
      %dma_start3A_40 = tpu.memref_slice %arg5[%add3A_38, %dma_start3A_39] : memref<96x128xi32, #tpu.memory_space<vmem>> -> memref<1x128xi32, #tpu.memory_space<vmem>>
      %dma_start3A_41 = tpu.memref_squeeze %dma_start3A_40 : memref<1x128xi32, #tpu.memory_space<vmem>> -> memref<128xi32, #tpu.memory_space<vmem>>
      %dma_start3A_42 = arith.constant 0 : i32
      %dma_start3A_43 = arith.constant 0 : i32
      %dma_start3A_44 = tpu.memref_slice %arg2[%dma_start3A_42, %dma_start3A_43] : memref<16384x128xf32, #tpu.memory_space<hbm>> -> memref<16384x128xf32, #tpu.memory_space<hbm>>
      tpu.enqueue_indirect_dma source(%dma_start3A_44 : memref<16384x128xf32, #tpu.memory_space<hbm>>) target(%arg9 : memref<128x128xf32, #tpu.memory_space<vmem>>) offsets(%dma_start3A_41 : memref<128xi32, #tpu.memory_space<vmem>>) semaphore(%arg13 : memref<!tpu.dma_semaphore, #tpu.memory_space<semaphore_mem>>)
      %dma_wait3A = arith.constant 0 : i32
      %dma_wait3A_45 = tpu.memref_slice %arg5[%add3A_15, %dma_wait3A] : memref<96x128xi32, #tpu.memory_space<vmem>> -> memref<1x128xi32, #tpu.memory_space<vmem>>
      %dma_wait3A_46 = tpu.memref_squeeze %dma_wait3A_45 : memref<1x128xi32, #tpu.memory_space<vmem>> -> memref<128xi32, #tpu.memory_space<vmem>>
      %dma_wait3A_47 = arith.constant 0 : i32
      %dma_wait3A_48 = arith.constant 0 : i32
      %dma_wait3A_49 = tpu.memref_slice %arg2[%dma_wait3A_47, %dma_wait3A_48] : memref<16384x128xf32, #tpu.memory_space<hbm>> -> memref<16384x128xf32, #tpu.memory_space<hbm>>
      tpu.wait_indirect_dma semaphore(%arg10 : memref<!tpu.dma_semaphore, #tpu.memory_space<semaphore_mem>>) src(%dma_wait3A_49 : memref<16384x128xf32, #tpu.memory_space<hbm>>) dst(%arg6 : memref<128x128xf32, #tpu.memory_space<vmem>>)
      %add3A_50 = arith.addi %mul3A_2, %mul3A_13 : i32
      %add3A_51 = arith.constant 0 : i32
      %add3A_52 = arith.addi %add3A_50, %add3A_51 : i32
      %mul3A_53 = arith.constant 128 : i32
      %mul3A_54 = arith.muli %add3A_52, %mul3A_53 : i32
      %dma_start3A_55 = arith.constant 0 : i32
      %dma_start3A_56 = tpu.memref_slice %arg4[%mul3A_54, %dma_start3A_55] : memref<393216x128xf32, #tpu.memory_space<hbm>> -> memref<128x128xf32, #tpu.memory_space<hbm>>
      %dma_start3A_57 = arith.constant 0 : i32
      %dma_start3A_58 = tpu.memref_slice %arg4[%mul3A_54, %dma_start3A_57] : memref<393216x128xf32, #tpu.memory_space<hbm>> -> memref<128x128xf32, #tpu.memory_space<hbm>>
      tpu.enqueue_dma source(%arg6 : memref<128x128xf32, #tpu.memory_space<vmem>>) target(%dma_start3A_58 : memref<128x128xf32, #tpu.memory_space<hbm>>) target_semaphore(%arg14 : memref<!tpu.dma_semaphore, #tpu.memory_space<semaphore_mem>>)
      %dma_wait3A_59 = arith.constant 0 : i32
      %dma_wait3A_60 = tpu.memref_slice %arg5[%add3A_22, %dma_wait3A_59] : memref<96x128xi32, #tpu.memory_space<vmem>> -> memref<1x128xi32, #tpu.memory_space<vmem>>
      %dma_wait3A_61 = tpu.memref_squeeze %dma_wait3A_60 : memref<1x128xi32, #tpu.memory_space<vmem>> -> memref<128xi32, #tpu.memory_space<vmem>>
      %dma_wait3A_62 = arith.constant 0 : i32
      %dma_wait3A_63 = arith.constant 0 : i32
      %dma_wait3A_64 = tpu.memref_slice %arg2[%dma_wait3A_62, %dma_wait3A_63] : memref<16384x128xf32, #tpu.memory_space<hbm>> -> memref<16384x128xf32, #tpu.memory_space<hbm>>
      tpu.wait_indirect_dma semaphore(%arg11 : memref<!tpu.dma_semaphore, #tpu.memory_space<semaphore_mem>>) src(%dma_wait3A_64 : memref<16384x128xf32, #tpu.memory_space<hbm>>) dst(%arg7 : memref<128x128xf32, #tpu.memory_space<vmem>>)
      %add3A_65 = arith.addi %mul3A_2, %mul3A_13 : i32
      %add3A_66 = arith.constant 1 : i32
      %add3A_67 = arith.addi %add3A_65, %add3A_66 : i32
      %mul3A_68 = arith.constant 128 : i32
      %mul3A_69 = arith.muli %add3A_67, %mul3A_68 : i32
      %dma_start3A_70 = arith.constant 0 : i32
      %dma_start3A_71 = tpu.memref_slice %arg4[%mul3A_69, %dma_start3A_70] : memref<393216x128xf32, #tpu.memory_space<hbm>> -> memref<128x128xf32, #tpu.memory_space<hbm>>
      %dma_start3A_72 = arith.constant 0 : i32
      %dma_start3A_73 = tpu.memref_slice %arg4[%mul3A_69, %dma_start3A_72] : memref<393216x128xf32, #tpu.memory_space<hbm>> -> memref<128x128xf32, #tpu.memory_space<hbm>>
      tpu.enqueue_dma source(%arg7 : memref<128x128xf32, #tpu.memory_space<vmem>>) target(%dma_start3A_73 : memref<128x128xf32, #tpu.memory_space<hbm>>) target_semaphore(%arg15 : memref<!tpu.dma_semaphore, #tpu.memory_space<semaphore_mem>>)
      %dma_wait3A_74 = arith.constant 0 : i32
      %dma_wait3A_75 = tpu.memref_slice %arg5[%add3A_30, %dma_wait3A_74] : memref<96x128xi32, #tpu.memory_space<vmem>> -> memref<1x128xi32, #tpu.memory_space<vmem>>
      %dma_wait3A_76 = tpu.memref_squeeze %dma_wait3A_75 : memref<1x128xi32, #tpu.memory_space<vmem>> -> memref<128xi32, #tpu.memory_space<vmem>>
      %dma_wait3A_77 = arith.constant 0 : i32
      %dma_wait3A_78 = arith.constant 0 : i32
      %dma_wait3A_79 = tpu.memref_slice %arg2[%dma_wait3A_77, %dma_wait3A_78] : memref<16384x128xf32, #tpu.memory_space<hbm>> -> memref<16384x128xf32, #tpu.memory_space<hbm>>
      tpu.wait_indirect_dma semaphore(%arg12 : memref<!tpu.dma_semaphore, #tpu.memory_space<semaphore_mem>>) src(%dma_wait3A_79 : memref<16384x128xf32, #tpu.memory_space<hbm>>) dst(%arg8 : memref<128x128xf32, #tpu.memory_space<vmem>>)
      %add3A_80 = arith.addi %mul3A_2, %mul3A_13 : i32
      %add3A_81 = arith.constant 2 : i32
      %add3A_82 = arith.addi %add3A_80, %add3A_81 : i32
      %mul3A_83 = arith.constant 128 : i32
      %mul3A_84 = arith.muli %add3A_82, %mul3A_83 : i32
      %dma_start3A_85 = arith.constant 0 : i32
      %dma_start3A_86 = tpu.memref_slice %arg4[%mul3A_84, %dma_start3A_85] : memref<393216x128xf32, #tpu.memory_space<hbm>> -> memref<128x128xf32, #tpu.memory_space<hbm>>
      %dma_start3A_87 = arith.constant 0 : i32
      %dma_start3A_88 = tpu.memref_slice %arg4[%mul3A_84, %dma_start3A_87] : memref<393216x128xf32, #tpu.memory_space<hbm>> -> memref<128x128xf32, #tpu.memory_space<hbm>>
      tpu.enqueue_dma source(%arg8 : memref<128x128xf32, #tpu.memory_space<vmem>>) target(%dma_start3A_88 : memref<128x128xf32, #tpu.memory_space<hbm>>) target_semaphore(%arg16 : memref<!tpu.dma_semaphore, #tpu.memory_space<semaphore_mem>>)
      %dma_wait3A_89 = arith.constant 0 : i32
      %dma_wait3A_90 = tpu.memref_slice %arg5[%add3A_38, %dma_wait3A_89] : memref<96x128xi32, #tpu.memory_space<vmem>> -> memref<1x128xi32, #tpu.memory_space<vmem>>
      %dma_wait3A_91 = tpu.memref_squeeze %dma_wait3A_90 : memref<1x128xi32, #tpu.memory_space<vmem>> -> memref<128xi32, #tpu.memory_space<vmem>>
      %dma_wait3A_92 = arith.constant 0 : i32
      %dma_wait3A_93 = arith.constant 0 : i32
      %dma_wait3A_94 = tpu.memref_slice %arg2[%dma_wait3A_92, %dma_wait3A_93] : memref<16384x128xf32, #tpu.memory_space<hbm>> -> memref<16384x128xf32, #tpu.memory_space<hbm>>
      tpu.wait_indirect_dma semaphore(%arg13 : memref<!tpu.dma_semaphore, #tpu.memory_space<semaphore_mem>>) src(%dma_wait3A_94 : memref<16384x128xf32, #tpu.memory_space<hbm>>) dst(%arg9 : memref<128x128xf32, #tpu.memory_space<vmem>>)
      %add3A_95 = arith.addi %mul3A_2, %mul3A_13 : i32
      %add3A_96 = arith.constant 3 : i32
      %add3A_97 = arith.addi %add3A_95, %add3A_96 : i32
      %mul3A_98 = arith.constant 128 : i32
      %mul3A_99 = arith.muli %add3A_97, %mul3A_98 : i32
      %dma_start3A_100 = arith.constant 0 : i32
      %dma_start3A_101 = tpu.memref_slice %arg4[%mul3A_99, %dma_start3A_100] : memref<393216x128xf32, #tpu.memory_space<hbm>> -> memref<128x128xf32, #tpu.memory_space<hbm>>
      %dma_start3A_102 = arith.constant 0 : i32
      %dma_start3A_103 = tpu.memref_slice %arg4[%mul3A_99, %dma_start3A_102] : memref<393216x128xf32, #tpu.memory_space<hbm>> -> memref<128x128xf32, #tpu.memory_space<hbm>>
      tpu.enqueue_dma source(%arg9 : memref<128x128xf32, #tpu.memory_space<vmem>>) target(%dma_start3A_103 : memref<128x128xf32, #tpu.memory_space<hbm>>) target_semaphore(%arg17 : memref<!tpu.dma_semaphore, #tpu.memory_space<semaphore_mem>>)
      %dma_wait3A_104 = arith.constant 0 : i32
      %dma_wait3A_105 = tpu.memref_slice %arg4[%mul3A_54, %dma_wait3A_104] : memref<393216x128xf32, #tpu.memory_space<hbm>> -> memref<128x128xf32, #tpu.memory_space<hbm>>
      %dma_wait3A_106 = arith.constant 0 : i32
      %dma_wait3A_107 = tpu.memref_slice %arg4[%mul3A_54, %dma_wait3A_106] : memref<393216x128xf32, #tpu.memory_space<hbm>> -> memref<128x128xf32, #tpu.memory_space<hbm>>
      tpu.wait_dma2 semaphore(%arg14 : memref<!tpu.dma_semaphore, #tpu.memory_space<semaphore_mem>>) src(%arg6 : memref<128x128xf32, #tpu.memory_space<vmem>>) dst(%dma_wait3A_107 : memref<128x128xf32, #tpu.memory_space<hbm>>)
      %dma_wait3A_108 = arith.constant 0 : i32
      %dma_wait3A_109 = tpu.memref_slice %arg4[%mul3A_69, %dma_wait3A_108] : memref<393216x128xf32, #tpu.memory_space<hbm>> -> memref<128x128xf32, #tpu.memory_space<hbm>>
      %dma_wait3A_110 = arith.constant 0 : i32
      %dma_wait3A_111 = tpu.memref_slice %arg4[%mul3A_69, %dma_wait3A_110] : memref<393216x128xf32, #tpu.memory_space<hbm>> -> memref<128x128xf32, #tpu.memory_space<hbm>>
      tpu.wait_dma2 semaphore(%arg15 : memref<!tpu.dma_semaphore, #tpu.memory_space<semaphore_mem>>) src(%arg7 : memref<128x128xf32, #tpu.memory_space<vmem>>) dst(%dma_wait3A_111 : memref<128x128xf32, #tpu.memory_space<hbm>>)
      %dma_wait3A_112 = arith.constant 0 : i32
      %dma_wait3A_113 = tpu.memref_slice %arg4[%mul3A_84, %dma_wait3A_112] : memref<393216x128xf32, #tpu.memory_space<hbm>> -> memref<128x128xf32, #tpu.memory_space<hbm>>
      %dma_wait3A_114 = arith.constant 0 : i32
      %dma_wait3A_115 = tpu.memref_slice %arg4[%mul3A_84, %dma_wait3A_114] : memref<393216x128xf32, #tpu.memory_space<hbm>> -> memref<128x128xf32, #tpu.memory_space<hbm>>
      tpu.wait_dma2 semaphore(%arg16 : memref<!tpu.dma_semaphore, #tpu.memory_space<semaphore_mem>>) src(%arg8 : memref<128x128xf32, #tpu.memory_space<vmem>>) dst(%dma_wait3A_115 : memref<128x128xf32, #tpu.memory_space<hbm>>)
      %dma_wait3A_116 = arith.constant 0 : i32
      %dma_wait3A_117 = tpu.memref_slice %arg4[%mul3A_99, %dma_wait3A_116] : memref<393216x128xf32, #tpu.memory_space<hbm>> -> memref<128x128xf32, #tpu.memory_space<hbm>>
      %dma_wait3A_118 = arith.constant 0 : i32
      %dma_wait3A_119 = tpu.memref_slice %arg4[%mul3A_99, %dma_wait3A_118] : memref<393216x128xf32, #tpu.memory_space<hbm>> -> memref<128x128xf32, #tpu.memory_space<hbm>>
      tpu.wait_dma2 semaphore(%arg17 : memref<!tpu.dma_semaphore, #tpu.memory_space<semaphore_mem>>) src(%arg9 : memref<128x128xf32, #tpu.memory_space<vmem>>) dst(%dma_wait3A_119 : memref<128x128xf32, #tpu.memory_space<hbm>>)
    }
    %scan3A_6 = arith.constant 24 : i32
    return
  }
}

module attributes {stable_mosaic.version = 14 : i64} {
  func.func @body(%arg0: i32, %arg1: memref<1x1024x8xf32, #tpu.memory_space<vmem>>, %arg2: memref<1x1024x24xi32, #tpu.memory_space<vmem>>, %arg3: memref<1024x1024xf32, #tpu.memory_space<vmem>>) attributes {dimension_semantics = [#tpu.dimension_semantics<arbitrary>], iteration_bounds = array<i64: 16>, scalar_prefetch = 0 : i64, scratch_operands = 1 : i64, tpu.core_type = #tpu.core_type<tc>, window_params = [{transform_indices = @transform_0, window_bounds = array<i64: 1, 1024, 8>}, {transform_indices = @transform_1, window_bounds = array<i64: 1, 1024, 24>}]} {
    %get3A = arith.constant 0 : index
    %get3A_0 = arith.constant 0 : index
    %get3A_1 = arith.constant 0 : index
    %get3A_2 = vector.load %arg1[%get3A, %get3A_0, %get3A_1] : memref<1x1024x8xf32, #tpu.memory_space<vmem>>, vector<1x1024x8xf32>
    %get3A_3 = vector.shape_cast %get3A_2 : vector<1x1024x8xf32> to vector<1024x8xf32>
    %dot_general3A = arith.constant dense<0.000000e+00> : vector<1024x1024xf32>
    %dot_general3A_4 = tpu.matmul %get3A_3, %get3A_3, %dot_general3A {dimension_numbers = #tpu.dot_dimension_numbers<[1], [1], [0], [0], [0, 0, 1, 0], [], []>, transpose_lhs_hint = false} : vector<1024x8xf32>, vector<1024x8xf32>, vector<1024x1024xf32> -> vector<1024x1024xf32>
    %mul3A = arith.mulf %get3A_3, %get3A_3 : vector<1024x8xf32>
    %reduce_sum3A = arith.constant dense<0.000000e+00> : vector<1024xf32>
    %reduce_sum3A_5 = vector.multi_reduction <add>, %mul3A, %reduce_sum3A [1] : vector<1024x8xf32> to vector<1024xf32>
    %mul3A_6 = arith.constant -2.000000e+00 : f32
    %mul3A_7 = vector.broadcast %mul3A_6 : f32 to vector<1024x1024xf32>
    %mul3A_8 = arith.mulf %mul3A_7, %dot_general3A_4 : vector<1024x1024xf32>
    %broadcast_in_dim3A = vector.shape_cast %reduce_sum3A_5 : vector<1024xf32> to vector<1024x1xf32>
    %neg3A = arith.constant 0.000000e+00 : f32
    %neg3A_9 = vector.broadcast %neg3A : f32 to vector<1024x1xf32>
    %neg3A_10 = arith.subf %neg3A_9, %broadcast_in_dim3A : vector<1024x1xf32>
    %sub3A = vector.broadcast %neg3A_10 : vector<1024x1xf32> to vector<1024x1024xf32>
    %sub3A_11 = arith.subf %sub3A, %mul3A_8 : vector<1024x1024xf32>
    %broadcast_in_dim3A_12 = vector.shape_cast %reduce_sum3A_5 : vector<1024xf32> to vector<1x1024xf32>
    %sub3A_13 = vector.broadcast %broadcast_in_dim3A_12 : vector<1x1024xf32> to vector<1024x1024xf32>
    %sub3A_14 = arith.subf %sub3A_11, %sub3A_13 : vector<1024x1024xf32>
    %swap3A = arith.constant 0 : index
    %swap3A_15 = arith.constant 0 : index
    %swap3A_16 = vector.load %arg3[%swap3A, %swap3A_15] : memref<1024x1024xf32, #tpu.memory_space<vmem>>, vector<1024x1024xf32>
    tpu.vector_store %arg3[%swap3A, %swap3A_15], %sub3A_14 {strides = array<i32>} : memref<1024x1024xf32, #tpu.memory_space<vmem>>, vector<1024x1024xf32>,
    %iota3A = tpu.iota {dimensions = array<i32: 1>} : vector<1024x1024xi32>
    %get3A_17 = arith.constant 0 : index
    %get3A_18 = arith.constant 0 : index
    %get3A_19 = vector.load %arg3[%get3A_17, %get3A_18] : memref<1024x1024xf32, #tpu.memory_space<vmem>>, vector<1024x1024xf32>
    %reduce_max3A = arith.constant dense<0xFF800000> : vector<1024xf32>
    %reduce_max3A_20 = vector.multi_reduction <maximumf>, %get3A_19, %reduce_max3A [1] : vector<1024x1024xf32> to vector<1024xf32>
    %broadcast_in_dim3A_21 = vector.shape_cast %reduce_max3A_20 : vector<1024xf32> to vector<1024x1xf32>
    %eq3A = vector.broadcast %broadcast_in_dim3A_21 : vector<1024x1xf32> to vector<1024x1024xf32>
    %eq3A_22 = arith.cmpf oeq, %get3A_19, %eq3A : vector<1024x1024xf32>
    %jit3A = arith.constant 1073741824 : i32
    %broadcast_in_dim3A_23 = vector.broadcast %jit3A : i32 to vector<1024x1024xi32>
    %select_n3A = arith.select %eq3A_22, %iota3A, %broadcast_in_dim3A_23 : vector<1024x1024xi1>, vector<1024x1024xi32>
    %reduce_min3A = arith.constant dense<2147483647> : vector<1024xi32>
    %reduce_min3A_24 = vector.multi_reduction <minsi>, %select_n3A, %reduce_min3A [1] : vector<1024x1024xi32> to vector<1024xi32>
    %mul3A_25 = arith.constant 1024 : i32
    %mul3A_26 = arith.muli %arg0, %mul3A_25 : i32
    %add3A = vector.broadcast %mul3A_26 : i32 to vector<1024xi32>
    %add3A_27 = arith.addi %reduce_min3A_24, %add3A : vector<1024xi32>
    %swap3A_28 = arith.constant 0 : index
    %swap3A_29 = arith.constant 0 : index
    %swap3A_30 = arith.constant 0 : index
    %swap3A_31 = vector.load %arg2[%swap3A_28, %swap3A_29, %swap3A_30] : memref<1x1024x24xi32, #tpu.memory_space<vmem>>, vector<1x1024x1xi32>
    %swap3A_32 = vector.shape_cast %swap3A_31 : vector<1x1024x1xi32> to vector<1024xi32>
    %swap3A_33 = vector.shape_cast %add3A_27 : vector<1024xi32> to vector<1x1024x1xi32>
    tpu.vector_store %arg2[%swap3A_28, %swap3A_29, %swap3A_30], %swap3A_33 {strides = array<i32>} : memref<1x1024x24xi32, #tpu.memory_space<vmem>>, vector<1x1024x1xi32>,
    %broadcast_in_dim3A_34 = vector.shape_cast %reduce_min3A_24 : vector<1024xi32> to vector<1024x1xi32>
    %eq3A_35 = vector.broadcast %broadcast_in_dim3A_34 : vector<1024x1xi32> to vector<1024x1024xi32>
    %eq3A_36 = arith.cmpi eq, %iota3A, %eq3A_35 : vector<1024x1024xi32>
    %jit3A_37 = arith.constant 0xFF800000 : f32
    %broadcast_in_dim3A_38 = vector.broadcast %jit3A_37 : f32 to vector<1024x1024xf32>
    %select_n3A_39 = arith.select %eq3A_36, %broadcast_in_dim3A_38, %get3A_19 : vector<1024x1024xi1>, vector<1024x1024xf32>
    %swap3A_40 = arith.constant 0 : index
    %swap3A_41 = arith.constant 0 : index
    %swap3A_42 = vector.load %arg3[%swap3A_40, %swap3A_41] : memref<1024x1024xf32, #tpu.memory_space<vmem>>, vector<1024x1024xf32>
    tpu.vector_store %arg3[%swap3A_40, %swap3A_41], %select_n3A_39 {strides = array<i32>} : memref<1024x1024xf32, #tpu.memory_space<vmem>>, vector<1024x1024xf32>,
    %get3A_43 = arith.constant 0 : index
    %get3A_44 = arith.constant 0 : index
    %get3A_45 = vector.load %arg3[%get3A_43, %get3A_44] : memref<1024x1024xf32, #tpu.memory_space<vmem>>, vector<1024x1024xf32>
    %reduce_max3A_46 = arith.constant dense<0xFF800000> : vector<1024xf32>
    %reduce_max3A_47 = vector.multi_reduction <maximumf>, %get3A_45, %reduce_max3A_46 [1] : vector<1024x1024xf32> to vector<1024xf32>
    %broadcast_in_dim3A_48 = vector.shape_cast %reduce_max3A_47 : vector<1024xf32> to vector<1024x1xf32>
    %eq3A_49 = vector.broadcast %broadcast_in_dim3A_48 : vector<1024x1xf32> to vector<1024x1024xf32>
    %eq3A_50 = arith.cmpf oeq, %get3A_45, %eq3A_49 : vector<1024x1024xf32>
    %jit3A_51 = arith.constant 1073741824 : i32
    %broadcast_in_dim3A_52 = vector.broadcast %jit3A_51 : i32 to vector<1024x1024xi32>
    %select_n3A_53 = arith.select %eq3A_50, %iota3A, %broadcast_in_dim3A_52 : vector<1024x1024xi1>, vector<1024x1024xi32>
    %reduce_min3A_54 = arith.constant dense<2147483647> : vector<1024xi32>
    %reduce_min3A_55 = vector.multi_reduction <minsi>, %select_n3A_53, %reduce_min3A_54 [1] : vector<1024x1024xi32> to vector<1024xi32>
    %mul3A_56 = arith.constant 1024 : i32
    %mul3A_57 = arith.muli %arg0, %mul3A_56 : i32
    %add3A_58 = vector.broadcast %mul3A_57 : i32 to vector<1024xi32>
    %add3A_59 = arith.addi %reduce_min3A_55, %add3A_58 : vector<1024xi32>
    %swap3A_60 = arith.constant 0 : index
    %swap3A_61 = arith.constant 0 : index
    %swap3A_62 = arith.constant 1 : index
    %swap3A_63 = vector.load %arg2[%swap3A_60, %swap3A_61, %swap3A_62] : memref<1x1024x24xi32, #tpu.memory_space<vmem>>, vector<1x1024x1xi32>
    %swap3A_64 = vector.shape_cast %swap3A_63 : vector<1x1024x1xi32> to vector<1024xi32>
    %swap3A_65 = vector.shape_cast %add3A_59 : vector<1024xi32> to vector<1x1024x1xi32>
    tpu.vector_store %arg2[%swap3A_60, %swap3A_61, %swap3A_62], %swap3A_65 {strides = array<i32>} : memref<1x1024x24xi32, #tpu.memory_space<vmem>>, vector<1x1024x1xi32>,
    %broadcast_in_dim3A_66 = vector.shape_cast %reduce_min3A_55 : vector<1024xi32> to vector<1024x1xi32>
    %eq3A_67 = vector.broadcast %broadcast_in_dim3A_66 : vector<1024x1xi32> to vector<1024x1024xi32>
    %eq3A_68 = arith.cmpi eq, %iota3A, %eq3A_67 : vector<1024x1024xi32>
    %jit3A_69 = arith.constant 0xFF800000 : f32
    %broadcast_in_dim3A_70 = vector.broadcast %jit3A_69 : f32 to vector<1024x1024xf32>
    %select_n3A_71 = arith.select %eq3A_68, %broadcast_in_dim3A_70, %get3A_45 : vector<1024x1024xi1>, vector<1024x1024xf32>
    %swap3A_72 = arith.constant 0 : index
    %swap3A_73 = arith.constant 0 : index
    %swap3A_74 = vector.load %arg3[%swap3A_72, %swap3A_73] : memref<1024x1024xf32, #tpu.memory_space<vmem>>, vector<1024x1024xf32>
    tpu.vector_store %arg3[%swap3A_72, %swap3A_73], %select_n3A_71 {strides = array<i32>} : memref<1024x1024xf32, #tpu.memory_space<vmem>>, vector<1024x1024xf32>,
    %get3A_75 = arith.constant 0 : index
    %get3A_76 = arith.constant 0 : index
    %get3A_77 = vector.load %arg3[%get3A_75, %get3A_76] : memref<1024x1024xf32, #tpu.memory_space<vmem>>, vector<1024x1024xf32>
    %reduce_max3A_78 = arith.constant dense<0xFF800000> : vector<1024xf32>
    %reduce_max3A_79 = vector.multi_reduction <maximumf>, %get3A_77, %reduce_max3A_78 [1] : vector<1024x1024xf32> to vector<1024xf32>
    %broadcast_in_dim3A_80 = vector.shape_cast %reduce_max3A_79 : vector<1024xf32> to vector<1024x1xf32>
    %eq3A_81 = vector.broadcast %broadcast_in_dim3A_80 : vector<1024x1xf32> to vector<1024x1024xf32>
    %eq3A_82 = arith.cmpf oeq, %get3A_77, %eq3A_81 : vector<1024x1024xf32>
    %jit3A_83 = arith.constant 1073741824 : i32
    %broadcast_in_dim3A_84 = vector.broadcast %jit3A_83 : i32 to vector<1024x1024xi32>
    %select_n3A_85 = arith.select %eq3A_82, %iota3A, %broadcast_in_dim3A_84 : vector<1024x1024xi1>, vector<1024x1024xi32>
    %reduce_min3A_86 = arith.constant dense<2147483647> : vector<1024xi32>
    %reduce_min3A_87 = vector.multi_reduction <minsi>, %select_n3A_85, %reduce_min3A_86 [1] : vector<1024x1024xi32> to vector<1024xi32>
    %mul3A_88 = arith.constant 1024 : i32
    %mul3A_89 = arith.muli %arg0, %mul3A_88 : i32
    %add3A_90 = vector.broadcast %mul3A_89 : i32 to vector<1024xi32>
    %add3A_91 = arith.addi %reduce_min3A_87, %add3A_90 : vector<1024xi32>
    %swap3A_92 = arith.constant 0 : index
    %swap3A_93 = arith.constant 0 : index
    %swap3A_94 = arith.constant 2 : index
    %swap3A_95 = vector.load %arg2[%swap3A_92, %swap3A_93, %swap3A_94] : memref<1x1024x24xi32, #tpu.memory_space<vmem>>, vector<1x1024x1xi32>
    %swap3A_96 = vector.shape_cast %swap3A_95 : vector<1x1024x1xi32> to vector<1024xi32>
    %swap3A_97 = vector.shape_cast %add3A_91 : vector<1024xi32> to vector<1x1024x1xi32>
    tpu.vector_store %arg2[%swap3A_92, %swap3A_93, %swap3A_94], %swap3A_97 {strides = array<i32>} : memref<1x1024x24xi32, #tpu.memory_space<vmem>>, vector<1x1024x1xi32>,
    %broadcast_in_dim3A_98 = vector.shape_cast %reduce_min3A_87 : vector<1024xi32> to vector<1024x1xi32>
    %eq3A_99 = vector.broadcast %broadcast_in_dim3A_98 : vector<1024x1xi32> to vector<1024x1024xi32>
    %eq3A_100 = arith.cmpi eq, %iota3A, %eq3A_99 : vector<1024x1024xi32>
    %jit3A_101 = arith.constant 0xFF800000 : f32
    %broadcast_in_dim3A_102 = vector.broadcast %jit3A_101 : f32 to vector<1024x1024xf32>
    %select_n3A_103 = arith.select %eq3A_100, %broadcast_in_dim3A_102, %get3A_77 : vector<1024x1024xi1>, vector<1024x1024xf32>
    %swap3A_104 = arith.constant 0 : index
    %swap3A_105 = arith.constant 0 : index
    %swap3A_106 = vector.load %arg3[%swap3A_104, %swap3A_105] : memref<1024x1024xf32, #tpu.memory_space<vmem>>, vector<1024x1024xf32>
    tpu.vector_store %arg3[%swap3A_104, %swap3A_105], %select_n3A_103 {strides = array<i32>} : memref<1024x1024xf32, #tpu.memory_space<vmem>>, vector<1024x1024xf32>,
    %get3A_107 = arith.constant 0 : index
    %get3A_108 = arith.constant 0 : index
    %get3A_109 = vector.load %arg3[%get3A_107, %get3A_108] : memref<1024x1024xf32, #tpu.memory_space<vmem>>, vector<1024x1024xf32>
    %reduce_max3A_110 = arith.constant dense<0xFF800000> : vector<1024xf32>
    %reduce_max3A_111 = vector.multi_reduction <maximumf>, %get3A_109, %reduce_max3A_110 [1] : vector<1024x1024xf32> to vector<1024xf32>
    %broadcast_in_dim3A_112 = vector.shape_cast %reduce_max3A_111 : vector<1024xf32> to vector<1024x1xf32>
    %eq3A_113 = vector.broadcast %broadcast_in_dim3A_112 : vector<1024x1xf32> to vector<1024x1024xf32>
    %eq3A_114 = arith.cmpf oeq, %get3A_109, %eq3A_113 : vector<1024x1024xf32>
    %jit3A_115 = arith.constant 1073741824 : i32
    %broadcast_in_dim3A_116 = vector.broadcast %jit3A_115 : i32 to vector<1024x1024xi32>
    %select_n3A_117 = arith.select %eq3A_114, %iota3A, %broadcast_in_dim3A_116 : vector<1024x1024xi1>, vector<1024x1024xi32>
    %reduce_min3A_118 = arith.constant dense<2147483647> : vector<1024xi32>
    %reduce_min3A_119 = vector.multi_reduction <minsi>, %select_n3A_117, %reduce_min3A_118 [1] : vector<1024x1024xi32> to vector<1024xi32>
    %mul3A_120 = arith.constant 1024 : i32
    %mul3A_121 = arith.muli %arg0, %mul3A_120 : i32
    %add3A_122 = vector.broadcast %mul3A_121 : i32 to vector<1024xi32>
    %add3A_123 = arith.addi %reduce_min3A_119, %add3A_122 : vector<1024xi32>
    %swap3A_124 = arith.constant 0 : index
    %swap3A_125 = arith.constant 0 : index
    %swap3A_126 = arith.constant 3 : index
    %swap3A_127 = vector.load %arg2[%swap3A_124, %swap3A_125, %swap3A_126] : memref<1x1024x24xi32, #tpu.memory_space<vmem>>, vector<1x1024x1xi32>
    %swap3A_128 = vector.shape_cast %swap3A_127 : vector<1x1024x1xi32> to vector<1024xi32>
    %swap3A_129 = vector.shape_cast %add3A_123 : vector<1024xi32> to vector<1x1024x1xi32>
    tpu.vector_store %arg2[%swap3A_124, %swap3A_125, %swap3A_126], %swap3A_129 {strides = array<i32>} : memref<1x1024x24xi32, #tpu.memory_space<vmem>>, vector<1x1024x1xi32>,
    %broadcast_in_dim3A_130 = vector.shape_cast %reduce_min3A_119 : vector<1024xi32> to vector<1024x1xi32>
    %eq3A_131 = vector.broadcast %broadcast_in_dim3A_130 : vector<1024x1xi32> to vector<1024x1024xi32>
    %eq3A_132 = arith.cmpi eq, %iota3A, %eq3A_131 : vector<1024x1024xi32>
    %jit3A_133 = arith.constant 0xFF800000 : f32
    %broadcast_in_dim3A_134 = vector.broadcast %jit3A_133 : f32 to vector<1024x1024xf32>
    %select_n3A_135 = arith.select %eq3A_132, %broadcast_in_dim3A_134, %get3A_109 : vector<1024x1024xi1>, vector<1024x1024xf32>
    %swap3A_136 = arith.constant 0 : index
    %swap3A_137 = arith.constant 0 : index
    %swap3A_138 = vector.load %arg3[%swap3A_136, %swap3A_137] : memref<1024x1024xf32, #tpu.memory_space<vmem>>, vector<1024x1024xf32>
    tpu.vector_store %arg3[%swap3A_136, %swap3A_137], %select_n3A_135 {strides = array<i32>} : memref<1024x1024xf32, #tpu.memory_space<vmem>>, vector<1024x1024xf32>,
    %get3A_139 = arith.constant 0 : index
    %get3A_140 = arith.constant 0 : index
    %get3A_141 = vector.load %arg3[%get3A_139, %get3A_140] : memref<1024x1024xf32, #tpu.memory_space<vmem>>, vector<1024x1024xf32>
    %reduce_max3A_142 = arith.constant dense<0xFF800000> : vector<1024xf32>
    %reduce_max3A_143 = vector.multi_reduction <maximumf>, %get3A_141, %reduce_max3A_142 [1] : vector<1024x1024xf32> to vector<1024xf32>
    %broadcast_in_dim3A_144 = vector.shape_cast %reduce_max3A_143 : vector<1024xf32> to vector<1024x1xf32>
    %eq3A_145 = vector.broadcast %broadcast_in_dim3A_144 : vector<1024x1xf32> to vector<1024x1024xf32>
    %eq3A_146 = arith.cmpf oeq, %get3A_141, %eq3A_145 : vector<1024x1024xf32>
    %jit3A_147 = arith.constant 1073741824 : i32
    %broadcast_in_dim3A_148 = vector.broadcast %jit3A_147 : i32 to vector<1024x1024xi32>
    %select_n3A_149 = arith.select %eq3A_146, %iota3A, %broadcast_in_dim3A_148 : vector<1024x1024xi1>, vector<1024x1024xi32>
    %reduce_min3A_150 = arith.constant dense<2147483647> : vector<1024xi32>
    %reduce_min3A_151 = vector.multi_reduction <minsi>, %select_n3A_149, %reduce_min3A_150 [1] : vector<1024x1024xi32> to vector<1024xi32>
    %mul3A_152 = arith.constant 1024 : i32
    %mul3A_153 = arith.muli %arg0, %mul3A_152 : i32
    %add3A_154 = vector.broadcast %mul3A_153 : i32 to vector<1024xi32>
    %add3A_155 = arith.addi %reduce_min3A_151, %add3A_154 : vector<1024xi32>
    %swap3A_156 = arith.constant 0 : index
    %swap3A_157 = arith.constant 0 : index
    %swap3A_158 = arith.constant 4 : index
    %swap3A_159 = vector.load %arg2[%swap3A_156, %swap3A_157, %swap3A_158] : memref<1x1024x24xi32, #tpu.memory_space<vmem>>, vector<1x1024x1xi32>
    %swap3A_160 = vector.shape_cast %swap3A_159 : vector<1x1024x1xi32> to vector<1024xi32>
    %swap3A_161 = vector.shape_cast %add3A_155 : vector<1024xi32> to vector<1x1024x1xi32>
    tpu.vector_store %arg2[%swap3A_156, %swap3A_157, %swap3A_158], %swap3A_161 {strides = array<i32>} : memref<1x1024x24xi32, #tpu.memory_space<vmem>>, vector<1x1024x1xi32>,
    %broadcast_in_dim3A_162 = vector.shape_cast %reduce_min3A_151 : vector<1024xi32> to vector<1024x1xi32>
    %eq3A_163 = vector.broadcast %broadcast_in_dim3A_162 : vector<1024x1xi32> to vector<1024x1024xi32>
    %eq3A_164 = arith.cmpi eq, %iota3A, %eq3A_163 : vector<1024x1024xi32>
    %jit3A_165 = arith.constant 0xFF800000 : f32
    %broadcast_in_dim3A_166 = vector.broadcast %jit3A_165 : f32 to vector<1024x1024xf32>
    %select_n3A_167 = arith.select %eq3A_164, %broadcast_in_dim3A_166, %get3A_141 : vector<1024x1024xi1>, vector<1024x1024xf32>
    %swap3A_168 = arith.constant 0 : index
    %swap3A_169 = arith.constant 0 : index
    %swap3A_170 = vector.load %arg3[%swap3A_168, %swap3A_169] : memref<1024x1024xf32, #tpu.memory_space<vmem>>, vector<1024x1024xf32>
    tpu.vector_store %arg3[%swap3A_168, %swap3A_169], %select_n3A_167 {strides = array<i32>} : memref<1024x1024xf32, #tpu.memory_space<vmem>>, vector<1024x1024xf32>,
    %get3A_171 = arith.constant 0 : index
    %get3A_172 = arith.constant 0 : index
    %get3A_173 = vector.load %arg3[%get3A_171, %get3A_172] : memref<1024x1024xf32, #tpu.memory_space<vmem>>, vector<1024x1024xf32>
    %reduce_max3A_174 = arith.constant dense<0xFF800000> : vector<1024xf32>
    %reduce_max3A_175 = vector.multi_reduction <maximumf>, %get3A_173, %reduce_max3A_174 [1] : vector<1024x1024xf32> to vector<1024xf32>
    %broadcast_in_dim3A_176 = vector.shape_cast %reduce_max3A_175 : vector<1024xf32> to vector<1024x1xf32>
    %eq3A_177 = vector.broadcast %broadcast_in_dim3A_176 : vector<1024x1xf32> to vector<1024x1024xf32>
    %eq3A_178 = arith.cmpf oeq, %get3A_173, %eq3A_177 : vector<1024x1024xf32>
    %jit3A_179 = arith.constant 1073741824 : i32
    %broadcast_in_dim3A_180 = vector.broadcast %jit3A_179 : i32 to vector<1024x1024xi32>
    %select_n3A_181 = arith.select %eq3A_178, %iota3A, %broadcast_in_dim3A_180 : vector<1024x1024xi1>, vector<1024x1024xi32>
    %reduce_min3A_182 = arith.constant dense<2147483647> : vector<1024xi32>
    %reduce_min3A_183 = vector.multi_reduction <minsi>, %select_n3A_181, %reduce_min3A_182 [1] : vector<1024x1024xi32> to vector<1024xi32>
    %mul3A_184 = arith.constant 1024 : i32
    %mul3A_185 = arith.muli %arg0, %mul3A_184 : i32
    %add3A_186 = vector.broadcast %mul3A_185 : i32 to vector<1024xi32>
    %add3A_187 = arith.addi %reduce_min3A_183, %add3A_186 : vector<1024xi32>
    %swap3A_188 = arith.constant 0 : index
    %swap3A_189 = arith.constant 0 : index
    %swap3A_190 = arith.constant 5 : index
    %swap3A_191 = vector.load %arg2[%swap3A_188, %swap3A_189, %swap3A_190] : memref<1x1024x24xi32, #tpu.memory_space<vmem>>, vector<1x1024x1xi32>
    %swap3A_192 = vector.shape_cast %swap3A_191 : vector<1x1024x1xi32> to vector<1024xi32>
    %swap3A_193 = vector.shape_cast %add3A_187 : vector<1024xi32> to vector<1x1024x1xi32>
    tpu.vector_store %arg2[%swap3A_188, %swap3A_189, %swap3A_190], %swap3A_193 {strides = array<i32>} : memref<1x1024x24xi32, #tpu.memory_space<vmem>>, vector<1x1024x1xi32>,
    %broadcast_in_dim3A_194 = vector.shape_cast %reduce_min3A_183 : vector<1024xi32> to vector<1024x1xi32>
    %eq3A_195 = vector.broadcast %broadcast_in_dim3A_194 : vector<1024x1xi32> to vector<1024x1024xi32>
    %eq3A_196 = arith.cmpi eq, %iota3A, %eq3A_195 : vector<1024x1024xi32>
    %jit3A_197 = arith.constant 0xFF800000 : f32
    %broadcast_in_dim3A_198 = vector.broadcast %jit3A_197 : f32 to vector<1024x1024xf32>
    %select_n3A_199 = arith.select %eq3A_196, %broadcast_in_dim3A_198, %get3A_173 : vector<1024x1024xi1>, vector<1024x1024xf32>
    %swap3A_200 = arith.constant 0 : index
    %swap3A_201 = arith.constant 0 : index
    %swap3A_202 = vector.load %arg3[%swap3A_200, %swap3A_201] : memref<1024x1024xf32, #tpu.memory_space<vmem>>, vector<1024x1024xf32>
    tpu.vector_store %arg3[%swap3A_200, %swap3A_201], %select_n3A_199 {strides = array<i32>} : memref<1024x1024xf32, #tpu.memory_space<vmem>>, vector<1024x1024xf32>,
    %get3A_203 = arith.constant 0 : index
    %get3A_204 = arith.constant 0 : index
    %get3A_205 = vector.load %arg3[%get3A_203, %get3A_204] : memref<1024x1024xf32, #tpu.memory_space<vmem>>, vector<1024x1024xf32>
    %reduce_max3A_206 = arith.constant dense<0xFF800000> : vector<1024xf32>
    %reduce_max3A_207 = vector.multi_reduction <maximumf>, %get3A_205, %reduce_max3A_206 [1] : vector<1024x1024xf32> to vector<1024xf32>
    %broadcast_in_dim3A_208 = vector.shape_cast %reduce_max3A_207 : vector<1024xf32> to vector<1024x1xf32>
    %eq3A_209 = vector.broadcast %broadcast_in_dim3A_208 : vector<1024x1xf32> to vector<1024x1024xf32>
    %eq3A_210 = arith.cmpf oeq, %get3A_205, %eq3A_209 : vector<1024x1024xf32>
    %jit3A_211 = arith.constant 1073741824 : i32
    %broadcast_in_dim3A_212 = vector.broadcast %jit3A_211 : i32 to vector<1024x1024xi32>
    %select_n3A_213 = arith.select %eq3A_210, %iota3A, %broadcast_in_dim3A_212 : vector<1024x1024xi1>, vector<1024x1024xi32>
    %reduce_min3A_214 = arith.constant dense<2147483647> : vector<1024xi32>
    %reduce_min3A_215 = vector.multi_reduction <minsi>, %select_n3A_213, %reduce_min3A_214 [1] : vector<1024x1024xi32> to vector<1024xi32>
    %mul3A_216 = arith.constant 1024 : i32
    %mul3A_217 = arith.muli %arg0, %mul3A_216 : i32
    %add3A_218 = vector.broadcast %mul3A_217 : i32 to vector<1024xi32>
    %add3A_219 = arith.addi %reduce_min3A_215, %add3A_218 : vector<1024xi32>
    %swap3A_220 = arith.constant 0 : index
    %swap3A_221 = arith.constant 0 : index
    %swap3A_222 = arith.constant 6 : index
    %swap3A_223 = vector.load %arg2[%swap3A_220, %swap3A_221, %swap3A_222] : memref<1x1024x24xi32, #tpu.memory_space<vmem>>, vector<1x1024x1xi32>
    %swap3A_224 = vector.shape_cast %swap3A_223 : vector<1x1024x1xi32> to vector<1024xi32>
    %swap3A_225 = vector.shape_cast %add3A_219 : vector<1024xi32> to vector<1x1024x1xi32>
    tpu.vector_store %arg2[%swap3A_220, %swap3A_221, %swap3A_222], %swap3A_225 {strides = array<i32>} : memref<1x1024x24xi32, #tpu.memory_space<vmem>>, vector<1x1024x1xi32>,
    %broadcast_in_dim3A_226 = vector.shape_cast %reduce_min3A_215 : vector<1024xi32> to vector<1024x1xi32>
    %eq3A_227 = vector.broadcast %broadcast_in_dim3A_226 : vector<1024x1xi32> to vector<1024x1024xi32>
    %eq3A_228 = arith.cmpi eq, %iota3A, %eq3A_227 : vector<1024x1024xi32>
    %jit3A_229 = arith.constant 0xFF800000 : f32
    %broadcast_in_dim3A_230 = vector.broadcast %jit3A_229 : f32 to vector<1024x1024xf32>
    %select_n3A_231 = arith.select %eq3A_228, %broadcast_in_dim3A_230, %get3A_205 : vector<1024x1024xi1>, vector<1024x1024xf32>
    %swap3A_232 = arith.constant 0 : index
    %swap3A_233 = arith.constant 0 : index
    %swap3A_234 = vector.load %arg3[%swap3A_232, %swap3A_233] : memref<1024x1024xf32, #tpu.memory_space<vmem>>, vector<1024x1024xf32>
    tpu.vector_store %arg3[%swap3A_232, %swap3A_233], %select_n3A_231 {strides = array<i32>} : memref<1024x1024xf32, #tpu.memory_space<vmem>>, vector<1024x1024xf32>,
    %get3A_235 = arith.constant 0 : index
    %get3A_236 = arith.constant 0 : index
    %get3A_237 = vector.load %arg3[%get3A_235, %get3A_236] : memref<1024x1024xf32, #tpu.memory_space<vmem>>, vector<1024x1024xf32>
    %reduce_max3A_238 = arith.constant dense<0xFF800000> : vector<1024xf32>
    %reduce_max3A_239 = vector.multi_reduction <maximumf>, %get3A_237, %reduce_max3A_238 [1] : vector<1024x1024xf32> to vector<1024xf32>
    %broadcast_in_dim3A_240 = vector.shape_cast %reduce_max3A_239 : vector<1024xf32> to vector<1024x1xf32>
    %eq3A_241 = vector.broadcast %broadcast_in_dim3A_240 : vector<1024x1xf32> to vector<1024x1024xf32>
    %eq3A_242 = arith.cmpf oeq, %get3A_237, %eq3A_241 : vector<1024x1024xf32>
    %jit3A_243 = arith.constant 1073741824 : i32
    %broadcast_in_dim3A_244 = vector.broadcast %jit3A_243 : i32 to vector<1024x1024xi32>
    %select_n3A_245 = arith.select %eq3A_242, %iota3A, %broadcast_in_dim3A_244 : vector<1024x1024xi1>, vector<1024x1024xi32>
    %reduce_min3A_246 = arith.constant dense<2147483647> : vector<1024xi32>
    %reduce_min3A_247 = vector.multi_reduction <minsi>, %select_n3A_245, %reduce_min3A_246 [1] : vector<1024x1024xi32> to vector<1024xi32>
    %mul3A_248 = arith.constant 1024 : i32
    %mul3A_249 = arith.muli %arg0, %mul3A_248 : i32
    %add3A_250 = vector.broadcast %mul3A_249 : i32 to vector<1024xi32>
    %add3A_251 = arith.addi %reduce_min3A_247, %add3A_250 : vector<1024xi32>
    %swap3A_252 = arith.constant 0 : index
    %swap3A_253 = arith.constant 0 : index
    %swap3A_254 = arith.constant 7 : index
    %swap3A_255 = vector.load %arg2[%swap3A_252, %swap3A_253, %swap3A_254] : memref<1x1024x24xi32, #tpu.memory_space<vmem>>, vector<1x1024x1xi32>
    %swap3A_256 = vector.shape_cast %swap3A_255 : vector<1x1024x1xi32> to vector<1024xi32>
    %swap3A_257 = vector.shape_cast %add3A_251 : vector<1024xi32> to vector<1x1024x1xi32>
    tpu.vector_store %arg2[%swap3A_252, %swap3A_253, %swap3A_254], %swap3A_257 {strides = array<i32>} : memref<1x1024x24xi32, #tpu.memory_space<vmem>>, vector<1x1024x1xi32>,
    %broadcast_in_dim3A_258 = vector.shape_cast %reduce_min3A_247 : vector<1024xi32> to vector<1024x1xi32>
    %eq3A_259 = vector.broadcast %broadcast_in_dim3A_258 : vector<1024x1xi32> to vector<1024x1024xi32>
    %eq3A_260 = arith.cmpi eq, %iota3A, %eq3A_259 : vector<1024x1024xi32>
    %jit3A_261 = arith.constant 0xFF800000 : f32
    %broadcast_in_dim3A_262 = vector.broadcast %jit3A_261 : f32 to vector<1024x1024xf32>
    %select_n3A_263 = arith.select %eq3A_260, %broadcast_in_dim3A_262, %get3A_237 : vector<1024x1024xi1>, vector<1024x1024xf32>
    %swap3A_264 = arith.constant 0 : index
    %swap3A_265 = arith.constant 0 : index
    %swap3A_266 = vector.load %arg3[%swap3A_264, %swap3A_265] : memref<1024x1024xf32, #tpu.memory_space<vmem>>, vector<1024x1024xf32>
    tpu.vector_store %arg3[%swap3A_264, %swap3A_265], %select_n3A_263 {strides = array<i32>} : memref<1024x1024xf32, #tpu.memory_space<vmem>>, vector<1024x1024xf32>,
    %get3A_267 = arith.constant 0 : index
    %get3A_268 = arith.constant 0 : index
    %get3A_269 = vector.load %arg3[%get3A_267, %get3A_268] : memref<1024x1024xf32, #tpu.memory_space<vmem>>, vector<1024x1024xf32>
    %reduce_max3A_270 = arith.constant dense<0xFF800000> : vector<1024xf32>
    %reduce_max3A_271 = vector.multi_reduction <maximumf>, %get3A_269, %reduce_max3A_270 [1] : vector<1024x1024xf32> to vector<1024xf32>
    %broadcast_in_dim3A_272 = vector.shape_cast %reduce_max3A_271 : vector<1024xf32> to vector<1024x1xf32>
    %eq3A_273 = vector.broadcast %broadcast_in_dim3A_272 : vector<1024x1xf32> to vector<1024x1024xf32>
    %eq3A_274 = arith.cmpf oeq, %get3A_269, %eq3A_273 : vector<1024x1024xf32>
    %jit3A_275 = arith.constant 1073741824 : i32
    %broadcast_in_dim3A_276 = vector.broadcast %jit3A_275 : i32 to vector<1024x1024xi32>
    %select_n3A_277 = arith.select %eq3A_274, %iota3A, %broadcast_in_dim3A_276 : vector<1024x1024xi1>, vector<1024x1024xi32>
    %reduce_min3A_278 = arith.constant dense<2147483647> : vector<1024xi32>
    %reduce_min3A_279 = vector.multi_reduction <minsi>, %select_n3A_277, %reduce_min3A_278 [1] : vector<1024x1024xi32> to vector<1024xi32>
    %mul3A_280 = arith.constant 1024 : i32
    %mul3A_281 = arith.muli %arg0, %mul3A_280 : i32
    %add3A_282 = vector.broadcast %mul3A_281 : i32 to vector<1024xi32>
    %add3A_283 = arith.addi %reduce_min3A_279, %add3A_282 : vector<1024xi32>
    %swap3A_284 = arith.constant 0 : index
    %swap3A_285 = arith.constant 0 : index
    %swap3A_286 = arith.constant 8 : index
    %swap3A_287 = vector.load %arg2[%swap3A_284, %swap3A_285, %swap3A_286] : memref<1x1024x24xi32, #tpu.memory_space<vmem>>, vector<1x1024x1xi32>
    %swap3A_288 = vector.shape_cast %swap3A_287 : vector<1x1024x1xi32> to vector<1024xi32>
    %swap3A_289 = vector.shape_cast %add3A_283 : vector<1024xi32> to vector<1x1024x1xi32>
    tpu.vector_store %arg2[%swap3A_284, %swap3A_285, %swap3A_286], %swap3A_289 {strides = array<i32>} : memref<1x1024x24xi32, #tpu.memory_space<vmem>>, vector<1x1024x1xi32>,
    %broadcast_in_dim3A_290 = vector.shape_cast %reduce_min3A_279 : vector<1024xi32> to vector<1024x1xi32>
    %eq3A_291 = vector.broadcast %broadcast_in_dim3A_290 : vector<1024x1xi32> to vector<1024x1024xi32>
    %eq3A_292 = arith.cmpi eq, %iota3A, %eq3A_291 : vector<1024x1024xi32>
    %jit3A_293 = arith.constant 0xFF800000 : f32
    %broadcast_in_dim3A_294 = vector.broadcast %jit3A_293 : f32 to vector<1024x1024xf32>
    %select_n3A_295 = arith.select %eq3A_292, %broadcast_in_dim3A_294, %get3A_269 : vector<1024x1024xi1>, vector<1024x1024xf32>
    %swap3A_296 = arith.constant 0 : index
    %swap3A_297 = arith.constant 0 : index
    %swap3A_298 = vector.load %arg3[%swap3A_296, %swap3A_297] : memref<1024x1024xf32, #tpu.memory_space<vmem>>, vector<1024x1024xf32>
    tpu.vector_store %arg3[%swap3A_296, %swap3A_297], %select_n3A_295 {strides = array<i32>} : memref<1024x1024xf32, #tpu.memory_space<vmem>>, vector<1024x1024xf32>,
    %get3A_299 = arith.constant 0 : index
    %get3A_300 = arith.constant 0 : index
    %get3A_301 = vector.load %arg3[%get3A_299, %get3A_300] : memref<1024x1024xf32, #tpu.memory_space<vmem>>, vector<1024x1024xf32>
    %reduce_max3A_302 = arith.constant dense<0xFF800000> : vector<1024xf32>
    %reduce_max3A_303 = vector.multi_reduction <maximumf>, %get3A_301, %reduce_max3A_302 [1] : vector<1024x1024xf32> to vector<1024xf32>
    %broadcast_in_dim3A_304 = vector.shape_cast %reduce_max3A_303 : vector<1024xf32> to vector<1024x1xf32>
    %eq3A_305 = vector.broadcast %broadcast_in_dim3A_304 : vector<1024x1xf32> to vector<1024x1024xf32>
    %eq3A_306 = arith.cmpf oeq, %get3A_301, %eq3A_305 : vector<1024x1024xf32>
    %jit3A_307 = arith.constant 1073741824 : i32
    %broadcast_in_dim3A_308 = vector.broadcast %jit3A_307 : i32 to vector<1024x1024xi32>
    %select_n3A_309 = arith.select %eq3A_306, %iota3A, %broadcast_in_dim3A_308 : vector<1024x1024xi1>, vector<1024x1024xi32>
    %reduce_min3A_310 = arith.constant dense<2147483647> : vector<1024xi32>
    %reduce_min3A_311 = vector.multi_reduction <minsi>, %select_n3A_309, %reduce_min3A_310 [1] : vector<1024x1024xi32> to vector<1024xi32>
    %mul3A_312 = arith.constant 1024 : i32
    %mul3A_313 = arith.muli %arg0, %mul3A_312 : i32
    %add3A_314 = vector.broadcast %mul3A_313 : i32 to vector<1024xi32>
    %add3A_315 = arith.addi %reduce_min3A_311, %add3A_314 : vector<1024xi32>
    %swap3A_316 = arith.constant 0 : index
    %swap3A_317 = arith.constant 0 : index
    %swap3A_318 = arith.constant 9 : index
    %swap3A_319 = vector.load %arg2[%swap3A_316, %swap3A_317, %swap3A_318] : memref<1x1024x24xi32, #tpu.memory_space<vmem>>, vector<1x1024x1xi32>
    %swap3A_320 = vector.shape_cast %swap3A_319 : vector<1x1024x1xi32> to vector<1024xi32>
    %swap3A_321 = vector.shape_cast %add3A_315 : vector<1024xi32> to vector<1x1024x1xi32>
    tpu.vector_store %arg2[%swap3A_316, %swap3A_317, %swap3A_318], %swap3A_321 {strides = array<i32>} : memref<1x1024x24xi32, #tpu.memory_space<vmem>>, vector<1x1024x1xi32>,
    %broadcast_in_dim3A_322 = vector.shape_cast %reduce_min3A_311 : vector<1024xi32> to vector<1024x1xi32>
    %eq3A_323 = vector.broadcast %broadcast_in_dim3A_322 : vector<1024x1xi32> to vector<1024x1024xi32>
    %eq3A_324 = arith.cmpi eq, %iota3A, %eq3A_323 : vector<1024x1024xi32>
    %jit3A_325 = arith.constant 0xFF800000 : f32
    %broadcast_in_dim3A_326 = vector.broadcast %jit3A_325 : f32 to vector<1024x1024xf32>
    %select_n3A_327 = arith.select %eq3A_324, %broadcast_in_dim3A_326, %get3A_301 : vector<1024x1024xi1>, vector<1024x1024xf32>
    %swap3A_328 = arith.constant 0 : index
    %swap3A_329 = arith.constant 0 : index
    %swap3A_330 = vector.load %arg3[%swap3A_328, %swap3A_329] : memref<1024x1024xf32, #tpu.memory_space<vmem>>, vector<1024x1024xf32>
    tpu.vector_store %arg3[%swap3A_328, %swap3A_329], %select_n3A_327 {strides = array<i32>} : memref<1024x1024xf32, #tpu.memory_space<vmem>>, vector<1024x1024xf32>,
    %get3A_331 = arith.constant 0 : index
    %get3A_332 = arith.constant 0 : index
    %get3A_333 = vector.load %arg3[%get3A_331, %get3A_332] : memref<1024x1024xf32, #tpu.memory_space<vmem>>, vector<1024x1024xf32>
    %reduce_max3A_334 = arith.constant dense<0xFF800000> : vector<1024xf32>
    %reduce_max3A_335 = vector.multi_reduction <maximumf>, %get3A_333, %reduce_max3A_334 [1] : vector<1024x1024xf32> to vector<1024xf32>
    %broadcast_in_dim3A_336 = vector.shape_cast %reduce_max3A_335 : vector<1024xf32> to vector<1024x1xf32>
    %eq3A_337 = vector.broadcast %broadcast_in_dim3A_336 : vector<1024x1xf32> to vector<1024x1024xf32>
    %eq3A_338 = arith.cmpf oeq, %get3A_333, %eq3A_337 : vector<1024x1024xf32>
    %jit3A_339 = arith.constant 1073741824 : i32
    %broadcast_in_dim3A_340 = vector.broadcast %jit3A_339 : i32 to vector<1024x1024xi32>
    %select_n3A_341 = arith.select %eq3A_338, %iota3A, %broadcast_in_dim3A_340 : vector<1024x1024xi1>, vector<1024x1024xi32>
    %reduce_min3A_342 = arith.constant dense<2147483647> : vector<1024xi32>
    %reduce_min3A_343 = vector.multi_reduction <minsi>, %select_n3A_341, %reduce_min3A_342 [1] : vector<1024x1024xi32> to vector<1024xi32>
    %mul3A_344 = arith.constant 1024 : i32
    %mul3A_345 = arith.muli %arg0, %mul3A_344 : i32
    %add3A_346 = vector.broadcast %mul3A_345 : i32 to vector<1024xi32>
    %add3A_347 = arith.addi %reduce_min3A_343, %add3A_346 : vector<1024xi32>
    %swap3A_348 = arith.constant 0 : index
    %swap3A_349 = arith.constant 0 : index
    %swap3A_350 = arith.constant 10 : index
    %swap3A_351 = vector.load %arg2[%swap3A_348, %swap3A_349, %swap3A_350] : memref<1x1024x24xi32, #tpu.memory_space<vmem>>, vector<1x1024x1xi32>
    %swap3A_352 = vector.shape_cast %swap3A_351 : vector<1x1024x1xi32> to vector<1024xi32>
    %swap3A_353 = vector.shape_cast %add3A_347 : vector<1024xi32> to vector<1x1024x1xi32>
    tpu.vector_store %arg2[%swap3A_348, %swap3A_349, %swap3A_350], %swap3A_353 {strides = array<i32>} : memref<1x1024x24xi32, #tpu.memory_space<vmem>>, vector<1x1024x1xi32>,
    %broadcast_in_dim3A_354 = vector.shape_cast %reduce_min3A_343 : vector<1024xi32> to vector<1024x1xi32>
    %eq3A_355 = vector.broadcast %broadcast_in_dim3A_354 : vector<1024x1xi32> to vector<1024x1024xi32>
    %eq3A_356 = arith.cmpi eq, %iota3A, %eq3A_355 : vector<1024x1024xi32>
    %jit3A_357 = arith.constant 0xFF800000 : f32
    %broadcast_in_dim3A_358 = vector.broadcast %jit3A_357 : f32 to vector<1024x1024xf32>
    %select_n3A_359 = arith.select %eq3A_356, %broadcast_in_dim3A_358, %get3A_333 : vector<1024x1024xi1>, vector<1024x1024xf32>
    %swap3A_360 = arith.constant 0 : index
    %swap3A_361 = arith.constant 0 : index
    %swap3A_362 = vector.load %arg3[%swap3A_360, %swap3A_361] : memref<1024x1024xf32, #tpu.memory_space<vmem>>, vector<1024x1024xf32>
    tpu.vector_store %arg3[%swap3A_360, %swap3A_361], %select_n3A_359 {strides = array<i32>} : memref<1024x1024xf32, #tpu.memory_space<vmem>>, vector<1024x1024xf32>,
    %get3A_363 = arith.constant 0 : index
    %get3A_364 = arith.constant 0 : index
    %get3A_365 = vector.load %arg3[%get3A_363, %get3A_364] : memref<1024x1024xf32, #tpu.memory_space<vmem>>, vector<1024x1024xf32>
    %reduce_max3A_366 = arith.constant dense<0xFF800000> : vector<1024xf32>
    %reduce_max3A_367 = vector.multi_reduction <maximumf>, %get3A_365, %reduce_max3A_366 [1] : vector<1024x1024xf32> to vector<1024xf32>
    %broadcast_in_dim3A_368 = vector.shape_cast %reduce_max3A_367 : vector<1024xf32> to vector<1024x1xf32>
    %eq3A_369 = vector.broadcast %broadcast_in_dim3A_368 : vector<1024x1xf32> to vector<1024x1024xf32>
    %eq3A_370 = arith.cmpf oeq, %get3A_365, %eq3A_369 : vector<1024x1024xf32>
    %jit3A_371 = arith.constant 1073741824 : i32
    %broadcast_in_dim3A_372 = vector.broadcast %jit3A_371 : i32 to vector<1024x1024xi32>
    %select_n3A_373 = arith.select %eq3A_370, %iota3A, %broadcast_in_dim3A_372 : vector<1024x1024xi1>, vector<1024x1024xi32>
    %reduce_min3A_374 = arith.constant dense<2147483647> : vector<1024xi32>
    %reduce_min3A_375 = vector.multi_reduction <minsi>, %select_n3A_373, %reduce_min3A_374 [1] : vector<1024x1024xi32> to vector<1024xi32>
    %mul3A_376 = arith.constant 1024 : i32
    %mul3A_377 = arith.muli %arg0, %mul3A_376 : i32
    %add3A_378 = vector.broadcast %mul3A_377 : i32 to vector<1024xi32>
    %add3A_379 = arith.addi %reduce_min3A_375, %add3A_378 : vector<1024xi32>
    %swap3A_380 = arith.constant 0 : index
    %swap3A_381 = arith.constant 0 : index
    %swap3A_382 = arith.constant 11 : index
    %swap3A_383 = vector.load %arg2[%swap3A_380, %swap3A_381, %swap3A_382] : memref<1x1024x24xi32, #tpu.memory_space<vmem>>, vector<1x1024x1xi32>
    %swap3A_384 = vector.shape_cast %swap3A_383 : vector<1x1024x1xi32> to vector<1024xi32>
    %swap3A_385 = vector.shape_cast %add3A_379 : vector<1024xi32> to vector<1x1024x1xi32>
    tpu.vector_store %arg2[%swap3A_380, %swap3A_381, %swap3A_382], %swap3A_385 {strides = array<i32>} : memref<1x1024x24xi32, #tpu.memory_space<vmem>>, vector<1x1024x1xi32>,
    %broadcast_in_dim3A_386 = vector.shape_cast %reduce_min3A_375 : vector<1024xi32> to vector<1024x1xi32>
    %eq3A_387 = vector.broadcast %broadcast_in_dim3A_386 : vector<1024x1xi32> to vector<1024x1024xi32>
    %eq3A_388 = arith.cmpi eq, %iota3A, %eq3A_387 : vector<1024x1024xi32>
    %jit3A_389 = arith.constant 0xFF800000 : f32
    %broadcast_in_dim3A_390 = vector.broadcast %jit3A_389 : f32 to vector<1024x1024xf32>
    %select_n3A_391 = arith.select %eq3A_388, %broadcast_in_dim3A_390, %get3A_365 : vector<1024x1024xi1>, vector<1024x1024xf32>
    %swap3A_392 = arith.constant 0 : index
    %swap3A_393 = arith.constant 0 : index
    %swap3A_394 = vector.load %arg3[%swap3A_392, %swap3A_393] : memref<1024x1024xf32, #tpu.memory_space<vmem>>, vector<1024x1024xf32>
    tpu.vector_store %arg3[%swap3A_392, %swap3A_393], %select_n3A_391 {strides = array<i32>} : memref<1024x1024xf32, #tpu.memory_space<vmem>>, vector<1024x1024xf32>,
    %get3A_395 = arith.constant 0 : index
    %get3A_396 = arith.constant 0 : index
    %get3A_397 = vector.load %arg3[%get3A_395, %get3A_396] : memref<1024x1024xf32, #tpu.memory_space<vmem>>, vector<1024x1024xf32>
    %reduce_max3A_398 = arith.constant dense<0xFF800000> : vector<1024xf32>
    %reduce_max3A_399 = vector.multi_reduction <maximumf>, %get3A_397, %reduce_max3A_398 [1] : vector<1024x1024xf32> to vector<1024xf32>
    %broadcast_in_dim3A_400 = vector.shape_cast %reduce_max3A_399 : vector<1024xf32> to vector<1024x1xf32>
    %eq3A_401 = vector.broadcast %broadcast_in_dim3A_400 : vector<1024x1xf32> to vector<1024x1024xf32>
    %eq3A_402 = arith.cmpf oeq, %get3A_397, %eq3A_401 : vector<1024x1024xf32>
    %jit3A_403 = arith.constant 1073741824 : i32
    %broadcast_in_dim3A_404 = vector.broadcast %jit3A_403 : i32 to vector<1024x1024xi32>
    %select_n3A_405 = arith.select %eq3A_402, %iota3A, %broadcast_in_dim3A_404 : vector<1024x1024xi1>, vector<1024x1024xi32>
    %reduce_min3A_406 = arith.constant dense<2147483647> : vector<1024xi32>
    %reduce_min3A_407 = vector.multi_reduction <minsi>, %select_n3A_405, %reduce_min3A_406 [1] : vector<1024x1024xi32> to vector<1024xi32>
    %mul3A_408 = arith.constant 1024 : i32
    %mul3A_409 = arith.muli %arg0, %mul3A_408 : i32
    %add3A_410 = vector.broadcast %mul3A_409 : i32 to vector<1024xi32>
    %add3A_411 = arith.addi %reduce_min3A_407, %add3A_410 : vector<1024xi32>
    %swap3A_412 = arith.constant 0 : index
    %swap3A_413 = arith.constant 0 : index
    %swap3A_414 = arith.constant 12 : index
    %swap3A_415 = vector.load %arg2[%swap3A_412, %swap3A_413, %swap3A_414] : memref<1x1024x24xi32, #tpu.memory_space<vmem>>, vector<1x1024x1xi32>
    %swap3A_416 = vector.shape_cast %swap3A_415 : vector<1x1024x1xi32> to vector<1024xi32>
    %swap3A_417 = vector.shape_cast %add3A_411 : vector<1024xi32> to vector<1x1024x1xi32>
    tpu.vector_store %arg2[%swap3A_412, %swap3A_413, %swap3A_414], %swap3A_417 {strides = array<i32>} : memref<1x1024x24xi32, #tpu.memory_space<vmem>>, vector<1x1024x1xi32>,
    %broadcast_in_dim3A_418 = vector.shape_cast %reduce_min3A_407 : vector<1024xi32> to vector<1024x1xi32>
    %eq3A_419 = vector.broadcast %broadcast_in_dim3A_418 : vector<1024x1xi32> to vector<1024x1024xi32>
    %eq3A_420 = arith.cmpi eq, %iota3A, %eq3A_419 : vector<1024x1024xi32>
    %jit3A_421 = arith.constant 0xFF800000 : f32
    %broadcast_in_dim3A_422 = vector.broadcast %jit3A_421 : f32 to vector<1024x1024xf32>
    %select_n3A_423 = arith.select %eq3A_420, %broadcast_in_dim3A_422, %get3A_397 : vector<1024x1024xi1>, vector<1024x1024xf32>
    %swap3A_424 = arith.constant 0 : index
    %swap3A_425 = arith.constant 0 : index
    %swap3A_426 = vector.load %arg3[%swap3A_424, %swap3A_425] : memref<1024x1024xf32, #tpu.memory_space<vmem>>, vector<1024x1024xf32>
    tpu.vector_store %arg3[%swap3A_424, %swap3A_425], %select_n3A_423 {strides = array<i32>} : memref<1024x1024xf32, #tpu.memory_space<vmem>>, vector<1024x1024xf32>,
    %get3A_427 = arith.constant 0 : index
    %get3A_428 = arith.constant 0 : index
    %get3A_429 = vector.load %arg3[%get3A_427, %get3A_428] : memref<1024x1024xf32, #tpu.memory_space<vmem>>, vector<1024x1024xf32>
    %reduce_max3A_430 = arith.constant dense<0xFF800000> : vector<1024xf32>
    %reduce_max3A_431 = vector.multi_reduction <maximumf>, %get3A_429, %reduce_max3A_430 [1] : vector<1024x1024xf32> to vector<1024xf32>
    %broadcast_in_dim3A_432 = vector.shape_cast %reduce_max3A_431 : vector<1024xf32> to vector<1024x1xf32>
    %eq3A_433 = vector.broadcast %broadcast_in_dim3A_432 : vector<1024x1xf32> to vector<1024x1024xf32>
    %eq3A_434 = arith.cmpf oeq, %get3A_429, %eq3A_433 : vector<1024x1024xf32>
    %jit3A_435 = arith.constant 1073741824 : i32
    %broadcast_in_dim3A_436 = vector.broadcast %jit3A_435 : i32 to vector<1024x1024xi32>
    %select_n3A_437 = arith.select %eq3A_434, %iota3A, %broadcast_in_dim3A_436 : vector<1024x1024xi1>, vector<1024x1024xi32>
    %reduce_min3A_438 = arith.constant dense<2147483647> : vector<1024xi32>
    %reduce_min3A_439 = vector.multi_reduction <minsi>, %select_n3A_437, %reduce_min3A_438 [1] : vector<1024x1024xi32> to vector<1024xi32>
    %mul3A_440 = arith.constant 1024 : i32
    %mul3A_441 = arith.muli %arg0, %mul3A_440 : i32
    %add3A_442 = vector.broadcast %mul3A_441 : i32 to vector<1024xi32>
    %add3A_443 = arith.addi %reduce_min3A_439, %add3A_442 : vector<1024xi32>
    %swap3A_444 = arith.constant 0 : index
    %swap3A_445 = arith.constant 0 : index
    %swap3A_446 = arith.constant 13 : index
    %swap3A_447 = vector.load %arg2[%swap3A_444, %swap3A_445, %swap3A_446] : memref<1x1024x24xi32, #tpu.memory_space<vmem>>, vector<1x1024x1xi32>
    %swap3A_448 = vector.shape_cast %swap3A_447 : vector<1x1024x1xi32> to vector<1024xi32>
    %swap3A_449 = vector.shape_cast %add3A_443 : vector<1024xi32> to vector<1x1024x1xi32>
    tpu.vector_store %arg2[%swap3A_444, %swap3A_445, %swap3A_446], %swap3A_449 {strides = array<i32>} : memref<1x1024x24xi32, #tpu.memory_space<vmem>>, vector<1x1024x1xi32>,
    %broadcast_in_dim3A_450 = vector.shape_cast %reduce_min3A_439 : vector<1024xi32> to vector<1024x1xi32>
    %eq3A_451 = vector.broadcast %broadcast_in_dim3A_450 : vector<1024x1xi32> to vector<1024x1024xi32>
    %eq3A_452 = arith.cmpi eq, %iota3A, %eq3A_451 : vector<1024x1024xi32>
    %jit3A_453 = arith.constant 0xFF800000 : f32
    %broadcast_in_dim3A_454 = vector.broadcast %jit3A_453 : f32 to vector<1024x1024xf32>
    %select_n3A_455 = arith.select %eq3A_452, %broadcast_in_dim3A_454, %get3A_429 : vector<1024x1024xi1>, vector<1024x1024xf32>
    %swap3A_456 = arith.constant 0 : index
    %swap3A_457 = arith.constant 0 : index
    %swap3A_458 = vector.load %arg3[%swap3A_456, %swap3A_457] : memref<1024x1024xf32, #tpu.memory_space<vmem>>, vector<1024x1024xf32>
    tpu.vector_store %arg3[%swap3A_456, %swap3A_457], %select_n3A_455 {strides = array<i32>} : memref<1024x1024xf32, #tpu.memory_space<vmem>>, vector<1024x1024xf32>,
    %get3A_459 = arith.constant 0 : index
    %get3A_460 = arith.constant 0 : index
    %get3A_461 = vector.load %arg3[%get3A_459, %get3A_460] : memref<1024x1024xf32, #tpu.memory_space<vmem>>, vector<1024x1024xf32>
    %reduce_max3A_462 = arith.constant dense<0xFF800000> : vector<1024xf32>
    %reduce_max3A_463 = vector.multi_reduction <maximumf>, %get3A_461, %reduce_max3A_462 [1] : vector<1024x1024xf32> to vector<1024xf32>
    %broadcast_in_dim3A_464 = vector.shape_cast %reduce_max3A_463 : vector<1024xf32> to vector<1024x1xf32>
    %eq3A_465 = vector.broadcast %broadcast_in_dim3A_464 : vector<1024x1xf32> to vector<1024x1024xf32>
    %eq3A_466 = arith.cmpf oeq, %get3A_461, %eq3A_465 : vector<1024x1024xf32>
    %jit3A_467 = arith.constant 1073741824 : i32
    %broadcast_in_dim3A_468 = vector.broadcast %jit3A_467 : i32 to vector<1024x1024xi32>
    %select_n3A_469 = arith.select %eq3A_466, %iota3A, %broadcast_in_dim3A_468 : vector<1024x1024xi1>, vector<1024x1024xi32>
    %reduce_min3A_470 = arith.constant dense<2147483647> : vector<1024xi32>
    %reduce_min3A_471 = vector.multi_reduction <minsi>, %select_n3A_469, %reduce_min3A_470 [1] : vector<1024x1024xi32> to vector<1024xi32>
    %mul3A_472 = arith.constant 1024 : i32
    %mul3A_473 = arith.muli %arg0, %mul3A_472 : i32
    %add3A_474 = vector.broadcast %mul3A_473 : i32 to vector<1024xi32>
    %add3A_475 = arith.addi %reduce_min3A_471, %add3A_474 : vector<1024xi32>
    %swap3A_476 = arith.constant 0 : index
    %swap3A_477 = arith.constant 0 : index
    %swap3A_478 = arith.constant 14 : index
    %swap3A_479 = vector.load %arg2[%swap3A_476, %swap3A_477, %swap3A_478] : memref<1x1024x24xi32, #tpu.memory_space<vmem>>, vector<1x1024x1xi32>
    %swap3A_480 = vector.shape_cast %swap3A_479 : vector<1x1024x1xi32> to vector<1024xi32>
    %swap3A_481 = vector.shape_cast %add3A_475 : vector<1024xi32> to vector<1x1024x1xi32>
    tpu.vector_store %arg2[%swap3A_476, %swap3A_477, %swap3A_478], %swap3A_481 {strides = array<i32>} : memref<1x1024x24xi32, #tpu.memory_space<vmem>>, vector<1x1024x1xi32>,
    %broadcast_in_dim3A_482 = vector.shape_cast %reduce_min3A_471 : vector<1024xi32> to vector<1024x1xi32>
    %eq3A_483 = vector.broadcast %broadcast_in_dim3A_482 : vector<1024x1xi32> to vector<1024x1024xi32>
    %eq3A_484 = arith.cmpi eq, %iota3A, %eq3A_483 : vector<1024x1024xi32>
    %jit3A_485 = arith.constant 0xFF800000 : f32
    %broadcast_in_dim3A_486 = vector.broadcast %jit3A_485 : f32 to vector<1024x1024xf32>
    %select_n3A_487 = arith.select %eq3A_484, %broadcast_in_dim3A_486, %get3A_461 : vector<1024x1024xi1>, vector<1024x1024xf32>
    %swap3A_488 = arith.constant 0 : index
    %swap3A_489 = arith.constant 0 : index
    %swap3A_490 = vector.load %arg3[%swap3A_488, %swap3A_489] : memref<1024x1024xf32, #tpu.memory_space<vmem>>, vector<1024x1024xf32>
    tpu.vector_store %arg3[%swap3A_488, %swap3A_489], %select_n3A_487 {strides = array<i32>} : memref<1024x1024xf32, #tpu.memory_space<vmem>>, vector<1024x1024xf32>,
    %get3A_491 = arith.constant 0 : index
    %get3A_492 = arith.constant 0 : index
    %get3A_493 = vector.load %arg3[%get3A_491, %get3A_492] : memref<1024x1024xf32, #tpu.memory_space<vmem>>, vector<1024x1024xf32>
    %reduce_max3A_494 = arith.constant dense<0xFF800000> : vector<1024xf32>
    %reduce_max3A_495 = vector.multi_reduction <maximumf>, %get3A_493, %reduce_max3A_494 [1] : vector<1024x1024xf32> to vector<1024xf32>
    %broadcast_in_dim3A_496 = vector.shape_cast %reduce_max3A_495 : vector<1024xf32> to vector<1024x1xf32>
    %eq3A_497 = vector.broadcast %broadcast_in_dim3A_496 : vector<1024x1xf32> to vector<1024x1024xf32>
    %eq3A_498 = arith.cmpf oeq, %get3A_493, %eq3A_497 : vector<1024x1024xf32>
    %jit3A_499 = arith.constant 1073741824 : i32
    %broadcast_in_dim3A_500 = vector.broadcast %jit3A_499 : i32 to vector<1024x1024xi32>
    %select_n3A_501 = arith.select %eq3A_498, %iota3A, %broadcast_in_dim3A_500 : vector<1024x1024xi1>, vector<1024x1024xi32>
    %reduce_min3A_502 = arith.constant dense<2147483647> : vector<1024xi32>
    %reduce_min3A_503 = vector.multi_reduction <minsi>, %select_n3A_501, %reduce_min3A_502 [1] : vector<1024x1024xi32> to vector<1024xi32>
    %mul3A_504 = arith.constant 1024 : i32
    %mul3A_505 = arith.muli %arg0, %mul3A_504 : i32
    %add3A_506 = vector.broadcast %mul3A_505 : i32 to vector<1024xi32>
    %add3A_507 = arith.addi %reduce_min3A_503, %add3A_506 : vector<1024xi32>
    %swap3A_508 = arith.constant 0 : index
    %swap3A_509 = arith.constant 0 : index
    %swap3A_510 = arith.constant 15 : index
    %swap3A_511 = vector.load %arg2[%swap3A_508, %swap3A_509, %swap3A_510] : memref<1x1024x24xi32, #tpu.memory_space<vmem>>, vector<1x1024x1xi32>
    %swap3A_512 = vector.shape_cast %swap3A_511 : vector<1x1024x1xi32> to vector<1024xi32>
    %swap3A_513 = vector.shape_cast %add3A_507 : vector<1024xi32> to vector<1x1024x1xi32>
    tpu.vector_store %arg2[%swap3A_508, %swap3A_509, %swap3A_510], %swap3A_513 {strides = array<i32>} : memref<1x1024x24xi32, #tpu.memory_space<vmem>>, vector<1x1024x1xi32>,
    %broadcast_in_dim3A_514 = vector.shape_cast %reduce_min3A_503 : vector<1024xi32> to vector<1024x1xi32>
    %eq3A_515 = vector.broadcast %broadcast_in_dim3A_514 : vector<1024x1xi32> to vector<1024x1024xi32>
    %eq3A_516 = arith.cmpi eq, %iota3A, %eq3A_515 : vector<1024x1024xi32>
    %jit3A_517 = arith.constant 0xFF800000 : f32
    %broadcast_in_dim3A_518 = vector.broadcast %jit3A_517 : f32 to vector<1024x1024xf32>
    %select_n3A_519 = arith.select %eq3A_516, %broadcast_in_dim3A_518, %get3A_493 : vector<1024x1024xi1>, vector<1024x1024xf32>
    %swap3A_520 = arith.constant 0 : index
    %swap3A_521 = arith.constant 0 : index
    %swap3A_522 = vector.load %arg3[%swap3A_520, %swap3A_521] : memref<1024x1024xf32, #tpu.memory_space<vmem>>, vector<1024x1024xf32>
    tpu.vector_store %arg3[%swap3A_520, %swap3A_521], %select_n3A_519 {strides = array<i32>} : memref<1024x1024xf32, #tpu.memory_space<vmem>>, vector<1024x1024xf32>,
    %get3A_523 = arith.constant 0 : index
    %get3A_524 = arith.constant 0 : index
    %get3A_525 = vector.load %arg3[%get3A_523, %get3A_524] : memref<1024x1024xf32, #tpu.memory_space<vmem>>, vector<1024x1024xf32>
    %reduce_max3A_526 = arith.constant dense<0xFF800000> : vector<1024xf32>
    %reduce_max3A_527 = vector.multi_reduction <maximumf>, %get3A_525, %reduce_max3A_526 [1] : vector<1024x1024xf32> to vector<1024xf32>
    %broadcast_in_dim3A_528 = vector.shape_cast %reduce_max3A_527 : vector<1024xf32> to vector<1024x1xf32>
    %eq3A_529 = vector.broadcast %broadcast_in_dim3A_528 : vector<1024x1xf32> to vector<1024x1024xf32>
    %eq3A_530 = arith.cmpf oeq, %get3A_525, %eq3A_529 : vector<1024x1024xf32>
    %jit3A_531 = arith.constant 1073741824 : i32
    %broadcast_in_dim3A_532 = vector.broadcast %jit3A_531 : i32 to vector<1024x1024xi32>
    %select_n3A_533 = arith.select %eq3A_530, %iota3A, %broadcast_in_dim3A_532 : vector<1024x1024xi1>, vector<1024x1024xi32>
    %reduce_min3A_534 = arith.constant dense<2147483647> : vector<1024xi32>
    %reduce_min3A_535 = vector.multi_reduction <minsi>, %select_n3A_533, %reduce_min3A_534 [1] : vector<1024x1024xi32> to vector<1024xi32>
    %mul3A_536 = arith.constant 1024 : i32
    %mul3A_537 = arith.muli %arg0, %mul3A_536 : i32
    %add3A_538 = vector.broadcast %mul3A_537 : i32 to vector<1024xi32>
    %add3A_539 = arith.addi %reduce_min3A_535, %add3A_538 : vector<1024xi32>
    %swap3A_540 = arith.constant 0 : index
    %swap3A_541 = arith.constant 0 : index
    %swap3A_542 = arith.constant 16 : index
    %swap3A_543 = vector.load %arg2[%swap3A_540, %swap3A_541, %swap3A_542] : memref<1x1024x24xi32, #tpu.memory_space<vmem>>, vector<1x1024x1xi32>
    %swap3A_544 = vector.shape_cast %swap3A_543 : vector<1x1024x1xi32> to vector<1024xi32>
    %swap3A_545 = vector.shape_cast %add3A_539 : vector<1024xi32> to vector<1x1024x1xi32>
    tpu.vector_store %arg2[%swap3A_540, %swap3A_541, %swap3A_542], %swap3A_545 {strides = array<i32>} : memref<1x1024x24xi32, #tpu.memory_space<vmem>>, vector<1x1024x1xi32>,
    %broadcast_in_dim3A_546 = vector.shape_cast %reduce_min3A_535 : vector<1024xi32> to vector<1024x1xi32>
    %eq3A_547 = vector.broadcast %broadcast_in_dim3A_546 : vector<1024x1xi32> to vector<1024x1024xi32>
    %eq3A_548 = arith.cmpi eq, %iota3A, %eq3A_547 : vector<1024x1024xi32>
    %jit3A_549 = arith.constant 0xFF800000 : f32
    %broadcast_in_dim3A_550 = vector.broadcast %jit3A_549 : f32 to vector<1024x1024xf32>
    %select_n3A_551 = arith.select %eq3A_548, %broadcast_in_dim3A_550, %get3A_525 : vector<1024x1024xi1>, vector<1024x1024xf32>
    %swap3A_552 = arith.constant 0 : index
    %swap3A_553 = arith.constant 0 : index
    %swap3A_554 = vector.load %arg3[%swap3A_552, %swap3A_553] : memref<1024x1024xf32, #tpu.memory_space<vmem>>, vector<1024x1024xf32>
    tpu.vector_store %arg3[%swap3A_552, %swap3A_553], %select_n3A_551 {strides = array<i32>} : memref<1024x1024xf32, #tpu.memory_space<vmem>>, vector<1024x1024xf32>,
    %get3A_555 = arith.constant 0 : index
    %get3A_556 = arith.constant 0 : index
    %get3A_557 = vector.load %arg3[%get3A_555, %get3A_556] : memref<1024x1024xf32, #tpu.memory_space<vmem>>, vector<1024x1024xf32>
    %reduce_max3A_558 = arith.constant dense<0xFF800000> : vector<1024xf32>
    %reduce_max3A_559 = vector.multi_reduction <maximumf>, %get3A_557, %reduce_max3A_558 [1] : vector<1024x1024xf32> to vector<1024xf32>
    %broadcast_in_dim3A_560 = vector.shape_cast %reduce_max3A_559 : vector<1024xf32> to vector<1024x1xf32>
    %eq3A_561 = vector.broadcast %broadcast_in_dim3A_560 : vector<1024x1xf32> to vector<1024x1024xf32>
    %eq3A_562 = arith.cmpf oeq, %get3A_557, %eq3A_561 : vector<1024x1024xf32>
    %jit3A_563 = arith.constant 1073741824 : i32
    %broadcast_in_dim3A_564 = vector.broadcast %jit3A_563 : i32 to vector<1024x1024xi32>
    %select_n3A_565 = arith.select %eq3A_562, %iota3A, %broadcast_in_dim3A_564 : vector<1024x1024xi1>, vector<1024x1024xi32>
    %reduce_min3A_566 = arith.constant dense<2147483647> : vector<1024xi32>
    %reduce_min3A_567 = vector.multi_reduction <minsi>, %select_n3A_565, %reduce_min3A_566 [1] : vector<1024x1024xi32> to vector<1024xi32>
    %mul3A_568 = arith.constant 1024 : i32
    %mul3A_569 = arith.muli %arg0, %mul3A_568 : i32
    %add3A_570 = vector.broadcast %mul3A_569 : i32 to vector<1024xi32>
    %add3A_571 = arith.addi %reduce_min3A_567, %add3A_570 : vector<1024xi32>
    %swap3A_572 = arith.constant 0 : index
    %swap3A_573 = arith.constant 0 : index
    %swap3A_574 = arith.constant 17 : index
    %swap3A_575 = vector.load %arg2[%swap3A_572, %swap3A_573, %swap3A_574] : memref<1x1024x24xi32, #tpu.memory_space<vmem>>, vector<1x1024x1xi32>
    %swap3A_576 = vector.shape_cast %swap3A_575 : vector<1x1024x1xi32> to vector<1024xi32>
    %swap3A_577 = vector.shape_cast %add3A_571 : vector<1024xi32> to vector<1x1024x1xi32>
    tpu.vector_store %arg2[%swap3A_572, %swap3A_573, %swap3A_574], %swap3A_577 {strides = array<i32>} : memref<1x1024x24xi32, #tpu.memory_space<vmem>>, vector<1x1024x1xi32>,
    %broadcast_in_dim3A_578 = vector.shape_cast %reduce_min3A_567 : vector<1024xi32> to vector<1024x1xi32>
    %eq3A_579 = vector.broadcast %broadcast_in_dim3A_578 : vector<1024x1xi32> to vector<1024x1024xi32>
    %eq3A_580 = arith.cmpi eq, %iota3A, %eq3A_579 : vector<1024x1024xi32>
    %jit3A_581 = arith.constant 0xFF800000 : f32
    %broadcast_in_dim3A_582 = vector.broadcast %jit3A_581 : f32 to vector<1024x1024xf32>
    %select_n3A_583 = arith.select %eq3A_580, %broadcast_in_dim3A_582, %get3A_557 : vector<1024x1024xi1>, vector<1024x1024xf32>
    %swap3A_584 = arith.constant 0 : index
    %swap3A_585 = arith.constant 0 : index
    %swap3A_586 = vector.load %arg3[%swap3A_584, %swap3A_585] : memref<1024x1024xf32, #tpu.memory_space<vmem>>, vector<1024x1024xf32>
    tpu.vector_store %arg3[%swap3A_584, %swap3A_585], %select_n3A_583 {strides = array<i32>} : memref<1024x1024xf32, #tpu.memory_space<vmem>>, vector<1024x1024xf32>,
    %get3A_587 = arith.constant 0 : index
    %get3A_588 = arith.constant 0 : index
    %get3A_589 = vector.load %arg3[%get3A_587, %get3A_588] : memref<1024x1024xf32, #tpu.memory_space<vmem>>, vector<1024x1024xf32>
    %reduce_max3A_590 = arith.constant dense<0xFF800000> : vector<1024xf32>
    %reduce_max3A_591 = vector.multi_reduction <maximumf>, %get3A_589, %reduce_max3A_590 [1] : vector<1024x1024xf32> to vector<1024xf32>
    %broadcast_in_dim3A_592 = vector.shape_cast %reduce_max3A_591 : vector<1024xf32> to vector<1024x1xf32>
    %eq3A_593 = vector.broadcast %broadcast_in_dim3A_592 : vector<1024x1xf32> to vector<1024x1024xf32>
    %eq3A_594 = arith.cmpf oeq, %get3A_589, %eq3A_593 : vector<1024x1024xf32>
    %jit3A_595 = arith.constant 1073741824 : i32
    %broadcast_in_dim3A_596 = vector.broadcast %jit3A_595 : i32 to vector<1024x1024xi32>
    %select_n3A_597 = arith.select %eq3A_594, %iota3A, %broadcast_in_dim3A_596 : vector<1024x1024xi1>, vector<1024x1024xi32>
    %reduce_min3A_598 = arith.constant dense<2147483647> : vector<1024xi32>
    %reduce_min3A_599 = vector.multi_reduction <minsi>, %select_n3A_597, %reduce_min3A_598 [1] : vector<1024x1024xi32> to vector<1024xi32>
    %mul3A_600 = arith.constant 1024 : i32
    %mul3A_601 = arith.muli %arg0, %mul3A_600 : i32
    %add3A_602 = vector.broadcast %mul3A_601 : i32 to vector<1024xi32>
    %add3A_603 = arith.addi %reduce_min3A_599, %add3A_602 : vector<1024xi32>
    %swap3A_604 = arith.constant 0 : index
    %swap3A_605 = arith.constant 0 : index
    %swap3A_606 = arith.constant 18 : index
    %swap3A_607 = vector.load %arg2[%swap3A_604, %swap3A_605, %swap3A_606] : memref<1x1024x24xi32, #tpu.memory_space<vmem>>, vector<1x1024x1xi32>
    %swap3A_608 = vector.shape_cast %swap3A_607 : vector<1x1024x1xi32> to vector<1024xi32>
    %swap3A_609 = vector.shape_cast %add3A_603 : vector<1024xi32> to vector<1x1024x1xi32>
    tpu.vector_store %arg2[%swap3A_604, %swap3A_605, %swap3A_606], %swap3A_609 {strides = array<i32>} : memref<1x1024x24xi32, #tpu.memory_space<vmem>>, vector<1x1024x1xi32>,
    %broadcast_in_dim3A_610 = vector.shape_cast %reduce_min3A_599 : vector<1024xi32> to vector<1024x1xi32>
    %eq3A_611 = vector.broadcast %broadcast_in_dim3A_610 : vector<1024x1xi32> to vector<1024x1024xi32>
    %eq3A_612 = arith.cmpi eq, %iota3A, %eq3A_611 : vector<1024x1024xi32>
    %jit3A_613 = arith.constant 0xFF800000 : f32
    %broadcast_in_dim3A_614 = vector.broadcast %jit3A_613 : f32 to vector<1024x1024xf32>
    %select_n3A_615 = arith.select %eq3A_612, %broadcast_in_dim3A_614, %get3A_589 : vector<1024x1024xi1>, vector<1024x1024xf32>
    %swap3A_616 = arith.constant 0 : index
    %swap3A_617 = arith.constant 0 : index
    %swap3A_618 = vector.load %arg3[%swap3A_616, %swap3A_617] : memref<1024x1024xf32, #tpu.memory_space<vmem>>, vector<1024x1024xf32>
    tpu.vector_store %arg3[%swap3A_616, %swap3A_617], %select_n3A_615 {strides = array<i32>} : memref<1024x1024xf32, #tpu.memory_space<vmem>>, vector<1024x1024xf32>,
    %get3A_619 = arith.constant 0 : index
    %get3A_620 = arith.constant 0 : index
    %get3A_621 = vector.load %arg3[%get3A_619, %get3A_620] : memref<1024x1024xf32, #tpu.memory_space<vmem>>, vector<1024x1024xf32>
    %reduce_max3A_622 = arith.constant dense<0xFF800000> : vector<1024xf32>
    %reduce_max3A_623 = vector.multi_reduction <maximumf>, %get3A_621, %reduce_max3A_622 [1] : vector<1024x1024xf32> to vector<1024xf32>
    %broadcast_in_dim3A_624 = vector.shape_cast %reduce_max3A_623 : vector<1024xf32> to vector<1024x1xf32>
    %eq3A_625 = vector.broadcast %broadcast_in_dim3A_624 : vector<1024x1xf32> to vector<1024x1024xf32>
    %eq3A_626 = arith.cmpf oeq, %get3A_621, %eq3A_625 : vector<1024x1024xf32>
    %jit3A_627 = arith.constant 1073741824 : i32
    %broadcast_in_dim3A_628 = vector.broadcast %jit3A_627 : i32 to vector<1024x1024xi32>
    %select_n3A_629 = arith.select %eq3A_626, %iota3A, %broadcast_in_dim3A_628 : vector<1024x1024xi1>, vector<1024x1024xi32>
    %reduce_min3A_630 = arith.constant dense<2147483647> : vector<1024xi32>
    %reduce_min3A_631 = vector.multi_reduction <minsi>, %select_n3A_629, %reduce_min3A_630 [1] : vector<1024x1024xi32> to vector<1024xi32>
    %mul3A_632 = arith.constant 1024 : i32
    %mul3A_633 = arith.muli %arg0, %mul3A_632 : i32
    %add3A_634 = vector.broadcast %mul3A_633 : i32 to vector<1024xi32>
    %add3A_635 = arith.addi %reduce_min3A_631, %add3A_634 : vector<1024xi32>
    %swap3A_636 = arith.constant 0 : index
    %swap3A_637 = arith.constant 0 : index
    %swap3A_638 = arith.constant 19 : index
    %swap3A_639 = vector.load %arg2[%swap3A_636, %swap3A_637, %swap3A_638] : memref<1x1024x24xi32, #tpu.memory_space<vmem>>, vector<1x1024x1xi32>
    %swap3A_640 = vector.shape_cast %swap3A_639 : vector<1x1024x1xi32> to vector<1024xi32>
    %swap3A_641 = vector.shape_cast %add3A_635 : vector<1024xi32> to vector<1x1024x1xi32>
    tpu.vector_store %arg2[%swap3A_636, %swap3A_637, %swap3A_638], %swap3A_641 {strides = array<i32>} : memref<1x1024x24xi32, #tpu.memory_space<vmem>>, vector<1x1024x1xi32>,
    %broadcast_in_dim3A_642 = vector.shape_cast %reduce_min3A_631 : vector<1024xi32> to vector<1024x1xi32>
    %eq3A_643 = vector.broadcast %broadcast_in_dim3A_642 : vector<1024x1xi32> to vector<1024x1024xi32>
    %eq3A_644 = arith.cmpi eq, %iota3A, %eq3A_643 : vector<1024x1024xi32>
    %jit3A_645 = arith.constant 0xFF800000 : f32
    %broadcast_in_dim3A_646 = vector.broadcast %jit3A_645 : f32 to vector<1024x1024xf32>
    %select_n3A_647 = arith.select %eq3A_644, %broadcast_in_dim3A_646, %get3A_621 : vector<1024x1024xi1>, vector<1024x1024xf32>
    %swap3A_648 = arith.constant 0 : index
    %swap3A_649 = arith.constant 0 : index
    %swap3A_650 = vector.load %arg3[%swap3A_648, %swap3A_649] : memref<1024x1024xf32, #tpu.memory_space<vmem>>, vector<1024x1024xf32>
    tpu.vector_store %arg3[%swap3A_648, %swap3A_649], %select_n3A_647 {strides = array<i32>} : memref<1024x1024xf32, #tpu.memory_space<vmem>>, vector<1024x1024xf32>,
    %iota3A_651 = tpu.iota {dimensions = array<i32: 0>} : vector<1024x1xi32>
    %squeeze3A = vector.shape_cast %iota3A_651 : vector<1024x1xi32> to vector<1024xi32>
    %mul3A_652 = arith.constant 1024 : i32
    %mul3A_653 = arith.muli %arg0, %mul3A_652 : i32
    %add3A_654 = vector.broadcast %mul3A_653 : i32 to vector<1024xi32>
    %add3A_655 = arith.addi %squeeze3A, %add3A_654 : vector<1024xi32>
    %swap3A_656 = arith.constant 0 : index
    %swap3A_657 = arith.constant 0 : index
    %swap3A_658 = arith.constant 20 : index
    %swap3A_659 = vector.load %arg2[%swap3A_656, %swap3A_657, %swap3A_658] : memref<1x1024x24xi32, #tpu.memory_space<vmem>>, vector<1x1024x1xi32>
    %swap3A_660 = vector.shape_cast %swap3A_659 : vector<1x1024x1xi32> to vector<1024xi32>
    %swap3A_661 = vector.shape_cast %add3A_655 : vector<1024xi32> to vector<1x1024x1xi32>
    tpu.vector_store %arg2[%swap3A_656, %swap3A_657, %swap3A_658], %swap3A_661 {strides = array<i32>} : memref<1x1024x24xi32, #tpu.memory_space<vmem>>, vector<1x1024x1xi32>,
    %swap3A_662 = arith.constant 0 : index
    %swap3A_663 = arith.constant 0 : index
    %swap3A_664 = arith.constant 21 : index
    %swap3A_665 = vector.load %arg2[%swap3A_662, %swap3A_663, %swap3A_664] : memref<1x1024x24xi32, #tpu.memory_space<vmem>>, vector<1x1024x1xi32>
    %swap3A_666 = vector.shape_cast %swap3A_665 : vector<1x1024x1xi32> to vector<1024xi32>
    %swap3A_667 = vector.shape_cast %add3A_655 : vector<1024xi32> to vector<1x1024x1xi32>
    tpu.vector_store %arg2[%swap3A_662, %swap3A_663, %swap3A_664], %swap3A_667 {strides = array<i32>} : memref<1x1024x24xi32, #tpu.memory_space<vmem>>, vector<1x1024x1xi32>,
    %swap3A_668 = arith.constant 0 : index
    %swap3A_669 = arith.constant 0 : index
    %swap3A_670 = arith.constant 22 : index
    %swap3A_671 = vector.load %arg2[%swap3A_668, %swap3A_669, %swap3A_670] : memref<1x1024x24xi32, #tpu.memory_space<vmem>>, vector<1x1024x1xi32>
    %swap3A_672 = vector.shape_cast %swap3A_671 : vector<1x1024x1xi32> to vector<1024xi32>
    %swap3A_673 = vector.shape_cast %add3A_655 : vector<1024xi32> to vector<1x1024x1xi32>
    tpu.vector_store %arg2[%swap3A_668, %swap3A_669, %swap3A_670], %swap3A_673 {strides = array<i32>} : memref<1x1024x24xi32, #tpu.memory_space<vmem>>, vector<1x1024x1xi32>,
    %swap3A_674 = arith.constant 0 : index
    %swap3A_675 = arith.constant 0 : index
    %swap3A_676 = arith.constant 23 : index
    %swap3A_677 = vector.load %arg2[%swap3A_674, %swap3A_675, %swap3A_676] : memref<1x1024x24xi32, #tpu.memory_space<vmem>>, vector<1x1024x1xi32>
    %swap3A_678 = vector.shape_cast %swap3A_677 : vector<1x1024x1xi32> to vector<1024xi32>
    %swap3A_679 = vector.shape_cast %add3A_655 : vector<1024xi32> to vector<1x1024x1xi32>
    tpu.vector_store %arg2[%swap3A_674, %swap3A_675, %swap3A_676], %swap3A_679 {strides = array<i32>} : memref<1x1024x24xi32, #tpu.memory_space<vmem>>, vector<1x1024x1xi32>,
    return
  }
  func.func @transform_0(%arg0: i32) -> (i32, i32, i32) {
    %c0_i32 = arith.constant 0 : i32
    %c0_i32_0 = arith.constant 0 : i32
    %c0_i32_1 = arith.constant 0 : i32
    return %arg0, %c0_i32, %c0_i32_0 : i32, i32, i32
  }
  func.func @transform_1(%arg0: i32) -> (i32, i32, i32) {
    %c0_i32 = arith.constant 0 : i32
    %c0_i32_0 = arith.constant 0 : i32
    %c0_i32_1 = arith.constant 0 : i32
    return %arg0, %c0_i32, %c0_i32_0 : i32, i32, i32
  }
}

module attributes {stable_mosaic.version = 14 : i64} {
  func.func @body(%arg0: i32, %arg1: memref<3072x128xf32, #tpu.memory_space<vmem>>, %arg2: memref<128x128xf32, #tpu.memory_space<vmem>>, %arg3: memref<64x128xf32, #tpu.memory_space<vmem>>, %arg4: memref<64x128xf32, #tpu.memory_space<vmem>>, %arg5: memref<1x64xf32, #tpu.memory_space<vmem>>, %arg6: memref<1x64xf32, #tpu.memory_space<vmem>>, %arg7: memref<128x64xf32, #tpu.memory_space<vmem>>, %arg8: memref<1x64xf32, #tpu.memory_space<vmem>>, %arg9: memref<1x64xf32, #tpu.memory_space<vmem>>, %arg10: memref<2x64xf32, #tpu.memory_space<vmem>>) attributes {dimension_semantics = [#tpu.dimension_semantics<arbitrary>], iteration_bounds = array<i64: 128>, scalar_prefetch = 0 : i64, scratch_operands = 1 : i64, tpu.core_type = #tpu.core_type<tc>, window_params = [{transform_indices = @transform_0, window_bounds = array<i64: 3072, 128>}, {transform_indices = @transform_1, window_bounds = array<i64: 128, 128>}, {pipeline_mode = #tpu.pipeline_mode<synchronous>, transform_indices = @transform_2, window_bounds = array<i64: 64, 128>}, {pipeline_mode = #tpu.pipeline_mode<synchronous>, transform_indices = @transform_3, window_bounds = array<i64: 64, 128>}, {pipeline_mode = #tpu.pipeline_mode<synchronous>, transform_indices = @transform_4, window_bounds = array<i64: 1, 64>}, {pipeline_mode = #tpu.pipeline_mode<synchronous>, transform_indices = @transform_5, window_bounds = array<i64: 1, 64>}, {transform_indices = @transform_6, window_bounds = array<i64: 128, 64>}, {pipeline_mode = #tpu.pipeline_mode<synchronous>, transform_indices = @transform_7, window_bounds = array<i64: 1, 64>}, {pipeline_mode = #tpu.pipeline_mode<synchronous>, transform_indices = @transform_8, window_bounds = array<i64: 1, 64>}]} {
    %eq3A = arith.constant 0 : i32
    %eq3A_0 = arith.cmpi eq, %arg0, %eq3A : i32
    %convert_element_type3A = arith.extui %eq3A_0 : i1 to i32
    %cond3A = arith.constant 0 : i32
    %cond3A_1 = arith.cmpi ne, %convert_element_type3A, %cond3A : i32
    scf.if %cond3A_1 {
      %broadcast_in_dim3A_52 = arith.constant 0.000000e+00 : f32
      %broadcast_in_dim3A_53 = vector.broadcast %broadcast_in_dim3A_52 : f32 to vector<2x64xf32>
      %swap3A_54 = arith.constant 0 : index
      %swap3A_55 = arith.constant 0 : index
      %swap3A_56 = vector.load %arg10[%swap3A_54, %swap3A_55] : memref<2x64xf32, #tpu.memory_space<vmem>>, vector<2x64xf32>
      tpu.vector_store %arg10[%swap3A_54, %swap3A_55], %broadcast_in_dim3A_53 {strides = array<i32>} : memref<2x64xf32, #tpu.memory_space<vmem>>, vector<2x64xf32>,
    } else {
    }
    %get3A = arith.constant 0 : index
    %get3A_2 = arith.constant 0 : index
    %get3A_3 = vector.load %arg2[%get3A, %get3A_2] : memref<128x128xf32, #tpu.memory_space<vmem>>, vector<128x128xf32>
    %get3A_4 = arith.constant 0 : index
    %get3A_5 = arith.constant 0 : index
    %get3A_6 = vector.load %arg1[%get3A_4, %get3A_5] : memref<3072x128xf32, #tpu.memory_space<vmem>>, vector<3072x128xf32>
    %reshape3A = vector.shape_cast %get3A_6 : vector<3072x128xf32> to vector<128x24x128xf32>
    %broadcast_in_dim3A = vector.shape_cast %get3A_3 : vector<128x128xf32> to vector<128x1x128xf32>
    %sub3A = vector.broadcast %broadcast_in_dim3A : vector<128x1x128xf32> to vector<128x24x128xf32>
    %sub3A_7 = arith.subf %reshape3A, %sub3A : vector<128x24x128xf32>
    %reshape3A_8 = vector.shape_cast %sub3A_7 : vector<128x24x128xf32> to vector<3072x128xf32>
    %get3A_9 = arith.constant 0 : index
    %get3A_10 = arith.constant 0 : index
    %get3A_11 = vector.load %arg3[%get3A_9, %get3A_10] : memref<64x128xf32, #tpu.memory_space<vmem>>, vector<64x128xf32>
    %dot_general3A = arith.constant dense<0.000000e+00> : vector<3072x64xf32>
    %dot_general3A_12 = tpu.matmul %reshape3A_8, %get3A_11, %dot_general3A {dimension_numbers = #tpu.dot_dimension_numbers<[1], [1], [0], [0], [0, 0, 1, 0], [], []>, transpose_lhs_hint = false} : vector<3072x128xf32>, vector<64x128xf32>, vector<3072x64xf32> -> vector<3072x64xf32>
    %get3A_13 = arith.constant 0 : index
    %get3A_14 = arith.constant 0 : index
    %get3A_15 = vector.load %arg4[%get3A_13, %get3A_14] : memref<64x128xf32, #tpu.memory_space<vmem>>, vector<64x128xf32>
    %dot_general3A_16 = arith.constant dense<0.000000e+00> : vector<128x64xf32>
    %dot_general3A_17 = tpu.matmul %get3A_3, %get3A_15, %dot_general3A_16 {dimension_numbers = #tpu.dot_dimension_numbers<[1], [1], [0], [0], [0, 0, 1, 0], [], []>, transpose_lhs_hint = false} : vector<128x128xf32>, vector<64x128xf32>, vector<128x64xf32> -> vector<128x64xf32>
    %reshape3A_18 = vector.shape_cast %dot_general3A_12 : vector<3072x64xf32> to vector<128x24x64xf32>
    %broadcast_in_dim3A_19 = vector.shape_cast %dot_general3A_17 : vector<128x64xf32> to vector<128x1x64xf32>
    %add3A = vector.broadcast %broadcast_in_dim3A_19 : vector<128x1x64xf32> to vector<128x24x64xf32>
    %add3A_20 = arith.addf %reshape3A_18, %add3A : vector<128x24x64xf32>
    %slice3A = vector.extract_strided_slice %add3A_20 {offsets = [0, 0, 0], sizes = [128, 20, 64], strides = [1, 1, 1]} : vector<128x24x64xf32> to vector<128x20x64xf32>
    %reduce_max3A = arith.constant dense<0xFF800000> : vector<128x64xf32>
    %reduce_max3A_21 = vector.multi_reduction <maximumf>, %slice3A, %reduce_max3A [1] : vector<128x20x64xf32> to vector<128x64xf32>
    %swap3A = arith.constant 0 : index
    %swap3A_22 = arith.constant 0 : index
    %swap3A_23 = vector.load %arg7[%swap3A, %swap3A_22] : memref<128x64xf32, #tpu.memory_space<vmem>>, vector<128x64xf32>
    tpu.vector_store %arg7[%swap3A, %swap3A_22], %reduce_max3A_21 {strides = array<i32>} : memref<128x64xf32, #tpu.memory_space<vmem>>, vector<128x64xf32>,
    %get3A_24 = arith.constant 0 : index
    %get3A_25 = arith.constant 0 : index
    %get3A_26 = vector.load %arg10[%get3A_24, %get3A_25] : memref<2x64xf32, #tpu.memory_space<vmem>>, vector<1x64xf32>
    %get3A_27 = vector.shape_cast %get3A_26 : vector<1x64xf32> to vector<64xf32>
    %reduce_sum3A = arith.constant dense<0.000000e+00> : vector<64xf32>
    %reduce_sum3A_28 = vector.multi_reduction <add>, %slice3A, %reduce_sum3A [0, 1] : vector<128x20x64xf32> to vector<64xf32>
    %add3A_29 = arith.addf %get3A_27, %reduce_sum3A_28 : vector<64xf32>
    %swap3A_30 = arith.constant 0 : index
    %swap3A_31 = arith.constant 0 : index
    %swap3A_32 = vector.load %arg10[%swap3A_30, %swap3A_31] : memref<2x64xf32, #tpu.memory_space<vmem>>, vector<1x64xf32>
    %swap3A_33 = vector.shape_cast %swap3A_32 : vector<1x64xf32> to vector<64xf32>
    %swap3A_34 = vector.shape_cast %add3A_29 : vector<64xf32> to vector<1x64xf32>
    tpu.vector_store %arg10[%swap3A_30, %swap3A_31], %swap3A_34 {strides = array<i32>} : memref<2x64xf32, #tpu.memory_space<vmem>>, vector<1x64xf32>,
    %get3A_35 = arith.constant 1 : index
    %get3A_36 = arith.constant 0 : index
    %get3A_37 = vector.load %arg10[%get3A_35, %get3A_36] : memref<2x64xf32, #tpu.memory_space<vmem>>, vector<1x64xf32>
    %get3A_38 = vector.shape_cast %get3A_37 : vector<1x64xf32> to vector<64xf32>
    %mul3A = arith.mulf %slice3A, %slice3A : vector<128x20x64xf32>
    %reduce_sum3A_39 = arith.constant dense<0.000000e+00> : vector<64xf32>
    %reduce_sum3A_40 = vector.multi_reduction <add>, %mul3A, %reduce_sum3A_39 [0, 1] : vector<128x20x64xf32> to vector<64xf32>
    %add3A_41 = arith.addf %get3A_38, %reduce_sum3A_40 : vector<64xf32>
    %swap3A_42 = arith.constant 1 : index
    %swap3A_43 = arith.constant 0 : index
    %swap3A_44 = vector.load %arg10[%swap3A_42, %swap3A_43] : memref<2x64xf32, #tpu.memory_space<vmem>>, vector<1x64xf32>
    %swap3A_45 = vector.shape_cast %swap3A_44 : vector<1x64xf32> to vector<64xf32>
    %swap3A_46 = vector.shape_cast %add3A_41 : vector<64xf32> to vector<1x64xf32>
    tpu.vector_store %arg10[%swap3A_42, %swap3A_43], %swap3A_46 {strides = array<i32>} : memref<2x64xf32, #tpu.memory_space<vmem>>, vector<1x64xf32>,
    %eq3A_47 = arith.constant 127 : i32
    %eq3A_48 = arith.cmpi eq, %arg0, %eq3A_47 : i32
    %convert_element_type3A_49 = arith.extui %eq3A_48 : i1 to i32
    %cond3A_50 = arith.constant 0 : i32
    %cond3A_51 = arith.cmpi ne, %convert_element_type3A_49, %cond3A_50 : i32
    scf.if %cond3A_51 {
      %get3A_52 = arith.constant 0 : index
      %get3A_53 = arith.constant 0 : index
      %get3A_54 = vector.load %arg10[%get3A_52, %get3A_53] : memref<2x64xf32, #tpu.memory_space<vmem>>, vector<1x64xf32>
      %get3A_55 = vector.shape_cast %get3A_54 : vector<1x64xf32> to vector<64xf32>
      %div3A = arith.constant 3.276800e+05 : f32
      %div3A_56 = vector.broadcast %div3A : f32 to vector<64xf32>
      %div3A_57 = arith.divf %get3A_55, %div3A_56 : vector<64xf32>
      %get3A_58 = arith.constant 1 : index
      %get3A_59 = arith.constant 0 : index
      %get3A_60 = vector.load %arg10[%get3A_58, %get3A_59] : memref<2x64xf32, #tpu.memory_space<vmem>>, vector<1x64xf32>
      %get3A_61 = vector.shape_cast %get3A_60 : vector<1x64xf32> to vector<64xf32>
      %div3A_62 = arith.constant 3.276800e+05 : f32
      %div3A_63 = vector.broadcast %div3A_62 : f32 to vector<64xf32>
      %div3A_64 = arith.divf %get3A_61, %div3A_63 : vector<64xf32>
      %mul3A_65 = arith.mulf %div3A_57, %div3A_57 : vector<64xf32>
      %sub3A_66 = arith.subf %div3A_64, %mul3A_65 : vector<64xf32>
      %get3A_67 = arith.constant 0 : index
      %get3A_68 = arith.constant 0 : index
      %get3A_69 = vector.load %arg5[%get3A_67, %get3A_68] : memref<1x64xf32, #tpu.memory_space<vmem>>, vector<1x64xf32>
      %get3A_70 = vector.shape_cast %get3A_69 : vector<1x64xf32> to vector<64xf32>
      %add3A_71 = arith.constant 9.99999974E-6 : f32
      %add3A_72 = vector.broadcast %add3A_71 : f32 to vector<64xf32>
      %add3A_73 = arith.addf %sub3A_66, %add3A_72 : vector<64xf32>
      %rsqrt3A = math.rsqrt %add3A_73 : vector<64xf32>
      %mul3A_74 = arith.mulf %get3A_70, %rsqrt3A : vector<64xf32>
      %swap3A_75 = arith.constant 0 : index
      %swap3A_76 = arith.constant 0 : index
      %swap3A_77 = vector.load %arg8[%swap3A_75, %swap3A_76] : memref<1x64xf32, #tpu.memory_space<vmem>>, vector<1x64xf32>
      %swap3A_78 = vector.shape_cast %swap3A_77 : vector<1x64xf32> to vector<64xf32>
      %swap3A_79 = vector.shape_cast %mul3A_74 : vector<64xf32> to vector<1x64xf32>
      tpu.vector_store %arg8[%swap3A_75, %swap3A_76], %swap3A_79 {strides = array<i32>} : memref<1x64xf32, #tpu.memory_space<vmem>>, vector<1x64xf32>,
      %get3A_80 = arith.constant 0 : index
      %get3A_81 = arith.constant 0 : index
      %get3A_82 = vector.load %arg6[%get3A_80, %get3A_81] : memref<1x64xf32, #tpu.memory_space<vmem>>, vector<1x64xf32>
      %get3A_83 = vector.shape_cast %get3A_82 : vector<1x64xf32> to vector<64xf32>
      %mul3A_84 = arith.mulf %div3A_57, %mul3A_74 : vector<64xf32>
      %sub3A_85 = arith.subf %get3A_83, %mul3A_84 : vector<64xf32>
      %swap3A_86 = arith.constant 0 : index
      %swap3A_87 = arith.constant 0 : index
      %swap3A_88 = vector.load %arg9[%swap3A_86, %swap3A_87] : memref<1x64xf32, #tpu.memory_space<vmem>>, vector<1x64xf32>
      %swap3A_89 = vector.shape_cast %swap3A_88 : vector<1x64xf32> to vector<64xf32>
      %swap3A_90 = vector.shape_cast %sub3A_85 : vector<64xf32> to vector<1x64xf32>
      tpu.vector_store %arg9[%swap3A_86, %swap3A_87], %swap3A_90 {strides = array<i32>} : memref<1x64xf32, #tpu.memory_space<vmem>>, vector<1x64xf32>,
    } else {
    }
    return
  }
  func.func @transform_0(%arg0: i32) -> (i32, i32) {
    %c0_i32 = arith.constant 0 : i32
    %c0_i32_0 = arith.constant 0 : i32
    return %arg0, %c0_i32 : i32, i32
  }
  func.func @transform_1(%arg0: i32) -> (i32, i32) {
    %c0_i32 = arith.constant 0 : i32
    %c0_i32_0 = arith.constant 0 : i32
    return %arg0, %c0_i32 : i32, i32
  }
  func.func @transform_2(%arg0: i32) -> (i32, i32) {
    %c0_i32 = arith.constant 0 : i32
    %c0_i32_0 = arith.constant 0 : i32
    %c0_i32_1 = arith.constant 0 : i32
    return %c0_i32, %c0_i32_0 : i32, i32
  }
  func.func @transform_3(%arg0: i32) -> (i32, i32) {
    %c0_i32 = arith.constant 0 : i32
    %c0_i32_0 = arith.constant 0 : i32
    %c0_i32_1 = arith.constant 0 : i32
    return %c0_i32, %c0_i32_0 : i32, i32
  }
  func.func @transform_4(%arg0: i32) -> (i32, i32) {
    %c0_i32 = arith.constant 0 : i32
    %c0_i32_0 = arith.constant 0 : i32
    %c0_i32_1 = arith.constant 0 : i32
    return %c0_i32, %c0_i32_0 : i32, i32
  }
  func.func @transform_5(%arg0: i32) -> (i32, i32) {
    %c0_i32 = arith.constant 0 : i32
    %c0_i32_0 = arith.constant 0 : i32
    %c0_i32_1 = arith.constant 0 : i32
    return %c0_i32, %c0_i32_0 : i32, i32
  }
  func.func @transform_6(%arg0: i32) -> (i32, i32) {
    %c0_i32 = arith.constant 0 : i32
    %c0_i32_0 = arith.constant 0 : i32
    return %arg0, %c0_i32 : i32, i32
  }
  func.func @transform_7(%arg0: i32) -> (i32, i32) {
    %c0_i32 = arith.constant 0 : i32
    %c0_i32_0 = arith.constant 0 : i32
    %c0_i32_1 = arith.constant 0 : i32
    return %c0_i32, %c0_i32_0 : i32, i32
  }
  func.func @transform_8(%arg0: i32) -> (i32, i32) {
    %c0_i32 = arith.constant 0 : i32
    %c0_i32_0 = arith.constant 0 : i32
    %c0_i32_1 = arith.constant 0 : i32
    return %c0_i32, %c0_i32_0 : i32, i32
  }
}

module attributes {stable_mosaic.version = 14 : i64} {
  func.func @body(%arg0: i32, %arg1: memref<2048x64xf32, #tpu.memory_space<vmem>>, %arg2: memref<1x64xf32, #tpu.memory_space<vmem>>, %arg3: memref<1x64xf32, #tpu.memory_space<vmem>>, %arg4: memref<2048x64xf32, #tpu.memory_space<vmem>>) attributes {dimension_semantics = [#tpu.dimension_semantics<arbitrary>], iteration_bounds = array<i64: 8>, scalar_prefetch = 0 : i64, scratch_operands = 0 : i64, tpu.core_type = #tpu.core_type<tc>, window_params = [{transform_indices = @transform_0, window_bounds = array<i64: 2048, 64>}, {pipeline_mode = #tpu.pipeline_mode<synchronous>, transform_indices = @transform_1, window_bounds = array<i64: 1, 64>}, {pipeline_mode = #tpu.pipeline_mode<synchronous>, transform_indices = @transform_2, window_bounds = array<i64: 1, 64>}, {transform_indices = @transform_3, window_bounds = array<i64: 2048, 64>}]} {
    %get3A = arith.constant 0 : index
    %get3A_0 = arith.constant 0 : index
    %get3A_1 = vector.load %arg2[%get3A, %get3A_0] : memref<1x64xf32, #tpu.memory_space<vmem>>, vector<1x64xf32>
    %get3A_2 = vector.shape_cast %get3A_1 : vector<1x64xf32> to vector<64xf32>
    %get3A_3 = arith.constant 0 : index
    %get3A_4 = arith.constant 0 : index
    %get3A_5 = vector.load %arg1[%get3A_3, %get3A_4] : memref<2048x64xf32, #tpu.memory_space<vmem>>, vector<2048x64xf32>
    %broadcast_in_dim3A = vector.shape_cast %get3A_2 : vector<64xf32> to vector<1x64xf32>
    %mul3A = vector.broadcast %broadcast_in_dim3A : vector<1x64xf32> to vector<2048x64xf32>
    %mul3A_6 = arith.mulf %mul3A, %get3A_5 : vector<2048x64xf32>
    %get3A_7 = arith.constant 0 : index
    %get3A_8 = arith.constant 0 : index
    %get3A_9 = vector.load %arg3[%get3A_7, %get3A_8] : memref<1x64xf32, #tpu.memory_space<vmem>>, vector<1x64xf32>
    %get3A_10 = vector.shape_cast %get3A_9 : vector<1x64xf32> to vector<64xf32>
    %broadcast_in_dim3A_11 = vector.shape_cast %get3A_10 : vector<64xf32> to vector<1x64xf32>
    %add3A = vector.broadcast %broadcast_in_dim3A_11 : vector<1x64xf32> to vector<2048x64xf32>
    %add3A_12 = arith.addf %mul3A_6, %add3A : vector<2048x64xf32>
    %ge3A = arith.constant 0.000000e+00 : f32
    %ge3A_13 = vector.broadcast %ge3A : f32 to vector<2048x64xf32>
    %ge3A_14 = arith.cmpf oge, %add3A_12, %ge3A_13 : vector<2048x64xf32>
    %mul3A_15 = arith.constant 2.000000e-01 : f32
    %mul3A_16 = vector.broadcast %mul3A_15 : f32 to vector<2048x64xf32>
    %mul3A_17 = arith.mulf %mul3A_16, %add3A_12 : vector<2048x64xf32>
    %select_n3A = arith.select %ge3A_14, %add3A_12, %mul3A_17 : vector<2048x64xi1>, vector<2048x64xf32>
    %swap3A = arith.constant 0 : index
    %swap3A_18 = arith.constant 0 : index
    %swap3A_19 = vector.load %arg4[%swap3A, %swap3A_18] : memref<2048x64xf32, #tpu.memory_space<vmem>>, vector<2048x64xf32>
    tpu.vector_store %arg4[%swap3A, %swap3A_18], %select_n3A {strides = array<i32>} : memref<2048x64xf32, #tpu.memory_space<vmem>>, vector<2048x64xf32>,
    return
  }
  func.func @transform_0(%arg0: i32) -> (i32, i32) {
    %c0_i32 = arith.constant 0 : i32
    %c0_i32_0 = arith.constant 0 : i32
    return %arg0, %c0_i32 : i32, i32
  }
  func.func @transform_1(%arg0: i32) -> (i32, i32) {
    %c0_i32 = arith.constant 0 : i32
    %c0_i32_0 = arith.constant 0 : i32
    %c0_i32_1 = arith.constant 0 : i32
    return %c0_i32, %c0_i32_0 : i32, i32
  }
  func.func @transform_2(%arg0: i32) -> (i32, i32) {
    %c0_i32 = arith.constant 0 : i32
    %c0_i32_0 = arith.constant 0 : i32
    %c0_i32_1 = arith.constant 0 : i32
    return %c0_i32, %c0_i32_0 : i32, i32
  }
  func.func @transform_3(%arg0: i32) -> (i32, i32) {
    %c0_i32 = arith.constant 0 : i32
    %c0_i32_0 = arith.constant 0 : i32
    return %arg0, %c0_i32 : i32, i32
  }
}

module attributes {stable_mosaic.version = 14 : i64} {
  func.func @body(%arg0: i32, %arg1: memref<1x1024x64xf32, #tpu.memory_space<vmem>>, %arg2: memref<1x1024x24xi32, #tpu.memory_space<vmem>>, %arg3: memref<1024x1024xf32, #tpu.memory_space<vmem>>) attributes {dimension_semantics = [#tpu.dimension_semantics<arbitrary>], iteration_bounds = array<i64: 16>, scalar_prefetch = 0 : i64, scratch_operands = 1 : i64, tpu.core_type = #tpu.core_type<tc>, window_params = [{transform_indices = @transform_0, window_bounds = array<i64: 1, 1024, 64>}, {transform_indices = @transform_1, window_bounds = array<i64: 1, 1024, 24>}]} {
    %get3A = arith.constant 0 : index
    %get3A_0 = arith.constant 0 : index
    %get3A_1 = arith.constant 0 : index
    %get3A_2 = vector.load %arg1[%get3A, %get3A_0, %get3A_1] : memref<1x1024x64xf32, #tpu.memory_space<vmem>>, vector<1x1024x64xf32>
    %get3A_3 = vector.shape_cast %get3A_2 : vector<1x1024x64xf32> to vector<1024x64xf32>
    %dot_general3A = arith.constant dense<0.000000e+00> : vector<1024x1024xf32>
    %dot_general3A_4 = tpu.matmul %get3A_3, %get3A_3, %dot_general3A {dimension_numbers = #tpu.dot_dimension_numbers<[1], [1], [0], [0], [0, 0, 1, 0], [], []>, transpose_lhs_hint = false} : vector<1024x64xf32>, vector<1024x64xf32>, vector<1024x1024xf32> -> vector<1024x1024xf32>
    %mul3A = arith.mulf %get3A_3, %get3A_3 : vector<1024x64xf32>
    %reduce_sum3A = arith.constant dense<0.000000e+00> : vector<1024xf32>
    %reduce_sum3A_5 = vector.multi_reduction <add>, %mul3A, %reduce_sum3A [1] : vector<1024x64xf32> to vector<1024xf32>
    %mul3A_6 = arith.constant -2.000000e+00 : f32
    %mul3A_7 = vector.broadcast %mul3A_6 : f32 to vector<1024x1024xf32>
    %mul3A_8 = arith.mulf %mul3A_7, %dot_general3A_4 : vector<1024x1024xf32>
    %broadcast_in_dim3A = vector.shape_cast %reduce_sum3A_5 : vector<1024xf32> to vector<1024x1xf32>
    %neg3A = arith.constant 0.000000e+00 : f32
    %neg3A_9 = vector.broadcast %neg3A : f32 to vector<1024x1xf32>
    %neg3A_10 = arith.subf %neg3A_9, %broadcast_in_dim3A : vector<1024x1xf32>
    %sub3A = vector.broadcast %neg3A_10 : vector<1024x1xf32> to vector<1024x1024xf32>
    %sub3A_11 = arith.subf %sub3A, %mul3A_8 : vector<1024x1024xf32>
    %broadcast_in_dim3A_12 = vector.shape_cast %reduce_sum3A_5 : vector<1024xf32> to vector<1x1024xf32>
    %sub3A_13 = vector.broadcast %broadcast_in_dim3A_12 : vector<1x1024xf32> to vector<1024x1024xf32>
    %sub3A_14 = arith.subf %sub3A_11, %sub3A_13 : vector<1024x1024xf32>
    %swap3A = arith.constant 0 : index
    %swap3A_15 = arith.constant 0 : index
    %swap3A_16 = vector.load %arg3[%swap3A, %swap3A_15] : memref<1024x1024xf32, #tpu.memory_space<vmem>>, vector<1024x1024xf32>
    tpu.vector_store %arg3[%swap3A, %swap3A_15], %sub3A_14 {strides = array<i32>} : memref<1024x1024xf32, #tpu.memory_space<vmem>>, vector<1024x1024xf32>,
    %iota3A = tpu.iota {dimensions = array<i32: 1>} : vector<1024x1024xi32>
    %get3A_17 = arith.constant 0 : index
    %get3A_18 = arith.constant 0 : index
    %get3A_19 = vector.load %arg3[%get3A_17, %get3A_18] : memref<1024x1024xf32, #tpu.memory_space<vmem>>, vector<1024x1024xf32>
    %reduce_max3A = arith.constant dense<0xFF800000> : vector<1024xf32>
    %reduce_max3A_20 = vector.multi_reduction <maximumf>, %get3A_19, %reduce_max3A [1] : vector<1024x1024xf32> to vector<1024xf32>
    %broadcast_in_dim3A_21 = vector.shape_cast %reduce_max3A_20 : vector<1024xf32> to vector<1024x1xf32>
    %eq3A = vector.broadcast %broadcast_in_dim3A_21 : vector<1024x1xf32> to vector<1024x1024xf32>
    %eq3A_22 = arith.cmpf oeq, %get3A_19, %eq3A : vector<1024x1024xf32>
    %jit3A = arith.constant 1073741824 : i32
    %broadcast_in_dim3A_23 = vector.broadcast %jit3A : i32 to vector<1024x1024xi32>
    %select_n3A = arith.select %eq3A_22, %iota3A, %broadcast_in_dim3A_23 : vector<1024x1024xi1>, vector<1024x1024xi32>
    %reduce_min3A = arith.constant dense<2147483647> : vector<1024xi32>
    %reduce_min3A_24 = vector.multi_reduction <minsi>, %select_n3A, %reduce_min3A [1] : vector<1024x1024xi32> to vector<1024xi32>
    %mul3A_25 = arith.constant 1024 : i32
    %mul3A_26 = arith.muli %arg0, %mul3A_25 : i32
    %add3A = vector.broadcast %mul3A_26 : i32 to vector<1024xi32>
    %add3A_27 = arith.addi %reduce_min3A_24, %add3A : vector<1024xi32>
    %swap3A_28 = arith.constant 0 : index
    %swap3A_29 = arith.constant 0 : index
    %swap3A_30 = arith.constant 0 : index
    %swap3A_31 = vector.load %arg2[%swap3A_28, %swap3A_29, %swap3A_30] : memref<1x1024x24xi32, #tpu.memory_space<vmem>>, vector<1x1024x1xi32>
    %swap3A_32 = vector.shape_cast %swap3A_31 : vector<1x1024x1xi32> to vector<1024xi32>
    %swap3A_33 = vector.shape_cast %add3A_27 : vector<1024xi32> to vector<1x1024x1xi32>
    tpu.vector_store %arg2[%swap3A_28, %swap3A_29, %swap3A_30], %swap3A_33 {strides = array<i32>} : memref<1x1024x24xi32, #tpu.memory_space<vmem>>, vector<1x1024x1xi32>,
    %broadcast_in_dim3A_34 = vector.shape_cast %reduce_min3A_24 : vector<1024xi32> to vector<1024x1xi32>
    %eq3A_35 = vector.broadcast %broadcast_in_dim3A_34 : vector<1024x1xi32> to vector<1024x1024xi32>
    %eq3A_36 = arith.cmpi eq, %iota3A, %eq3A_35 : vector<1024x1024xi32>
    %jit3A_37 = arith.constant 0xFF800000 : f32
    %broadcast_in_dim3A_38 = vector.broadcast %jit3A_37 : f32 to vector<1024x1024xf32>
    %select_n3A_39 = arith.select %eq3A_36, %broadcast_in_dim3A_38, %get3A_19 : vector<1024x1024xi1>, vector<1024x1024xf32>
    %swap3A_40 = arith.constant 0 : index
    %swap3A_41 = arith.constant 0 : index
    %swap3A_42 = vector.load %arg3[%swap3A_40, %swap3A_41] : memref<1024x1024xf32, #tpu.memory_space<vmem>>, vector<1024x1024xf32>
    tpu.vector_store %arg3[%swap3A_40, %swap3A_41], %select_n3A_39 {strides = array<i32>} : memref<1024x1024xf32, #tpu.memory_space<vmem>>, vector<1024x1024xf32>,
    %get3A_43 = arith.constant 0 : index
    %get3A_44 = arith.constant 0 : index
    %get3A_45 = vector.load %arg3[%get3A_43, %get3A_44] : memref<1024x1024xf32, #tpu.memory_space<vmem>>, vector<1024x1024xf32>
    %reduce_max3A_46 = arith.constant dense<0xFF800000> : vector<1024xf32>
    %reduce_max3A_47 = vector.multi_reduction <maximumf>, %get3A_45, %reduce_max3A_46 [1] : vector<1024x1024xf32> to vector<1024xf32>
    %broadcast_in_dim3A_48 = vector.shape_cast %reduce_max3A_47 : vector<1024xf32> to vector<1024x1xf32>
    %eq3A_49 = vector.broadcast %broadcast_in_dim3A_48 : vector<1024x1xf32> to vector<1024x1024xf32>
    %eq3A_50 = arith.cmpf oeq, %get3A_45, %eq3A_49 : vector<1024x1024xf32>
    %jit3A_51 = arith.constant 1073741824 : i32
    %broadcast_in_dim3A_52 = vector.broadcast %jit3A_51 : i32 to vector<1024x1024xi32>
    %select_n3A_53 = arith.select %eq3A_50, %iota3A, %broadcast_in_dim3A_52 : vector<1024x1024xi1>, vector<1024x1024xi32>
    %reduce_min3A_54 = arith.constant dense<2147483647> : vector<1024xi32>
    %reduce_min3A_55 = vector.multi_reduction <minsi>, %select_n3A_53, %reduce_min3A_54 [1] : vector<1024x1024xi32> to vector<1024xi32>
    %mul3A_56 = arith.constant 1024 : i32
    %mul3A_57 = arith.muli %arg0, %mul3A_56 : i32
    %add3A_58 = vector.broadcast %mul3A_57 : i32 to vector<1024xi32>
    %add3A_59 = arith.addi %reduce_min3A_55, %add3A_58 : vector<1024xi32>
    %swap3A_60 = arith.constant 0 : index
    %swap3A_61 = arith.constant 0 : index
    %swap3A_62 = arith.constant 1 : index
    %swap3A_63 = vector.load %arg2[%swap3A_60, %swap3A_61, %swap3A_62] : memref<1x1024x24xi32, #tpu.memory_space<vmem>>, vector<1x1024x1xi32>
    %swap3A_64 = vector.shape_cast %swap3A_63 : vector<1x1024x1xi32> to vector<1024xi32>
    %swap3A_65 = vector.shape_cast %add3A_59 : vector<1024xi32> to vector<1x1024x1xi32>
    tpu.vector_store %arg2[%swap3A_60, %swap3A_61, %swap3A_62], %swap3A_65 {strides = array<i32>} : memref<1x1024x24xi32, #tpu.memory_space<vmem>>, vector<1x1024x1xi32>,
    %broadcast_in_dim3A_66 = vector.shape_cast %reduce_min3A_55 : vector<1024xi32> to vector<1024x1xi32>
    %eq3A_67 = vector.broadcast %broadcast_in_dim3A_66 : vector<1024x1xi32> to vector<1024x1024xi32>
    %eq3A_68 = arith.cmpi eq, %iota3A, %eq3A_67 : vector<1024x1024xi32>
    %jit3A_69 = arith.constant 0xFF800000 : f32
    %broadcast_in_dim3A_70 = vector.broadcast %jit3A_69 : f32 to vector<1024x1024xf32>
    %select_n3A_71 = arith.select %eq3A_68, %broadcast_in_dim3A_70, %get3A_45 : vector<1024x1024xi1>, vector<1024x1024xf32>
    %swap3A_72 = arith.constant 0 : index
    %swap3A_73 = arith.constant 0 : index
    %swap3A_74 = vector.load %arg3[%swap3A_72, %swap3A_73] : memref<1024x1024xf32, #tpu.memory_space<vmem>>, vector<1024x1024xf32>
    tpu.vector_store %arg3[%swap3A_72, %swap3A_73], %select_n3A_71 {strides = array<i32>} : memref<1024x1024xf32, #tpu.memory_space<vmem>>, vector<1024x1024xf32>,
    %get3A_75 = arith.constant 0 : index
    %get3A_76 = arith.constant 0 : index
    %get3A_77 = vector.load %arg3[%get3A_75, %get3A_76] : memref<1024x1024xf32, #tpu.memory_space<vmem>>, vector<1024x1024xf32>
    %reduce_max3A_78 = arith.constant dense<0xFF800000> : vector<1024xf32>
    %reduce_max3A_79 = vector.multi_reduction <maximumf>, %get3A_77, %reduce_max3A_78 [1] : vector<1024x1024xf32> to vector<1024xf32>
    %broadcast_in_dim3A_80 = vector.shape_cast %reduce_max3A_79 : vector<1024xf32> to vector<1024x1xf32>
    %eq3A_81 = vector.broadcast %broadcast_in_dim3A_80 : vector<1024x1xf32> to vector<1024x1024xf32>
    %eq3A_82 = arith.cmpf oeq, %get3A_77, %eq3A_81 : vector<1024x1024xf32>
    %jit3A_83 = arith.constant 1073741824 : i32
    %broadcast_in_dim3A_84 = vector.broadcast %jit3A_83 : i32 to vector<1024x1024xi32>
    %select_n3A_85 = arith.select %eq3A_82, %iota3A, %broadcast_in_dim3A_84 : vector<1024x1024xi1>, vector<1024x1024xi32>
    %reduce_min3A_86 = arith.constant dense<2147483647> : vector<1024xi32>
    %reduce_min3A_87 = vector.multi_reduction <minsi>, %select_n3A_85, %reduce_min3A_86 [1] : vector<1024x1024xi32> to vector<1024xi32>
    %mul3A_88 = arith.constant 1024 : i32
    %mul3A_89 = arith.muli %arg0, %mul3A_88 : i32
    %add3A_90 = vector.broadcast %mul3A_89 : i32 to vector<1024xi32>
    %add3A_91 = arith.addi %reduce_min3A_87, %add3A_90 : vector<1024xi32>
    %swap3A_92 = arith.constant 0 : index
    %swap3A_93 = arith.constant 0 : index
    %swap3A_94 = arith.constant 2 : index
    %swap3A_95 = vector.load %arg2[%swap3A_92, %swap3A_93, %swap3A_94] : memref<1x1024x24xi32, #tpu.memory_space<vmem>>, vector<1x1024x1xi32>
    %swap3A_96 = vector.shape_cast %swap3A_95 : vector<1x1024x1xi32> to vector<1024xi32>
    %swap3A_97 = vector.shape_cast %add3A_91 : vector<1024xi32> to vector<1x1024x1xi32>
    tpu.vector_store %arg2[%swap3A_92, %swap3A_93, %swap3A_94], %swap3A_97 {strides = array<i32>} : memref<1x1024x24xi32, #tpu.memory_space<vmem>>, vector<1x1024x1xi32>,
    %broadcast_in_dim3A_98 = vector.shape_cast %reduce_min3A_87 : vector<1024xi32> to vector<1024x1xi32>
    %eq3A_99 = vector.broadcast %broadcast_in_dim3A_98 : vector<1024x1xi32> to vector<1024x1024xi32>
    %eq3A_100 = arith.cmpi eq, %iota3A, %eq3A_99 : vector<1024x1024xi32>
    %jit3A_101 = arith.constant 0xFF800000 : f32
    %broadcast_in_dim3A_102 = vector.broadcast %jit3A_101 : f32 to vector<1024x1024xf32>
    %select_n3A_103 = arith.select %eq3A_100, %broadcast_in_dim3A_102, %get3A_77 : vector<1024x1024xi1>, vector<1024x1024xf32>
    %swap3A_104 = arith.constant 0 : index
    %swap3A_105 = arith.constant 0 : index
    %swap3A_106 = vector.load %arg3[%swap3A_104, %swap3A_105] : memref<1024x1024xf32, #tpu.memory_space<vmem>>, vector<1024x1024xf32>
    tpu.vector_store %arg3[%swap3A_104, %swap3A_105], %select_n3A_103 {strides = array<i32>} : memref<1024x1024xf32, #tpu.memory_space<vmem>>, vector<1024x1024xf32>,
    %get3A_107 = arith.constant 0 : index
    %get3A_108 = arith.constant 0 : index
    %get3A_109 = vector.load %arg3[%get3A_107, %get3A_108] : memref<1024x1024xf32, #tpu.memory_space<vmem>>, vector<1024x1024xf32>
    %reduce_max3A_110 = arith.constant dense<0xFF800000> : vector<1024xf32>
    %reduce_max3A_111 = vector.multi_reduction <maximumf>, %get3A_109, %reduce_max3A_110 [1] : vector<1024x1024xf32> to vector<1024xf32>
    %broadcast_in_dim3A_112 = vector.shape_cast %reduce_max3A_111 : vector<1024xf32> to vector<1024x1xf32>
    %eq3A_113 = vector.broadcast %broadcast_in_dim3A_112 : vector<1024x1xf32> to vector<1024x1024xf32>
    %eq3A_114 = arith.cmpf oeq, %get3A_109, %eq3A_113 : vector<1024x1024xf32>
    %jit3A_115 = arith.constant 1073741824 : i32
    %broadcast_in_dim3A_116 = vector.broadcast %jit3A_115 : i32 to vector<1024x1024xi32>
    %select_n3A_117 = arith.select %eq3A_114, %iota3A, %broadcast_in_dim3A_116 : vector<1024x1024xi1>, vector<1024x1024xi32>
    %reduce_min3A_118 = arith.constant dense<2147483647> : vector<1024xi32>
    %reduce_min3A_119 = vector.multi_reduction <minsi>, %select_n3A_117, %reduce_min3A_118 [1] : vector<1024x1024xi32> to vector<1024xi32>
    %mul3A_120 = arith.constant 1024 : i32
    %mul3A_121 = arith.muli %arg0, %mul3A_120 : i32
    %add3A_122 = vector.broadcast %mul3A_121 : i32 to vector<1024xi32>
    %add3A_123 = arith.addi %reduce_min3A_119, %add3A_122 : vector<1024xi32>
    %swap3A_124 = arith.constant 0 : index
    %swap3A_125 = arith.constant 0 : index
    %swap3A_126 = arith.constant 3 : index
    %swap3A_127 = vector.load %arg2[%swap3A_124, %swap3A_125, %swap3A_126] : memref<1x1024x24xi32, #tpu.memory_space<vmem>>, vector<1x1024x1xi32>
    %swap3A_128 = vector.shape_cast %swap3A_127 : vector<1x1024x1xi32> to vector<1024xi32>
    %swap3A_129 = vector.shape_cast %add3A_123 : vector<1024xi32> to vector<1x1024x1xi32>
    tpu.vector_store %arg2[%swap3A_124, %swap3A_125, %swap3A_126], %swap3A_129 {strides = array<i32>} : memref<1x1024x24xi32, #tpu.memory_space<vmem>>, vector<1x1024x1xi32>,
    %broadcast_in_dim3A_130 = vector.shape_cast %reduce_min3A_119 : vector<1024xi32> to vector<1024x1xi32>
    %eq3A_131 = vector.broadcast %broadcast_in_dim3A_130 : vector<1024x1xi32> to vector<1024x1024xi32>
    %eq3A_132 = arith.cmpi eq, %iota3A, %eq3A_131 : vector<1024x1024xi32>
    %jit3A_133 = arith.constant 0xFF800000 : f32
    %broadcast_in_dim3A_134 = vector.broadcast %jit3A_133 : f32 to vector<1024x1024xf32>
    %select_n3A_135 = arith.select %eq3A_132, %broadcast_in_dim3A_134, %get3A_109 : vector<1024x1024xi1>, vector<1024x1024xf32>
    %swap3A_136 = arith.constant 0 : index
    %swap3A_137 = arith.constant 0 : index
    %swap3A_138 = vector.load %arg3[%swap3A_136, %swap3A_137] : memref<1024x1024xf32, #tpu.memory_space<vmem>>, vector<1024x1024xf32>
    tpu.vector_store %arg3[%swap3A_136, %swap3A_137], %select_n3A_135 {strides = array<i32>} : memref<1024x1024xf32, #tpu.memory_space<vmem>>, vector<1024x1024xf32>,
    %get3A_139 = arith.constant 0 : index
    %get3A_140 = arith.constant 0 : index
    %get3A_141 = vector.load %arg3[%get3A_139, %get3A_140] : memref<1024x1024xf32, #tpu.memory_space<vmem>>, vector<1024x1024xf32>
    %reduce_max3A_142 = arith.constant dense<0xFF800000> : vector<1024xf32>
    %reduce_max3A_143 = vector.multi_reduction <maximumf>, %get3A_141, %reduce_max3A_142 [1] : vector<1024x1024xf32> to vector<1024xf32>
    %broadcast_in_dim3A_144 = vector.shape_cast %reduce_max3A_143 : vector<1024xf32> to vector<1024x1xf32>
    %eq3A_145 = vector.broadcast %broadcast_in_dim3A_144 : vector<1024x1xf32> to vector<1024x1024xf32>
    %eq3A_146 = arith.cmpf oeq, %get3A_141, %eq3A_145 : vector<1024x1024xf32>
    %jit3A_147 = arith.constant 1073741824 : i32
    %broadcast_in_dim3A_148 = vector.broadcast %jit3A_147 : i32 to vector<1024x1024xi32>
    %select_n3A_149 = arith.select %eq3A_146, %iota3A, %broadcast_in_dim3A_148 : vector<1024x1024xi1>, vector<1024x1024xi32>
    %reduce_min3A_150 = arith.constant dense<2147483647> : vector<1024xi32>
    %reduce_min3A_151 = vector.multi_reduction <minsi>, %select_n3A_149, %reduce_min3A_150 [1] : vector<1024x1024xi32> to vector<1024xi32>
    %mul3A_152 = arith.constant 1024 : i32
    %mul3A_153 = arith.muli %arg0, %mul3A_152 : i32
    %add3A_154 = vector.broadcast %mul3A_153 : i32 to vector<1024xi32>
    %add3A_155 = arith.addi %reduce_min3A_151, %add3A_154 : vector<1024xi32>
    %swap3A_156 = arith.constant 0 : index
    %swap3A_157 = arith.constant 0 : index
    %swap3A_158 = arith.constant 4 : index
    %swap3A_159 = vector.load %arg2[%swap3A_156, %swap3A_157, %swap3A_158] : memref<1x1024x24xi32, #tpu.memory_space<vmem>>, vector<1x1024x1xi32>
    %swap3A_160 = vector.shape_cast %swap3A_159 : vector<1x1024x1xi32> to vector<1024xi32>
    %swap3A_161 = vector.shape_cast %add3A_155 : vector<1024xi32> to vector<1x1024x1xi32>
    tpu.vector_store %arg2[%swap3A_156, %swap3A_157, %swap3A_158], %swap3A_161 {strides = array<i32>} : memref<1x1024x24xi32, #tpu.memory_space<vmem>>, vector<1x1024x1xi32>,
    %broadcast_in_dim3A_162 = vector.shape_cast %reduce_min3A_151 : vector<1024xi32> to vector<1024x1xi32>
    %eq3A_163 = vector.broadcast %broadcast_in_dim3A_162 : vector<1024x1xi32> to vector<1024x1024xi32>
    %eq3A_164 = arith.cmpi eq, %iota3A, %eq3A_163 : vector<1024x1024xi32>
    %jit3A_165 = arith.constant 0xFF800000 : f32
    %broadcast_in_dim3A_166 = vector.broadcast %jit3A_165 : f32 to vector<1024x1024xf32>
    %select_n3A_167 = arith.select %eq3A_164, %broadcast_in_dim3A_166, %get3A_141 : vector<1024x1024xi1>, vector<1024x1024xf32>
    %swap3A_168 = arith.constant 0 : index
    %swap3A_169 = arith.constant 0 : index
    %swap3A_170 = vector.load %arg3[%swap3A_168, %swap3A_169] : memref<1024x1024xf32, #tpu.memory_space<vmem>>, vector<1024x1024xf32>
    tpu.vector_store %arg3[%swap3A_168, %swap3A_169], %select_n3A_167 {strides = array<i32>} : memref<1024x1024xf32, #tpu.memory_space<vmem>>, vector<1024x1024xf32>,
    %get3A_171 = arith.constant 0 : index
    %get3A_172 = arith.constant 0 : index
    %get3A_173 = vector.load %arg3[%get3A_171, %get3A_172] : memref<1024x1024xf32, #tpu.memory_space<vmem>>, vector<1024x1024xf32>
    %reduce_max3A_174 = arith.constant dense<0xFF800000> : vector<1024xf32>
    %reduce_max3A_175 = vector.multi_reduction <maximumf>, %get3A_173, %reduce_max3A_174 [1] : vector<1024x1024xf32> to vector<1024xf32>
    %broadcast_in_dim3A_176 = vector.shape_cast %reduce_max3A_175 : vector<1024xf32> to vector<1024x1xf32>
    %eq3A_177 = vector.broadcast %broadcast_in_dim3A_176 : vector<1024x1xf32> to vector<1024x1024xf32>
    %eq3A_178 = arith.cmpf oeq, %get3A_173, %eq3A_177 : vector<1024x1024xf32>
    %jit3A_179 = arith.constant 1073741824 : i32
    %broadcast_in_dim3A_180 = vector.broadcast %jit3A_179 : i32 to vector<1024x1024xi32>
    %select_n3A_181 = arith.select %eq3A_178, %iota3A, %broadcast_in_dim3A_180 : vector<1024x1024xi1>, vector<1024x1024xi32>
    %reduce_min3A_182 = arith.constant dense<2147483647> : vector<1024xi32>
    %reduce_min3A_183 = vector.multi_reduction <minsi>, %select_n3A_181, %reduce_min3A_182 [1] : vector<1024x1024xi32> to vector<1024xi32>
    %mul3A_184 = arith.constant 1024 : i32
    %mul3A_185 = arith.muli %arg0, %mul3A_184 : i32
    %add3A_186 = vector.broadcast %mul3A_185 : i32 to vector<1024xi32>
    %add3A_187 = arith.addi %reduce_min3A_183, %add3A_186 : vector<1024xi32>
    %swap3A_188 = arith.constant 0 : index
    %swap3A_189 = arith.constant 0 : index
    %swap3A_190 = arith.constant 5 : index
    %swap3A_191 = vector.load %arg2[%swap3A_188, %swap3A_189, %swap3A_190] : memref<1x1024x24xi32, #tpu.memory_space<vmem>>, vector<1x1024x1xi32>
    %swap3A_192 = vector.shape_cast %swap3A_191 : vector<1x1024x1xi32> to vector<1024xi32>
    %swap3A_193 = vector.shape_cast %add3A_187 : vector<1024xi32> to vector<1x1024x1xi32>
    tpu.vector_store %arg2[%swap3A_188, %swap3A_189, %swap3A_190], %swap3A_193 {strides = array<i32>} : memref<1x1024x24xi32, #tpu.memory_space<vmem>>, vector<1x1024x1xi32>,
    %broadcast_in_dim3A_194 = vector.shape_cast %reduce_min3A_183 : vector<1024xi32> to vector<1024x1xi32>
    %eq3A_195 = vector.broadcast %broadcast_in_dim3A_194 : vector<1024x1xi32> to vector<1024x1024xi32>
    %eq3A_196 = arith.cmpi eq, %iota3A, %eq3A_195 : vector<1024x1024xi32>
    %jit3A_197 = arith.constant 0xFF800000 : f32
    %broadcast_in_dim3A_198 = vector.broadcast %jit3A_197 : f32 to vector<1024x1024xf32>
    %select_n3A_199 = arith.select %eq3A_196, %broadcast_in_dim3A_198, %get3A_173 : vector<1024x1024xi1>, vector<1024x1024xf32>
    %swap3A_200 = arith.constant 0 : index
    %swap3A_201 = arith.constant 0 : index
    %swap3A_202 = vector.load %arg3[%swap3A_200, %swap3A_201] : memref<1024x1024xf32, #tpu.memory_space<vmem>>, vector<1024x1024xf32>
    tpu.vector_store %arg3[%swap3A_200, %swap3A_201], %select_n3A_199 {strides = array<i32>} : memref<1024x1024xf32, #tpu.memory_space<vmem>>, vector<1024x1024xf32>,
    %get3A_203 = arith.constant 0 : index
    %get3A_204 = arith.constant 0 : index
    %get3A_205 = vector.load %arg3[%get3A_203, %get3A_204] : memref<1024x1024xf32, #tpu.memory_space<vmem>>, vector<1024x1024xf32>
    %reduce_max3A_206 = arith.constant dense<0xFF800000> : vector<1024xf32>
    %reduce_max3A_207 = vector.multi_reduction <maximumf>, %get3A_205, %reduce_max3A_206 [1] : vector<1024x1024xf32> to vector<1024xf32>
    %broadcast_in_dim3A_208 = vector.shape_cast %reduce_max3A_207 : vector<1024xf32> to vector<1024x1xf32>
    %eq3A_209 = vector.broadcast %broadcast_in_dim3A_208 : vector<1024x1xf32> to vector<1024x1024xf32>
    %eq3A_210 = arith.cmpf oeq, %get3A_205, %eq3A_209 : vector<1024x1024xf32>
    %jit3A_211 = arith.constant 1073741824 : i32
    %broadcast_in_dim3A_212 = vector.broadcast %jit3A_211 : i32 to vector<1024x1024xi32>
    %select_n3A_213 = arith.select %eq3A_210, %iota3A, %broadcast_in_dim3A_212 : vector<1024x1024xi1>, vector<1024x1024xi32>
    %reduce_min3A_214 = arith.constant dense<2147483647> : vector<1024xi32>
    %reduce_min3A_215 = vector.multi_reduction <minsi>, %select_n3A_213, %reduce_min3A_214 [1] : vector<1024x1024xi32> to vector<1024xi32>
    %mul3A_216 = arith.constant 1024 : i32
    %mul3A_217 = arith.muli %arg0, %mul3A_216 : i32
    %add3A_218 = vector.broadcast %mul3A_217 : i32 to vector<1024xi32>
    %add3A_219 = arith.addi %reduce_min3A_215, %add3A_218 : vector<1024xi32>
    %swap3A_220 = arith.constant 0 : index
    %swap3A_221 = arith.constant 0 : index
    %swap3A_222 = arith.constant 6 : index
    %swap3A_223 = vector.load %arg2[%swap3A_220, %swap3A_221, %swap3A_222] : memref<1x1024x24xi32, #tpu.memory_space<vmem>>, vector<1x1024x1xi32>
    %swap3A_224 = vector.shape_cast %swap3A_223 : vector<1x1024x1xi32> to vector<1024xi32>
    %swap3A_225 = vector.shape_cast %add3A_219 : vector<1024xi32> to vector<1x1024x1xi32>
    tpu.vector_store %arg2[%swap3A_220, %swap3A_221, %swap3A_222], %swap3A_225 {strides = array<i32>} : memref<1x1024x24xi32, #tpu.memory_space<vmem>>, vector<1x1024x1xi32>,
    %broadcast_in_dim3A_226 = vector.shape_cast %reduce_min3A_215 : vector<1024xi32> to vector<1024x1xi32>
    %eq3A_227 = vector.broadcast %broadcast_in_dim3A_226 : vector<1024x1xi32> to vector<1024x1024xi32>
    %eq3A_228 = arith.cmpi eq, %iota3A, %eq3A_227 : vector<1024x1024xi32>
    %jit3A_229 = arith.constant 0xFF800000 : f32
    %broadcast_in_dim3A_230 = vector.broadcast %jit3A_229 : f32 to vector<1024x1024xf32>
    %select_n3A_231 = arith.select %eq3A_228, %broadcast_in_dim3A_230, %get3A_205 : vector<1024x1024xi1>, vector<1024x1024xf32>
    %swap3A_232 = arith.constant 0 : index
    %swap3A_233 = arith.constant 0 : index
    %swap3A_234 = vector.load %arg3[%swap3A_232, %swap3A_233] : memref<1024x1024xf32, #tpu.memory_space<vmem>>, vector<1024x1024xf32>
    tpu.vector_store %arg3[%swap3A_232, %swap3A_233], %select_n3A_231 {strides = array<i32>} : memref<1024x1024xf32, #tpu.memory_space<vmem>>, vector<1024x1024xf32>,
    %get3A_235 = arith.constant 0 : index
    %get3A_236 = arith.constant 0 : index
    %get3A_237 = vector.load %arg3[%get3A_235, %get3A_236] : memref<1024x1024xf32, #tpu.memory_space<vmem>>, vector<1024x1024xf32>
    %reduce_max3A_238 = arith.constant dense<0xFF800000> : vector<1024xf32>
    %reduce_max3A_239 = vector.multi_reduction <maximumf>, %get3A_237, %reduce_max3A_238 [1] : vector<1024x1024xf32> to vector<1024xf32>
    %broadcast_in_dim3A_240 = vector.shape_cast %reduce_max3A_239 : vector<1024xf32> to vector<1024x1xf32>
    %eq3A_241 = vector.broadcast %broadcast_in_dim3A_240 : vector<1024x1xf32> to vector<1024x1024xf32>
    %eq3A_242 = arith.cmpf oeq, %get3A_237, %eq3A_241 : vector<1024x1024xf32>
    %jit3A_243 = arith.constant 1073741824 : i32
    %broadcast_in_dim3A_244 = vector.broadcast %jit3A_243 : i32 to vector<1024x1024xi32>
    %select_n3A_245 = arith.select %eq3A_242, %iota3A, %broadcast_in_dim3A_244 : vector<1024x1024xi1>, vector<1024x1024xi32>
    %reduce_min3A_246 = arith.constant dense<2147483647> : vector<1024xi32>
    %reduce_min3A_247 = vector.multi_reduction <minsi>, %select_n3A_245, %reduce_min3A_246 [1] : vector<1024x1024xi32> to vector<1024xi32>
    %mul3A_248 = arith.constant 1024 : i32
    %mul3A_249 = arith.muli %arg0, %mul3A_248 : i32
    %add3A_250 = vector.broadcast %mul3A_249 : i32 to vector<1024xi32>
    %add3A_251 = arith.addi %reduce_min3A_247, %add3A_250 : vector<1024xi32>
    %swap3A_252 = arith.constant 0 : index
    %swap3A_253 = arith.constant 0 : index
    %swap3A_254 = arith.constant 7 : index
    %swap3A_255 = vector.load %arg2[%swap3A_252, %swap3A_253, %swap3A_254] : memref<1x1024x24xi32, #tpu.memory_space<vmem>>, vector<1x1024x1xi32>
    %swap3A_256 = vector.shape_cast %swap3A_255 : vector<1x1024x1xi32> to vector<1024xi32>
    %swap3A_257 = vector.shape_cast %add3A_251 : vector<1024xi32> to vector<1x1024x1xi32>
    tpu.vector_store %arg2[%swap3A_252, %swap3A_253, %swap3A_254], %swap3A_257 {strides = array<i32>} : memref<1x1024x24xi32, #tpu.memory_space<vmem>>, vector<1x1024x1xi32>,
    %broadcast_in_dim3A_258 = vector.shape_cast %reduce_min3A_247 : vector<1024xi32> to vector<1024x1xi32>
    %eq3A_259 = vector.broadcast %broadcast_in_dim3A_258 : vector<1024x1xi32> to vector<1024x1024xi32>
    %eq3A_260 = arith.cmpi eq, %iota3A, %eq3A_259 : vector<1024x1024xi32>
    %jit3A_261 = arith.constant 0xFF800000 : f32
    %broadcast_in_dim3A_262 = vector.broadcast %jit3A_261 : f32 to vector<1024x1024xf32>
    %select_n3A_263 = arith.select %eq3A_260, %broadcast_in_dim3A_262, %get3A_237 : vector<1024x1024xi1>, vector<1024x1024xf32>
    %swap3A_264 = arith.constant 0 : index
    %swap3A_265 = arith.constant 0 : index
    %swap3A_266 = vector.load %arg3[%swap3A_264, %swap3A_265] : memref<1024x1024xf32, #tpu.memory_space<vmem>>, vector<1024x1024xf32>
    tpu.vector_store %arg3[%swap3A_264, %swap3A_265], %select_n3A_263 {strides = array<i32>} : memref<1024x1024xf32, #tpu.memory_space<vmem>>, vector<1024x1024xf32>,
    %get3A_267 = arith.constant 0 : index
    %get3A_268 = arith.constant 0 : index
    %get3A_269 = vector.load %arg3[%get3A_267, %get3A_268] : memref<1024x1024xf32, #tpu.memory_space<vmem>>, vector<1024x1024xf32>
    %reduce_max3A_270 = arith.constant dense<0xFF800000> : vector<1024xf32>
    %reduce_max3A_271 = vector.multi_reduction <maximumf>, %get3A_269, %reduce_max3A_270 [1] : vector<1024x1024xf32> to vector<1024xf32>
    %broadcast_in_dim3A_272 = vector.shape_cast %reduce_max3A_271 : vector<1024xf32> to vector<1024x1xf32>
    %eq3A_273 = vector.broadcast %broadcast_in_dim3A_272 : vector<1024x1xf32> to vector<1024x1024xf32>
    %eq3A_274 = arith.cmpf oeq, %get3A_269, %eq3A_273 : vector<1024x1024xf32>
    %jit3A_275 = arith.constant 1073741824 : i32
    %broadcast_in_dim3A_276 = vector.broadcast %jit3A_275 : i32 to vector<1024x1024xi32>
    %select_n3A_277 = arith.select %eq3A_274, %iota3A, %broadcast_in_dim3A_276 : vector<1024x1024xi1>, vector<1024x1024xi32>
    %reduce_min3A_278 = arith.constant dense<2147483647> : vector<1024xi32>
    %reduce_min3A_279 = vector.multi_reduction <minsi>, %select_n3A_277, %reduce_min3A_278 [1] : vector<1024x1024xi32> to vector<1024xi32>
    %mul3A_280 = arith.constant 1024 : i32
    %mul3A_281 = arith.muli %arg0, %mul3A_280 : i32
    %add3A_282 = vector.broadcast %mul3A_281 : i32 to vector<1024xi32>
    %add3A_283 = arith.addi %reduce_min3A_279, %add3A_282 : vector<1024xi32>
    %swap3A_284 = arith.constant 0 : index
    %swap3A_285 = arith.constant 0 : index
    %swap3A_286 = arith.constant 8 : index
    %swap3A_287 = vector.load %arg2[%swap3A_284, %swap3A_285, %swap3A_286] : memref<1x1024x24xi32, #tpu.memory_space<vmem>>, vector<1x1024x1xi32>
    %swap3A_288 = vector.shape_cast %swap3A_287 : vector<1x1024x1xi32> to vector<1024xi32>
    %swap3A_289 = vector.shape_cast %add3A_283 : vector<1024xi32> to vector<1x1024x1xi32>
    tpu.vector_store %arg2[%swap3A_284, %swap3A_285, %swap3A_286], %swap3A_289 {strides = array<i32>} : memref<1x1024x24xi32, #tpu.memory_space<vmem>>, vector<1x1024x1xi32>,
    %broadcast_in_dim3A_290 = vector.shape_cast %reduce_min3A_279 : vector<1024xi32> to vector<1024x1xi32>
    %eq3A_291 = vector.broadcast %broadcast_in_dim3A_290 : vector<1024x1xi32> to vector<1024x1024xi32>
    %eq3A_292 = arith.cmpi eq, %iota3A, %eq3A_291 : vector<1024x1024xi32>
    %jit3A_293 = arith.constant 0xFF800000 : f32
    %broadcast_in_dim3A_294 = vector.broadcast %jit3A_293 : f32 to vector<1024x1024xf32>
    %select_n3A_295 = arith.select %eq3A_292, %broadcast_in_dim3A_294, %get3A_269 : vector<1024x1024xi1>, vector<1024x1024xf32>
    %swap3A_296 = arith.constant 0 : index
    %swap3A_297 = arith.constant 0 : index
    %swap3A_298 = vector.load %arg3[%swap3A_296, %swap3A_297] : memref<1024x1024xf32, #tpu.memory_space<vmem>>, vector<1024x1024xf32>
    tpu.vector_store %arg3[%swap3A_296, %swap3A_297], %select_n3A_295 {strides = array<i32>} : memref<1024x1024xf32, #tpu.memory_space<vmem>>, vector<1024x1024xf32>,
    %get3A_299 = arith.constant 0 : index
    %get3A_300 = arith.constant 0 : index
    %get3A_301 = vector.load %arg3[%get3A_299, %get3A_300] : memref<1024x1024xf32, #tpu.memory_space<vmem>>, vector<1024x1024xf32>
    %reduce_max3A_302 = arith.constant dense<0xFF800000> : vector<1024xf32>
    %reduce_max3A_303 = vector.multi_reduction <maximumf>, %get3A_301, %reduce_max3A_302 [1] : vector<1024x1024xf32> to vector<1024xf32>
    %broadcast_in_dim3A_304 = vector.shape_cast %reduce_max3A_303 : vector<1024xf32> to vector<1024x1xf32>
    %eq3A_305 = vector.broadcast %broadcast_in_dim3A_304 : vector<1024x1xf32> to vector<1024x1024xf32>
    %eq3A_306 = arith.cmpf oeq, %get3A_301, %eq3A_305 : vector<1024x1024xf32>
    %jit3A_307 = arith.constant 1073741824 : i32
    %broadcast_in_dim3A_308 = vector.broadcast %jit3A_307 : i32 to vector<1024x1024xi32>
    %select_n3A_309 = arith.select %eq3A_306, %iota3A, %broadcast_in_dim3A_308 : vector<1024x1024xi1>, vector<1024x1024xi32>
    %reduce_min3A_310 = arith.constant dense<2147483647> : vector<1024xi32>
    %reduce_min3A_311 = vector.multi_reduction <minsi>, %select_n3A_309, %reduce_min3A_310 [1] : vector<1024x1024xi32> to vector<1024xi32>
    %mul3A_312 = arith.constant 1024 : i32
    %mul3A_313 = arith.muli %arg0, %mul3A_312 : i32
    %add3A_314 = vector.broadcast %mul3A_313 : i32 to vector<1024xi32>
    %add3A_315 = arith.addi %reduce_min3A_311, %add3A_314 : vector<1024xi32>
    %swap3A_316 = arith.constant 0 : index
    %swap3A_317 = arith.constant 0 : index
    %swap3A_318 = arith.constant 9 : index
    %swap3A_319 = vector.load %arg2[%swap3A_316, %swap3A_317, %swap3A_318] : memref<1x1024x24xi32, #tpu.memory_space<vmem>>, vector<1x1024x1xi32>
    %swap3A_320 = vector.shape_cast %swap3A_319 : vector<1x1024x1xi32> to vector<1024xi32>
    %swap3A_321 = vector.shape_cast %add3A_315 : vector<1024xi32> to vector<1x1024x1xi32>
    tpu.vector_store %arg2[%swap3A_316, %swap3A_317, %swap3A_318], %swap3A_321 {strides = array<i32>} : memref<1x1024x24xi32, #tpu.memory_space<vmem>>, vector<1x1024x1xi32>,
    %broadcast_in_dim3A_322 = vector.shape_cast %reduce_min3A_311 : vector<1024xi32> to vector<1024x1xi32>
    %eq3A_323 = vector.broadcast %broadcast_in_dim3A_322 : vector<1024x1xi32> to vector<1024x1024xi32>
    %eq3A_324 = arith.cmpi eq, %iota3A, %eq3A_323 : vector<1024x1024xi32>
    %jit3A_325 = arith.constant 0xFF800000 : f32
    %broadcast_in_dim3A_326 = vector.broadcast %jit3A_325 : f32 to vector<1024x1024xf32>
    %select_n3A_327 = arith.select %eq3A_324, %broadcast_in_dim3A_326, %get3A_301 : vector<1024x1024xi1>, vector<1024x1024xf32>
    %swap3A_328 = arith.constant 0 : index
    %swap3A_329 = arith.constant 0 : index
    %swap3A_330 = vector.load %arg3[%swap3A_328, %swap3A_329] : memref<1024x1024xf32, #tpu.memory_space<vmem>>, vector<1024x1024xf32>
    tpu.vector_store %arg3[%swap3A_328, %swap3A_329], %select_n3A_327 {strides = array<i32>} : memref<1024x1024xf32, #tpu.memory_space<vmem>>, vector<1024x1024xf32>,
    %get3A_331 = arith.constant 0 : index
    %get3A_332 = arith.constant 0 : index
    %get3A_333 = vector.load %arg3[%get3A_331, %get3A_332] : memref<1024x1024xf32, #tpu.memory_space<vmem>>, vector<1024x1024xf32>
    %reduce_max3A_334 = arith.constant dense<0xFF800000> : vector<1024xf32>
    %reduce_max3A_335 = vector.multi_reduction <maximumf>, %get3A_333, %reduce_max3A_334 [1] : vector<1024x1024xf32> to vector<1024xf32>
    %broadcast_in_dim3A_336 = vector.shape_cast %reduce_max3A_335 : vector<1024xf32> to vector<1024x1xf32>
    %eq3A_337 = vector.broadcast %broadcast_in_dim3A_336 : vector<1024x1xf32> to vector<1024x1024xf32>
    %eq3A_338 = arith.cmpf oeq, %get3A_333, %eq3A_337 : vector<1024x1024xf32>
    %jit3A_339 = arith.constant 1073741824 : i32
    %broadcast_in_dim3A_340 = vector.broadcast %jit3A_339 : i32 to vector<1024x1024xi32>
    %select_n3A_341 = arith.select %eq3A_338, %iota3A, %broadcast_in_dim3A_340 : vector<1024x1024xi1>, vector<1024x1024xi32>
    %reduce_min3A_342 = arith.constant dense<2147483647> : vector<1024xi32>
    %reduce_min3A_343 = vector.multi_reduction <minsi>, %select_n3A_341, %reduce_min3A_342 [1] : vector<1024x1024xi32> to vector<1024xi32>
    %mul3A_344 = arith.constant 1024 : i32
    %mul3A_345 = arith.muli %arg0, %mul3A_344 : i32
    %add3A_346 = vector.broadcast %mul3A_345 : i32 to vector<1024xi32>
    %add3A_347 = arith.addi %reduce_min3A_343, %add3A_346 : vector<1024xi32>
    %swap3A_348 = arith.constant 0 : index
    %swap3A_349 = arith.constant 0 : index
    %swap3A_350 = arith.constant 10 : index
    %swap3A_351 = vector.load %arg2[%swap3A_348, %swap3A_349, %swap3A_350] : memref<1x1024x24xi32, #tpu.memory_space<vmem>>, vector<1x1024x1xi32>
    %swap3A_352 = vector.shape_cast %swap3A_351 : vector<1x1024x1xi32> to vector<1024xi32>
    %swap3A_353 = vector.shape_cast %add3A_347 : vector<1024xi32> to vector<1x1024x1xi32>
    tpu.vector_store %arg2[%swap3A_348, %swap3A_349, %swap3A_350], %swap3A_353 {strides = array<i32>} : memref<1x1024x24xi32, #tpu.memory_space<vmem>>, vector<1x1024x1xi32>,
    %broadcast_in_dim3A_354 = vector.shape_cast %reduce_min3A_343 : vector<1024xi32> to vector<1024x1xi32>
    %eq3A_355 = vector.broadcast %broadcast_in_dim3A_354 : vector<1024x1xi32> to vector<1024x1024xi32>
    %eq3A_356 = arith.cmpi eq, %iota3A, %eq3A_355 : vector<1024x1024xi32>
    %jit3A_357 = arith.constant 0xFF800000 : f32
    %broadcast_in_dim3A_358 = vector.broadcast %jit3A_357 : f32 to vector<1024x1024xf32>
    %select_n3A_359 = arith.select %eq3A_356, %broadcast_in_dim3A_358, %get3A_333 : vector<1024x1024xi1>, vector<1024x1024xf32>
    %swap3A_360 = arith.constant 0 : index
    %swap3A_361 = arith.constant 0 : index
    %swap3A_362 = vector.load %arg3[%swap3A_360, %swap3A_361] : memref<1024x1024xf32, #tpu.memory_space<vmem>>, vector<1024x1024xf32>
    tpu.vector_store %arg3[%swap3A_360, %swap3A_361], %select_n3A_359 {strides = array<i32>} : memref<1024x1024xf32, #tpu.memory_space<vmem>>, vector<1024x1024xf32>,
    %get3A_363 = arith.constant 0 : index
    %get3A_364 = arith.constant 0 : index
    %get3A_365 = vector.load %arg3[%get3A_363, %get3A_364] : memref<1024x1024xf32, #tpu.memory_space<vmem>>, vector<1024x1024xf32>
    %reduce_max3A_366 = arith.constant dense<0xFF800000> : vector<1024xf32>
    %reduce_max3A_367 = vector.multi_reduction <maximumf>, %get3A_365, %reduce_max3A_366 [1] : vector<1024x1024xf32> to vector<1024xf32>
    %broadcast_in_dim3A_368 = vector.shape_cast %reduce_max3A_367 : vector<1024xf32> to vector<1024x1xf32>
    %eq3A_369 = vector.broadcast %broadcast_in_dim3A_368 : vector<1024x1xf32> to vector<1024x1024xf32>
    %eq3A_370 = arith.cmpf oeq, %get3A_365, %eq3A_369 : vector<1024x1024xf32>
    %jit3A_371 = arith.constant 1073741824 : i32
    %broadcast_in_dim3A_372 = vector.broadcast %jit3A_371 : i32 to vector<1024x1024xi32>
    %select_n3A_373 = arith.select %eq3A_370, %iota3A, %broadcast_in_dim3A_372 : vector<1024x1024xi1>, vector<1024x1024xi32>
    %reduce_min3A_374 = arith.constant dense<2147483647> : vector<1024xi32>
    %reduce_min3A_375 = vector.multi_reduction <minsi>, %select_n3A_373, %reduce_min3A_374 [1] : vector<1024x1024xi32> to vector<1024xi32>
    %mul3A_376 = arith.constant 1024 : i32
    %mul3A_377 = arith.muli %arg0, %mul3A_376 : i32
    %add3A_378 = vector.broadcast %mul3A_377 : i32 to vector<1024xi32>
    %add3A_379 = arith.addi %reduce_min3A_375, %add3A_378 : vector<1024xi32>
    %swap3A_380 = arith.constant 0 : index
    %swap3A_381 = arith.constant 0 : index
    %swap3A_382 = arith.constant 11 : index
    %swap3A_383 = vector.load %arg2[%swap3A_380, %swap3A_381, %swap3A_382] : memref<1x1024x24xi32, #tpu.memory_space<vmem>>, vector<1x1024x1xi32>
    %swap3A_384 = vector.shape_cast %swap3A_383 : vector<1x1024x1xi32> to vector<1024xi32>
    %swap3A_385 = vector.shape_cast %add3A_379 : vector<1024xi32> to vector<1x1024x1xi32>
    tpu.vector_store %arg2[%swap3A_380, %swap3A_381, %swap3A_382], %swap3A_385 {strides = array<i32>} : memref<1x1024x24xi32, #tpu.memory_space<vmem>>, vector<1x1024x1xi32>,
    %broadcast_in_dim3A_386 = vector.shape_cast %reduce_min3A_375 : vector<1024xi32> to vector<1024x1xi32>
    %eq3A_387 = vector.broadcast %broadcast_in_dim3A_386 : vector<1024x1xi32> to vector<1024x1024xi32>
    %eq3A_388 = arith.cmpi eq, %iota3A, %eq3A_387 : vector<1024x1024xi32>
    %jit3A_389 = arith.constant 0xFF800000 : f32
    %broadcast_in_dim3A_390 = vector.broadcast %jit3A_389 : f32 to vector<1024x1024xf32>
    %select_n3A_391 = arith.select %eq3A_388, %broadcast_in_dim3A_390, %get3A_365 : vector<1024x1024xi1>, vector<1024x1024xf32>
    %swap3A_392 = arith.constant 0 : index
    %swap3A_393 = arith.constant 0 : index
    %swap3A_394 = vector.load %arg3[%swap3A_392, %swap3A_393] : memref<1024x1024xf32, #tpu.memory_space<vmem>>, vector<1024x1024xf32>
    tpu.vector_store %arg3[%swap3A_392, %swap3A_393], %select_n3A_391 {strides = array<i32>} : memref<1024x1024xf32, #tpu.memory_space<vmem>>, vector<1024x1024xf32>,
    %get3A_395 = arith.constant 0 : index
    %get3A_396 = arith.constant 0 : index
    %get3A_397 = vector.load %arg3[%get3A_395, %get3A_396] : memref<1024x1024xf32, #tpu.memory_space<vmem>>, vector<1024x1024xf32>
    %reduce_max3A_398 = arith.constant dense<0xFF800000> : vector<1024xf32>
    %reduce_max3A_399 = vector.multi_reduction <maximumf>, %get3A_397, %reduce_max3A_398 [1] : vector<1024x1024xf32> to vector<1024xf32>
    %broadcast_in_dim3A_400 = vector.shape_cast %reduce_max3A_399 : vector<1024xf32> to vector<1024x1xf32>
    %eq3A_401 = vector.broadcast %broadcast_in_dim3A_400 : vector<1024x1xf32> to vector<1024x1024xf32>
    %eq3A_402 = arith.cmpf oeq, %get3A_397, %eq3A_401 : vector<1024x1024xf32>
    %jit3A_403 = arith.constant 1073741824 : i32
    %broadcast_in_dim3A_404 = vector.broadcast %jit3A_403 : i32 to vector<1024x1024xi32>
    %select_n3A_405 = arith.select %eq3A_402, %iota3A, %broadcast_in_dim3A_404 : vector<1024x1024xi1>, vector<1024x1024xi32>
    %reduce_min3A_406 = arith.constant dense<2147483647> : vector<1024xi32>
    %reduce_min3A_407 = vector.multi_reduction <minsi>, %select_n3A_405, %reduce_min3A_406 [1] : vector<1024x1024xi32> to vector<1024xi32>
    %mul3A_408 = arith.constant 1024 : i32
    %mul3A_409 = arith.muli %arg0, %mul3A_408 : i32
    %add3A_410 = vector.broadcast %mul3A_409 : i32 to vector<1024xi32>
    %add3A_411 = arith.addi %reduce_min3A_407, %add3A_410 : vector<1024xi32>
    %swap3A_412 = arith.constant 0 : index
    %swap3A_413 = arith.constant 0 : index
    %swap3A_414 = arith.constant 12 : index
    %swap3A_415 = vector.load %arg2[%swap3A_412, %swap3A_413, %swap3A_414] : memref<1x1024x24xi32, #tpu.memory_space<vmem>>, vector<1x1024x1xi32>
    %swap3A_416 = vector.shape_cast %swap3A_415 : vector<1x1024x1xi32> to vector<1024xi32>
    %swap3A_417 = vector.shape_cast %add3A_411 : vector<1024xi32> to vector<1x1024x1xi32>
    tpu.vector_store %arg2[%swap3A_412, %swap3A_413, %swap3A_414], %swap3A_417 {strides = array<i32>} : memref<1x1024x24xi32, #tpu.memory_space<vmem>>, vector<1x1024x1xi32>,
    %broadcast_in_dim3A_418 = vector.shape_cast %reduce_min3A_407 : vector<1024xi32> to vector<1024x1xi32>
    %eq3A_419 = vector.broadcast %broadcast_in_dim3A_418 : vector<1024x1xi32> to vector<1024x1024xi32>
    %eq3A_420 = arith.cmpi eq, %iota3A, %eq3A_419 : vector<1024x1024xi32>
    %jit3A_421 = arith.constant 0xFF800000 : f32
    %broadcast_in_dim3A_422 = vector.broadcast %jit3A_421 : f32 to vector<1024x1024xf32>
    %select_n3A_423 = arith.select %eq3A_420, %broadcast_in_dim3A_422, %get3A_397 : vector<1024x1024xi1>, vector<1024x1024xf32>
    %swap3A_424 = arith.constant 0 : index
    %swap3A_425 = arith.constant 0 : index
    %swap3A_426 = vector.load %arg3[%swap3A_424, %swap3A_425] : memref<1024x1024xf32, #tpu.memory_space<vmem>>, vector<1024x1024xf32>
    tpu.vector_store %arg3[%swap3A_424, %swap3A_425], %select_n3A_423 {strides = array<i32>} : memref<1024x1024xf32, #tpu.memory_space<vmem>>, vector<1024x1024xf32>,
    %get3A_427 = arith.constant 0 : index
    %get3A_428 = arith.constant 0 : index
    %get3A_429 = vector.load %arg3[%get3A_427, %get3A_428] : memref<1024x1024xf32, #tpu.memory_space<vmem>>, vector<1024x1024xf32>
    %reduce_max3A_430 = arith.constant dense<0xFF800000> : vector<1024xf32>
    %reduce_max3A_431 = vector.multi_reduction <maximumf>, %get3A_429, %reduce_max3A_430 [1] : vector<1024x1024xf32> to vector<1024xf32>
    %broadcast_in_dim3A_432 = vector.shape_cast %reduce_max3A_431 : vector<1024xf32> to vector<1024x1xf32>
    %eq3A_433 = vector.broadcast %broadcast_in_dim3A_432 : vector<1024x1xf32> to vector<1024x1024xf32>
    %eq3A_434 = arith.cmpf oeq, %get3A_429, %eq3A_433 : vector<1024x1024xf32>
    %jit3A_435 = arith.constant 1073741824 : i32
    %broadcast_in_dim3A_436 = vector.broadcast %jit3A_435 : i32 to vector<1024x1024xi32>
    %select_n3A_437 = arith.select %eq3A_434, %iota3A, %broadcast_in_dim3A_436 : vector<1024x1024xi1>, vector<1024x1024xi32>
    %reduce_min3A_438 = arith.constant dense<2147483647> : vector<1024xi32>
    %reduce_min3A_439 = vector.multi_reduction <minsi>, %select_n3A_437, %reduce_min3A_438 [1] : vector<1024x1024xi32> to vector<1024xi32>
    %mul3A_440 = arith.constant 1024 : i32
    %mul3A_441 = arith.muli %arg0, %mul3A_440 : i32
    %add3A_442 = vector.broadcast %mul3A_441 : i32 to vector<1024xi32>
    %add3A_443 = arith.addi %reduce_min3A_439, %add3A_442 : vector<1024xi32>
    %swap3A_444 = arith.constant 0 : index
    %swap3A_445 = arith.constant 0 : index
    %swap3A_446 = arith.constant 13 : index
    %swap3A_447 = vector.load %arg2[%swap3A_444, %swap3A_445, %swap3A_446] : memref<1x1024x24xi32, #tpu.memory_space<vmem>>, vector<1x1024x1xi32>
    %swap3A_448 = vector.shape_cast %swap3A_447 : vector<1x1024x1xi32> to vector<1024xi32>
    %swap3A_449 = vector.shape_cast %add3A_443 : vector<1024xi32> to vector<1x1024x1xi32>
    tpu.vector_store %arg2[%swap3A_444, %swap3A_445, %swap3A_446], %swap3A_449 {strides = array<i32>} : memref<1x1024x24xi32, #tpu.memory_space<vmem>>, vector<1x1024x1xi32>,
    %broadcast_in_dim3A_450 = vector.shape_cast %reduce_min3A_439 : vector<1024xi32> to vector<1024x1xi32>
    %eq3A_451 = vector.broadcast %broadcast_in_dim3A_450 : vector<1024x1xi32> to vector<1024x1024xi32>
    %eq3A_452 = arith.cmpi eq, %iota3A, %eq3A_451 : vector<1024x1024xi32>
    %jit3A_453 = arith.constant 0xFF800000 : f32
    %broadcast_in_dim3A_454 = vector.broadcast %jit3A_453 : f32 to vector<1024x1024xf32>
    %select_n3A_455 = arith.select %eq3A_452, %broadcast_in_dim3A_454, %get3A_429 : vector<1024x1024xi1>, vector<1024x1024xf32>
    %swap3A_456 = arith.constant 0 : index
    %swap3A_457 = arith.constant 0 : index
    %swap3A_458 = vector.load %arg3[%swap3A_456, %swap3A_457] : memref<1024x1024xf32, #tpu.memory_space<vmem>>, vector<1024x1024xf32>
    tpu.vector_store %arg3[%swap3A_456, %swap3A_457], %select_n3A_455 {strides = array<i32>} : memref<1024x1024xf32, #tpu.memory_space<vmem>>, vector<1024x1024xf32>,
    %get3A_459 = arith.constant 0 : index
    %get3A_460 = arith.constant 0 : index
    %get3A_461 = vector.load %arg3[%get3A_459, %get3A_460] : memref<1024x1024xf32, #tpu.memory_space<vmem>>, vector<1024x1024xf32>
    %reduce_max3A_462 = arith.constant dense<0xFF800000> : vector<1024xf32>
    %reduce_max3A_463 = vector.multi_reduction <maximumf>, %get3A_461, %reduce_max3A_462 [1] : vector<1024x1024xf32> to vector<1024xf32>
    %broadcast_in_dim3A_464 = vector.shape_cast %reduce_max3A_463 : vector<1024xf32> to vector<1024x1xf32>
    %eq3A_465 = vector.broadcast %broadcast_in_dim3A_464 : vector<1024x1xf32> to vector<1024x1024xf32>
    %eq3A_466 = arith.cmpf oeq, %get3A_461, %eq3A_465 : vector<1024x1024xf32>
    %jit3A_467 = arith.constant 1073741824 : i32
    %broadcast_in_dim3A_468 = vector.broadcast %jit3A_467 : i32 to vector<1024x1024xi32>
    %select_n3A_469 = arith.select %eq3A_466, %iota3A, %broadcast_in_dim3A_468 : vector<1024x1024xi1>, vector<1024x1024xi32>
    %reduce_min3A_470 = arith.constant dense<2147483647> : vector<1024xi32>
    %reduce_min3A_471 = vector.multi_reduction <minsi>, %select_n3A_469, %reduce_min3A_470 [1] : vector<1024x1024xi32> to vector<1024xi32>
    %mul3A_472 = arith.constant 1024 : i32
    %mul3A_473 = arith.muli %arg0, %mul3A_472 : i32
    %add3A_474 = vector.broadcast %mul3A_473 : i32 to vector<1024xi32>
    %add3A_475 = arith.addi %reduce_min3A_471, %add3A_474 : vector<1024xi32>
    %swap3A_476 = arith.constant 0 : index
    %swap3A_477 = arith.constant 0 : index
    %swap3A_478 = arith.constant 14 : index
    %swap3A_479 = vector.load %arg2[%swap3A_476, %swap3A_477, %swap3A_478] : memref<1x1024x24xi32, #tpu.memory_space<vmem>>, vector<1x1024x1xi32>
    %swap3A_480 = vector.shape_cast %swap3A_479 : vector<1x1024x1xi32> to vector<1024xi32>
    %swap3A_481 = vector.shape_cast %add3A_475 : vector<1024xi32> to vector<1x1024x1xi32>
    tpu.vector_store %arg2[%swap3A_476, %swap3A_477, %swap3A_478], %swap3A_481 {strides = array<i32>} : memref<1x1024x24xi32, #tpu.memory_space<vmem>>, vector<1x1024x1xi32>,
    %broadcast_in_dim3A_482 = vector.shape_cast %reduce_min3A_471 : vector<1024xi32> to vector<1024x1xi32>
    %eq3A_483 = vector.broadcast %broadcast_in_dim3A_482 : vector<1024x1xi32> to vector<1024x1024xi32>
    %eq3A_484 = arith.cmpi eq, %iota3A, %eq3A_483 : vector<1024x1024xi32>
    %jit3A_485 = arith.constant 0xFF800000 : f32
    %broadcast_in_dim3A_486 = vector.broadcast %jit3A_485 : f32 to vector<1024x1024xf32>
    %select_n3A_487 = arith.select %eq3A_484, %broadcast_in_dim3A_486, %get3A_461 : vector<1024x1024xi1>, vector<1024x1024xf32>
    %swap3A_488 = arith.constant 0 : index
    %swap3A_489 = arith.constant 0 : index
    %swap3A_490 = vector.load %arg3[%swap3A_488, %swap3A_489] : memref<1024x1024xf32, #tpu.memory_space<vmem>>, vector<1024x1024xf32>
    tpu.vector_store %arg3[%swap3A_488, %swap3A_489], %select_n3A_487 {strides = array<i32>} : memref<1024x1024xf32, #tpu.memory_space<vmem>>, vector<1024x1024xf32>,
    %get3A_491 = arith.constant 0 : index
    %get3A_492 = arith.constant 0 : index
    %get3A_493 = vector.load %arg3[%get3A_491, %get3A_492] : memref<1024x1024xf32, #tpu.memory_space<vmem>>, vector<1024x1024xf32>
    %reduce_max3A_494 = arith.constant dense<0xFF800000> : vector<1024xf32>
    %reduce_max3A_495 = vector.multi_reduction <maximumf>, %get3A_493, %reduce_max3A_494 [1] : vector<1024x1024xf32> to vector<1024xf32>
    %broadcast_in_dim3A_496 = vector.shape_cast %reduce_max3A_495 : vector<1024xf32> to vector<1024x1xf32>
    %eq3A_497 = vector.broadcast %broadcast_in_dim3A_496 : vector<1024x1xf32> to vector<1024x1024xf32>
    %eq3A_498 = arith.cmpf oeq, %get3A_493, %eq3A_497 : vector<1024x1024xf32>
    %jit3A_499 = arith.constant 1073741824 : i32
    %broadcast_in_dim3A_500 = vector.broadcast %jit3A_499 : i32 to vector<1024x1024xi32>
    %select_n3A_501 = arith.select %eq3A_498, %iota3A, %broadcast_in_dim3A_500 : vector<1024x1024xi1>, vector<1024x1024xi32>
    %reduce_min3A_502 = arith.constant dense<2147483647> : vector<1024xi32>
    %reduce_min3A_503 = vector.multi_reduction <minsi>, %select_n3A_501, %reduce_min3A_502 [1] : vector<1024x1024xi32> to vector<1024xi32>
    %mul3A_504 = arith.constant 1024 : i32
    %mul3A_505 = arith.muli %arg0, %mul3A_504 : i32
    %add3A_506 = vector.broadcast %mul3A_505 : i32 to vector<1024xi32>
    %add3A_507 = arith.addi %reduce_min3A_503, %add3A_506 : vector<1024xi32>
    %swap3A_508 = arith.constant 0 : index
    %swap3A_509 = arith.constant 0 : index
    %swap3A_510 = arith.constant 15 : index
    %swap3A_511 = vector.load %arg2[%swap3A_508, %swap3A_509, %swap3A_510] : memref<1x1024x24xi32, #tpu.memory_space<vmem>>, vector<1x1024x1xi32>
    %swap3A_512 = vector.shape_cast %swap3A_511 : vector<1x1024x1xi32> to vector<1024xi32>
    %swap3A_513 = vector.shape_cast %add3A_507 : vector<1024xi32> to vector<1x1024x1xi32>
    tpu.vector_store %arg2[%swap3A_508, %swap3A_509, %swap3A_510], %swap3A_513 {strides = array<i32>} : memref<1x1024x24xi32, #tpu.memory_space<vmem>>, vector<1x1024x1xi32>,
    %broadcast_in_dim3A_514 = vector.shape_cast %reduce_min3A_503 : vector<1024xi32> to vector<1024x1xi32>
    %eq3A_515 = vector.broadcast %broadcast_in_dim3A_514 : vector<1024x1xi32> to vector<1024x1024xi32>
    %eq3A_516 = arith.cmpi eq, %iota3A, %eq3A_515 : vector<1024x1024xi32>
    %jit3A_517 = arith.constant 0xFF800000 : f32
    %broadcast_in_dim3A_518 = vector.broadcast %jit3A_517 : f32 to vector<1024x1024xf32>
    %select_n3A_519 = arith.select %eq3A_516, %broadcast_in_dim3A_518, %get3A_493 : vector<1024x1024xi1>, vector<1024x1024xf32>
    %swap3A_520 = arith.constant 0 : index
    %swap3A_521 = arith.constant 0 : index
    %swap3A_522 = vector.load %arg3[%swap3A_520, %swap3A_521] : memref<1024x1024xf32, #tpu.memory_space<vmem>>, vector<1024x1024xf32>
    tpu.vector_store %arg3[%swap3A_520, %swap3A_521], %select_n3A_519 {strides = array<i32>} : memref<1024x1024xf32, #tpu.memory_space<vmem>>, vector<1024x1024xf32>,
    %get3A_523 = arith.constant 0 : index
    %get3A_524 = arith.constant 0 : index
    %get3A_525 = vector.load %arg3[%get3A_523, %get3A_524] : memref<1024x1024xf32, #tpu.memory_space<vmem>>, vector<1024x1024xf32>
    %reduce_max3A_526 = arith.constant dense<0xFF800000> : vector<1024xf32>
    %reduce_max3A_527 = vector.multi_reduction <maximumf>, %get3A_525, %reduce_max3A_526 [1] : vector<1024x1024xf32> to vector<1024xf32>
    %broadcast_in_dim3A_528 = vector.shape_cast %reduce_max3A_527 : vector<1024xf32> to vector<1024x1xf32>
    %eq3A_529 = vector.broadcast %broadcast_in_dim3A_528 : vector<1024x1xf32> to vector<1024x1024xf32>
    %eq3A_530 = arith.cmpf oeq, %get3A_525, %eq3A_529 : vector<1024x1024xf32>
    %jit3A_531 = arith.constant 1073741824 : i32
    %broadcast_in_dim3A_532 = vector.broadcast %jit3A_531 : i32 to vector<1024x1024xi32>
    %select_n3A_533 = arith.select %eq3A_530, %iota3A, %broadcast_in_dim3A_532 : vector<1024x1024xi1>, vector<1024x1024xi32>
    %reduce_min3A_534 = arith.constant dense<2147483647> : vector<1024xi32>
    %reduce_min3A_535 = vector.multi_reduction <minsi>, %select_n3A_533, %reduce_min3A_534 [1] : vector<1024x1024xi32> to vector<1024xi32>
    %mul3A_536 = arith.constant 1024 : i32
    %mul3A_537 = arith.muli %arg0, %mul3A_536 : i32
    %add3A_538 = vector.broadcast %mul3A_537 : i32 to vector<1024xi32>
    %add3A_539 = arith.addi %reduce_min3A_535, %add3A_538 : vector<1024xi32>
    %swap3A_540 = arith.constant 0 : index
    %swap3A_541 = arith.constant 0 : index
    %swap3A_542 = arith.constant 16 : index
    %swap3A_543 = vector.load %arg2[%swap3A_540, %swap3A_541, %swap3A_542] : memref<1x1024x24xi32, #tpu.memory_space<vmem>>, vector<1x1024x1xi32>
    %swap3A_544 = vector.shape_cast %swap3A_543 : vector<1x1024x1xi32> to vector<1024xi32>
    %swap3A_545 = vector.shape_cast %add3A_539 : vector<1024xi32> to vector<1x1024x1xi32>
    tpu.vector_store %arg2[%swap3A_540, %swap3A_541, %swap3A_542], %swap3A_545 {strides = array<i32>} : memref<1x1024x24xi32, #tpu.memory_space<vmem>>, vector<1x1024x1xi32>,
    %broadcast_in_dim3A_546 = vector.shape_cast %reduce_min3A_535 : vector<1024xi32> to vector<1024x1xi32>
    %eq3A_547 = vector.broadcast %broadcast_in_dim3A_546 : vector<1024x1xi32> to vector<1024x1024xi32>
    %eq3A_548 = arith.cmpi eq, %iota3A, %eq3A_547 : vector<1024x1024xi32>
    %jit3A_549 = arith.constant 0xFF800000 : f32
    %broadcast_in_dim3A_550 = vector.broadcast %jit3A_549 : f32 to vector<1024x1024xf32>
    %select_n3A_551 = arith.select %eq3A_548, %broadcast_in_dim3A_550, %get3A_525 : vector<1024x1024xi1>, vector<1024x1024xf32>
    %swap3A_552 = arith.constant 0 : index
    %swap3A_553 = arith.constant 0 : index
    %swap3A_554 = vector.load %arg3[%swap3A_552, %swap3A_553] : memref<1024x1024xf32, #tpu.memory_space<vmem>>, vector<1024x1024xf32>
    tpu.vector_store %arg3[%swap3A_552, %swap3A_553], %select_n3A_551 {strides = array<i32>} : memref<1024x1024xf32, #tpu.memory_space<vmem>>, vector<1024x1024xf32>,
    %get3A_555 = arith.constant 0 : index
    %get3A_556 = arith.constant 0 : index
    %get3A_557 = vector.load %arg3[%get3A_555, %get3A_556] : memref<1024x1024xf32, #tpu.memory_space<vmem>>, vector<1024x1024xf32>
    %reduce_max3A_558 = arith.constant dense<0xFF800000> : vector<1024xf32>
    %reduce_max3A_559 = vector.multi_reduction <maximumf>, %get3A_557, %reduce_max3A_558 [1] : vector<1024x1024xf32> to vector<1024xf32>
    %broadcast_in_dim3A_560 = vector.shape_cast %reduce_max3A_559 : vector<1024xf32> to vector<1024x1xf32>
    %eq3A_561 = vector.broadcast %broadcast_in_dim3A_560 : vector<1024x1xf32> to vector<1024x1024xf32>
    %eq3A_562 = arith.cmpf oeq, %get3A_557, %eq3A_561 : vector<1024x1024xf32>
    %jit3A_563 = arith.constant 1073741824 : i32
    %broadcast_in_dim3A_564 = vector.broadcast %jit3A_563 : i32 to vector<1024x1024xi32>
    %select_n3A_565 = arith.select %eq3A_562, %iota3A, %broadcast_in_dim3A_564 : vector<1024x1024xi1>, vector<1024x1024xi32>
    %reduce_min3A_566 = arith.constant dense<2147483647> : vector<1024xi32>
    %reduce_min3A_567 = vector.multi_reduction <minsi>, %select_n3A_565, %reduce_min3A_566 [1] : vector<1024x1024xi32> to vector<1024xi32>
    %mul3A_568 = arith.constant 1024 : i32
    %mul3A_569 = arith.muli %arg0, %mul3A_568 : i32
    %add3A_570 = vector.broadcast %mul3A_569 : i32 to vector<1024xi32>
    %add3A_571 = arith.addi %reduce_min3A_567, %add3A_570 : vector<1024xi32>
    %swap3A_572 = arith.constant 0 : index
    %swap3A_573 = arith.constant 0 : index
    %swap3A_574 = arith.constant 17 : index
    %swap3A_575 = vector.load %arg2[%swap3A_572, %swap3A_573, %swap3A_574] : memref<1x1024x24xi32, #tpu.memory_space<vmem>>, vector<1x1024x1xi32>
    %swap3A_576 = vector.shape_cast %swap3A_575 : vector<1x1024x1xi32> to vector<1024xi32>
    %swap3A_577 = vector.shape_cast %add3A_571 : vector<1024xi32> to vector<1x1024x1xi32>
    tpu.vector_store %arg2[%swap3A_572, %swap3A_573, %swap3A_574], %swap3A_577 {strides = array<i32>} : memref<1x1024x24xi32, #tpu.memory_space<vmem>>, vector<1x1024x1xi32>,
    %broadcast_in_dim3A_578 = vector.shape_cast %reduce_min3A_567 : vector<1024xi32> to vector<1024x1xi32>
    %eq3A_579 = vector.broadcast %broadcast_in_dim3A_578 : vector<1024x1xi32> to vector<1024x1024xi32>
    %eq3A_580 = arith.cmpi eq, %iota3A, %eq3A_579 : vector<1024x1024xi32>
    %jit3A_581 = arith.constant 0xFF800000 : f32
    %broadcast_in_dim3A_582 = vector.broadcast %jit3A_581 : f32 to vector<1024x1024xf32>
    %select_n3A_583 = arith.select %eq3A_580, %broadcast_in_dim3A_582, %get3A_557 : vector<1024x1024xi1>, vector<1024x1024xf32>
    %swap3A_584 = arith.constant 0 : index
    %swap3A_585 = arith.constant 0 : index
    %swap3A_586 = vector.load %arg3[%swap3A_584, %swap3A_585] : memref<1024x1024xf32, #tpu.memory_space<vmem>>, vector<1024x1024xf32>
    tpu.vector_store %arg3[%swap3A_584, %swap3A_585], %select_n3A_583 {strides = array<i32>} : memref<1024x1024xf32, #tpu.memory_space<vmem>>, vector<1024x1024xf32>,
    %get3A_587 = arith.constant 0 : index
    %get3A_588 = arith.constant 0 : index
    %get3A_589 = vector.load %arg3[%get3A_587, %get3A_588] : memref<1024x1024xf32, #tpu.memory_space<vmem>>, vector<1024x1024xf32>
    %reduce_max3A_590 = arith.constant dense<0xFF800000> : vector<1024xf32>
    %reduce_max3A_591 = vector.multi_reduction <maximumf>, %get3A_589, %reduce_max3A_590 [1] : vector<1024x1024xf32> to vector<1024xf32>
    %broadcast_in_dim3A_592 = vector.shape_cast %reduce_max3A_591 : vector<1024xf32> to vector<1024x1xf32>
    %eq3A_593 = vector.broadcast %broadcast_in_dim3A_592 : vector<1024x1xf32> to vector<1024x1024xf32>
    %eq3A_594 = arith.cmpf oeq, %get3A_589, %eq3A_593 : vector<1024x1024xf32>
    %jit3A_595 = arith.constant 1073741824 : i32
    %broadcast_in_dim3A_596 = vector.broadcast %jit3A_595 : i32 to vector<1024x1024xi32>
    %select_n3A_597 = arith.select %eq3A_594, %iota3A, %broadcast_in_dim3A_596 : vector<1024x1024xi1>, vector<1024x1024xi32>
    %reduce_min3A_598 = arith.constant dense<2147483647> : vector<1024xi32>
    %reduce_min3A_599 = vector.multi_reduction <minsi>, %select_n3A_597, %reduce_min3A_598 [1] : vector<1024x1024xi32> to vector<1024xi32>
    %mul3A_600 = arith.constant 1024 : i32
    %mul3A_601 = arith.muli %arg0, %mul3A_600 : i32
    %add3A_602 = vector.broadcast %mul3A_601 : i32 to vector<1024xi32>
    %add3A_603 = arith.addi %reduce_min3A_599, %add3A_602 : vector<1024xi32>
    %swap3A_604 = arith.constant 0 : index
    %swap3A_605 = arith.constant 0 : index
    %swap3A_606 = arith.constant 18 : index
    %swap3A_607 = vector.load %arg2[%swap3A_604, %swap3A_605, %swap3A_606] : memref<1x1024x24xi32, #tpu.memory_space<vmem>>, vector<1x1024x1xi32>
    %swap3A_608 = vector.shape_cast %swap3A_607 : vector<1x1024x1xi32> to vector<1024xi32>
    %swap3A_609 = vector.shape_cast %add3A_603 : vector<1024xi32> to vector<1x1024x1xi32>
    tpu.vector_store %arg2[%swap3A_604, %swap3A_605, %swap3A_606], %swap3A_609 {strides = array<i32>} : memref<1x1024x24xi32, #tpu.memory_space<vmem>>, vector<1x1024x1xi32>,
    %broadcast_in_dim3A_610 = vector.shape_cast %reduce_min3A_599 : vector<1024xi32> to vector<1024x1xi32>
    %eq3A_611 = vector.broadcast %broadcast_in_dim3A_610 : vector<1024x1xi32> to vector<1024x1024xi32>
    %eq3A_612 = arith.cmpi eq, %iota3A, %eq3A_611 : vector<1024x1024xi32>
    %jit3A_613 = arith.constant 0xFF800000 : f32
    %broadcast_in_dim3A_614 = vector.broadcast %jit3A_613 : f32 to vector<1024x1024xf32>
    %select_n3A_615 = arith.select %eq3A_612, %broadcast_in_dim3A_614, %get3A_589 : vector<1024x1024xi1>, vector<1024x1024xf32>
    %swap3A_616 = arith.constant 0 : index
    %swap3A_617 = arith.constant 0 : index
    %swap3A_618 = vector.load %arg3[%swap3A_616, %swap3A_617] : memref<1024x1024xf32, #tpu.memory_space<vmem>>, vector<1024x1024xf32>
    tpu.vector_store %arg3[%swap3A_616, %swap3A_617], %select_n3A_615 {strides = array<i32>} : memref<1024x1024xf32, #tpu.memory_space<vmem>>, vector<1024x1024xf32>,
    %get3A_619 = arith.constant 0 : index
    %get3A_620 = arith.constant 0 : index
    %get3A_621 = vector.load %arg3[%get3A_619, %get3A_620] : memref<1024x1024xf32, #tpu.memory_space<vmem>>, vector<1024x1024xf32>
    %reduce_max3A_622 = arith.constant dense<0xFF800000> : vector<1024xf32>
    %reduce_max3A_623 = vector.multi_reduction <maximumf>, %get3A_621, %reduce_max3A_622 [1] : vector<1024x1024xf32> to vector<1024xf32>
    %broadcast_in_dim3A_624 = vector.shape_cast %reduce_max3A_623 : vector<1024xf32> to vector<1024x1xf32>
    %eq3A_625 = vector.broadcast %broadcast_in_dim3A_624 : vector<1024x1xf32> to vector<1024x1024xf32>
    %eq3A_626 = arith.cmpf oeq, %get3A_621, %eq3A_625 : vector<1024x1024xf32>
    %jit3A_627 = arith.constant 1073741824 : i32
    %broadcast_in_dim3A_628 = vector.broadcast %jit3A_627 : i32 to vector<1024x1024xi32>
    %select_n3A_629 = arith.select %eq3A_626, %iota3A, %broadcast_in_dim3A_628 : vector<1024x1024xi1>, vector<1024x1024xi32>
    %reduce_min3A_630 = arith.constant dense<2147483647> : vector<1024xi32>
    %reduce_min3A_631 = vector.multi_reduction <minsi>, %select_n3A_629, %reduce_min3A_630 [1] : vector<1024x1024xi32> to vector<1024xi32>
    %mul3A_632 = arith.constant 1024 : i32
    %mul3A_633 = arith.muli %arg0, %mul3A_632 : i32
    %add3A_634 = vector.broadcast %mul3A_633 : i32 to vector<1024xi32>
    %add3A_635 = arith.addi %reduce_min3A_631, %add3A_634 : vector<1024xi32>
    %swap3A_636 = arith.constant 0 : index
    %swap3A_637 = arith.constant 0 : index
    %swap3A_638 = arith.constant 19 : index
    %swap3A_639 = vector.load %arg2[%swap3A_636, %swap3A_637, %swap3A_638] : memref<1x1024x24xi32, #tpu.memory_space<vmem>>, vector<1x1024x1xi32>
    %swap3A_640 = vector.shape_cast %swap3A_639 : vector<1x1024x1xi32> to vector<1024xi32>
    %swap3A_641 = vector.shape_cast %add3A_635 : vector<1024xi32> to vector<1x1024x1xi32>
    tpu.vector_store %arg2[%swap3A_636, %swap3A_637, %swap3A_638], %swap3A_641 {strides = array<i32>} : memref<1x1024x24xi32, #tpu.memory_space<vmem>>, vector<1x1024x1xi32>,
    %broadcast_in_dim3A_642 = vector.shape_cast %reduce_min3A_631 : vector<1024xi32> to vector<1024x1xi32>
    %eq3A_643 = vector.broadcast %broadcast_in_dim3A_642 : vector<1024x1xi32> to vector<1024x1024xi32>
    %eq3A_644 = arith.cmpi eq, %iota3A, %eq3A_643 : vector<1024x1024xi32>
    %jit3A_645 = arith.constant 0xFF800000 : f32
    %broadcast_in_dim3A_646 = vector.broadcast %jit3A_645 : f32 to vector<1024x1024xf32>
    %select_n3A_647 = arith.select %eq3A_644, %broadcast_in_dim3A_646, %get3A_621 : vector<1024x1024xi1>, vector<1024x1024xf32>
    %swap3A_648 = arith.constant 0 : index
    %swap3A_649 = arith.constant 0 : index
    %swap3A_650 = vector.load %arg3[%swap3A_648, %swap3A_649] : memref<1024x1024xf32, #tpu.memory_space<vmem>>, vector<1024x1024xf32>
    tpu.vector_store %arg3[%swap3A_648, %swap3A_649], %select_n3A_647 {strides = array<i32>} : memref<1024x1024xf32, #tpu.memory_space<vmem>>, vector<1024x1024xf32>,
    %iota3A_651 = tpu.iota {dimensions = array<i32: 0>} : vector<1024x1xi32>
    %squeeze3A = vector.shape_cast %iota3A_651 : vector<1024x1xi32> to vector<1024xi32>
    %mul3A_652 = arith.constant 1024 : i32
    %mul3A_653 = arith.muli %arg0, %mul3A_652 : i32
    %add3A_654 = vector.broadcast %mul3A_653 : i32 to vector<1024xi32>
    %add3A_655 = arith.addi %squeeze3A, %add3A_654 : vector<1024xi32>
    %swap3A_656 = arith.constant 0 : index
    %swap3A_657 = arith.constant 0 : index
    %swap3A_658 = arith.constant 20 : index
    %swap3A_659 = vector.load %arg2[%swap3A_656, %swap3A_657, %swap3A_658] : memref<1x1024x24xi32, #tpu.memory_space<vmem>>, vector<1x1024x1xi32>
    %swap3A_660 = vector.shape_cast %swap3A_659 : vector<1x1024x1xi32> to vector<1024xi32>
    %swap3A_661 = vector.shape_cast %add3A_655 : vector<1024xi32> to vector<1x1024x1xi32>
    tpu.vector_store %arg2[%swap3A_656, %swap3A_657, %swap3A_658], %swap3A_661 {strides = array<i32>} : memref<1x1024x24xi32, #tpu.memory_space<vmem>>, vector<1x1024x1xi32>,
    %swap3A_662 = arith.constant 0 : index
    %swap3A_663 = arith.constant 0 : index
    %swap3A_664 = arith.constant 21 : index
    %swap3A_665 = vector.load %arg2[%swap3A_662, %swap3A_663, %swap3A_664] : memref<1x1024x24xi32, #tpu.memory_space<vmem>>, vector<1x1024x1xi32>
    %swap3A_666 = vector.shape_cast %swap3A_665 : vector<1x1024x1xi32> to vector<1024xi32>
    %swap3A_667 = vector.shape_cast %add3A_655 : vector<1024xi32> to vector<1x1024x1xi32>
    tpu.vector_store %arg2[%swap3A_662, %swap3A_663, %swap3A_664], %swap3A_667 {strides = array<i32>} : memref<1x1024x24xi32, #tpu.memory_space<vmem>>, vector<1x1024x1xi32>,
    %swap3A_668 = arith.constant 0 : index
    %swap3A_669 = arith.constant 0 : index
    %swap3A_670 = arith.constant 22 : index
    %swap3A_671 = vector.load %arg2[%swap3A_668, %swap3A_669, %swap3A_670] : memref<1x1024x24xi32, #tpu.memory_space<vmem>>, vector<1x1024x1xi32>
    %swap3A_672 = vector.shape_cast %swap3A_671 : vector<1x1024x1xi32> to vector<1024xi32>
    %swap3A_673 = vector.shape_cast %add3A_655 : vector<1024xi32> to vector<1x1024x1xi32>
    tpu.vector_store %arg2[%swap3A_668, %swap3A_669, %swap3A_670], %swap3A_673 {strides = array<i32>} : memref<1x1024x24xi32, #tpu.memory_space<vmem>>, vector<1x1024x1xi32>,
    %swap3A_674 = arith.constant 0 : index
    %swap3A_675 = arith.constant 0 : index
    %swap3A_676 = arith.constant 23 : index
    %swap3A_677 = vector.load %arg2[%swap3A_674, %swap3A_675, %swap3A_676] : memref<1x1024x24xi32, #tpu.memory_space<vmem>>, vector<1x1024x1xi32>
    %swap3A_678 = vector.shape_cast %swap3A_677 : vector<1x1024x1xi32> to vector<1024xi32>
    %swap3A_679 = vector.shape_cast %add3A_655 : vector<1024xi32> to vector<1x1024x1xi32>
    tpu.vector_store %arg2[%swap3A_674, %swap3A_675, %swap3A_676], %swap3A_679 {strides = array<i32>} : memref<1x1024x24xi32, #tpu.memory_space<vmem>>, vector<1x1024x1xi32>,
    return
  }
  func.func @transform_0(%arg0: i32) -> (i32, i32, i32) {
    %c0_i32 = arith.constant 0 : i32
    %c0_i32_0 = arith.constant 0 : i32
    %c0_i32_1 = arith.constant 0 : i32
    return %arg0, %c0_i32, %c0_i32_0 : i32, i32, i32
  }
  func.func @transform_1(%arg0: i32) -> (i32, i32, i32) {
    %c0_i32 = arith.constant 0 : i32
    %c0_i32_0 = arith.constant 0 : i32
    %c0_i32_1 = arith.constant 0 : i32
    return %arg0, %c0_i32, %c0_i32_0 : i32, i32, i32
  }
}

module attributes {stable_mosaic.version = 14 : i64} {
  func.func @body(%arg0: i32, %arg1: memref<3072x128xf32, #tpu.memory_space<vmem>>, %arg2: memref<128x128xf32, #tpu.memory_space<vmem>>, %arg3: memref<128x128xf32, #tpu.memory_space<vmem>>, %arg4: memref<128x128xf32, #tpu.memory_space<vmem>>, %arg5: memref<1x128xf32, #tpu.memory_space<vmem>>, %arg6: memref<1x128xf32, #tpu.memory_space<vmem>>, %arg7: memref<128x128xf32, #tpu.memory_space<vmem>>, %arg8: memref<1x128xf32, #tpu.memory_space<vmem>>, %arg9: memref<1x128xf32, #tpu.memory_space<vmem>>, %arg10: memref<2x128xf32, #tpu.memory_space<vmem>>) attributes {dimension_semantics = [#tpu.dimension_semantics<arbitrary>], iteration_bounds = array<i64: 128>, scalar_prefetch = 0 : i64, scratch_operands = 1 : i64, tpu.core_type = #tpu.core_type<tc>, window_params = [{transform_indices = @transform_0, window_bounds = array<i64: 3072, 128>}, {transform_indices = @transform_1, window_bounds = array<i64: 128, 128>}, {pipeline_mode = #tpu.pipeline_mode<synchronous>, transform_indices = @transform_2, window_bounds = array<i64: 128, 128>}, {pipeline_mode = #tpu.pipeline_mode<synchronous>, transform_indices = @transform_3, window_bounds = array<i64: 128, 128>}, {pipeline_mode = #tpu.pipeline_mode<synchronous>, transform_indices = @transform_4, window_bounds = array<i64: 1, 128>}, {pipeline_mode = #tpu.pipeline_mode<synchronous>, transform_indices = @transform_5, window_bounds = array<i64: 1, 128>}, {transform_indices = @transform_6, window_bounds = array<i64: 128, 128>}, {pipeline_mode = #tpu.pipeline_mode<synchronous>, transform_indices = @transform_7, window_bounds = array<i64: 1, 128>}, {pipeline_mode = #tpu.pipeline_mode<synchronous>, transform_indices = @transform_8, window_bounds = array<i64: 1, 128>}]} {
    %eq3A = arith.constant 0 : i32
    %eq3A_0 = arith.cmpi eq, %arg0, %eq3A : i32
    %convert_element_type3A = arith.extui %eq3A_0 : i1 to i32
    %cond3A = arith.constant 0 : i32
    %cond3A_1 = arith.cmpi ne, %convert_element_type3A, %cond3A : i32
    scf.if %cond3A_1 {
      %broadcast_in_dim3A_52 = arith.constant 0.000000e+00 : f32
      %broadcast_in_dim3A_53 = vector.broadcast %broadcast_in_dim3A_52 : f32 to vector<2x128xf32>
      %swap3A_54 = arith.constant 0 : index
      %swap3A_55 = arith.constant 0 : index
      %swap3A_56 = vector.load %arg10[%swap3A_54, %swap3A_55] : memref<2x128xf32, #tpu.memory_space<vmem>>, vector<2x128xf32>
      tpu.vector_store %arg10[%swap3A_54, %swap3A_55], %broadcast_in_dim3A_53 {strides = array<i32>} : memref<2x128xf32, #tpu.memory_space<vmem>>, vector<2x128xf32>,
    } else {
    }
    %get3A = arith.constant 0 : index
    %get3A_2 = arith.constant 0 : index
    %get3A_3 = vector.load %arg2[%get3A, %get3A_2] : memref<128x128xf32, #tpu.memory_space<vmem>>, vector<128x128xf32>
    %get3A_4 = arith.constant 0 : index
    %get3A_5 = arith.constant 0 : index
    %get3A_6 = vector.load %arg1[%get3A_4, %get3A_5] : memref<3072x128xf32, #tpu.memory_space<vmem>>, vector<3072x128xf32>
    %reshape3A = vector.shape_cast %get3A_6 : vector<3072x128xf32> to vector<128x24x128xf32>
    %broadcast_in_dim3A = vector.shape_cast %get3A_3 : vector<128x128xf32> to vector<128x1x128xf32>
    %sub3A = vector.broadcast %broadcast_in_dim3A : vector<128x1x128xf32> to vector<128x24x128xf32>
    %sub3A_7 = arith.subf %reshape3A, %sub3A : vector<128x24x128xf32>
    %reshape3A_8 = vector.shape_cast %sub3A_7 : vector<128x24x128xf32> to vector<3072x128xf32>
    %get3A_9 = arith.constant 0 : index
    %get3A_10 = arith.constant 0 : index
    %get3A_11 = vector.load %arg3[%get3A_9, %get3A_10] : memref<128x128xf32, #tpu.memory_space<vmem>>, vector<128x128xf32>
    %dot_general3A = arith.constant dense<0.000000e+00> : vector<3072x128xf32>
    %dot_general3A_12 = tpu.matmul %reshape3A_8, %get3A_11, %dot_general3A {dimension_numbers = #tpu.dot_dimension_numbers<[1], [1], [0], [0], [0, 0, 1, 0], [], []>, transpose_lhs_hint = false} : vector<3072x128xf32>, vector<128x128xf32>, vector<3072x128xf32> -> vector<3072x128xf32>
    %get3A_13 = arith.constant 0 : index
    %get3A_14 = arith.constant 0 : index
    %get3A_15 = vector.load %arg4[%get3A_13, %get3A_14] : memref<128x128xf32, #tpu.memory_space<vmem>>, vector<128x128xf32>
    %dot_general3A_16 = arith.constant dense<0.000000e+00> : vector<128x128xf32>
    %dot_general3A_17 = tpu.matmul %get3A_3, %get3A_15, %dot_general3A_16 {dimension_numbers = #tpu.dot_dimension_numbers<[1], [1], [0], [0], [0, 0, 1, 0], [], []>, transpose_lhs_hint = false} : vector<128x128xf32>, vector<128x128xf32>, vector<128x128xf32> -> vector<128x128xf32>
    %reshape3A_18 = vector.shape_cast %dot_general3A_12 : vector<3072x128xf32> to vector<128x24x128xf32>
    %broadcast_in_dim3A_19 = vector.shape_cast %dot_general3A_17 : vector<128x128xf32> to vector<128x1x128xf32>
    %add3A = vector.broadcast %broadcast_in_dim3A_19 : vector<128x1x128xf32> to vector<128x24x128xf32>
    %add3A_20 = arith.addf %reshape3A_18, %add3A : vector<128x24x128xf32>
    %slice3A = vector.extract_strided_slice %add3A_20 {offsets = [0, 0, 0], sizes = [128, 20, 128], strides = [1, 1, 1]} : vector<128x24x128xf32> to vector<128x20x128xf32>
    %reduce_max3A = arith.constant dense<0xFF800000> : vector<128x128xf32>
    %reduce_max3A_21 = vector.multi_reduction <maximumf>, %slice3A, %reduce_max3A [1] : vector<128x20x128xf32> to vector<128x128xf32>
    %swap3A = arith.constant 0 : index
    %swap3A_22 = arith.constant 0 : index
    %swap3A_23 = vector.load %arg7[%swap3A, %swap3A_22] : memref<128x128xf32, #tpu.memory_space<vmem>>, vector<128x128xf32>
    tpu.vector_store %arg7[%swap3A, %swap3A_22], %reduce_max3A_21 {strides = array<i32>} : memref<128x128xf32, #tpu.memory_space<vmem>>, vector<128x128xf32>,
    %get3A_24 = arith.constant 0 : index
    %get3A_25 = arith.constant 0 : index
    %get3A_26 = vector.load %arg10[%get3A_24, %get3A_25] : memref<2x128xf32, #tpu.memory_space<vmem>>, vector<1x128xf32>
    %get3A_27 = vector.shape_cast %get3A_26 : vector<1x128xf32> to vector<128xf32>
    %reduce_sum3A = arith.constant dense<0.000000e+00> : vector<128xf32>
    %reduce_sum3A_28 = vector.multi_reduction <add>, %slice3A, %reduce_sum3A [0, 1] : vector<128x20x128xf32> to vector<128xf32>
    %add3A_29 = arith.addf %get3A_27, %reduce_sum3A_28 : vector<128xf32>
    %swap3A_30 = arith.constant 0 : index
    %swap3A_31 = arith.constant 0 : index
    %swap3A_32 = vector.load %arg10[%swap3A_30, %swap3A_31] : memref<2x128xf32, #tpu.memory_space<vmem>>, vector<1x128xf32>
    %swap3A_33 = vector.shape_cast %swap3A_32 : vector<1x128xf32> to vector<128xf32>
    %swap3A_34 = vector.shape_cast %add3A_29 : vector<128xf32> to vector<1x128xf32>
    tpu.vector_store %arg10[%swap3A_30, %swap3A_31], %swap3A_34 {strides = array<i32>} : memref<2x128xf32, #tpu.memory_space<vmem>>, vector<1x128xf32>,
    %get3A_35 = arith.constant 1 : index
    %get3A_36 = arith.constant 0 : index
    %get3A_37 = vector.load %arg10[%get3A_35, %get3A_36] : memref<2x128xf32, #tpu.memory_space<vmem>>, vector<1x128xf32>
    %get3A_38 = vector.shape_cast %get3A_37 : vector<1x128xf32> to vector<128xf32>
    %mul3A = arith.mulf %slice3A, %slice3A : vector<128x20x128xf32>
    %reduce_sum3A_39 = arith.constant dense<0.000000e+00> : vector<128xf32>
    %reduce_sum3A_40 = vector.multi_reduction <add>, %mul3A, %reduce_sum3A_39 [0, 1] : vector<128x20x128xf32> to vector<128xf32>
    %add3A_41 = arith.addf %get3A_38, %reduce_sum3A_40 : vector<128xf32>
    %swap3A_42 = arith.constant 1 : index
    %swap3A_43 = arith.constant 0 : index
    %swap3A_44 = vector.load %arg10[%swap3A_42, %swap3A_43] : memref<2x128xf32, #tpu.memory_space<vmem>>, vector<1x128xf32>
    %swap3A_45 = vector.shape_cast %swap3A_44 : vector<1x128xf32> to vector<128xf32>
    %swap3A_46 = vector.shape_cast %add3A_41 : vector<128xf32> to vector<1x128xf32>
    tpu.vector_store %arg10[%swap3A_42, %swap3A_43], %swap3A_46 {strides = array<i32>} : memref<2x128xf32, #tpu.memory_space<vmem>>, vector<1x128xf32>,
    %eq3A_47 = arith.constant 127 : i32
    %eq3A_48 = arith.cmpi eq, %arg0, %eq3A_47 : i32
    %convert_element_type3A_49 = arith.extui %eq3A_48 : i1 to i32
    %cond3A_50 = arith.constant 0 : i32
    %cond3A_51 = arith.cmpi ne, %convert_element_type3A_49, %cond3A_50 : i32
    scf.if %cond3A_51 {
      %get3A_52 = arith.constant 0 : index
      %get3A_53 = arith.constant 0 : index
      %get3A_54 = vector.load %arg10[%get3A_52, %get3A_53] : memref<2x128xf32, #tpu.memory_space<vmem>>, vector<1x128xf32>
      %get3A_55 = vector.shape_cast %get3A_54 : vector<1x128xf32> to vector<128xf32>
      %div3A = arith.constant 3.276800e+05 : f32
      %div3A_56 = vector.broadcast %div3A : f32 to vector<128xf32>
      %div3A_57 = arith.divf %get3A_55, %div3A_56 : vector<128xf32>
      %get3A_58 = arith.constant 1 : index
      %get3A_59 = arith.constant 0 : index
      %get3A_60 = vector.load %arg10[%get3A_58, %get3A_59] : memref<2x128xf32, #tpu.memory_space<vmem>>, vector<1x128xf32>
      %get3A_61 = vector.shape_cast %get3A_60 : vector<1x128xf32> to vector<128xf32>
      %div3A_62 = arith.constant 3.276800e+05 : f32
      %div3A_63 = vector.broadcast %div3A_62 : f32 to vector<128xf32>
      %div3A_64 = arith.divf %get3A_61, %div3A_63 : vector<128xf32>
      %mul3A_65 = arith.mulf %div3A_57, %div3A_57 : vector<128xf32>
      %sub3A_66 = arith.subf %div3A_64, %mul3A_65 : vector<128xf32>
      %get3A_67 = arith.constant 0 : index
      %get3A_68 = arith.constant 0 : index
      %get3A_69 = vector.load %arg5[%get3A_67, %get3A_68] : memref<1x128xf32, #tpu.memory_space<vmem>>, vector<1x128xf32>
      %get3A_70 = vector.shape_cast %get3A_69 : vector<1x128xf32> to vector<128xf32>
      %add3A_71 = arith.constant 9.99999974E-6 : f32
      %add3A_72 = vector.broadcast %add3A_71 : f32 to vector<128xf32>
      %add3A_73 = arith.addf %sub3A_66, %add3A_72 : vector<128xf32>
      %rsqrt3A = math.rsqrt %add3A_73 : vector<128xf32>
      %mul3A_74 = arith.mulf %get3A_70, %rsqrt3A : vector<128xf32>
      %swap3A_75 = arith.constant 0 : index
      %swap3A_76 = arith.constant 0 : index
      %swap3A_77 = vector.load %arg8[%swap3A_75, %swap3A_76] : memref<1x128xf32, #tpu.memory_space<vmem>>, vector<1x128xf32>
      %swap3A_78 = vector.shape_cast %swap3A_77 : vector<1x128xf32> to vector<128xf32>
      %swap3A_79 = vector.shape_cast %mul3A_74 : vector<128xf32> to vector<1x128xf32>
      tpu.vector_store %arg8[%swap3A_75, %swap3A_76], %swap3A_79 {strides = array<i32>} : memref<1x128xf32, #tpu.memory_space<vmem>>, vector<1x128xf32>,
      %get3A_80 = arith.constant 0 : index
      %get3A_81 = arith.constant 0 : index
      %get3A_82 = vector.load %arg6[%get3A_80, %get3A_81] : memref<1x128xf32, #tpu.memory_space<vmem>>, vector<1x128xf32>
      %get3A_83 = vector.shape_cast %get3A_82 : vector<1x128xf32> to vector<128xf32>
      %mul3A_84 = arith.mulf %div3A_57, %mul3A_74 : vector<128xf32>
      %sub3A_85 = arith.subf %get3A_83, %mul3A_84 : vector<128xf32>
      %swap3A_86 = arith.constant 0 : index
      %swap3A_87 = arith.constant 0 : index
      %swap3A_88 = vector.load %arg9[%swap3A_86, %swap3A_87] : memref<1x128xf32, #tpu.memory_space<vmem>>, vector<1x128xf32>
      %swap3A_89 = vector.shape_cast %swap3A_88 : vector<1x128xf32> to vector<128xf32>
      %swap3A_90 = vector.shape_cast %sub3A_85 : vector<128xf32> to vector<1x128xf32>
      tpu.vector_store %arg9[%swap3A_86, %swap3A_87], %swap3A_90 {strides = array<i32>} : memref<1x128xf32, #tpu.memory_space<vmem>>, vector<1x128xf32>,
    } else {
    }
    return
  }
  func.func @transform_0(%arg0: i32) -> (i32, i32) {
    %c0_i32 = arith.constant 0 : i32
    %c0_i32_0 = arith.constant 0 : i32
    return %arg0, %c0_i32 : i32, i32
  }
  func.func @transform_1(%arg0: i32) -> (i32, i32) {
    %c0_i32 = arith.constant 0 : i32
    %c0_i32_0 = arith.constant 0 : i32
    return %arg0, %c0_i32 : i32, i32
  }
  func.func @transform_2(%arg0: i32) -> (i32, i32) {
    %c0_i32 = arith.constant 0 : i32
    %c0_i32_0 = arith.constant 0 : i32
    %c0_i32_1 = arith.constant 0 : i32
    return %c0_i32, %c0_i32_0 : i32, i32
  }
  func.func @transform_3(%arg0: i32) -> (i32, i32) {
    %c0_i32 = arith.constant 0 : i32
    %c0_i32_0 = arith.constant 0 : i32
    %c0_i32_1 = arith.constant 0 : i32
    return %c0_i32, %c0_i32_0 : i32, i32
  }
  func.func @transform_4(%arg0: i32) -> (i32, i32) {
    %c0_i32 = arith.constant 0 : i32
    %c0_i32_0 = arith.constant 0 : i32
    %c0_i32_1 = arith.constant 0 : i32
    return %c0_i32, %c0_i32_0 : i32, i32
  }
  func.func @transform_5(%arg0: i32) -> (i32, i32) {
    %c0_i32 = arith.constant 0 : i32
    %c0_i32_0 = arith.constant 0 : i32
    %c0_i32_1 = arith.constant 0 : i32
    return %c0_i32, %c0_i32_0 : i32, i32
  }
  func.func @transform_6(%arg0: i32) -> (i32, i32) {
    %c0_i32 = arith.constant 0 : i32
    %c0_i32_0 = arith.constant 0 : i32
    return %arg0, %c0_i32 : i32, i32
  }
  func.func @transform_7(%arg0: i32) -> (i32, i32) {
    %c0_i32 = arith.constant 0 : i32
    %c0_i32_0 = arith.constant 0 : i32
    %c0_i32_1 = arith.constant 0 : i32
    return %c0_i32, %c0_i32_0 : i32, i32
  }
  func.func @transform_8(%arg0: i32) -> (i32, i32) {
    %c0_i32 = arith.constant 0 : i32
    %c0_i32_0 = arith.constant 0 : i32
    %c0_i32_1 = arith.constant 0 : i32
    return %c0_i32, %c0_i32_0 : i32, i32
  }
}

module attributes {stable_mosaic.version = 14 : i64} {
  func.func @body(%arg0: i32, %arg1: memref<2048x128xf32, #tpu.memory_space<vmem>>, %arg2: memref<1x128xf32, #tpu.memory_space<vmem>>, %arg3: memref<1x128xf32, #tpu.memory_space<vmem>>, %arg4: memref<2048x128xf32, #tpu.memory_space<vmem>>) attributes {dimension_semantics = [#tpu.dimension_semantics<arbitrary>], iteration_bounds = array<i64: 8>, scalar_prefetch = 0 : i64, scratch_operands = 0 : i64, tpu.core_type = #tpu.core_type<tc>, window_params = [{transform_indices = @transform_0, window_bounds = array<i64: 2048, 128>}, {pipeline_mode = #tpu.pipeline_mode<synchronous>, transform_indices = @transform_1, window_bounds = array<i64: 1, 128>}, {pipeline_mode = #tpu.pipeline_mode<synchronous>, transform_indices = @transform_2, window_bounds = array<i64: 1, 128>}, {transform_indices = @transform_3, window_bounds = array<i64: 2048, 128>}]} {
    %get3A = arith.constant 0 : index
    %get3A_0 = arith.constant 0 : index
    %get3A_1 = vector.load %arg2[%get3A, %get3A_0] : memref<1x128xf32, #tpu.memory_space<vmem>>, vector<1x128xf32>
    %get3A_2 = vector.shape_cast %get3A_1 : vector<1x128xf32> to vector<128xf32>
    %get3A_3 = arith.constant 0 : index
    %get3A_4 = arith.constant 0 : index
    %get3A_5 = vector.load %arg1[%get3A_3, %get3A_4] : memref<2048x128xf32, #tpu.memory_space<vmem>>, vector<2048x128xf32>
    %broadcast_in_dim3A = vector.shape_cast %get3A_2 : vector<128xf32> to vector<1x128xf32>
    %mul3A = vector.broadcast %broadcast_in_dim3A : vector<1x128xf32> to vector<2048x128xf32>
    %mul3A_6 = arith.mulf %mul3A, %get3A_5 : vector<2048x128xf32>
    %get3A_7 = arith.constant 0 : index
    %get3A_8 = arith.constant 0 : index
    %get3A_9 = vector.load %arg3[%get3A_7, %get3A_8] : memref<1x128xf32, #tpu.memory_space<vmem>>, vector<1x128xf32>
    %get3A_10 = vector.shape_cast %get3A_9 : vector<1x128xf32> to vector<128xf32>
    %broadcast_in_dim3A_11 = vector.shape_cast %get3A_10 : vector<128xf32> to vector<1x128xf32>
    %add3A = vector.broadcast %broadcast_in_dim3A_11 : vector<1x128xf32> to vector<2048x128xf32>
    %add3A_12 = arith.addf %mul3A_6, %add3A : vector<2048x128xf32>
    %ge3A = arith.constant 0.000000e+00 : f32
    %ge3A_13 = vector.broadcast %ge3A : f32 to vector<2048x128xf32>
    %ge3A_14 = arith.cmpf oge, %add3A_12, %ge3A_13 : vector<2048x128xf32>
    %mul3A_15 = arith.constant 2.000000e-01 : f32
    %mul3A_16 = vector.broadcast %mul3A_15 : f32 to vector<2048x128xf32>
    %mul3A_17 = arith.mulf %mul3A_16, %add3A_12 : vector<2048x128xf32>
    %select_n3A = arith.select %ge3A_14, %add3A_12, %mul3A_17 : vector<2048x128xi1>, vector<2048x128xf32>
    %swap3A = arith.constant 0 : index
    %swap3A_18 = arith.constant 0 : index
    %swap3A_19 = vector.load %arg4[%swap3A, %swap3A_18] : memref<2048x128xf32, #tpu.memory_space<vmem>>, vector<2048x128xf32>
    tpu.vector_store %arg4[%swap3A, %swap3A_18], %select_n3A {strides = array<i32>} : memref<2048x128xf32, #tpu.memory_space<vmem>>, vector<2048x128xf32>,
    return
  }
  func.func @transform_0(%arg0: i32) -> (i32, i32) {
    %c0_i32 = arith.constant 0 : i32
    %c0_i32_0 = arith.constant 0 : i32
    return %arg0, %c0_i32 : i32, i32
  }
  func.func @transform_1(%arg0: i32) -> (i32, i32) {
    %c0_i32 = arith.constant 0 : i32
    %c0_i32_0 = arith.constant 0 : i32
    %c0_i32_1 = arith.constant 0 : i32
    return %c0_i32, %c0_i32_0 : i32, i32
  }
  func.func @transform_2(%arg0: i32) -> (i32, i32) {
    %c0_i32 = arith.constant 0 : i32
    %c0_i32_0 = arith.constant 0 : i32
    %c0_i32_1 = arith.constant 0 : i32
    return %c0_i32, %c0_i32_0 : i32, i32
  }
  func.func @transform_3(%arg0: i32) -> (i32, i32) {
    %c0_i32 = arith.constant 0 : i32
    %c0_i32_0 = arith.constant 0 : i32
    return %arg0, %c0_i32 : i32, i32
  }
}

module attributes {stable_mosaic.version = 14 : i64} {
  func.func @body(%arg0: i32, %arg1: memref<1x1024x128xf32, #tpu.memory_space<vmem>>, %arg2: memref<1x1024x24xi32, #tpu.memory_space<vmem>>, %arg3: memref<1024x1024xf32, #tpu.memory_space<vmem>>) attributes {dimension_semantics = [#tpu.dimension_semantics<arbitrary>], iteration_bounds = array<i64: 16>, scalar_prefetch = 0 : i64, scratch_operands = 1 : i64, tpu.core_type = #tpu.core_type<tc>, window_params = [{transform_indices = @transform_0, window_bounds = array<i64: 1, 1024, 128>}, {transform_indices = @transform_1, window_bounds = array<i64: 1, 1024, 24>}]} {
    %get3A = arith.constant 0 : index
    %get3A_0 = arith.constant 0 : index
    %get3A_1 = arith.constant 0 : index
    %get3A_2 = vector.load %arg1[%get3A, %get3A_0, %get3A_1] : memref<1x1024x128xf32, #tpu.memory_space<vmem>>, vector<1x1024x128xf32>
    %get3A_3 = vector.shape_cast %get3A_2 : vector<1x1024x128xf32> to vector<1024x128xf32>
    %dot_general3A = arith.constant dense<0.000000e+00> : vector<1024x1024xf32>
    %dot_general3A_4 = tpu.matmul %get3A_3, %get3A_3, %dot_general3A {dimension_numbers = #tpu.dot_dimension_numbers<[1], [1], [0], [0], [0, 0, 1, 0], [], []>, transpose_lhs_hint = false} : vector<1024x128xf32>, vector<1024x128xf32>, vector<1024x1024xf32> -> vector<1024x1024xf32>
    %mul3A = arith.mulf %get3A_3, %get3A_3 : vector<1024x128xf32>
    %reduce_sum3A = arith.constant dense<0.000000e+00> : vector<1024xf32>
    %reduce_sum3A_5 = vector.multi_reduction <add>, %mul3A, %reduce_sum3A [1] : vector<1024x128xf32> to vector<1024xf32>
    %mul3A_6 = arith.constant -2.000000e+00 : f32
    %mul3A_7 = vector.broadcast %mul3A_6 : f32 to vector<1024x1024xf32>
    %mul3A_8 = arith.mulf %mul3A_7, %dot_general3A_4 : vector<1024x1024xf32>
    %broadcast_in_dim3A = vector.shape_cast %reduce_sum3A_5 : vector<1024xf32> to vector<1024x1xf32>
    %neg3A = arith.constant 0.000000e+00 : f32
    %neg3A_9 = vector.broadcast %neg3A : f32 to vector<1024x1xf32>
    %neg3A_10 = arith.subf %neg3A_9, %broadcast_in_dim3A : vector<1024x1xf32>
    %sub3A = vector.broadcast %neg3A_10 : vector<1024x1xf32> to vector<1024x1024xf32>
    %sub3A_11 = arith.subf %sub3A, %mul3A_8 : vector<1024x1024xf32>
    %broadcast_in_dim3A_12 = vector.shape_cast %reduce_sum3A_5 : vector<1024xf32> to vector<1x1024xf32>
    %sub3A_13 = vector.broadcast %broadcast_in_dim3A_12 : vector<1x1024xf32> to vector<1024x1024xf32>
    %sub3A_14 = arith.subf %sub3A_11, %sub3A_13 : vector<1024x1024xf32>
    %swap3A = arith.constant 0 : index
    %swap3A_15 = arith.constant 0 : index
    %swap3A_16 = vector.load %arg3[%swap3A, %swap3A_15] : memref<1024x1024xf32, #tpu.memory_space<vmem>>, vector<1024x1024xf32>
    tpu.vector_store %arg3[%swap3A, %swap3A_15], %sub3A_14 {strides = array<i32>} : memref<1024x1024xf32, #tpu.memory_space<vmem>>, vector<1024x1024xf32>,
    %iota3A = tpu.iota {dimensions = array<i32: 1>} : vector<1024x1024xi32>
    %get3A_17 = arith.constant 0 : index
    %get3A_18 = arith.constant 0 : index
    %get3A_19 = vector.load %arg3[%get3A_17, %get3A_18] : memref<1024x1024xf32, #tpu.memory_space<vmem>>, vector<1024x1024xf32>
    %reduce_max3A = arith.constant dense<0xFF800000> : vector<1024xf32>
    %reduce_max3A_20 = vector.multi_reduction <maximumf>, %get3A_19, %reduce_max3A [1] : vector<1024x1024xf32> to vector<1024xf32>
    %broadcast_in_dim3A_21 = vector.shape_cast %reduce_max3A_20 : vector<1024xf32> to vector<1024x1xf32>
    %eq3A = vector.broadcast %broadcast_in_dim3A_21 : vector<1024x1xf32> to vector<1024x1024xf32>
    %eq3A_22 = arith.cmpf oeq, %get3A_19, %eq3A : vector<1024x1024xf32>
    %jit3A = arith.constant 1073741824 : i32
    %broadcast_in_dim3A_23 = vector.broadcast %jit3A : i32 to vector<1024x1024xi32>
    %select_n3A = arith.select %eq3A_22, %iota3A, %broadcast_in_dim3A_23 : vector<1024x1024xi1>, vector<1024x1024xi32>
    %reduce_min3A = arith.constant dense<2147483647> : vector<1024xi32>
    %reduce_min3A_24 = vector.multi_reduction <minsi>, %select_n3A, %reduce_min3A [1] : vector<1024x1024xi32> to vector<1024xi32>
    %mul3A_25 = arith.constant 1024 : i32
    %mul3A_26 = arith.muli %arg0, %mul3A_25 : i32
    %add3A = vector.broadcast %mul3A_26 : i32 to vector<1024xi32>
    %add3A_27 = arith.addi %reduce_min3A_24, %add3A : vector<1024xi32>
    %swap3A_28 = arith.constant 0 : index
    %swap3A_29 = arith.constant 0 : index
    %swap3A_30 = arith.constant 0 : index
    %swap3A_31 = vector.load %arg2[%swap3A_28, %swap3A_29, %swap3A_30] : memref<1x1024x24xi32, #tpu.memory_space<vmem>>, vector<1x1024x1xi32>
    %swap3A_32 = vector.shape_cast %swap3A_31 : vector<1x1024x1xi32> to vector<1024xi32>
    %swap3A_33 = vector.shape_cast %add3A_27 : vector<1024xi32> to vector<1x1024x1xi32>
    tpu.vector_store %arg2[%swap3A_28, %swap3A_29, %swap3A_30], %swap3A_33 {strides = array<i32>} : memref<1x1024x24xi32, #tpu.memory_space<vmem>>, vector<1x1024x1xi32>,
    %broadcast_in_dim3A_34 = vector.shape_cast %reduce_min3A_24 : vector<1024xi32> to vector<1024x1xi32>
    %eq3A_35 = vector.broadcast %broadcast_in_dim3A_34 : vector<1024x1xi32> to vector<1024x1024xi32>
    %eq3A_36 = arith.cmpi eq, %iota3A, %eq3A_35 : vector<1024x1024xi32>
    %jit3A_37 = arith.constant 0xFF800000 : f32
    %broadcast_in_dim3A_38 = vector.broadcast %jit3A_37 : f32 to vector<1024x1024xf32>
    %select_n3A_39 = arith.select %eq3A_36, %broadcast_in_dim3A_38, %get3A_19 : vector<1024x1024xi1>, vector<1024x1024xf32>
    %swap3A_40 = arith.constant 0 : index
    %swap3A_41 = arith.constant 0 : index
    %swap3A_42 = vector.load %arg3[%swap3A_40, %swap3A_41] : memref<1024x1024xf32, #tpu.memory_space<vmem>>, vector<1024x1024xf32>
    tpu.vector_store %arg3[%swap3A_40, %swap3A_41], %select_n3A_39 {strides = array<i32>} : memref<1024x1024xf32, #tpu.memory_space<vmem>>, vector<1024x1024xf32>,
    %get3A_43 = arith.constant 0 : index
    %get3A_44 = arith.constant 0 : index
    %get3A_45 = vector.load %arg3[%get3A_43, %get3A_44] : memref<1024x1024xf32, #tpu.memory_space<vmem>>, vector<1024x1024xf32>
    %reduce_max3A_46 = arith.constant dense<0xFF800000> : vector<1024xf32>
    %reduce_max3A_47 = vector.multi_reduction <maximumf>, %get3A_45, %reduce_max3A_46 [1] : vector<1024x1024xf32> to vector<1024xf32>
    %broadcast_in_dim3A_48 = vector.shape_cast %reduce_max3A_47 : vector<1024xf32> to vector<1024x1xf32>
    %eq3A_49 = vector.broadcast %broadcast_in_dim3A_48 : vector<1024x1xf32> to vector<1024x1024xf32>
    %eq3A_50 = arith.cmpf oeq, %get3A_45, %eq3A_49 : vector<1024x1024xf32>
    %jit3A_51 = arith.constant 1073741824 : i32
    %broadcast_in_dim3A_52 = vector.broadcast %jit3A_51 : i32 to vector<1024x1024xi32>
    %select_n3A_53 = arith.select %eq3A_50, %iota3A, %broadcast_in_dim3A_52 : vector<1024x1024xi1>, vector<1024x1024xi32>
    %reduce_min3A_54 = arith.constant dense<2147483647> : vector<1024xi32>
    %reduce_min3A_55 = vector.multi_reduction <minsi>, %select_n3A_53, %reduce_min3A_54 [1] : vector<1024x1024xi32> to vector<1024xi32>
    %mul3A_56 = arith.constant 1024 : i32
    %mul3A_57 = arith.muli %arg0, %mul3A_56 : i32
    %add3A_58 = vector.broadcast %mul3A_57 : i32 to vector<1024xi32>
    %add3A_59 = arith.addi %reduce_min3A_55, %add3A_58 : vector<1024xi32>
    %swap3A_60 = arith.constant 0 : index
    %swap3A_61 = arith.constant 0 : index
    %swap3A_62 = arith.constant 1 : index
    %swap3A_63 = vector.load %arg2[%swap3A_60, %swap3A_61, %swap3A_62] : memref<1x1024x24xi32, #tpu.memory_space<vmem>>, vector<1x1024x1xi32>
    %swap3A_64 = vector.shape_cast %swap3A_63 : vector<1x1024x1xi32> to vector<1024xi32>
    %swap3A_65 = vector.shape_cast %add3A_59 : vector<1024xi32> to vector<1x1024x1xi32>
    tpu.vector_store %arg2[%swap3A_60, %swap3A_61, %swap3A_62], %swap3A_65 {strides = array<i32>} : memref<1x1024x24xi32, #tpu.memory_space<vmem>>, vector<1x1024x1xi32>,
    %broadcast_in_dim3A_66 = vector.shape_cast %reduce_min3A_55 : vector<1024xi32> to vector<1024x1xi32>
    %eq3A_67 = vector.broadcast %broadcast_in_dim3A_66 : vector<1024x1xi32> to vector<1024x1024xi32>
    %eq3A_68 = arith.cmpi eq, %iota3A, %eq3A_67 : vector<1024x1024xi32>
    %jit3A_69 = arith.constant 0xFF800000 : f32
    %broadcast_in_dim3A_70 = vector.broadcast %jit3A_69 : f32 to vector<1024x1024xf32>
    %select_n3A_71 = arith.select %eq3A_68, %broadcast_in_dim3A_70, %get3A_45 : vector<1024x1024xi1>, vector<1024x1024xf32>
    %swap3A_72 = arith.constant 0 : index
    %swap3A_73 = arith.constant 0 : index
    %swap3A_74 = vector.load %arg3[%swap3A_72, %swap3A_73] : memref<1024x1024xf32, #tpu.memory_space<vmem>>, vector<1024x1024xf32>
    tpu.vector_store %arg3[%swap3A_72, %swap3A_73], %select_n3A_71 {strides = array<i32>} : memref<1024x1024xf32, #tpu.memory_space<vmem>>, vector<1024x1024xf32>,
    %get3A_75 = arith.constant 0 : index
    %get3A_76 = arith.constant 0 : index
    %get3A_77 = vector.load %arg3[%get3A_75, %get3A_76] : memref<1024x1024xf32, #tpu.memory_space<vmem>>, vector<1024x1024xf32>
    %reduce_max3A_78 = arith.constant dense<0xFF800000> : vector<1024xf32>
    %reduce_max3A_79 = vector.multi_reduction <maximumf>, %get3A_77, %reduce_max3A_78 [1] : vector<1024x1024xf32> to vector<1024xf32>
    %broadcast_in_dim3A_80 = vector.shape_cast %reduce_max3A_79 : vector<1024xf32> to vector<1024x1xf32>
    %eq3A_81 = vector.broadcast %broadcast_in_dim3A_80 : vector<1024x1xf32> to vector<1024x1024xf32>
    %eq3A_82 = arith.cmpf oeq, %get3A_77, %eq3A_81 : vector<1024x1024xf32>
    %jit3A_83 = arith.constant 1073741824 : i32
    %broadcast_in_dim3A_84 = vector.broadcast %jit3A_83 : i32 to vector<1024x1024xi32>
    %select_n3A_85 = arith.select %eq3A_82, %iota3A, %broadcast_in_dim3A_84 : vector<1024x1024xi1>, vector<1024x1024xi32>
    %reduce_min3A_86 = arith.constant dense<2147483647> : vector<1024xi32>
    %reduce_min3A_87 = vector.multi_reduction <minsi>, %select_n3A_85, %reduce_min3A_86 [1] : vector<1024x1024xi32> to vector<1024xi32>
    %mul3A_88 = arith.constant 1024 : i32
    %mul3A_89 = arith.muli %arg0, %mul3A_88 : i32
    %add3A_90 = vector.broadcast %mul3A_89 : i32 to vector<1024xi32>
    %add3A_91 = arith.addi %reduce_min3A_87, %add3A_90 : vector<1024xi32>
    %swap3A_92 = arith.constant 0 : index
    %swap3A_93 = arith.constant 0 : index
    %swap3A_94 = arith.constant 2 : index
    %swap3A_95 = vector.load %arg2[%swap3A_92, %swap3A_93, %swap3A_94] : memref<1x1024x24xi32, #tpu.memory_space<vmem>>, vector<1x1024x1xi32>
    %swap3A_96 = vector.shape_cast %swap3A_95 : vector<1x1024x1xi32> to vector<1024xi32>
    %swap3A_97 = vector.shape_cast %add3A_91 : vector<1024xi32> to vector<1x1024x1xi32>
    tpu.vector_store %arg2[%swap3A_92, %swap3A_93, %swap3A_94], %swap3A_97 {strides = array<i32>} : memref<1x1024x24xi32, #tpu.memory_space<vmem>>, vector<1x1024x1xi32>,
    %broadcast_in_dim3A_98 = vector.shape_cast %reduce_min3A_87 : vector<1024xi32> to vector<1024x1xi32>
    %eq3A_99 = vector.broadcast %broadcast_in_dim3A_98 : vector<1024x1xi32> to vector<1024x1024xi32>
    %eq3A_100 = arith.cmpi eq, %iota3A, %eq3A_99 : vector<1024x1024xi32>
    %jit3A_101 = arith.constant 0xFF800000 : f32
    %broadcast_in_dim3A_102 = vector.broadcast %jit3A_101 : f32 to vector<1024x1024xf32>
    %select_n3A_103 = arith.select %eq3A_100, %broadcast_in_dim3A_102, %get3A_77 : vector<1024x1024xi1>, vector<1024x1024xf32>
    %swap3A_104 = arith.constant 0 : index
    %swap3A_105 = arith.constant 0 : index
    %swap3A_106 = vector.load %arg3[%swap3A_104, %swap3A_105] : memref<1024x1024xf32, #tpu.memory_space<vmem>>, vector<1024x1024xf32>
    tpu.vector_store %arg3[%swap3A_104, %swap3A_105], %select_n3A_103 {strides = array<i32>} : memref<1024x1024xf32, #tpu.memory_space<vmem>>, vector<1024x1024xf32>,
    %get3A_107 = arith.constant 0 : index
    %get3A_108 = arith.constant 0 : index
    %get3A_109 = vector.load %arg3[%get3A_107, %get3A_108] : memref<1024x1024xf32, #tpu.memory_space<vmem>>, vector<1024x1024xf32>
    %reduce_max3A_110 = arith.constant dense<0xFF800000> : vector<1024xf32>
    %reduce_max3A_111 = vector.multi_reduction <maximumf>, %get3A_109, %reduce_max3A_110 [1] : vector<1024x1024xf32> to vector<1024xf32>
    %broadcast_in_dim3A_112 = vector.shape_cast %reduce_max3A_111 : vector<1024xf32> to vector<1024x1xf32>
    %eq3A_113 = vector.broadcast %broadcast_in_dim3A_112 : vector<1024x1xf32> to vector<1024x1024xf32>
    %eq3A_114 = arith.cmpf oeq, %get3A_109, %eq3A_113 : vector<1024x1024xf32>
    %jit3A_115 = arith.constant 1073741824 : i32
    %broadcast_in_dim3A_116 = vector.broadcast %jit3A_115 : i32 to vector<1024x1024xi32>
    %select_n3A_117 = arith.select %eq3A_114, %iota3A, %broadcast_in_dim3A_116 : vector<1024x1024xi1>, vector<1024x1024xi32>
    %reduce_min3A_118 = arith.constant dense<2147483647> : vector<1024xi32>
    %reduce_min3A_119 = vector.multi_reduction <minsi>, %select_n3A_117, %reduce_min3A_118 [1] : vector<1024x1024xi32> to vector<1024xi32>
    %mul3A_120 = arith.constant 1024 : i32
    %mul3A_121 = arith.muli %arg0, %mul3A_120 : i32
    %add3A_122 = vector.broadcast %mul3A_121 : i32 to vector<1024xi32>
    %add3A_123 = arith.addi %reduce_min3A_119, %add3A_122 : vector<1024xi32>
    %swap3A_124 = arith.constant 0 : index
    %swap3A_125 = arith.constant 0 : index
    %swap3A_126 = arith.constant 3 : index
    %swap3A_127 = vector.load %arg2[%swap3A_124, %swap3A_125, %swap3A_126] : memref<1x1024x24xi32, #tpu.memory_space<vmem>>, vector<1x1024x1xi32>
    %swap3A_128 = vector.shape_cast %swap3A_127 : vector<1x1024x1xi32> to vector<1024xi32>
    %swap3A_129 = vector.shape_cast %add3A_123 : vector<1024xi32> to vector<1x1024x1xi32>
    tpu.vector_store %arg2[%swap3A_124, %swap3A_125, %swap3A_126], %swap3A_129 {strides = array<i32>} : memref<1x1024x24xi32, #tpu.memory_space<vmem>>, vector<1x1024x1xi32>,
    %broadcast_in_dim3A_130 = vector.shape_cast %reduce_min3A_119 : vector<1024xi32> to vector<1024x1xi32>
    %eq3A_131 = vector.broadcast %broadcast_in_dim3A_130 : vector<1024x1xi32> to vector<1024x1024xi32>
    %eq3A_132 = arith.cmpi eq, %iota3A, %eq3A_131 : vector<1024x1024xi32>
    %jit3A_133 = arith.constant 0xFF800000 : f32
    %broadcast_in_dim3A_134 = vector.broadcast %jit3A_133 : f32 to vector<1024x1024xf32>
    %select_n3A_135 = arith.select %eq3A_132, %broadcast_in_dim3A_134, %get3A_109 : vector<1024x1024xi1>, vector<1024x1024xf32>
    %swap3A_136 = arith.constant 0 : index
    %swap3A_137 = arith.constant 0 : index
    %swap3A_138 = vector.load %arg3[%swap3A_136, %swap3A_137] : memref<1024x1024xf32, #tpu.memory_space<vmem>>, vector<1024x1024xf32>
    tpu.vector_store %arg3[%swap3A_136, %swap3A_137], %select_n3A_135 {strides = array<i32>} : memref<1024x1024xf32, #tpu.memory_space<vmem>>, vector<1024x1024xf32>,
    %get3A_139 = arith.constant 0 : index
    %get3A_140 = arith.constant 0 : index
    %get3A_141 = vector.load %arg3[%get3A_139, %get3A_140] : memref<1024x1024xf32, #tpu.memory_space<vmem>>, vector<1024x1024xf32>
    %reduce_max3A_142 = arith.constant dense<0xFF800000> : vector<1024xf32>
    %reduce_max3A_143 = vector.multi_reduction <maximumf>, %get3A_141, %reduce_max3A_142 [1] : vector<1024x1024xf32> to vector<1024xf32>
    %broadcast_in_dim3A_144 = vector.shape_cast %reduce_max3A_143 : vector<1024xf32> to vector<1024x1xf32>
    %eq3A_145 = vector.broadcast %broadcast_in_dim3A_144 : vector<1024x1xf32> to vector<1024x1024xf32>
    %eq3A_146 = arith.cmpf oeq, %get3A_141, %eq3A_145 : vector<1024x1024xf32>
    %jit3A_147 = arith.constant 1073741824 : i32
    %broadcast_in_dim3A_148 = vector.broadcast %jit3A_147 : i32 to vector<1024x1024xi32>
    %select_n3A_149 = arith.select %eq3A_146, %iota3A, %broadcast_in_dim3A_148 : vector<1024x1024xi1>, vector<1024x1024xi32>
    %reduce_min3A_150 = arith.constant dense<2147483647> : vector<1024xi32>
    %reduce_min3A_151 = vector.multi_reduction <minsi>, %select_n3A_149, %reduce_min3A_150 [1] : vector<1024x1024xi32> to vector<1024xi32>
    %mul3A_152 = arith.constant 1024 : i32
    %mul3A_153 = arith.muli %arg0, %mul3A_152 : i32
    %add3A_154 = vector.broadcast %mul3A_153 : i32 to vector<1024xi32>
    %add3A_155 = arith.addi %reduce_min3A_151, %add3A_154 : vector<1024xi32>
    %swap3A_156 = arith.constant 0 : index
    %swap3A_157 = arith.constant 0 : index
    %swap3A_158 = arith.constant 4 : index
    %swap3A_159 = vector.load %arg2[%swap3A_156, %swap3A_157, %swap3A_158] : memref<1x1024x24xi32, #tpu.memory_space<vmem>>, vector<1x1024x1xi32>
    %swap3A_160 = vector.shape_cast %swap3A_159 : vector<1x1024x1xi32> to vector<1024xi32>
    %swap3A_161 = vector.shape_cast %add3A_155 : vector<1024xi32> to vector<1x1024x1xi32>
    tpu.vector_store %arg2[%swap3A_156, %swap3A_157, %swap3A_158], %swap3A_161 {strides = array<i32>} : memref<1x1024x24xi32, #tpu.memory_space<vmem>>, vector<1x1024x1xi32>,
    %broadcast_in_dim3A_162 = vector.shape_cast %reduce_min3A_151 : vector<1024xi32> to vector<1024x1xi32>
    %eq3A_163 = vector.broadcast %broadcast_in_dim3A_162 : vector<1024x1xi32> to vector<1024x1024xi32>
    %eq3A_164 = arith.cmpi eq, %iota3A, %eq3A_163 : vector<1024x1024xi32>
    %jit3A_165 = arith.constant 0xFF800000 : f32
    %broadcast_in_dim3A_166 = vector.broadcast %jit3A_165 : f32 to vector<1024x1024xf32>
    %select_n3A_167 = arith.select %eq3A_164, %broadcast_in_dim3A_166, %get3A_141 : vector<1024x1024xi1>, vector<1024x1024xf32>
    %swap3A_168 = arith.constant 0 : index
    %swap3A_169 = arith.constant 0 : index
    %swap3A_170 = vector.load %arg3[%swap3A_168, %swap3A_169] : memref<1024x1024xf32, #tpu.memory_space<vmem>>, vector<1024x1024xf32>
    tpu.vector_store %arg3[%swap3A_168, %swap3A_169], %select_n3A_167 {strides = array<i32>} : memref<1024x1024xf32, #tpu.memory_space<vmem>>, vector<1024x1024xf32>,
    %get3A_171 = arith.constant 0 : index
    %get3A_172 = arith.constant 0 : index
    %get3A_173 = vector.load %arg3[%get3A_171, %get3A_172] : memref<1024x1024xf32, #tpu.memory_space<vmem>>, vector<1024x1024xf32>
    %reduce_max3A_174 = arith.constant dense<0xFF800000> : vector<1024xf32>
    %reduce_max3A_175 = vector.multi_reduction <maximumf>, %get3A_173, %reduce_max3A_174 [1] : vector<1024x1024xf32> to vector<1024xf32>
    %broadcast_in_dim3A_176 = vector.shape_cast %reduce_max3A_175 : vector<1024xf32> to vector<1024x1xf32>
    %eq3A_177 = vector.broadcast %broadcast_in_dim3A_176 : vector<1024x1xf32> to vector<1024x1024xf32>
    %eq3A_178 = arith.cmpf oeq, %get3A_173, %eq3A_177 : vector<1024x1024xf32>
    %jit3A_179 = arith.constant 1073741824 : i32
    %broadcast_in_dim3A_180 = vector.broadcast %jit3A_179 : i32 to vector<1024x1024xi32>
    %select_n3A_181 = arith.select %eq3A_178, %iota3A, %broadcast_in_dim3A_180 : vector<1024x1024xi1>, vector<1024x1024xi32>
    %reduce_min3A_182 = arith.constant dense<2147483647> : vector<1024xi32>
    %reduce_min3A_183 = vector.multi_reduction <minsi>, %select_n3A_181, %reduce_min3A_182 [1] : vector<1024x1024xi32> to vector<1024xi32>
    %mul3A_184 = arith.constant 1024 : i32
    %mul3A_185 = arith.muli %arg0, %mul3A_184 : i32
    %add3A_186 = vector.broadcast %mul3A_185 : i32 to vector<1024xi32>
    %add3A_187 = arith.addi %reduce_min3A_183, %add3A_186 : vector<1024xi32>
    %swap3A_188 = arith.constant 0 : index
    %swap3A_189 = arith.constant 0 : index
    %swap3A_190 = arith.constant 5 : index
    %swap3A_191 = vector.load %arg2[%swap3A_188, %swap3A_189, %swap3A_190] : memref<1x1024x24xi32, #tpu.memory_space<vmem>>, vector<1x1024x1xi32>
    %swap3A_192 = vector.shape_cast %swap3A_191 : vector<1x1024x1xi32> to vector<1024xi32>
    %swap3A_193 = vector.shape_cast %add3A_187 : vector<1024xi32> to vector<1x1024x1xi32>
    tpu.vector_store %arg2[%swap3A_188, %swap3A_189, %swap3A_190], %swap3A_193 {strides = array<i32>} : memref<1x1024x24xi32, #tpu.memory_space<vmem>>, vector<1x1024x1xi32>,
    %broadcast_in_dim3A_194 = vector.shape_cast %reduce_min3A_183 : vector<1024xi32> to vector<1024x1xi32>
    %eq3A_195 = vector.broadcast %broadcast_in_dim3A_194 : vector<1024x1xi32> to vector<1024x1024xi32>
    %eq3A_196 = arith.cmpi eq, %iota3A, %eq3A_195 : vector<1024x1024xi32>
    %jit3A_197 = arith.constant 0xFF800000 : f32
    %broadcast_in_dim3A_198 = vector.broadcast %jit3A_197 : f32 to vector<1024x1024xf32>
    %select_n3A_199 = arith.select %eq3A_196, %broadcast_in_dim3A_198, %get3A_173 : vector<1024x1024xi1>, vector<1024x1024xf32>
    %swap3A_200 = arith.constant 0 : index
    %swap3A_201 = arith.constant 0 : index
    %swap3A_202 = vector.load %arg3[%swap3A_200, %swap3A_201] : memref<1024x1024xf32, #tpu.memory_space<vmem>>, vector<1024x1024xf32>
    tpu.vector_store %arg3[%swap3A_200, %swap3A_201], %select_n3A_199 {strides = array<i32>} : memref<1024x1024xf32, #tpu.memory_space<vmem>>, vector<1024x1024xf32>,
    %get3A_203 = arith.constant 0 : index
    %get3A_204 = arith.constant 0 : index
    %get3A_205 = vector.load %arg3[%get3A_203, %get3A_204] : memref<1024x1024xf32, #tpu.memory_space<vmem>>, vector<1024x1024xf32>
    %reduce_max3A_206 = arith.constant dense<0xFF800000> : vector<1024xf32>
    %reduce_max3A_207 = vector.multi_reduction <maximumf>, %get3A_205, %reduce_max3A_206 [1] : vector<1024x1024xf32> to vector<1024xf32>
    %broadcast_in_dim3A_208 = vector.shape_cast %reduce_max3A_207 : vector<1024xf32> to vector<1024x1xf32>
    %eq3A_209 = vector.broadcast %broadcast_in_dim3A_208 : vector<1024x1xf32> to vector<1024x1024xf32>
    %eq3A_210 = arith.cmpf oeq, %get3A_205, %eq3A_209 : vector<1024x1024xf32>
    %jit3A_211 = arith.constant 1073741824 : i32
    %broadcast_in_dim3A_212 = vector.broadcast %jit3A_211 : i32 to vector<1024x1024xi32>
    %select_n3A_213 = arith.select %eq3A_210, %iota3A, %broadcast_in_dim3A_212 : vector<1024x1024xi1>, vector<1024x1024xi32>
    %reduce_min3A_214 = arith.constant dense<2147483647> : vector<1024xi32>
    %reduce_min3A_215 = vector.multi_reduction <minsi>, %select_n3A_213, %reduce_min3A_214 [1] : vector<1024x1024xi32> to vector<1024xi32>
    %mul3A_216 = arith.constant 1024 : i32
    %mul3A_217 = arith.muli %arg0, %mul3A_216 : i32
    %add3A_218 = vector.broadcast %mul3A_217 : i32 to vector<1024xi32>
    %add3A_219 = arith.addi %reduce_min3A_215, %add3A_218 : vector<1024xi32>
    %swap3A_220 = arith.constant 0 : index
    %swap3A_221 = arith.constant 0 : index
    %swap3A_222 = arith.constant 6 : index
    %swap3A_223 = vector.load %arg2[%swap3A_220, %swap3A_221, %swap3A_222] : memref<1x1024x24xi32, #tpu.memory_space<vmem>>, vector<1x1024x1xi32>
    %swap3A_224 = vector.shape_cast %swap3A_223 : vector<1x1024x1xi32> to vector<1024xi32>
    %swap3A_225 = vector.shape_cast %add3A_219 : vector<1024xi32> to vector<1x1024x1xi32>
    tpu.vector_store %arg2[%swap3A_220, %swap3A_221, %swap3A_222], %swap3A_225 {strides = array<i32>} : memref<1x1024x24xi32, #tpu.memory_space<vmem>>, vector<1x1024x1xi32>,
    %broadcast_in_dim3A_226 = vector.shape_cast %reduce_min3A_215 : vector<1024xi32> to vector<1024x1xi32>
    %eq3A_227 = vector.broadcast %broadcast_in_dim3A_226 : vector<1024x1xi32> to vector<1024x1024xi32>
    %eq3A_228 = arith.cmpi eq, %iota3A, %eq3A_227 : vector<1024x1024xi32>
    %jit3A_229 = arith.constant 0xFF800000 : f32
    %broadcast_in_dim3A_230 = vector.broadcast %jit3A_229 : f32 to vector<1024x1024xf32>
    %select_n3A_231 = arith.select %eq3A_228, %broadcast_in_dim3A_230, %get3A_205 : vector<1024x1024xi1>, vector<1024x1024xf32>
    %swap3A_232 = arith.constant 0 : index
    %swap3A_233 = arith.constant 0 : index
    %swap3A_234 = vector.load %arg3[%swap3A_232, %swap3A_233] : memref<1024x1024xf32, #tpu.memory_space<vmem>>, vector<1024x1024xf32>
    tpu.vector_store %arg3[%swap3A_232, %swap3A_233], %select_n3A_231 {strides = array<i32>} : memref<1024x1024xf32, #tpu.memory_space<vmem>>, vector<1024x1024xf32>,
    %get3A_235 = arith.constant 0 : index
    %get3A_236 = arith.constant 0 : index
    %get3A_237 = vector.load %arg3[%get3A_235, %get3A_236] : memref<1024x1024xf32, #tpu.memory_space<vmem>>, vector<1024x1024xf32>
    %reduce_max3A_238 = arith.constant dense<0xFF800000> : vector<1024xf32>
    %reduce_max3A_239 = vector.multi_reduction <maximumf>, %get3A_237, %reduce_max3A_238 [1] : vector<1024x1024xf32> to vector<1024xf32>
    %broadcast_in_dim3A_240 = vector.shape_cast %reduce_max3A_239 : vector<1024xf32> to vector<1024x1xf32>
    %eq3A_241 = vector.broadcast %broadcast_in_dim3A_240 : vector<1024x1xf32> to vector<1024x1024xf32>
    %eq3A_242 = arith.cmpf oeq, %get3A_237, %eq3A_241 : vector<1024x1024xf32>
    %jit3A_243 = arith.constant 1073741824 : i32
    %broadcast_in_dim3A_244 = vector.broadcast %jit3A_243 : i32 to vector<1024x1024xi32>
    %select_n3A_245 = arith.select %eq3A_242, %iota3A, %broadcast_in_dim3A_244 : vector<1024x1024xi1>, vector<1024x1024xi32>
    %reduce_min3A_246 = arith.constant dense<2147483647> : vector<1024xi32>
    %reduce_min3A_247 = vector.multi_reduction <minsi>, %select_n3A_245, %reduce_min3A_246 [1] : vector<1024x1024xi32> to vector<1024xi32>
    %mul3A_248 = arith.constant 1024 : i32
    %mul3A_249 = arith.muli %arg0, %mul3A_248 : i32
    %add3A_250 = vector.broadcast %mul3A_249 : i32 to vector<1024xi32>
    %add3A_251 = arith.addi %reduce_min3A_247, %add3A_250 : vector<1024xi32>
    %swap3A_252 = arith.constant 0 : index
    %swap3A_253 = arith.constant 0 : index
    %swap3A_254 = arith.constant 7 : index
    %swap3A_255 = vector.load %arg2[%swap3A_252, %swap3A_253, %swap3A_254] : memref<1x1024x24xi32, #tpu.memory_space<vmem>>, vector<1x1024x1xi32>
    %swap3A_256 = vector.shape_cast %swap3A_255 : vector<1x1024x1xi32> to vector<1024xi32>
    %swap3A_257 = vector.shape_cast %add3A_251 : vector<1024xi32> to vector<1x1024x1xi32>
    tpu.vector_store %arg2[%swap3A_252, %swap3A_253, %swap3A_254], %swap3A_257 {strides = array<i32>} : memref<1x1024x24xi32, #tpu.memory_space<vmem>>, vector<1x1024x1xi32>,
    %broadcast_in_dim3A_258 = vector.shape_cast %reduce_min3A_247 : vector<1024xi32> to vector<1024x1xi32>
    %eq3A_259 = vector.broadcast %broadcast_in_dim3A_258 : vector<1024x1xi32> to vector<1024x1024xi32>
    %eq3A_260 = arith.cmpi eq, %iota3A, %eq3A_259 : vector<1024x1024xi32>
    %jit3A_261 = arith.constant 0xFF800000 : f32
    %broadcast_in_dim3A_262 = vector.broadcast %jit3A_261 : f32 to vector<1024x1024xf32>
    %select_n3A_263 = arith.select %eq3A_260, %broadcast_in_dim3A_262, %get3A_237 : vector<1024x1024xi1>, vector<1024x1024xf32>
    %swap3A_264 = arith.constant 0 : index
    %swap3A_265 = arith.constant 0 : index
    %swap3A_266 = vector.load %arg3[%swap3A_264, %swap3A_265] : memref<1024x1024xf32, #tpu.memory_space<vmem>>, vector<1024x1024xf32>
    tpu.vector_store %arg3[%swap3A_264, %swap3A_265], %select_n3A_263 {strides = array<i32>} : memref<1024x1024xf32, #tpu.memory_space<vmem>>, vector<1024x1024xf32>,
    %get3A_267 = arith.constant 0 : index
    %get3A_268 = arith.constant 0 : index
    %get3A_269 = vector.load %arg3[%get3A_267, %get3A_268] : memref<1024x1024xf32, #tpu.memory_space<vmem>>, vector<1024x1024xf32>
    %reduce_max3A_270 = arith.constant dense<0xFF800000> : vector<1024xf32>
    %reduce_max3A_271 = vector.multi_reduction <maximumf>, %get3A_269, %reduce_max3A_270 [1] : vector<1024x1024xf32> to vector<1024xf32>
    %broadcast_in_dim3A_272 = vector.shape_cast %reduce_max3A_271 : vector<1024xf32> to vector<1024x1xf32>
    %eq3A_273 = vector.broadcast %broadcast_in_dim3A_272 : vector<1024x1xf32> to vector<1024x1024xf32>
    %eq3A_274 = arith.cmpf oeq, %get3A_269, %eq3A_273 : vector<1024x1024xf32>
    %jit3A_275 = arith.constant 1073741824 : i32
    %broadcast_in_dim3A_276 = vector.broadcast %jit3A_275 : i32 to vector<1024x1024xi32>
    %select_n3A_277 = arith.select %eq3A_274, %iota3A, %broadcast_in_dim3A_276 : vector<1024x1024xi1>, vector<1024x1024xi32>
    %reduce_min3A_278 = arith.constant dense<2147483647> : vector<1024xi32>
    %reduce_min3A_279 = vector.multi_reduction <minsi>, %select_n3A_277, %reduce_min3A_278 [1] : vector<1024x1024xi32> to vector<1024xi32>
    %mul3A_280 = arith.constant 1024 : i32
    %mul3A_281 = arith.muli %arg0, %mul3A_280 : i32
    %add3A_282 = vector.broadcast %mul3A_281 : i32 to vector<1024xi32>
    %add3A_283 = arith.addi %reduce_min3A_279, %add3A_282 : vector<1024xi32>
    %swap3A_284 = arith.constant 0 : index
    %swap3A_285 = arith.constant 0 : index
    %swap3A_286 = arith.constant 8 : index
    %swap3A_287 = vector.load %arg2[%swap3A_284, %swap3A_285, %swap3A_286] : memref<1x1024x24xi32, #tpu.memory_space<vmem>>, vector<1x1024x1xi32>
    %swap3A_288 = vector.shape_cast %swap3A_287 : vector<1x1024x1xi32> to vector<1024xi32>
    %swap3A_289 = vector.shape_cast %add3A_283 : vector<1024xi32> to vector<1x1024x1xi32>
    tpu.vector_store %arg2[%swap3A_284, %swap3A_285, %swap3A_286], %swap3A_289 {strides = array<i32>} : memref<1x1024x24xi32, #tpu.memory_space<vmem>>, vector<1x1024x1xi32>,
    %broadcast_in_dim3A_290 = vector.shape_cast %reduce_min3A_279 : vector<1024xi32> to vector<1024x1xi32>
    %eq3A_291 = vector.broadcast %broadcast_in_dim3A_290 : vector<1024x1xi32> to vector<1024x1024xi32>
    %eq3A_292 = arith.cmpi eq, %iota3A, %eq3A_291 : vector<1024x1024xi32>
    %jit3A_293 = arith.constant 0xFF800000 : f32
    %broadcast_in_dim3A_294 = vector.broadcast %jit3A_293 : f32 to vector<1024x1024xf32>
    %select_n3A_295 = arith.select %eq3A_292, %broadcast_in_dim3A_294, %get3A_269 : vector<1024x1024xi1>, vector<1024x1024xf32>
    %swap3A_296 = arith.constant 0 : index
    %swap3A_297 = arith.constant 0 : index
    %swap3A_298 = vector.load %arg3[%swap3A_296, %swap3A_297] : memref<1024x1024xf32, #tpu.memory_space<vmem>>, vector<1024x1024xf32>
    tpu.vector_store %arg3[%swap3A_296, %swap3A_297], %select_n3A_295 {strides = array<i32>} : memref<1024x1024xf32, #tpu.memory_space<vmem>>, vector<1024x1024xf32>,
    %get3A_299 = arith.constant 0 : index
    %get3A_300 = arith.constant 0 : index
    %get3A_301 = vector.load %arg3[%get3A_299, %get3A_300] : memref<1024x1024xf32, #tpu.memory_space<vmem>>, vector<1024x1024xf32>
    %reduce_max3A_302 = arith.constant dense<0xFF800000> : vector<1024xf32>
    %reduce_max3A_303 = vector.multi_reduction <maximumf>, %get3A_301, %reduce_max3A_302 [1] : vector<1024x1024xf32> to vector<1024xf32>
    %broadcast_in_dim3A_304 = vector.shape_cast %reduce_max3A_303 : vector<1024xf32> to vector<1024x1xf32>
    %eq3A_305 = vector.broadcast %broadcast_in_dim3A_304 : vector<1024x1xf32> to vector<1024x1024xf32>
    %eq3A_306 = arith.cmpf oeq, %get3A_301, %eq3A_305 : vector<1024x1024xf32>
    %jit3A_307 = arith.constant 1073741824 : i32
    %broadcast_in_dim3A_308 = vector.broadcast %jit3A_307 : i32 to vector<1024x1024xi32>
    %select_n3A_309 = arith.select %eq3A_306, %iota3A, %broadcast_in_dim3A_308 : vector<1024x1024xi1>, vector<1024x1024xi32>
    %reduce_min3A_310 = arith.constant dense<2147483647> : vector<1024xi32>
    %reduce_min3A_311 = vector.multi_reduction <minsi>, %select_n3A_309, %reduce_min3A_310 [1] : vector<1024x1024xi32> to vector<1024xi32>
    %mul3A_312 = arith.constant 1024 : i32
    %mul3A_313 = arith.muli %arg0, %mul3A_312 : i32
    %add3A_314 = vector.broadcast %mul3A_313 : i32 to vector<1024xi32>
    %add3A_315 = arith.addi %reduce_min3A_311, %add3A_314 : vector<1024xi32>
    %swap3A_316 = arith.constant 0 : index
    %swap3A_317 = arith.constant 0 : index
    %swap3A_318 = arith.constant 9 : index
    %swap3A_319 = vector.load %arg2[%swap3A_316, %swap3A_317, %swap3A_318] : memref<1x1024x24xi32, #tpu.memory_space<vmem>>, vector<1x1024x1xi32>
    %swap3A_320 = vector.shape_cast %swap3A_319 : vector<1x1024x1xi32> to vector<1024xi32>
    %swap3A_321 = vector.shape_cast %add3A_315 : vector<1024xi32> to vector<1x1024x1xi32>
    tpu.vector_store %arg2[%swap3A_316, %swap3A_317, %swap3A_318], %swap3A_321 {strides = array<i32>} : memref<1x1024x24xi32, #tpu.memory_space<vmem>>, vector<1x1024x1xi32>,
    %broadcast_in_dim3A_322 = vector.shape_cast %reduce_min3A_311 : vector<1024xi32> to vector<1024x1xi32>
    %eq3A_323 = vector.broadcast %broadcast_in_dim3A_322 : vector<1024x1xi32> to vector<1024x1024xi32>
    %eq3A_324 = arith.cmpi eq, %iota3A, %eq3A_323 : vector<1024x1024xi32>
    %jit3A_325 = arith.constant 0xFF800000 : f32
    %broadcast_in_dim3A_326 = vector.broadcast %jit3A_325 : f32 to vector<1024x1024xf32>
    %select_n3A_327 = arith.select %eq3A_324, %broadcast_in_dim3A_326, %get3A_301 : vector<1024x1024xi1>, vector<1024x1024xf32>
    %swap3A_328 = arith.constant 0 : index
    %swap3A_329 = arith.constant 0 : index
    %swap3A_330 = vector.load %arg3[%swap3A_328, %swap3A_329] : memref<1024x1024xf32, #tpu.memory_space<vmem>>, vector<1024x1024xf32>
    tpu.vector_store %arg3[%swap3A_328, %swap3A_329], %select_n3A_327 {strides = array<i32>} : memref<1024x1024xf32, #tpu.memory_space<vmem>>, vector<1024x1024xf32>,
    %get3A_331 = arith.constant 0 : index
    %get3A_332 = arith.constant 0 : index
    %get3A_333 = vector.load %arg3[%get3A_331, %get3A_332] : memref<1024x1024xf32, #tpu.memory_space<vmem>>, vector<1024x1024xf32>
    %reduce_max3A_334 = arith.constant dense<0xFF800000> : vector<1024xf32>
    %reduce_max3A_335 = vector.multi_reduction <maximumf>, %get3A_333, %reduce_max3A_334 [1] : vector<1024x1024xf32> to vector<1024xf32>
    %broadcast_in_dim3A_336 = vector.shape_cast %reduce_max3A_335 : vector<1024xf32> to vector<1024x1xf32>
    %eq3A_337 = vector.broadcast %broadcast_in_dim3A_336 : vector<1024x1xf32> to vector<1024x1024xf32>
    %eq3A_338 = arith.cmpf oeq, %get3A_333, %eq3A_337 : vector<1024x1024xf32>
    %jit3A_339 = arith.constant 1073741824 : i32
    %broadcast_in_dim3A_340 = vector.broadcast %jit3A_339 : i32 to vector<1024x1024xi32>
    %select_n3A_341 = arith.select %eq3A_338, %iota3A, %broadcast_in_dim3A_340 : vector<1024x1024xi1>, vector<1024x1024xi32>
    %reduce_min3A_342 = arith.constant dense<2147483647> : vector<1024xi32>
    %reduce_min3A_343 = vector.multi_reduction <minsi>, %select_n3A_341, %reduce_min3A_342 [1] : vector<1024x1024xi32> to vector<1024xi32>
    %mul3A_344 = arith.constant 1024 : i32
    %mul3A_345 = arith.muli %arg0, %mul3A_344 : i32
    %add3A_346 = vector.broadcast %mul3A_345 : i32 to vector<1024xi32>
    %add3A_347 = arith.addi %reduce_min3A_343, %add3A_346 : vector<1024xi32>
    %swap3A_348 = arith.constant 0 : index
    %swap3A_349 = arith.constant 0 : index
    %swap3A_350 = arith.constant 10 : index
    %swap3A_351 = vector.load %arg2[%swap3A_348, %swap3A_349, %swap3A_350] : memref<1x1024x24xi32, #tpu.memory_space<vmem>>, vector<1x1024x1xi32>
    %swap3A_352 = vector.shape_cast %swap3A_351 : vector<1x1024x1xi32> to vector<1024xi32>
    %swap3A_353 = vector.shape_cast %add3A_347 : vector<1024xi32> to vector<1x1024x1xi32>
    tpu.vector_store %arg2[%swap3A_348, %swap3A_349, %swap3A_350], %swap3A_353 {strides = array<i32>} : memref<1x1024x24xi32, #tpu.memory_space<vmem>>, vector<1x1024x1xi32>,
    %broadcast_in_dim3A_354 = vector.shape_cast %reduce_min3A_343 : vector<1024xi32> to vector<1024x1xi32>
    %eq3A_355 = vector.broadcast %broadcast_in_dim3A_354 : vector<1024x1xi32> to vector<1024x1024xi32>
    %eq3A_356 = arith.cmpi eq, %iota3A, %eq3A_355 : vector<1024x1024xi32>
    %jit3A_357 = arith.constant 0xFF800000 : f32
    %broadcast_in_dim3A_358 = vector.broadcast %jit3A_357 : f32 to vector<1024x1024xf32>
    %select_n3A_359 = arith.select %eq3A_356, %broadcast_in_dim3A_358, %get3A_333 : vector<1024x1024xi1>, vector<1024x1024xf32>
    %swap3A_360 = arith.constant 0 : index
    %swap3A_361 = arith.constant 0 : index
    %swap3A_362 = vector.load %arg3[%swap3A_360, %swap3A_361] : memref<1024x1024xf32, #tpu.memory_space<vmem>>, vector<1024x1024xf32>
    tpu.vector_store %arg3[%swap3A_360, %swap3A_361], %select_n3A_359 {strides = array<i32>} : memref<1024x1024xf32, #tpu.memory_space<vmem>>, vector<1024x1024xf32>,
    %get3A_363 = arith.constant 0 : index
    %get3A_364 = arith.constant 0 : index
    %get3A_365 = vector.load %arg3[%get3A_363, %get3A_364] : memref<1024x1024xf32, #tpu.memory_space<vmem>>, vector<1024x1024xf32>
    %reduce_max3A_366 = arith.constant dense<0xFF800000> : vector<1024xf32>
    %reduce_max3A_367 = vector.multi_reduction <maximumf>, %get3A_365, %reduce_max3A_366 [1] : vector<1024x1024xf32> to vector<1024xf32>
    %broadcast_in_dim3A_368 = vector.shape_cast %reduce_max3A_367 : vector<1024xf32> to vector<1024x1xf32>
    %eq3A_369 = vector.broadcast %broadcast_in_dim3A_368 : vector<1024x1xf32> to vector<1024x1024xf32>
    %eq3A_370 = arith.cmpf oeq, %get3A_365, %eq3A_369 : vector<1024x1024xf32>
    %jit3A_371 = arith.constant 1073741824 : i32
    %broadcast_in_dim3A_372 = vector.broadcast %jit3A_371 : i32 to vector<1024x1024xi32>
    %select_n3A_373 = arith.select %eq3A_370, %iota3A, %broadcast_in_dim3A_372 : vector<1024x1024xi1>, vector<1024x1024xi32>
    %reduce_min3A_374 = arith.constant dense<2147483647> : vector<1024xi32>
    %reduce_min3A_375 = vector.multi_reduction <minsi>, %select_n3A_373, %reduce_min3A_374 [1] : vector<1024x1024xi32> to vector<1024xi32>
    %mul3A_376 = arith.constant 1024 : i32
    %mul3A_377 = arith.muli %arg0, %mul3A_376 : i32
    %add3A_378 = vector.broadcast %mul3A_377 : i32 to vector<1024xi32>
    %add3A_379 = arith.addi %reduce_min3A_375, %add3A_378 : vector<1024xi32>
    %swap3A_380 = arith.constant 0 : index
    %swap3A_381 = arith.constant 0 : index
    %swap3A_382 = arith.constant 11 : index
    %swap3A_383 = vector.load %arg2[%swap3A_380, %swap3A_381, %swap3A_382] : memref<1x1024x24xi32, #tpu.memory_space<vmem>>, vector<1x1024x1xi32>
    %swap3A_384 = vector.shape_cast %swap3A_383 : vector<1x1024x1xi32> to vector<1024xi32>
    %swap3A_385 = vector.shape_cast %add3A_379 : vector<1024xi32> to vector<1x1024x1xi32>
    tpu.vector_store %arg2[%swap3A_380, %swap3A_381, %swap3A_382], %swap3A_385 {strides = array<i32>} : memref<1x1024x24xi32, #tpu.memory_space<vmem>>, vector<1x1024x1xi32>,
    %broadcast_in_dim3A_386 = vector.shape_cast %reduce_min3A_375 : vector<1024xi32> to vector<1024x1xi32>
    %eq3A_387 = vector.broadcast %broadcast_in_dim3A_386 : vector<1024x1xi32> to vector<1024x1024xi32>
    %eq3A_388 = arith.cmpi eq, %iota3A, %eq3A_387 : vector<1024x1024xi32>
    %jit3A_389 = arith.constant 0xFF800000 : f32
    %broadcast_in_dim3A_390 = vector.broadcast %jit3A_389 : f32 to vector<1024x1024xf32>
    %select_n3A_391 = arith.select %eq3A_388, %broadcast_in_dim3A_390, %get3A_365 : vector<1024x1024xi1>, vector<1024x1024xf32>
    %swap3A_392 = arith.constant 0 : index
    %swap3A_393 = arith.constant 0 : index
    %swap3A_394 = vector.load %arg3[%swap3A_392, %swap3A_393] : memref<1024x1024xf32, #tpu.memory_space<vmem>>, vector<1024x1024xf32>
    tpu.vector_store %arg3[%swap3A_392, %swap3A_393], %select_n3A_391 {strides = array<i32>} : memref<1024x1024xf32, #tpu.memory_space<vmem>>, vector<1024x1024xf32>,
    %get3A_395 = arith.constant 0 : index
    %get3A_396 = arith.constant 0 : index
    %get3A_397 = vector.load %arg3[%get3A_395, %get3A_396] : memref<1024x1024xf32, #tpu.memory_space<vmem>>, vector<1024x1024xf32>
    %reduce_max3A_398 = arith.constant dense<0xFF800000> : vector<1024xf32>
    %reduce_max3A_399 = vector.multi_reduction <maximumf>, %get3A_397, %reduce_max3A_398 [1] : vector<1024x1024xf32> to vector<1024xf32>
    %broadcast_in_dim3A_400 = vector.shape_cast %reduce_max3A_399 : vector<1024xf32> to vector<1024x1xf32>
    %eq3A_401 = vector.broadcast %broadcast_in_dim3A_400 : vector<1024x1xf32> to vector<1024x1024xf32>
    %eq3A_402 = arith.cmpf oeq, %get3A_397, %eq3A_401 : vector<1024x1024xf32>
    %jit3A_403 = arith.constant 1073741824 : i32
    %broadcast_in_dim3A_404 = vector.broadcast %jit3A_403 : i32 to vector<1024x1024xi32>
    %select_n3A_405 = arith.select %eq3A_402, %iota3A, %broadcast_in_dim3A_404 : vector<1024x1024xi1>, vector<1024x1024xi32>
    %reduce_min3A_406 = arith.constant dense<2147483647> : vector<1024xi32>
    %reduce_min3A_407 = vector.multi_reduction <minsi>, %select_n3A_405, %reduce_min3A_406 [1] : vector<1024x1024xi32> to vector<1024xi32>
    %mul3A_408 = arith.constant 1024 : i32
    %mul3A_409 = arith.muli %arg0, %mul3A_408 : i32
    %add3A_410 = vector.broadcast %mul3A_409 : i32 to vector<1024xi32>
    %add3A_411 = arith.addi %reduce_min3A_407, %add3A_410 : vector<1024xi32>
    %swap3A_412 = arith.constant 0 : index
    %swap3A_413 = arith.constant 0 : index
    %swap3A_414 = arith.constant 12 : index
    %swap3A_415 = vector.load %arg2[%swap3A_412, %swap3A_413, %swap3A_414] : memref<1x1024x24xi32, #tpu.memory_space<vmem>>, vector<1x1024x1xi32>
    %swap3A_416 = vector.shape_cast %swap3A_415 : vector<1x1024x1xi32> to vector<1024xi32>
    %swap3A_417 = vector.shape_cast %add3A_411 : vector<1024xi32> to vector<1x1024x1xi32>
    tpu.vector_store %arg2[%swap3A_412, %swap3A_413, %swap3A_414], %swap3A_417 {strides = array<i32>} : memref<1x1024x24xi32, #tpu.memory_space<vmem>>, vector<1x1024x1xi32>,
    %broadcast_in_dim3A_418 = vector.shape_cast %reduce_min3A_407 : vector<1024xi32> to vector<1024x1xi32>
    %eq3A_419 = vector.broadcast %broadcast_in_dim3A_418 : vector<1024x1xi32> to vector<1024x1024xi32>
    %eq3A_420 = arith.cmpi eq, %iota3A, %eq3A_419 : vector<1024x1024xi32>
    %jit3A_421 = arith.constant 0xFF800000 : f32
    %broadcast_in_dim3A_422 = vector.broadcast %jit3A_421 : f32 to vector<1024x1024xf32>
    %select_n3A_423 = arith.select %eq3A_420, %broadcast_in_dim3A_422, %get3A_397 : vector<1024x1024xi1>, vector<1024x1024xf32>
    %swap3A_424 = arith.constant 0 : index
    %swap3A_425 = arith.constant 0 : index
    %swap3A_426 = vector.load %arg3[%swap3A_424, %swap3A_425] : memref<1024x1024xf32, #tpu.memory_space<vmem>>, vector<1024x1024xf32>
    tpu.vector_store %arg3[%swap3A_424, %swap3A_425], %select_n3A_423 {strides = array<i32>} : memref<1024x1024xf32, #tpu.memory_space<vmem>>, vector<1024x1024xf32>,
    %get3A_427 = arith.constant 0 : index
    %get3A_428 = arith.constant 0 : index
    %get3A_429 = vector.load %arg3[%get3A_427, %get3A_428] : memref<1024x1024xf32, #tpu.memory_space<vmem>>, vector<1024x1024xf32>
    %reduce_max3A_430 = arith.constant dense<0xFF800000> : vector<1024xf32>
    %reduce_max3A_431 = vector.multi_reduction <maximumf>, %get3A_429, %reduce_max3A_430 [1] : vector<1024x1024xf32> to vector<1024xf32>
    %broadcast_in_dim3A_432 = vector.shape_cast %reduce_max3A_431 : vector<1024xf32> to vector<1024x1xf32>
    %eq3A_433 = vector.broadcast %broadcast_in_dim3A_432 : vector<1024x1xf32> to vector<1024x1024xf32>
    %eq3A_434 = arith.cmpf oeq, %get3A_429, %eq3A_433 : vector<1024x1024xf32>
    %jit3A_435 = arith.constant 1073741824 : i32
    %broadcast_in_dim3A_436 = vector.broadcast %jit3A_435 : i32 to vector<1024x1024xi32>
    %select_n3A_437 = arith.select %eq3A_434, %iota3A, %broadcast_in_dim3A_436 : vector<1024x1024xi1>, vector<1024x1024xi32>
    %reduce_min3A_438 = arith.constant dense<2147483647> : vector<1024xi32>
    %reduce_min3A_439 = vector.multi_reduction <minsi>, %select_n3A_437, %reduce_min3A_438 [1] : vector<1024x1024xi32> to vector<1024xi32>
    %mul3A_440 = arith.constant 1024 : i32
    %mul3A_441 = arith.muli %arg0, %mul3A_440 : i32
    %add3A_442 = vector.broadcast %mul3A_441 : i32 to vector<1024xi32>
    %add3A_443 = arith.addi %reduce_min3A_439, %add3A_442 : vector<1024xi32>
    %swap3A_444 = arith.constant 0 : index
    %swap3A_445 = arith.constant 0 : index
    %swap3A_446 = arith.constant 13 : index
    %swap3A_447 = vector.load %arg2[%swap3A_444, %swap3A_445, %swap3A_446] : memref<1x1024x24xi32, #tpu.memory_space<vmem>>, vector<1x1024x1xi32>
    %swap3A_448 = vector.shape_cast %swap3A_447 : vector<1x1024x1xi32> to vector<1024xi32>
    %swap3A_449 = vector.shape_cast %add3A_443 : vector<1024xi32> to vector<1x1024x1xi32>
    tpu.vector_store %arg2[%swap3A_444, %swap3A_445, %swap3A_446], %swap3A_449 {strides = array<i32>} : memref<1x1024x24xi32, #tpu.memory_space<vmem>>, vector<1x1024x1xi32>,
    %broadcast_in_dim3A_450 = vector.shape_cast %reduce_min3A_439 : vector<1024xi32> to vector<1024x1xi32>
    %eq3A_451 = vector.broadcast %broadcast_in_dim3A_450 : vector<1024x1xi32> to vector<1024x1024xi32>
    %eq3A_452 = arith.cmpi eq, %iota3A, %eq3A_451 : vector<1024x1024xi32>
    %jit3A_453 = arith.constant 0xFF800000 : f32
    %broadcast_in_dim3A_454 = vector.broadcast %jit3A_453 : f32 to vector<1024x1024xf32>
    %select_n3A_455 = arith.select %eq3A_452, %broadcast_in_dim3A_454, %get3A_429 : vector<1024x1024xi1>, vector<1024x1024xf32>
    %swap3A_456 = arith.constant 0 : index
    %swap3A_457 = arith.constant 0 : index
    %swap3A_458 = vector.load %arg3[%swap3A_456, %swap3A_457] : memref<1024x1024xf32, #tpu.memory_space<vmem>>, vector<1024x1024xf32>
    tpu.vector_store %arg3[%swap3A_456, %swap3A_457], %select_n3A_455 {strides = array<i32>} : memref<1024x1024xf32, #tpu.memory_space<vmem>>, vector<1024x1024xf32>,
    %get3A_459 = arith.constant 0 : index
    %get3A_460 = arith.constant 0 : index
    %get3A_461 = vector.load %arg3[%get3A_459, %get3A_460] : memref<1024x1024xf32, #tpu.memory_space<vmem>>, vector<1024x1024xf32>
    %reduce_max3A_462 = arith.constant dense<0xFF800000> : vector<1024xf32>
    %reduce_max3A_463 = vector.multi_reduction <maximumf>, %get3A_461, %reduce_max3A_462 [1] : vector<1024x1024xf32> to vector<1024xf32>
    %broadcast_in_dim3A_464 = vector.shape_cast %reduce_max3A_463 : vector<1024xf32> to vector<1024x1xf32>
    %eq3A_465 = vector.broadcast %broadcast_in_dim3A_464 : vector<1024x1xf32> to vector<1024x1024xf32>
    %eq3A_466 = arith.cmpf oeq, %get3A_461, %eq3A_465 : vector<1024x1024xf32>
    %jit3A_467 = arith.constant 1073741824 : i32
    %broadcast_in_dim3A_468 = vector.broadcast %jit3A_467 : i32 to vector<1024x1024xi32>
    %select_n3A_469 = arith.select %eq3A_466, %iota3A, %broadcast_in_dim3A_468 : vector<1024x1024xi1>, vector<1024x1024xi32>
    %reduce_min3A_470 = arith.constant dense<2147483647> : vector<1024xi32>
    %reduce_min3A_471 = vector.multi_reduction <minsi>, %select_n3A_469, %reduce_min3A_470 [1] : vector<1024x1024xi32> to vector<1024xi32>
    %mul3A_472 = arith.constant 1024 : i32
    %mul3A_473 = arith.muli %arg0, %mul3A_472 : i32
    %add3A_474 = vector.broadcast %mul3A_473 : i32 to vector<1024xi32>
    %add3A_475 = arith.addi %reduce_min3A_471, %add3A_474 : vector<1024xi32>
    %swap3A_476 = arith.constant 0 : index
    %swap3A_477 = arith.constant 0 : index
    %swap3A_478 = arith.constant 14 : index
    %swap3A_479 = vector.load %arg2[%swap3A_476, %swap3A_477, %swap3A_478] : memref<1x1024x24xi32, #tpu.memory_space<vmem>>, vector<1x1024x1xi32>
    %swap3A_480 = vector.shape_cast %swap3A_479 : vector<1x1024x1xi32> to vector<1024xi32>
    %swap3A_481 = vector.shape_cast %add3A_475 : vector<1024xi32> to vector<1x1024x1xi32>
    tpu.vector_store %arg2[%swap3A_476, %swap3A_477, %swap3A_478], %swap3A_481 {strides = array<i32>} : memref<1x1024x24xi32, #tpu.memory_space<vmem>>, vector<1x1024x1xi32>,
    %broadcast_in_dim3A_482 = vector.shape_cast %reduce_min3A_471 : vector<1024xi32> to vector<1024x1xi32>
    %eq3A_483 = vector.broadcast %broadcast_in_dim3A_482 : vector<1024x1xi32> to vector<1024x1024xi32>
    %eq3A_484 = arith.cmpi eq, %iota3A, %eq3A_483 : vector<1024x1024xi32>
    %jit3A_485 = arith.constant 0xFF800000 : f32
    %broadcast_in_dim3A_486 = vector.broadcast %jit3A_485 : f32 to vector<1024x1024xf32>
    %select_n3A_487 = arith.select %eq3A_484, %broadcast_in_dim3A_486, %get3A_461 : vector<1024x1024xi1>, vector<1024x1024xf32>
    %swap3A_488 = arith.constant 0 : index
    %swap3A_489 = arith.constant 0 : index
    %swap3A_490 = vector.load %arg3[%swap3A_488, %swap3A_489] : memref<1024x1024xf32, #tpu.memory_space<vmem>>, vector<1024x1024xf32>
    tpu.vector_store %arg3[%swap3A_488, %swap3A_489], %select_n3A_487 {strides = array<i32>} : memref<1024x1024xf32, #tpu.memory_space<vmem>>, vector<1024x1024xf32>,
    %get3A_491 = arith.constant 0 : index
    %get3A_492 = arith.constant 0 : index
    %get3A_493 = vector.load %arg3[%get3A_491, %get3A_492] : memref<1024x1024xf32, #tpu.memory_space<vmem>>, vector<1024x1024xf32>
    %reduce_max3A_494 = arith.constant dense<0xFF800000> : vector<1024xf32>
    %reduce_max3A_495 = vector.multi_reduction <maximumf>, %get3A_493, %reduce_max3A_494 [1] : vector<1024x1024xf32> to vector<1024xf32>
    %broadcast_in_dim3A_496 = vector.shape_cast %reduce_max3A_495 : vector<1024xf32> to vector<1024x1xf32>
    %eq3A_497 = vector.broadcast %broadcast_in_dim3A_496 : vector<1024x1xf32> to vector<1024x1024xf32>
    %eq3A_498 = arith.cmpf oeq, %get3A_493, %eq3A_497 : vector<1024x1024xf32>
    %jit3A_499 = arith.constant 1073741824 : i32
    %broadcast_in_dim3A_500 = vector.broadcast %jit3A_499 : i32 to vector<1024x1024xi32>
    %select_n3A_501 = arith.select %eq3A_498, %iota3A, %broadcast_in_dim3A_500 : vector<1024x1024xi1>, vector<1024x1024xi32>
    %reduce_min3A_502 = arith.constant dense<2147483647> : vector<1024xi32>
    %reduce_min3A_503 = vector.multi_reduction <minsi>, %select_n3A_501, %reduce_min3A_502 [1] : vector<1024x1024xi32> to vector<1024xi32>
    %mul3A_504 = arith.constant 1024 : i32
    %mul3A_505 = arith.muli %arg0, %mul3A_504 : i32
    %add3A_506 = vector.broadcast %mul3A_505 : i32 to vector<1024xi32>
    %add3A_507 = arith.addi %reduce_min3A_503, %add3A_506 : vector<1024xi32>
    %swap3A_508 = arith.constant 0 : index
    %swap3A_509 = arith.constant 0 : index
    %swap3A_510 = arith.constant 15 : index
    %swap3A_511 = vector.load %arg2[%swap3A_508, %swap3A_509, %swap3A_510] : memref<1x1024x24xi32, #tpu.memory_space<vmem>>, vector<1x1024x1xi32>
    %swap3A_512 = vector.shape_cast %swap3A_511 : vector<1x1024x1xi32> to vector<1024xi32>
    %swap3A_513 = vector.shape_cast %add3A_507 : vector<1024xi32> to vector<1x1024x1xi32>
    tpu.vector_store %arg2[%swap3A_508, %swap3A_509, %swap3A_510], %swap3A_513 {strides = array<i32>} : memref<1x1024x24xi32, #tpu.memory_space<vmem>>, vector<1x1024x1xi32>,
    %broadcast_in_dim3A_514 = vector.shape_cast %reduce_min3A_503 : vector<1024xi32> to vector<1024x1xi32>
    %eq3A_515 = vector.broadcast %broadcast_in_dim3A_514 : vector<1024x1xi32> to vector<1024x1024xi32>
    %eq3A_516 = arith.cmpi eq, %iota3A, %eq3A_515 : vector<1024x1024xi32>
    %jit3A_517 = arith.constant 0xFF800000 : f32
    %broadcast_in_dim3A_518 = vector.broadcast %jit3A_517 : f32 to vector<1024x1024xf32>
    %select_n3A_519 = arith.select %eq3A_516, %broadcast_in_dim3A_518, %get3A_493 : vector<1024x1024xi1>, vector<1024x1024xf32>
    %swap3A_520 = arith.constant 0 : index
    %swap3A_521 = arith.constant 0 : index
    %swap3A_522 = vector.load %arg3[%swap3A_520, %swap3A_521] : memref<1024x1024xf32, #tpu.memory_space<vmem>>, vector<1024x1024xf32>
    tpu.vector_store %arg3[%swap3A_520, %swap3A_521], %select_n3A_519 {strides = array<i32>} : memref<1024x1024xf32, #tpu.memory_space<vmem>>, vector<1024x1024xf32>,
    %get3A_523 = arith.constant 0 : index
    %get3A_524 = arith.constant 0 : index
    %get3A_525 = vector.load %arg3[%get3A_523, %get3A_524] : memref<1024x1024xf32, #tpu.memory_space<vmem>>, vector<1024x1024xf32>
    %reduce_max3A_526 = arith.constant dense<0xFF800000> : vector<1024xf32>
    %reduce_max3A_527 = vector.multi_reduction <maximumf>, %get3A_525, %reduce_max3A_526 [1] : vector<1024x1024xf32> to vector<1024xf32>
    %broadcast_in_dim3A_528 = vector.shape_cast %reduce_max3A_527 : vector<1024xf32> to vector<1024x1xf32>
    %eq3A_529 = vector.broadcast %broadcast_in_dim3A_528 : vector<1024x1xf32> to vector<1024x1024xf32>
    %eq3A_530 = arith.cmpf oeq, %get3A_525, %eq3A_529 : vector<1024x1024xf32>
    %jit3A_531 = arith.constant 1073741824 : i32
    %broadcast_in_dim3A_532 = vector.broadcast %jit3A_531 : i32 to vector<1024x1024xi32>
    %select_n3A_533 = arith.select %eq3A_530, %iota3A, %broadcast_in_dim3A_532 : vector<1024x1024xi1>, vector<1024x1024xi32>
    %reduce_min3A_534 = arith.constant dense<2147483647> : vector<1024xi32>
    %reduce_min3A_535 = vector.multi_reduction <minsi>, %select_n3A_533, %reduce_min3A_534 [1] : vector<1024x1024xi32> to vector<1024xi32>
    %mul3A_536 = arith.constant 1024 : i32
    %mul3A_537 = arith.muli %arg0, %mul3A_536 : i32
    %add3A_538 = vector.broadcast %mul3A_537 : i32 to vector<1024xi32>
    %add3A_539 = arith.addi %reduce_min3A_535, %add3A_538 : vector<1024xi32>
    %swap3A_540 = arith.constant 0 : index
    %swap3A_541 = arith.constant 0 : index
    %swap3A_542 = arith.constant 16 : index
    %swap3A_543 = vector.load %arg2[%swap3A_540, %swap3A_541, %swap3A_542] : memref<1x1024x24xi32, #tpu.memory_space<vmem>>, vector<1x1024x1xi32>
    %swap3A_544 = vector.shape_cast %swap3A_543 : vector<1x1024x1xi32> to vector<1024xi32>
    %swap3A_545 = vector.shape_cast %add3A_539 : vector<1024xi32> to vector<1x1024x1xi32>
    tpu.vector_store %arg2[%swap3A_540, %swap3A_541, %swap3A_542], %swap3A_545 {strides = array<i32>} : memref<1x1024x24xi32, #tpu.memory_space<vmem>>, vector<1x1024x1xi32>,
    %broadcast_in_dim3A_546 = vector.shape_cast %reduce_min3A_535 : vector<1024xi32> to vector<1024x1xi32>
    %eq3A_547 = vector.broadcast %broadcast_in_dim3A_546 : vector<1024x1xi32> to vector<1024x1024xi32>
    %eq3A_548 = arith.cmpi eq, %iota3A, %eq3A_547 : vector<1024x1024xi32>
    %jit3A_549 = arith.constant 0xFF800000 : f32
    %broadcast_in_dim3A_550 = vector.broadcast %jit3A_549 : f32 to vector<1024x1024xf32>
    %select_n3A_551 = arith.select %eq3A_548, %broadcast_in_dim3A_550, %get3A_525 : vector<1024x1024xi1>, vector<1024x1024xf32>
    %swap3A_552 = arith.constant 0 : index
    %swap3A_553 = arith.constant 0 : index
    %swap3A_554 = vector.load %arg3[%swap3A_552, %swap3A_553] : memref<1024x1024xf32, #tpu.memory_space<vmem>>, vector<1024x1024xf32>
    tpu.vector_store %arg3[%swap3A_552, %swap3A_553], %select_n3A_551 {strides = array<i32>} : memref<1024x1024xf32, #tpu.memory_space<vmem>>, vector<1024x1024xf32>,
    %get3A_555 = arith.constant 0 : index
    %get3A_556 = arith.constant 0 : index
    %get3A_557 = vector.load %arg3[%get3A_555, %get3A_556] : memref<1024x1024xf32, #tpu.memory_space<vmem>>, vector<1024x1024xf32>
    %reduce_max3A_558 = arith.constant dense<0xFF800000> : vector<1024xf32>
    %reduce_max3A_559 = vector.multi_reduction <maximumf>, %get3A_557, %reduce_max3A_558 [1] : vector<1024x1024xf32> to vector<1024xf32>
    %broadcast_in_dim3A_560 = vector.shape_cast %reduce_max3A_559 : vector<1024xf32> to vector<1024x1xf32>
    %eq3A_561 = vector.broadcast %broadcast_in_dim3A_560 : vector<1024x1xf32> to vector<1024x1024xf32>
    %eq3A_562 = arith.cmpf oeq, %get3A_557, %eq3A_561 : vector<1024x1024xf32>
    %jit3A_563 = arith.constant 1073741824 : i32
    %broadcast_in_dim3A_564 = vector.broadcast %jit3A_563 : i32 to vector<1024x1024xi32>
    %select_n3A_565 = arith.select %eq3A_562, %iota3A, %broadcast_in_dim3A_564 : vector<1024x1024xi1>, vector<1024x1024xi32>
    %reduce_min3A_566 = arith.constant dense<2147483647> : vector<1024xi32>
    %reduce_min3A_567 = vector.multi_reduction <minsi>, %select_n3A_565, %reduce_min3A_566 [1] : vector<1024x1024xi32> to vector<1024xi32>
    %mul3A_568 = arith.constant 1024 : i32
    %mul3A_569 = arith.muli %arg0, %mul3A_568 : i32
    %add3A_570 = vector.broadcast %mul3A_569 : i32 to vector<1024xi32>
    %add3A_571 = arith.addi %reduce_min3A_567, %add3A_570 : vector<1024xi32>
    %swap3A_572 = arith.constant 0 : index
    %swap3A_573 = arith.constant 0 : index
    %swap3A_574 = arith.constant 17 : index
    %swap3A_575 = vector.load %arg2[%swap3A_572, %swap3A_573, %swap3A_574] : memref<1x1024x24xi32, #tpu.memory_space<vmem>>, vector<1x1024x1xi32>
    %swap3A_576 = vector.shape_cast %swap3A_575 : vector<1x1024x1xi32> to vector<1024xi32>
    %swap3A_577 = vector.shape_cast %add3A_571 : vector<1024xi32> to vector<1x1024x1xi32>
    tpu.vector_store %arg2[%swap3A_572, %swap3A_573, %swap3A_574], %swap3A_577 {strides = array<i32>} : memref<1x1024x24xi32, #tpu.memory_space<vmem>>, vector<1x1024x1xi32>,
    %broadcast_in_dim3A_578 = vector.shape_cast %reduce_min3A_567 : vector<1024xi32> to vector<1024x1xi32>
    %eq3A_579 = vector.broadcast %broadcast_in_dim3A_578 : vector<1024x1xi32> to vector<1024x1024xi32>
    %eq3A_580 = arith.cmpi eq, %iota3A, %eq3A_579 : vector<1024x1024xi32>
    %jit3A_581 = arith.constant 0xFF800000 : f32
    %broadcast_in_dim3A_582 = vector.broadcast %jit3A_581 : f32 to vector<1024x1024xf32>
    %select_n3A_583 = arith.select %eq3A_580, %broadcast_in_dim3A_582, %get3A_557 : vector<1024x1024xi1>, vector<1024x1024xf32>
    %swap3A_584 = arith.constant 0 : index
    %swap3A_585 = arith.constant 0 : index
    %swap3A_586 = vector.load %arg3[%swap3A_584, %swap3A_585] : memref<1024x1024xf32, #tpu.memory_space<vmem>>, vector<1024x1024xf32>
    tpu.vector_store %arg3[%swap3A_584, %swap3A_585], %select_n3A_583 {strides = array<i32>} : memref<1024x1024xf32, #tpu.memory_space<vmem>>, vector<1024x1024xf32>,
    %get3A_587 = arith.constant 0 : index
    %get3A_588 = arith.constant 0 : index
    %get3A_589 = vector.load %arg3[%get3A_587, %get3A_588] : memref<1024x1024xf32, #tpu.memory_space<vmem>>, vector<1024x1024xf32>
    %reduce_max3A_590 = arith.constant dense<0xFF800000> : vector<1024xf32>
    %reduce_max3A_591 = vector.multi_reduction <maximumf>, %get3A_589, %reduce_max3A_590 [1] : vector<1024x1024xf32> to vector<1024xf32>
    %broadcast_in_dim3A_592 = vector.shape_cast %reduce_max3A_591 : vector<1024xf32> to vector<1024x1xf32>
    %eq3A_593 = vector.broadcast %broadcast_in_dim3A_592 : vector<1024x1xf32> to vector<1024x1024xf32>
    %eq3A_594 = arith.cmpf oeq, %get3A_589, %eq3A_593 : vector<1024x1024xf32>
    %jit3A_595 = arith.constant 1073741824 : i32
    %broadcast_in_dim3A_596 = vector.broadcast %jit3A_595 : i32 to vector<1024x1024xi32>
    %select_n3A_597 = arith.select %eq3A_594, %iota3A, %broadcast_in_dim3A_596 : vector<1024x1024xi1>, vector<1024x1024xi32>
    %reduce_min3A_598 = arith.constant dense<2147483647> : vector<1024xi32>
    %reduce_min3A_599 = vector.multi_reduction <minsi>, %select_n3A_597, %reduce_min3A_598 [1] : vector<1024x1024xi32> to vector<1024xi32>
    %mul3A_600 = arith.constant 1024 : i32
    %mul3A_601 = arith.muli %arg0, %mul3A_600 : i32
    %add3A_602 = vector.broadcast %mul3A_601 : i32 to vector<1024xi32>
    %add3A_603 = arith.addi %reduce_min3A_599, %add3A_602 : vector<1024xi32>
    %swap3A_604 = arith.constant 0 : index
    %swap3A_605 = arith.constant 0 : index
    %swap3A_606 = arith.constant 18 : index
    %swap3A_607 = vector.load %arg2[%swap3A_604, %swap3A_605, %swap3A_606] : memref<1x1024x24xi32, #tpu.memory_space<vmem>>, vector<1x1024x1xi32>
    %swap3A_608 = vector.shape_cast %swap3A_607 : vector<1x1024x1xi32> to vector<1024xi32>
    %swap3A_609 = vector.shape_cast %add3A_603 : vector<1024xi32> to vector<1x1024x1xi32>
    tpu.vector_store %arg2[%swap3A_604, %swap3A_605, %swap3A_606], %swap3A_609 {strides = array<i32>} : memref<1x1024x24xi32, #tpu.memory_space<vmem>>, vector<1x1024x1xi32>,
    %broadcast_in_dim3A_610 = vector.shape_cast %reduce_min3A_599 : vector<1024xi32> to vector<1024x1xi32>
    %eq3A_611 = vector.broadcast %broadcast_in_dim3A_610 : vector<1024x1xi32> to vector<1024x1024xi32>
    %eq3A_612 = arith.cmpi eq, %iota3A, %eq3A_611 : vector<1024x1024xi32>
    %jit3A_613 = arith.constant 0xFF800000 : f32
    %broadcast_in_dim3A_614 = vector.broadcast %jit3A_613 : f32 to vector<1024x1024xf32>
    %select_n3A_615 = arith.select %eq3A_612, %broadcast_in_dim3A_614, %get3A_589 : vector<1024x1024xi1>, vector<1024x1024xf32>
    %swap3A_616 = arith.constant 0 : index
    %swap3A_617 = arith.constant 0 : index
    %swap3A_618 = vector.load %arg3[%swap3A_616, %swap3A_617] : memref<1024x1024xf32, #tpu.memory_space<vmem>>, vector<1024x1024xf32>
    tpu.vector_store %arg3[%swap3A_616, %swap3A_617], %select_n3A_615 {strides = array<i32>} : memref<1024x1024xf32, #tpu.memory_space<vmem>>, vector<1024x1024xf32>,
    %get3A_619 = arith.constant 0 : index
    %get3A_620 = arith.constant 0 : index
    %get3A_621 = vector.load %arg3[%get3A_619, %get3A_620] : memref<1024x1024xf32, #tpu.memory_space<vmem>>, vector<1024x1024xf32>
    %reduce_max3A_622 = arith.constant dense<0xFF800000> : vector<1024xf32>
    %reduce_max3A_623 = vector.multi_reduction <maximumf>, %get3A_621, %reduce_max3A_622 [1] : vector<1024x1024xf32> to vector<1024xf32>
    %broadcast_in_dim3A_624 = vector.shape_cast %reduce_max3A_623 : vector<1024xf32> to vector<1024x1xf32>
    %eq3A_625 = vector.broadcast %broadcast_in_dim3A_624 : vector<1024x1xf32> to vector<1024x1024xf32>
    %eq3A_626 = arith.cmpf oeq, %get3A_621, %eq3A_625 : vector<1024x1024xf32>
    %jit3A_627 = arith.constant 1073741824 : i32
    %broadcast_in_dim3A_628 = vector.broadcast %jit3A_627 : i32 to vector<1024x1024xi32>
    %select_n3A_629 = arith.select %eq3A_626, %iota3A, %broadcast_in_dim3A_628 : vector<1024x1024xi1>, vector<1024x1024xi32>
    %reduce_min3A_630 = arith.constant dense<2147483647> : vector<1024xi32>
    %reduce_min3A_631 = vector.multi_reduction <minsi>, %select_n3A_629, %reduce_min3A_630 [1] : vector<1024x1024xi32> to vector<1024xi32>
    %mul3A_632 = arith.constant 1024 : i32
    %mul3A_633 = arith.muli %arg0, %mul3A_632 : i32
    %add3A_634 = vector.broadcast %mul3A_633 : i32 to vector<1024xi32>
    %add3A_635 = arith.addi %reduce_min3A_631, %add3A_634 : vector<1024xi32>
    %swap3A_636 = arith.constant 0 : index
    %swap3A_637 = arith.constant 0 : index
    %swap3A_638 = arith.constant 19 : index
    %swap3A_639 = vector.load %arg2[%swap3A_636, %swap3A_637, %swap3A_638] : memref<1x1024x24xi32, #tpu.memory_space<vmem>>, vector<1x1024x1xi32>
    %swap3A_640 = vector.shape_cast %swap3A_639 : vector<1x1024x1xi32> to vector<1024xi32>
    %swap3A_641 = vector.shape_cast %add3A_635 : vector<1024xi32> to vector<1x1024x1xi32>
    tpu.vector_store %arg2[%swap3A_636, %swap3A_637, %swap3A_638], %swap3A_641 {strides = array<i32>} : memref<1x1024x24xi32, #tpu.memory_space<vmem>>, vector<1x1024x1xi32>,
    %broadcast_in_dim3A_642 = vector.shape_cast %reduce_min3A_631 : vector<1024xi32> to vector<1024x1xi32>
    %eq3A_643 = vector.broadcast %broadcast_in_dim3A_642 : vector<1024x1xi32> to vector<1024x1024xi32>
    %eq3A_644 = arith.cmpi eq, %iota3A, %eq3A_643 : vector<1024x1024xi32>
    %jit3A_645 = arith.constant 0xFF800000 : f32
    %broadcast_in_dim3A_646 = vector.broadcast %jit3A_645 : f32 to vector<1024x1024xf32>
    %select_n3A_647 = arith.select %eq3A_644, %broadcast_in_dim3A_646, %get3A_621 : vector<1024x1024xi1>, vector<1024x1024xf32>
    %swap3A_648 = arith.constant 0 : index
    %swap3A_649 = arith.constant 0 : index
    %swap3A_650 = vector.load %arg3[%swap3A_648, %swap3A_649] : memref<1024x1024xf32, #tpu.memory_space<vmem>>, vector<1024x1024xf32>
    tpu.vector_store %arg3[%swap3A_648, %swap3A_649], %select_n3A_647 {strides = array<i32>} : memref<1024x1024xf32, #tpu.memory_space<vmem>>, vector<1024x1024xf32>,
    %iota3A_651 = tpu.iota {dimensions = array<i32: 0>} : vector<1024x1xi32>
    %squeeze3A = vector.shape_cast %iota3A_651 : vector<1024x1xi32> to vector<1024xi32>
    %mul3A_652 = arith.constant 1024 : i32
    %mul3A_653 = arith.muli %arg0, %mul3A_652 : i32
    %add3A_654 = vector.broadcast %mul3A_653 : i32 to vector<1024xi32>
    %add3A_655 = arith.addi %squeeze3A, %add3A_654 : vector<1024xi32>
    %swap3A_656 = arith.constant 0 : index
    %swap3A_657 = arith.constant 0 : index
    %swap3A_658 = arith.constant 20 : index
    %swap3A_659 = vector.load %arg2[%swap3A_656, %swap3A_657, %swap3A_658] : memref<1x1024x24xi32, #tpu.memory_space<vmem>>, vector<1x1024x1xi32>
    %swap3A_660 = vector.shape_cast %swap3A_659 : vector<1x1024x1xi32> to vector<1024xi32>
    %swap3A_661 = vector.shape_cast %add3A_655 : vector<1024xi32> to vector<1x1024x1xi32>
    tpu.vector_store %arg2[%swap3A_656, %swap3A_657, %swap3A_658], %swap3A_661 {strides = array<i32>} : memref<1x1024x24xi32, #tpu.memory_space<vmem>>, vector<1x1024x1xi32>,
    %swap3A_662 = arith.constant 0 : index
    %swap3A_663 = arith.constant 0 : index
    %swap3A_664 = arith.constant 21 : index
    %swap3A_665 = vector.load %arg2[%swap3A_662, %swap3A_663, %swap3A_664] : memref<1x1024x24xi32, #tpu.memory_space<vmem>>, vector<1x1024x1xi32>
    %swap3A_666 = vector.shape_cast %swap3A_665 : vector<1x1024x1xi32> to vector<1024xi32>
    %swap3A_667 = vector.shape_cast %add3A_655 : vector<1024xi32> to vector<1x1024x1xi32>
    tpu.vector_store %arg2[%swap3A_662, %swap3A_663, %swap3A_664], %swap3A_667 {strides = array<i32>} : memref<1x1024x24xi32, #tpu.memory_space<vmem>>, vector<1x1024x1xi32>,
    %swap3A_668 = arith.constant 0 : index
    %swap3A_669 = arith.constant 0 : index
    %swap3A_670 = arith.constant 22 : index
    %swap3A_671 = vector.load %arg2[%swap3A_668, %swap3A_669, %swap3A_670] : memref<1x1024x24xi32, #tpu.memory_space<vmem>>, vector<1x1024x1xi32>
    %swap3A_672 = vector.shape_cast %swap3A_671 : vector<1x1024x1xi32> to vector<1024xi32>
    %swap3A_673 = vector.shape_cast %add3A_655 : vector<1024xi32> to vector<1x1024x1xi32>
    tpu.vector_store %arg2[%swap3A_668, %swap3A_669, %swap3A_670], %swap3A_673 {strides = array<i32>} : memref<1x1024x24xi32, #tpu.memory_space<vmem>>, vector<1x1024x1xi32>,
    %swap3A_674 = arith.constant 0 : index
    %swap3A_675 = arith.constant 0 : index
    %swap3A_676 = arith.constant 23 : index
    %swap3A_677 = vector.load %arg2[%swap3A_674, %swap3A_675, %swap3A_676] : memref<1x1024x24xi32, #tpu.memory_space<vmem>>, vector<1x1024x1xi32>
    %swap3A_678 = vector.shape_cast %swap3A_677 : vector<1x1024x1xi32> to vector<1024xi32>
    %swap3A_679 = vector.shape_cast %add3A_655 : vector<1024xi32> to vector<1x1024x1xi32>
    tpu.vector_store %arg2[%swap3A_674, %swap3A_675, %swap3A_676], %swap3A_679 {strides = array<i32>} : memref<1x1024x24xi32, #tpu.memory_space<vmem>>, vector<1x1024x1xi32>,
    return
  }
  func.func @transform_0(%arg0: i32) -> (i32, i32, i32) {
    %c0_i32 = arith.constant 0 : i32
    %c0_i32_0 = arith.constant 0 : i32
    %c0_i32_1 = arith.constant 0 : i32
    return %arg0, %c0_i32, %c0_i32_0 : i32, i32, i32
  }
  func.func @transform_1(%arg0: i32) -> (i32, i32, i32) {
    %c0_i32 = arith.constant 0 : i32
    %c0_i32_0 = arith.constant 0 : i32
    %c0_i32_1 = arith.constant 0 : i32
    return %arg0, %c0_i32, %c0_i32_0 : i32, i32, i32
  }
}

module attributes {stable_mosaic.version = 14 : i64} {
  func.func @body(%arg0: i32, %arg1: memref<3072x128xf32, #tpu.memory_space<vmem>>, %arg2: memref<128x128xf32, #tpu.memory_space<vmem>>, %arg3: memref<256x128xf32, #tpu.memory_space<vmem>>, %arg4: memref<256x128xf32, #tpu.memory_space<vmem>>, %arg5: memref<1x256xf32, #tpu.memory_space<vmem>>, %arg6: memref<1x256xf32, #tpu.memory_space<vmem>>, %arg7: memref<128x256xf32, #tpu.memory_space<vmem>>, %arg8: memref<1x256xf32, #tpu.memory_space<vmem>>, %arg9: memref<1x256xf32, #tpu.memory_space<vmem>>, %arg10: memref<2x256xf32, #tpu.memory_space<vmem>>) attributes {dimension_semantics = [#tpu.dimension_semantics<arbitrary>], iteration_bounds = array<i64: 128>, scalar_prefetch = 0 : i64, scratch_operands = 1 : i64, tpu.core_type = #tpu.core_type<tc>, window_params = [{transform_indices = @transform_0, window_bounds = array<i64: 3072, 128>}, {transform_indices = @transform_1, window_bounds = array<i64: 128, 128>}, {pipeline_mode = #tpu.pipeline_mode<synchronous>, transform_indices = @transform_2, window_bounds = array<i64: 256, 128>}, {pipeline_mode = #tpu.pipeline_mode<synchronous>, transform_indices = @transform_3, window_bounds = array<i64: 256, 128>}, {pipeline_mode = #tpu.pipeline_mode<synchronous>, transform_indices = @transform_4, window_bounds = array<i64: 1, 256>}, {pipeline_mode = #tpu.pipeline_mode<synchronous>, transform_indices = @transform_5, window_bounds = array<i64: 1, 256>}, {transform_indices = @transform_6, window_bounds = array<i64: 128, 256>}, {pipeline_mode = #tpu.pipeline_mode<synchronous>, transform_indices = @transform_7, window_bounds = array<i64: 1, 256>}, {pipeline_mode = #tpu.pipeline_mode<synchronous>, transform_indices = @transform_8, window_bounds = array<i64: 1, 256>}]} {
    %eq3A = arith.constant 0 : i32
    %eq3A_0 = arith.cmpi eq, %arg0, %eq3A : i32
    %convert_element_type3A = arith.extui %eq3A_0 : i1 to i32
    %cond3A = arith.constant 0 : i32
    %cond3A_1 = arith.cmpi ne, %convert_element_type3A, %cond3A : i32
    scf.if %cond3A_1 {
      %broadcast_in_dim3A_52 = arith.constant 0.000000e+00 : f32
      %broadcast_in_dim3A_53 = vector.broadcast %broadcast_in_dim3A_52 : f32 to vector<2x256xf32>
      %swap3A_54 = arith.constant 0 : index
      %swap3A_55 = arith.constant 0 : index
      %swap3A_56 = vector.load %arg10[%swap3A_54, %swap3A_55] : memref<2x256xf32, #tpu.memory_space<vmem>>, vector<2x256xf32>
      tpu.vector_store %arg10[%swap3A_54, %swap3A_55], %broadcast_in_dim3A_53 {strides = array<i32>} : memref<2x256xf32, #tpu.memory_space<vmem>>, vector<2x256xf32>,
    } else {
    }
    %get3A = arith.constant 0 : index
    %get3A_2 = arith.constant 0 : index
    %get3A_3 = vector.load %arg2[%get3A, %get3A_2] : memref<128x128xf32, #tpu.memory_space<vmem>>, vector<128x128xf32>
    %get3A_4 = arith.constant 0 : index
    %get3A_5 = arith.constant 0 : index
    %get3A_6 = vector.load %arg1[%get3A_4, %get3A_5] : memref<3072x128xf32, #tpu.memory_space<vmem>>, vector<3072x128xf32>
    %reshape3A = vector.shape_cast %get3A_6 : vector<3072x128xf32> to vector<128x24x128xf32>
    %broadcast_in_dim3A = vector.shape_cast %get3A_3 : vector<128x128xf32> to vector<128x1x128xf32>
    %sub3A = vector.broadcast %broadcast_in_dim3A : vector<128x1x128xf32> to vector<128x24x128xf32>
    %sub3A_7 = arith.subf %reshape3A, %sub3A : vector<128x24x128xf32>
    %reshape3A_8 = vector.shape_cast %sub3A_7 : vector<128x24x128xf32> to vector<3072x128xf32>
    %get3A_9 = arith.constant 0 : index
    %get3A_10 = arith.constant 0 : index
    %get3A_11 = vector.load %arg3[%get3A_9, %get3A_10] : memref<256x128xf32, #tpu.memory_space<vmem>>, vector<256x128xf32>
    %dot_general3A = arith.constant dense<0.000000e+00> : vector<3072x256xf32>
    %dot_general3A_12 = tpu.matmul %reshape3A_8, %get3A_11, %dot_general3A {dimension_numbers = #tpu.dot_dimension_numbers<[1], [1], [0], [0], [0, 0, 1, 0], [], []>, transpose_lhs_hint = false} : vector<3072x128xf32>, vector<256x128xf32>, vector<3072x256xf32> -> vector<3072x256xf32>
    %get3A_13 = arith.constant 0 : index
    %get3A_14 = arith.constant 0 : index
    %get3A_15 = vector.load %arg4[%get3A_13, %get3A_14] : memref<256x128xf32, #tpu.memory_space<vmem>>, vector<256x128xf32>
    %dot_general3A_16 = arith.constant dense<0.000000e+00> : vector<128x256xf32>
    %dot_general3A_17 = tpu.matmul %get3A_3, %get3A_15, %dot_general3A_16 {dimension_numbers = #tpu.dot_dimension_numbers<[1], [1], [0], [0], [0, 0, 1, 0], [], []>, transpose_lhs_hint = false} : vector<128x128xf32>, vector<256x128xf32>, vector<128x256xf32> -> vector<128x256xf32>
    %reshape3A_18 = vector.shape_cast %dot_general3A_12 : vector<3072x256xf32> to vector<128x24x256xf32>
    %broadcast_in_dim3A_19 = vector.shape_cast %dot_general3A_17 : vector<128x256xf32> to vector<128x1x256xf32>
    %add3A = vector.broadcast %broadcast_in_dim3A_19 : vector<128x1x256xf32> to vector<128x24x256xf32>
    %add3A_20 = arith.addf %reshape3A_18, %add3A : vector<128x24x256xf32>
    %slice3A = vector.extract_strided_slice %add3A_20 {offsets = [0, 0, 0], sizes = [128, 20, 256], strides = [1, 1, 1]} : vector<128x24x256xf32> to vector<128x20x256xf32>
    %reduce_max3A = arith.constant dense<0xFF800000> : vector<128x256xf32>
    %reduce_max3A_21 = vector.multi_reduction <maximumf>, %slice3A, %reduce_max3A [1] : vector<128x20x256xf32> to vector<128x256xf32>
    %swap3A = arith.constant 0 : index
    %swap3A_22 = arith.constant 0 : index
    %swap3A_23 = vector.load %arg7[%swap3A, %swap3A_22] : memref<128x256xf32, #tpu.memory_space<vmem>>, vector<128x256xf32>
    tpu.vector_store %arg7[%swap3A, %swap3A_22], %reduce_max3A_21 {strides = array<i32>} : memref<128x256xf32, #tpu.memory_space<vmem>>, vector<128x256xf32>,
    %get3A_24 = arith.constant 0 : index
    %get3A_25 = arith.constant 0 : index
    %get3A_26 = vector.load %arg10[%get3A_24, %get3A_25] : memref<2x256xf32, #tpu.memory_space<vmem>>, vector<1x256xf32>
    %get3A_27 = vector.shape_cast %get3A_26 : vector<1x256xf32> to vector<256xf32>
    %reduce_sum3A = arith.constant dense<0.000000e+00> : vector<256xf32>
    %reduce_sum3A_28 = vector.multi_reduction <add>, %slice3A, %reduce_sum3A [0, 1] : vector<128x20x256xf32> to vector<256xf32>
    %add3A_29 = arith.addf %get3A_27, %reduce_sum3A_28 : vector<256xf32>
    %swap3A_30 = arith.constant 0 : index
    %swap3A_31 = arith.constant 0 : index
    %swap3A_32 = vector.load %arg10[%swap3A_30, %swap3A_31] : memref<2x256xf32, #tpu.memory_space<vmem>>, vector<1x256xf32>
    %swap3A_33 = vector.shape_cast %swap3A_32 : vector<1x256xf32> to vector<256xf32>
    %swap3A_34 = vector.shape_cast %add3A_29 : vector<256xf32> to vector<1x256xf32>
    tpu.vector_store %arg10[%swap3A_30, %swap3A_31], %swap3A_34 {strides = array<i32>} : memref<2x256xf32, #tpu.memory_space<vmem>>, vector<1x256xf32>,
    %get3A_35 = arith.constant 1 : index
    %get3A_36 = arith.constant 0 : index
    %get3A_37 = vector.load %arg10[%get3A_35, %get3A_36] : memref<2x256xf32, #tpu.memory_space<vmem>>, vector<1x256xf32>
    %get3A_38 = vector.shape_cast %get3A_37 : vector<1x256xf32> to vector<256xf32>
    %mul3A = arith.mulf %slice3A, %slice3A : vector<128x20x256xf32>
    %reduce_sum3A_39 = arith.constant dense<0.000000e+00> : vector<256xf32>
    %reduce_sum3A_40 = vector.multi_reduction <add>, %mul3A, %reduce_sum3A_39 [0, 1] : vector<128x20x256xf32> to vector<256xf32>
    %add3A_41 = arith.addf %get3A_38, %reduce_sum3A_40 : vector<256xf32>
    %swap3A_42 = arith.constant 1 : index
    %swap3A_43 = arith.constant 0 : index
    %swap3A_44 = vector.load %arg10[%swap3A_42, %swap3A_43] : memref<2x256xf32, #tpu.memory_space<vmem>>, vector<1x256xf32>
    %swap3A_45 = vector.shape_cast %swap3A_44 : vector<1x256xf32> to vector<256xf32>
    %swap3A_46 = vector.shape_cast %add3A_41 : vector<256xf32> to vector<1x256xf32>
    tpu.vector_store %arg10[%swap3A_42, %swap3A_43], %swap3A_46 {strides = array<i32>} : memref<2x256xf32, #tpu.memory_space<vmem>>, vector<1x256xf32>,
    %eq3A_47 = arith.constant 127 : i32
    %eq3A_48 = arith.cmpi eq, %arg0, %eq3A_47 : i32
    %convert_element_type3A_49 = arith.extui %eq3A_48 : i1 to i32
    %cond3A_50 = arith.constant 0 : i32
    %cond3A_51 = arith.cmpi ne, %convert_element_type3A_49, %cond3A_50 : i32
    scf.if %cond3A_51 {
      %get3A_52 = arith.constant 0 : index
      %get3A_53 = arith.constant 0 : index
      %get3A_54 = vector.load %arg10[%get3A_52, %get3A_53] : memref<2x256xf32, #tpu.memory_space<vmem>>, vector<1x256xf32>
      %get3A_55 = vector.shape_cast %get3A_54 : vector<1x256xf32> to vector<256xf32>
      %div3A = arith.constant 3.276800e+05 : f32
      %div3A_56 = vector.broadcast %div3A : f32 to vector<256xf32>
      %div3A_57 = arith.divf %get3A_55, %div3A_56 : vector<256xf32>
      %get3A_58 = arith.constant 1 : index
      %get3A_59 = arith.constant 0 : index
      %get3A_60 = vector.load %arg10[%get3A_58, %get3A_59] : memref<2x256xf32, #tpu.memory_space<vmem>>, vector<1x256xf32>
      %get3A_61 = vector.shape_cast %get3A_60 : vector<1x256xf32> to vector<256xf32>
      %div3A_62 = arith.constant 3.276800e+05 : f32
      %div3A_63 = vector.broadcast %div3A_62 : f32 to vector<256xf32>
      %div3A_64 = arith.divf %get3A_61, %div3A_63 : vector<256xf32>
      %mul3A_65 = arith.mulf %div3A_57, %div3A_57 : vector<256xf32>
      %sub3A_66 = arith.subf %div3A_64, %mul3A_65 : vector<256xf32>
      %get3A_67 = arith.constant 0 : index
      %get3A_68 = arith.constant 0 : index
      %get3A_69 = vector.load %arg5[%get3A_67, %get3A_68] : memref<1x256xf32, #tpu.memory_space<vmem>>, vector<1x256xf32>
      %get3A_70 = vector.shape_cast %get3A_69 : vector<1x256xf32> to vector<256xf32>
      %add3A_71 = arith.constant 9.99999974E-6 : f32
      %add3A_72 = vector.broadcast %add3A_71 : f32 to vector<256xf32>
      %add3A_73 = arith.addf %sub3A_66, %add3A_72 : vector<256xf32>
      %rsqrt3A = math.rsqrt %add3A_73 : vector<256xf32>
      %mul3A_74 = arith.mulf %get3A_70, %rsqrt3A : vector<256xf32>
      %swap3A_75 = arith.constant 0 : index
      %swap3A_76 = arith.constant 0 : index
      %swap3A_77 = vector.load %arg8[%swap3A_75, %swap3A_76] : memref<1x256xf32, #tpu.memory_space<vmem>>, vector<1x256xf32>
      %swap3A_78 = vector.shape_cast %swap3A_77 : vector<1x256xf32> to vector<256xf32>
      %swap3A_79 = vector.shape_cast %mul3A_74 : vector<256xf32> to vector<1x256xf32>
      tpu.vector_store %arg8[%swap3A_75, %swap3A_76], %swap3A_79 {strides = array<i32>} : memref<1x256xf32, #tpu.memory_space<vmem>>, vector<1x256xf32>,
      %get3A_80 = arith.constant 0 : index
      %get3A_81 = arith.constant 0 : index
      %get3A_82 = vector.load %arg6[%get3A_80, %get3A_81] : memref<1x256xf32, #tpu.memory_space<vmem>>, vector<1x256xf32>
      %get3A_83 = vector.shape_cast %get3A_82 : vector<1x256xf32> to vector<256xf32>
      %mul3A_84 = arith.mulf %div3A_57, %mul3A_74 : vector<256xf32>
      %sub3A_85 = arith.subf %get3A_83, %mul3A_84 : vector<256xf32>
      %swap3A_86 = arith.constant 0 : index
      %swap3A_87 = arith.constant 0 : index
      %swap3A_88 = vector.load %arg9[%swap3A_86, %swap3A_87] : memref<1x256xf32, #tpu.memory_space<vmem>>, vector<1x256xf32>
      %swap3A_89 = vector.shape_cast %swap3A_88 : vector<1x256xf32> to vector<256xf32>
      %swap3A_90 = vector.shape_cast %sub3A_85 : vector<256xf32> to vector<1x256xf32>
      tpu.vector_store %arg9[%swap3A_86, %swap3A_87], %swap3A_90 {strides = array<i32>} : memref<1x256xf32, #tpu.memory_space<vmem>>, vector<1x256xf32>,
    } else {
    }
    return
  }
  func.func @transform_0(%arg0: i32) -> (i32, i32) {
    %c0_i32 = arith.constant 0 : i32
    %c0_i32_0 = arith.constant 0 : i32
    return %arg0, %c0_i32 : i32, i32
  }
  func.func @transform_1(%arg0: i32) -> (i32, i32) {
    %c0_i32 = arith.constant 0 : i32
    %c0_i32_0 = arith.constant 0 : i32
    return %arg0, %c0_i32 : i32, i32
  }
  func.func @transform_2(%arg0: i32) -> (i32, i32) {
    %c0_i32 = arith.constant 0 : i32
    %c0_i32_0 = arith.constant 0 : i32
    %c0_i32_1 = arith.constant 0 : i32
    return %c0_i32, %c0_i32_0 : i32, i32
  }
  func.func @transform_3(%arg0: i32) -> (i32, i32) {
    %c0_i32 = arith.constant 0 : i32
    %c0_i32_0 = arith.constant 0 : i32
    %c0_i32_1 = arith.constant 0 : i32
    return %c0_i32, %c0_i32_0 : i32, i32
  }
  func.func @transform_4(%arg0: i32) -> (i32, i32) {
    %c0_i32 = arith.constant 0 : i32
    %c0_i32_0 = arith.constant 0 : i32
    %c0_i32_1 = arith.constant 0 : i32
    return %c0_i32, %c0_i32_0 : i32, i32
  }
  func.func @transform_5(%arg0: i32) -> (i32, i32) {
    %c0_i32 = arith.constant 0 : i32
    %c0_i32_0 = arith.constant 0 : i32
    %c0_i32_1 = arith.constant 0 : i32
    return %c0_i32, %c0_i32_0 : i32, i32
  }
  func.func @transform_6(%arg0: i32) -> (i32, i32) {
    %c0_i32 = arith.constant 0 : i32
    %c0_i32_0 = arith.constant 0 : i32
    return %arg0, %c0_i32 : i32, i32
  }
  func.func @transform_7(%arg0: i32) -> (i32, i32) {
    %c0_i32 = arith.constant 0 : i32
    %c0_i32_0 = arith.constant 0 : i32
    %c0_i32_1 = arith.constant 0 : i32
    return %c0_i32, %c0_i32_0 : i32, i32
  }
  func.func @transform_8(%arg0: i32) -> (i32, i32) {
    %c0_i32 = arith.constant 0 : i32
    %c0_i32_0 = arith.constant 0 : i32
    %c0_i32_1 = arith.constant 0 : i32
    return %c0_i32, %c0_i32_0 : i32, i32
  }
}

module attributes {stable_mosaic.version = 14 : i64} {
  func.func @body(%arg0: i32, %arg1: memref<2048x256xf32, #tpu.memory_space<vmem>>, %arg2: memref<1x256xf32, #tpu.memory_space<vmem>>, %arg3: memref<1x256xf32, #tpu.memory_space<vmem>>, %arg4: memref<2048x256xf32, #tpu.memory_space<vmem>>) attributes {dimension_semantics = [#tpu.dimension_semantics<arbitrary>], iteration_bounds = array<i64: 8>, scalar_prefetch = 0 : i64, scratch_operands = 0 : i64, tpu.core_type = #tpu.core_type<tc>, window_params = [{transform_indices = @transform_0, window_bounds = array<i64: 2048, 256>}, {pipeline_mode = #tpu.pipeline_mode<synchronous>, transform_indices = @transform_1, window_bounds = array<i64: 1, 256>}, {pipeline_mode = #tpu.pipeline_mode<synchronous>, transform_indices = @transform_2, window_bounds = array<i64: 1, 256>}, {transform_indices = @transform_3, window_bounds = array<i64: 2048, 256>}]} {
    %get3A = arith.constant 0 : index
    %get3A_0 = arith.constant 0 : index
    %get3A_1 = vector.load %arg2[%get3A, %get3A_0] : memref<1x256xf32, #tpu.memory_space<vmem>>, vector<1x256xf32>
    %get3A_2 = vector.shape_cast %get3A_1 : vector<1x256xf32> to vector<256xf32>
    %get3A_3 = arith.constant 0 : index
    %get3A_4 = arith.constant 0 : index
    %get3A_5 = vector.load %arg1[%get3A_3, %get3A_4] : memref<2048x256xf32, #tpu.memory_space<vmem>>, vector<2048x256xf32>
    %broadcast_in_dim3A = vector.shape_cast %get3A_2 : vector<256xf32> to vector<1x256xf32>
    %mul3A = vector.broadcast %broadcast_in_dim3A : vector<1x256xf32> to vector<2048x256xf32>
    %mul3A_6 = arith.mulf %mul3A, %get3A_5 : vector<2048x256xf32>
    %get3A_7 = arith.constant 0 : index
    %get3A_8 = arith.constant 0 : index
    %get3A_9 = vector.load %arg3[%get3A_7, %get3A_8] : memref<1x256xf32, #tpu.memory_space<vmem>>, vector<1x256xf32>
    %get3A_10 = vector.shape_cast %get3A_9 : vector<1x256xf32> to vector<256xf32>
    %broadcast_in_dim3A_11 = vector.shape_cast %get3A_10 : vector<256xf32> to vector<1x256xf32>
    %add3A = vector.broadcast %broadcast_in_dim3A_11 : vector<1x256xf32> to vector<2048x256xf32>
    %add3A_12 = arith.addf %mul3A_6, %add3A : vector<2048x256xf32>
    %ge3A = arith.constant 0.000000e+00 : f32
    %ge3A_13 = vector.broadcast %ge3A : f32 to vector<2048x256xf32>
    %ge3A_14 = arith.cmpf oge, %add3A_12, %ge3A_13 : vector<2048x256xf32>
    %mul3A_15 = arith.constant 2.000000e-01 : f32
    %mul3A_16 = vector.broadcast %mul3A_15 : f32 to vector<2048x256xf32>
    %mul3A_17 = arith.mulf %mul3A_16, %add3A_12 : vector<2048x256xf32>
    %select_n3A = arith.select %ge3A_14, %add3A_12, %mul3A_17 : vector<2048x256xi1>, vector<2048x256xf32>
    %swap3A = arith.constant 0 : index
    %swap3A_18 = arith.constant 0 : index
    %swap3A_19 = vector.load %arg4[%swap3A, %swap3A_18] : memref<2048x256xf32, #tpu.memory_space<vmem>>, vector<2048x256xf32>
    tpu.vector_store %arg4[%swap3A, %swap3A_18], %select_n3A {strides = array<i32>} : memref<2048x256xf32, #tpu.memory_space<vmem>>, vector<2048x256xf32>,
    return
  }
  func.func @transform_0(%arg0: i32) -> (i32, i32) {
    %c0_i32 = arith.constant 0 : i32
    %c0_i32_0 = arith.constant 0 : i32
    return %arg0, %c0_i32 : i32, i32
  }
  func.func @transform_1(%arg0: i32) -> (i32, i32) {
    %c0_i32 = arith.constant 0 : i32
    %c0_i32_0 = arith.constant 0 : i32
    %c0_i32_1 = arith.constant 0 : i32
    return %c0_i32, %c0_i32_0 : i32, i32
  }
  func.func @transform_2(%arg0: i32) -> (i32, i32) {
    %c0_i32 = arith.constant 0 : i32
    %c0_i32_0 = arith.constant 0 : i32
    %c0_i32_1 = arith.constant 0 : i32
    return %c0_i32, %c0_i32_0 : i32, i32
  }
  func.func @transform_3(%arg0: i32) -> (i32, i32) {
    %c0_i32 = arith.constant 0 : i32
    %c0_i32_0 = arith.constant 0 : i32
    return %arg0, %c0_i32 : i32, i32
  }
}

module attributes {stable_mosaic.version = 14 : i64} {
  func.func @body(%arg0: i32, %arg1: memref<1x1024x512xf32, #tpu.memory_space<vmem>>, %arg2: memref<1024x512xf32, #tpu.memory_space<vmem>>, %arg3: memref<1024x1xf32, #tpu.memory_space<vmem>>, %arg4: memref<1024x1xf32, #tpu.memory_space<vmem>>, %arg5: memref<1x1024x1024xf32, #tpu.memory_space<vmem>>, %arg6: memref<1024x1xf32, #tpu.memory_space<vmem>>, %arg7: memref<1024x1xf32, #tpu.memory_space<vmem>>, %arg8: memref<1024x2xf32, #tpu.memory_space<vmem>>) attributes {dimension_semantics = [#tpu.dimension_semantics<arbitrary>], iteration_bounds = array<i64: 16>, scalar_prefetch = 0 : i64, scratch_operands = 1 : i64, tpu.core_type = #tpu.core_type<tc>, window_params = [{transform_indices = @transform_0, window_bounds = array<i64: 1, 1024, 512>}, {pipeline_mode = #tpu.pipeline_mode<synchronous>, transform_indices = @transform_1, window_bounds = array<i64: 1024, 512>}, {pipeline_mode = #tpu.pipeline_mode<synchronous>, transform_indices = @transform_2, window_bounds = array<i64: 1024, 1>}, {pipeline_mode = #tpu.pipeline_mode<synchronous>, transform_indices = @transform_3, window_bounds = array<i64: 1024, 1>}, {transform_indices = @transform_4, window_bounds = array<i64: 1, 1024, 1024>}, {pipeline_mode = #tpu.pipeline_mode<synchronous>, transform_indices = @transform_5, window_bounds = array<i64: 1024, 1>}, {pipeline_mode = #tpu.pipeline_mode<synchronous>, transform_indices = @transform_6, window_bounds = array<i64: 1024, 1>}]} {
    %eq3A = arith.constant 0 : i32
    %eq3A_0 = arith.cmpi eq, %arg0, %eq3A : i32
    %convert_element_type3A = arith.extui %eq3A_0 : i1 to i32
    %cond3A = arith.constant 0 : i32
    %cond3A_1 = arith.cmpi ne, %convert_element_type3A, %cond3A : i32
    scf.if %cond3A_1 {
      %broadcast_in_dim3A_37 = arith.constant 0.000000e+00 : f32
      %broadcast_in_dim3A_38 = vector.broadcast %broadcast_in_dim3A_37 : f32 to vector<1024x2xf32>
      %swap3A_39 = arith.constant 0 : index
      %swap3A_40 = arith.constant 0 : index
      %swap3A_41 = vector.load %arg8[%swap3A_39, %swap3A_40] : memref<1024x2xf32, #tpu.memory_space<vmem>>, vector<1024x2xf32>
      tpu.vector_store %arg8[%swap3A_39, %swap3A_40], %broadcast_in_dim3A_38 {strides = array<i32>} : memref<1024x2xf32, #tpu.memory_space<vmem>>, vector<1024x2xf32>,
    } else {
    }
    %get3A = arith.constant 0 : index
    %get3A_2 = arith.constant 0 : index
    %get3A_3 = vector.load %arg2[%get3A, %get3A_2] : memref<1024x512xf32, #tpu.memory_space<vmem>>, vector<1024x512xf32>
    %get3A_4 = arith.constant 0 : index
    %get3A_5 = arith.constant 0 : index
    %get3A_6 = arith.constant 0 : index
    %get3A_7 = vector.load %arg1[%get3A_4, %get3A_5, %get3A_6] : memref<1x1024x512xf32, #tpu.memory_space<vmem>>, vector<1x1024x512xf32>
    %get3A_8 = vector.shape_cast %get3A_7 : vector<1x1024x512xf32> to vector<1024x512xf32>
    %dot_general3A = arith.constant dense<0.000000e+00> : vector<1024x1024xf32>
    %dot_general3A_9 = tpu.matmul %get3A_3, %get3A_8, %dot_general3A {dimension_numbers = #tpu.dot_dimension_numbers<[1], [1], [0], [0], [0, 0, 1, 0], [], []>, transpose_lhs_hint = false} : vector<1024x512xf32>, vector<1024x512xf32>, vector<1024x1024xf32> -> vector<1024x1024xf32>
    %swap3A = arith.constant 0 : index
    %swap3A_10 = arith.constant 0 : index
    %swap3A_11 = arith.constant 0 : index
    %swap3A_12 = vector.load %arg5[%swap3A, %swap3A_10, %swap3A_11] : memref<1x1024x1024xf32, #tpu.memory_space<vmem>>, vector<1x1024x1024xf32>
    %swap3A_13 = vector.shape_cast %swap3A_12 : vector<1x1024x1024xf32> to vector<1024x1024xf32>
    %swap3A_14 = vector.shape_cast %dot_general3A_9 : vector<1024x1024xf32> to vector<1x1024x1024xf32>
    tpu.vector_store %arg5[%swap3A, %swap3A_10, %swap3A_11], %swap3A_14 {strides = array<i32>} : memref<1x1024x1024xf32, #tpu.memory_space<vmem>>, vector<1x1024x1024xf32>,
    %get3A_15 = arith.constant 0 : index
    %get3A_16 = arith.constant 0 : index
    %get3A_17 = vector.load %arg8[%get3A_15, %get3A_16] : memref<1024x2xf32, #tpu.memory_space<vmem>>, vector<1024x1xf32>
    %reduce_sum3A = arith.constant dense<0.000000e+00> : vector<1024xf32>
    %reduce_sum3A_18 = vector.multi_reduction <add>, %dot_general3A_9, %reduce_sum3A [1] : vector<1024x1024xf32> to vector<1024xf32>
    %broadcast_in_dim3A = vector.shape_cast %reduce_sum3A_18 : vector<1024xf32> to vector<1024x1xf32>
    %add3A = arith.addf %get3A_17, %broadcast_in_dim3A : vector<1024x1xf32>
    %swap3A_19 = arith.constant 0 : index
    %swap3A_20 = arith.constant 0 : index
    %swap3A_21 = vector.load %arg8[%swap3A_19, %swap3A_20] : memref<1024x2xf32, #tpu.memory_space<vmem>>, vector<1024x1xf32>
    tpu.vector_store %arg8[%swap3A_19, %swap3A_20], %add3A {strides = array<i32>} : memref<1024x2xf32, #tpu.memory_space<vmem>>, vector<1024x1xf32>,
    %get3A_22 = arith.constant 0 : index
    %get3A_23 = arith.constant 1 : index
    %get3A_24 = vector.load %arg8[%get3A_22, %get3A_23] : memref<1024x2xf32, #tpu.memory_space<vmem>>, vector<1024x1xf32>
    %mul3A = arith.mulf %dot_general3A_9, %dot_general3A_9 : vector<1024x1024xf32>
    %reduce_sum3A_25 = arith.constant dense<0.000000e+00> : vector<1024xf32>
    %reduce_sum3A_26 = vector.multi_reduction <add>, %mul3A, %reduce_sum3A_25 [1] : vector<1024x1024xf32> to vector<1024xf32>
    %broadcast_in_dim3A_27 = vector.shape_cast %reduce_sum3A_26 : vector<1024xf32> to vector<1024x1xf32>
    %add3A_28 = arith.addf %get3A_24, %broadcast_in_dim3A_27 : vector<1024x1xf32>
    %swap3A_29 = arith.constant 0 : index
    %swap3A_30 = arith.constant 1 : index
    %swap3A_31 = vector.load %arg8[%swap3A_29, %swap3A_30] : memref<1024x2xf32, #tpu.memory_space<vmem>>, vector<1024x1xf32>
    tpu.vector_store %arg8[%swap3A_29, %swap3A_30], %add3A_28 {strides = array<i32>} : memref<1024x2xf32, #tpu.memory_space<vmem>>, vector<1024x1xf32>,
    %eq3A_32 = arith.constant 15 : i32
    %eq3A_33 = arith.cmpi eq, %arg0, %eq3A_32 : i32
    %convert_element_type3A_34 = arith.extui %eq3A_33 : i1 to i32
    %cond3A_35 = arith.constant 0 : i32
    %cond3A_36 = arith.cmpi ne, %convert_element_type3A_34, %cond3A_35 : i32
    scf.if %cond3A_36 {
      %get3A_37 = arith.constant 0 : index
      %get3A_38 = arith.constant 0 : index
      %get3A_39 = vector.load %arg8[%get3A_37, %get3A_38] : memref<1024x2xf32, #tpu.memory_space<vmem>>, vector<1024x1xf32>
      %div3A = arith.constant 1.638400e+04 : f32
      %div3A_40 = vector.broadcast %div3A : f32 to vector<1024x1xf32>
      %div3A_41 = arith.divf %get3A_39, %div3A_40 : vector<1024x1xf32>
      %get3A_42 = arith.constant 0 : index
      %get3A_43 = arith.constant 1 : index
      %get3A_44 = vector.load %arg8[%get3A_42, %get3A_43] : memref<1024x2xf32, #tpu.memory_space<vmem>>, vector<1024x1xf32>
      %div3A_45 = arith.constant 1.638400e+04 : f32
      %div3A_46 = vector.broadcast %div3A_45 : f32 to vector<1024x1xf32>
      %div3A_47 = arith.divf %get3A_44, %div3A_46 : vector<1024x1xf32>
      %mul3A_48 = arith.mulf %div3A_41, %div3A_41 : vector<1024x1xf32>
      %sub3A = arith.subf %div3A_47, %mul3A_48 : vector<1024x1xf32>
      %get3A_49 = arith.constant 0 : index
      %get3A_50 = arith.constant 0 : index
      %get3A_51 = vector.load %arg3[%get3A_49, %get3A_50] : memref<1024x1xf32, #tpu.memory_space<vmem>>, vector<1024x1xf32>
      %add3A_52 = arith.constant 9.99999974E-6 : f32
      %add3A_53 = vector.broadcast %add3A_52 : f32 to vector<1024x1xf32>
      %add3A_54 = arith.addf %sub3A, %add3A_53 : vector<1024x1xf32>
      %rsqrt3A = math.rsqrt %add3A_54 : vector<1024x1xf32>
      %mul3A_55 = arith.mulf %get3A_51, %rsqrt3A : vector<1024x1xf32>
      %swap3A_56 = arith.constant 0 : index
      %swap3A_57 = arith.constant 0 : index
      %swap3A_58 = vector.load %arg6[%swap3A_56, %swap3A_57] : memref<1024x1xf32, #tpu.memory_space<vmem>>, vector<1024x1xf32>
      tpu.vector_store %arg6[%swap3A_56, %swap3A_57], %mul3A_55 {strides = array<i32>} : memref<1024x1xf32, #tpu.memory_space<vmem>>, vector<1024x1xf32>,
      %get3A_59 = arith.constant 0 : index
      %get3A_60 = arith.constant 0 : index
      %get3A_61 = vector.load %arg4[%get3A_59, %get3A_60] : memref<1024x1xf32, #tpu.memory_space<vmem>>, vector<1024x1xf32>
      %mul3A_62 = arith.mulf %div3A_41, %mul3A_55 : vector<1024x1xf32>
      %sub3A_63 = arith.subf %get3A_61, %mul3A_62 : vector<1024x1xf32>
      %swap3A_64 = arith.constant 0 : index
      %swap3A_65 = arith.constant 0 : index
      %swap3A_66 = vector.load %arg7[%swap3A_64, %swap3A_65] : memref<1024x1xf32, #tpu.memory_space<vmem>>, vector<1024x1xf32>
      tpu.vector_store %arg7[%swap3A_64, %swap3A_65], %sub3A_63 {strides = array<i32>} : memref<1024x1xf32, #tpu.memory_space<vmem>>, vector<1024x1xf32>,
    } else {
    }
    return
  }
  func.func @transform_0(%arg0: i32) -> (i32, i32, i32) {
    %c0_i32 = arith.constant 0 : i32
    %c0_i32_0 = arith.constant 0 : i32
    %c0_i32_1 = arith.constant 0 : i32
    return %arg0, %c0_i32, %c0_i32_0 : i32, i32, i32
  }
  func.func @transform_1(%arg0: i32) -> (i32, i32) {
    %c0_i32 = arith.constant 0 : i32
    %c0_i32_0 = arith.constant 0 : i32
    %c0_i32_1 = arith.constant 0 : i32
    return %c0_i32, %c0_i32_0 : i32, i32
  }
  func.func @transform_2(%arg0: i32) -> (i32, i32) {
    %c0_i32 = arith.constant 0 : i32
    %c0_i32_0 = arith.constant 0 : i32
    %c0_i32_1 = arith.constant 0 : i32
    return %c0_i32, %c0_i32_0 : i32, i32
  }
  func.func @transform_3(%arg0: i32) -> (i32, i32) {
    %c0_i32 = arith.constant 0 : i32
    %c0_i32_0 = arith.constant 0 : i32
    %c0_i32_1 = arith.constant 0 : i32
    return %c0_i32, %c0_i32_0 : i32, i32
  }
  func.func @transform_4(%arg0: i32) -> (i32, i32, i32) {
    %c0_i32 = arith.constant 0 : i32
    %c0_i32_0 = arith.constant 0 : i32
    %c0_i32_1 = arith.constant 0 : i32
    return %arg0, %c0_i32, %c0_i32_0 : i32, i32, i32
  }
  func.func @transform_5(%arg0: i32) -> (i32, i32) {
    %c0_i32 = arith.constant 0 : i32
    %c0_i32_0 = arith.constant 0 : i32
    %c0_i32_1 = arith.constant 0 : i32
    return %c0_i32, %c0_i32_0 : i32, i32
  }
  func.func @transform_6(%arg0: i32) -> (i32, i32) {
    %c0_i32 = arith.constant 0 : i32
    %c0_i32_0 = arith.constant 0 : i32
    %c0_i32_1 = arith.constant 0 : i32
    return %c0_i32, %c0_i32_0 : i32, i32
  }
}

module attributes {stable_mosaic.version = 14 : i64} {
  func.func @body(%arg0: i32, %arg1: memref<1x1024x1024xf32, #tpu.memory_space<vmem>>, %arg2: memref<1024x1xf32, #tpu.memory_space<vmem>>, %arg3: memref<1024x1xf32, #tpu.memory_space<vmem>>, %arg4: memref<1x1024x1024xf32, #tpu.memory_space<vmem>>) attributes {dimension_semantics = [#tpu.dimension_semantics<arbitrary>], iteration_bounds = array<i64: 16>, scalar_prefetch = 0 : i64, scratch_operands = 0 : i64, tpu.core_type = #tpu.core_type<tc>, window_params = [{transform_indices = @transform_0, window_bounds = array<i64: 1, 1024, 1024>}, {pipeline_mode = #tpu.pipeline_mode<synchronous>, transform_indices = @transform_1, window_bounds = array<i64: 1024, 1>}, {pipeline_mode = #tpu.pipeline_mode<synchronous>, transform_indices = @transform_2, window_bounds = array<i64: 1024, 1>}, {transform_indices = @transform_3, window_bounds = array<i64: 1, 1024, 1024>}]} {
    %get3A = arith.constant 0 : index
    %get3A_0 = arith.constant 0 : index
    %get3A_1 = vector.load %arg2[%get3A, %get3A_0] : memref<1024x1xf32, #tpu.memory_space<vmem>>, vector<1024x1xf32>
    %get3A_2 = arith.constant 0 : index
    %get3A_3 = arith.constant 0 : index
    %get3A_4 = arith.constant 0 : index
    %get3A_5 = vector.load %arg1[%get3A_2, %get3A_3, %get3A_4] : memref<1x1024x1024xf32, #tpu.memory_space<vmem>>, vector<1x1024x1024xf32>
    %get3A_6 = vector.shape_cast %get3A_5 : vector<1x1024x1024xf32> to vector<1024x1024xf32>
    %mul3A = vector.broadcast %get3A_1 : vector<1024x1xf32> to vector<1024x1024xf32>
    %mul3A_7 = arith.mulf %mul3A, %get3A_6 : vector<1024x1024xf32>
    %get3A_8 = arith.constant 0 : index
    %get3A_9 = arith.constant 0 : index
    %get3A_10 = vector.load %arg3[%get3A_8, %get3A_9] : memref<1024x1xf32, #tpu.memory_space<vmem>>, vector<1024x1xf32>
    %add3A = vector.broadcast %get3A_10 : vector<1024x1xf32> to vector<1024x1024xf32>
    %add3A_11 = arith.addf %mul3A_7, %add3A : vector<1024x1024xf32>
    %ge3A = arith.constant 0.000000e+00 : f32
    %ge3A_12 = vector.broadcast %ge3A : f32 to vector<1024x1024xf32>
    %ge3A_13 = arith.cmpf oge, %add3A_11, %ge3A_12 : vector<1024x1024xf32>
    %mul3A_14 = arith.constant 2.000000e-01 : f32
    %mul3A_15 = vector.broadcast %mul3A_14 : f32 to vector<1024x1024xf32>
    %mul3A_16 = arith.mulf %mul3A_15, %add3A_11 : vector<1024x1024xf32>
    %select_n3A = arith.select %ge3A_13, %add3A_11, %mul3A_16 : vector<1024x1024xi1>, vector<1024x1024xf32>
    %swap3A = arith.constant 0 : index
    %swap3A_17 = arith.constant 0 : index
    %swap3A_18 = arith.constant 0 : index
    %swap3A_19 = vector.load %arg4[%swap3A, %swap3A_17, %swap3A_18] : memref<1x1024x1024xf32, #tpu.memory_space<vmem>>, vector<1x1024x1024xf32>
    %swap3A_20 = vector.shape_cast %swap3A_19 : vector<1x1024x1024xf32> to vector<1024x1024xf32>
    %swap3A_21 = vector.shape_cast %select_n3A : vector<1024x1024xf32> to vector<1x1024x1024xf32>
    tpu.vector_store %arg4[%swap3A, %swap3A_17, %swap3A_18], %swap3A_21 {strides = array<i32>} : memref<1x1024x1024xf32, #tpu.memory_space<vmem>>, vector<1x1024x1024xf32>,
    return
  }
  func.func @transform_0(%arg0: i32) -> (i32, i32, i32) {
    %c0_i32 = arith.constant 0 : i32
    %c0_i32_0 = arith.constant 0 : i32
    %c0_i32_1 = arith.constant 0 : i32
    return %arg0, %c0_i32, %c0_i32_0 : i32, i32, i32
  }
  func.func @transform_1(%arg0: i32) -> (i32, i32) {
    %c0_i32 = arith.constant 0 : i32
    %c0_i32_0 = arith.constant 0 : i32
    %c0_i32_1 = arith.constant 0 : i32
    return %c0_i32, %c0_i32_0 : i32, i32
  }
  func.func @transform_2(%arg0: i32) -> (i32, i32) {
    %c0_i32 = arith.constant 0 : i32
    %c0_i32_0 = arith.constant 0 : i32
    %c0_i32_1 = arith.constant 0 : i32
    return %c0_i32, %c0_i32_0 : i32, i32
  }
  func.func @transform_3(%arg0: i32) -> (i32, i32, i32) {
    %c0_i32 = arith.constant 0 : i32
    %c0_i32_0 = arith.constant 0 : i32
    %c0_i32_1 = arith.constant 0 : i32
    return %arg0, %c0_i32, %c0_i32_0 : i32, i32, i32
  }
}

</mosaic_0001>

<sc_bundles>
// kernel: kernel.20.cloned.1.call-start
scs
__scs_entry_jumppad:
0x0: {  	(pc) =	sbr.rel $0x88, $3  }
0x1: {  	(tag) =	ssettag $0x0;
	lr =	simm.s32 $0x1  }
0x2: {  	[smem:$0x3F91] =	sst lr;
	_ =	strace $0xD0000000  }
0x3: {  	_ = 	snop  }
0x4: {  	_ = 	snop  }
0x5: {  	_ = 	snop  }
0x6: {  	_ = 	snop  }
0x7: {  	_ = 	snop  }
__scs_overlays_trampoline_lowered:
0x8: {  	[smem:$0x3FA0] =	sst s0  }
0x9: {  	[smem:$0x3FA1] =	sst s1  }
0xa: {  	[smem:$0x3FA2] =	sst s2  }
0xb: {  	[smem:$0x3FA3] =	sst s3  }
0xc: {  	[smem:$0x3FA4] =	sst s4  }
0xd: {  	[smem:$0x3FA5] =	sst s5  }
0xe: {  	[smem:$0x3FA6] =	sst s6  }
0xf: {  	[smem:$0x3FA7] =	sst s7  }
0x10: {  	[smem:$0x3FA8] =	sst s8  }
0x11: {  	[smem:$0x3FA9] =	sst s9;
	s0 =	simm.s32 @!p0 $0x0  }
0x12: {  	s1 =	sld [smem:$0x3F8F];
	s0 =	simm.s32 @p0 $0x1  }
0x13: {  	[smem:$0x3FAA] =	sst s0;
	s0 =	simm.s32 @!p1 $0x0  }
0x14: {  	s2 =	sld [smem:$0x3F8E];
	s0 =	simm.s32 @p1 $0x1  }
0x15: {  	[smem:$0x3FAB] =	sst s0;
	s0 =	simm.s32 @!p2 $0x0  }
0x16: {  	s3 =	sld [smem:$0x3FDB];
	s0 =	simm.s32 @p2 $0x1  }
0x17: {  	s4 =	simm.s32 $0x1BF5;
	[smem:$0x3FAD] =	sst s0  }
0x18: {  	s0 =	sld [smem:$0x3F90];
	_ =	swait.ge [sflag:s4], $0x0  }
0x19: {  	s7 =	sld [smem:$0x3F91]  }
0x1a: {  	s8 =	sadd.s32 $0xFFFFE003, lr  }
0x1b: {  	s9 =	sadd.s32 $0xFFFFFEF7, lr;
	s5 =	simm.s32 $0xFFFFFFFF;
	p2 =	slt.u32 s8, $0xFFFFF086  }
0x1c: {  	p1 =	slt.u32 s9, $0xF7A;
	s5 =	simm.s32 @!p2 $0x0  }
0x1d: {  	s5 =	simm.s32 @p1 $0x1;
	p0 =	seq.s32 s7, s2  }
0x1e: {  	s7 =	smul.u32 @!p0 $0xF7A, s2;
	p2 =	seq.s32 @!p0 s5, $0x0  }
0x1f: {  	s9 =	smul.u32 $0xF7A, s1;
	s8 =	simm.s32 @!p0 $0x1BF5;
	p2 =	por !p2, p0  }
0x20: {  	[sflag:s8] =	ssyncset.s32 @!p0 $0xFFFFF086;
	s6 =	sadd.s32 @!p0 s3, s7;
	s7 =	simm.s32 @!p0 $0x108  }
0x21: {  	s3 =	sadd.s32 s3, s9;
	s6 =	sadd.s32 @!p0 $0x88, s6;
	s7 =	simm.s32 @p2 $0x1082  }
0x22: {  	[simem:s7], [sflag:s8] =	dma.local @!p0 [hbm:s6], $0xF7A  }
0x23: {  	s9 =	sor.u32 $0xD0000000, s2;
	s6 =	simm.s32 $0x108;
	_ =	swait.ge @!p0 [sflag:s8], $0x0  }
0x24: {  	s3 =	sadd.s32 $0x88, s3;
	s6 =	simm.s32 @!p1 $0x1082;
	[sflag:s4] =	ssyncset.s32 $0xFFFFF086  }
0x25: {  	[simem:s6], [sflag:s4] =	dma.local [hbm:s3], $0xF7A  }
0x26: {  	[smem:$0x3F91] =	sst s1;
	(tag) =	ssettag s2;
	_ =	strace s9  }
0x27: {  	s1 =	sld [smem:$0x3FA1]  }
0x28: {  	s2 =	sld [smem:$0x3FA2]  }
0x29: {  	s4 =	sld [smem:$0x3FA4]  }
0x2a: {  	p0 =	seq.s32 s5, $0x0;
	s5 =	sld [smem:$0x3FA5]  }
0x2b: {  	s6 =	sld [smem:$0x3FA6]  }
0x2c: {  	s7 =	sld [smem:$0x3FA7]  }
0x2d: {  	s3 =	simm.s32 $0x108;
	s8 =	sld [smem:$0x3FA8]  }
0x2e: {  	s3 =	simm.s32 @!p0 $0x1082;
	s9 =	sld [smem:$0x3FA9]  }
0x2f: {  	lr =	sadd.s32 s0, s3;
	s0 =	sld [smem:$0x3FA0]  }
0x30: {  	s3 =	sld [smem:$0x3FA3]  }
0x31: {  	[smem:$0x3FAC] =	sst s10  }
0x32: {  	s10 =	sld [smem:$0x3FAA];
	_ =	sdelay $0x3  }
0x33: {  	p0 =	seq.s32 s10, $0x1;
	s10 =	sld [smem:$0x3FAC];
	_ =	sdelay $0x3  }
0x34: {  	[smem:$0x3FAC] =	sst s10  }
0x35: {  	s10 =	sld [smem:$0x3FAB];
	_ =	sdelay $0x3  }
0x36: {  	p1 =	seq.s32 s10, $0x1;
	s10 =	sld [smem:$0x3FAC];
	_ =	sdelay $0x3  }
0x37: {  	[smem:$0x3FAC] =	sst s10  }
0x38: {  	s10 =	sld [smem:$0x3FAD]  }
0x39: {  	_ = 	snop;
	(pc) =	sbr.ind lr, $3  }
0x3a: {  	_ = 	snop  }
0x3b: {  	_ = 	snop  }
0x3c: {  	p2 =	seq.s32 s10, $0x1;
	s10 =	sld [smem:$0x3FAC]  }
0x3d: {  	_ =	shalt  }
0x3e: {  	_ =	shalt  }
0x3f: {  	_ =	shalt  }
0x40: {  	_ =	shalt  }
0x41: {  	_ =	shalt  }
0x42: {  	_ =	shalt  }
0x43: {  	_ =	shalt  }
0x44: {  	_ =	shalt  }
0x45: {  	_ =	shalt  }
0x46: {  	_ =	shalt  }
0x47: {  	_ =	shalt  }
0x48: {  	_ =	shalt  }
0x49: {  	_ =	shalt  }
0x4a: {  	_ =	shalt  }
0x4b: {  	_ =	shalt  }
0x4c: {  	_ =	shalt  }
0x4d: {  	_ =	shalt  }
0x4e: {  	_ =	shalt  }
0x4f: {  	_ =	shalt  }
0x50: {  	_ =	shalt  }
0x51: {  	_ =	shalt  }
0x52: {  	_ =	shalt  }
0x53: {  	_ =	shalt  }
0x54: {  	_ =	shalt  }
0x55: {  	_ =	shalt  }
0x56: {  	_ =	shalt  }
0x57: {  	_ =	shalt  }
0x58: {  	_ =	shalt  }
0x59: {  	_ =	shalt  }
0x5a: {  	_ =	shalt  }
0x5b: {  	_ =	shalt  }
0x5c: {  	_ =	shalt  }
0x5d: {  	_ =	shalt  }
0x5e: {  	_ =	shalt  }
0x5f: {  	_ =	shalt  }
0x60: {  	_ =	shalt  }
0x61: {  	_ =	shalt  }
0x62: {  	_ =	shalt  }
0x63: {  	_ =	shalt  }
0x64: {  	_ =	shalt  }
0x65: {  	_ =	shalt  }
0x66: {  	_ =	shalt  }
0x67: {  	_ =	shalt  }
0x68: {  	_ =	shalt  }
0x69: {  	_ =	shalt  }
0x6a: {  	_ =	shalt  }
0x6b: {  	_ =	shalt  }
0x6c: {  	_ =	shalt  }
0x6d: {  	_ =	shalt  }
0x6e: {  	_ =	shalt  }
0x6f: {  	_ =	shalt  }
0x70: {  	_ =	shalt  }
0x71: {  	_ =	shalt  }
0x72: {  	_ =	shalt  }
0x73: {  	_ =	shalt  }
0x74: {  	_ =	shalt  }
0x75: {  	_ =	shalt  }
0x76: {  	_ =	shalt  }
0x77: {  	_ =	shalt  }
0x78: {  	_ =	shalt  }
0x79: {  	_ =	shalt  }
0x7a: {  	_ =	shalt  }
0x7b: {  	_ =	shalt  }
0x7c: {  	_ =	shalt  }
0x7d: {  	_ =	shalt  }
0x7e: {  	_ =	shalt  }
0x7f: {  	_ =	shalt  }
0x80: {  	_ =	shalt  }
0x81: {  	_ =	shalt  }
0x82: {  	_ =	shalt  }
0x83: {  	_ =	shalt  }
0x84: {  	_ =	shalt  }
0x85: {  	_ =	shalt  }
0x86: {  	_ =	shalt  }
0x87: {  	_ =	shalt  }
.Lfunc_end0:
.L_simem_size_0:
called_computation_lowered:
.L_overlay_start_0:
0x88: {  	s2 =	sld [smem:$0x3FD9]  }
0x89: {  	s3 =	sld [smem:$0x3FFE];
	_ =	sdelay $0x1  }
0x8a: {  	s1 =	srdreg.scid  }
0x8b: {  	s0 =	sand.u32 $0x1, s1  }
0x8c: {  	s17 =	sshll.u32 s0, $0xA;
	s2 =	sadd.s32 s3, s2  }
0x8d: {  	s2 =	sadd.s32 s2, s17  }
0x8e: {  	[smem:$0x3FB8] =	sst s2  }
0x8f: {  	_ = 	snop  }
0x90: {  	s2 =	sld [smem:$0x3FD0];
	(tm) =	ssettm $0x1  }
0x91: {  	s18 =	sld [smem:$0x3FFB];
	_ =	sdelay $0x3  }
0x92: {  	_ =	strace s18  }
0x93: {  	s3 =	sld [smem:$0x3FFC];
	_ =	sdelay $0x3  }
0x94: {  	_ =	strace s3  }
0x95: {  	s3 =	sld [smem:$0x3FFD];
	_ =	sdelay $0x3  }
0x96: {  	_ =	strace s3  }
0x97: {  	_ =	strace $0x8FFFFFFF  }
0x98: {  	s19 =	sld [smem:$0x3FDB];
	_ =	sdelay $0x1  }
0x99: {  	s4 =	simm.s32 $_scs_section_size  }
0x9a: {  	s5 =	simm.s32 $_size__tile_overlayer_lowered;
	s6 =	simm.s32 $_tile_overlayer_lowered  }
0x9b: {  	s22 =	simm.s32 $0x1BFF;
	s21 =	sshll.u32 s6, $0x1;
	s3 =	sadd.s32 s4, s19  }
0x9c: {  	s7 =	simm.s32 $0x0;
	s20 =	sshll.u32 s5, $0x1;
	s5 =	sadd.s32 s21, s3  }
0x9d: {  	[timem:s7], [sflag:s22] =	dma.local [hbm:s5], s20  }
0x9e: {  	_ =	swait.ge [sflag:s22], s20  }
0x9f: {  	s4 =	ssub.s32 $0x0, s20;
	[sflag:s22] =	ssyncset.done $0x0  }
0xa0: {  	[sflag:s22] =	ssyncadd.s32 s4;
	_ =	sdelay $0x1  }
0xa1: {  	s23 =	simm.s32 $0x1B8B  }
0xa2: {  	_ =	swait.ge [sflag:s23], $0x1  }
0xa3: {  	[sflag:s23] =	ssyncset.done $0x0  }
0xa4: {  	s25 =	simm.s32 $0x1B8E;
	s24 =	sld [smem:$0x3FFE];
	[sflag:s23] =	ssyncadd.s32 $0xFFFFFFFF  }
0xa5: {  	s26 =	simm.s32 $execute0_lowered;
	[smem:$0x3FD2] =	sst s25  }
0xa6: {  	s5 =	sshll.u32 s26, $0x1;
	_ =	strace $0x80000046;
	[dreg:$0x1] =	wrdreg $0xFFFFFFFF  }
0xa7: {  	s28 =	simm.s32 $_size_execute0_lowered;
	s3 =	sadd.s32 s3, s5;
	[dreg:$0x0] =	wrdreg $0x0  }
0xa8: {  	s5 =	sshll.u32 s28, $0x1;
	[dreg:$0x2] =	wrdreg s3  }
0xa9: {  	[dreg:$0x3] =	wrdreg s5  }
0xaa: {  	[dreg:$0x4] =	wrdreg $0xC0  }
0xab: {  	_ =	task [dreg:s7], $0x5FFFF  }
0xac: {  	[dreg:$0x1] =	wrdreg $0xFFFFFFFF  }
0xad: {  	[dreg:$0x0] =	wrdreg $0x60  }
0xae: {  	[dreg:$0x2] =	wrdreg s2  }
0xaf: {  	[dreg:$0x3] =	wrdreg s24  }
0xb0: {  	[dreg:$0x4] =	wrdreg $0x9  }
0xb1: {  	_ =	task.clear_ibuf [dreg:s7], $0x5FFFF;
	_ =	strace $0x90000046  }
0xb2: {  	s29 =	simm.s32 $0x9;
	_ =	strace $0x80000048  }
0xb3: {  	_ =	swait.ge [sflag:s29], $0x1  }
0xb4: {  	[sflag:s29] =	ssyncadd.s32 $0xFFFFFFFF  }
0xb5: {  	_ =	strace $0x90000048  }
0xb6: {  	_ =	sfence  }
0xb7: {  	s30 =	sld [smem:$0x0];
	_ =	sdelay $0x2  }
0xb8: {  	s31 =	sshll.u32 s1, $0xD;
	s1 =	sshrl.u32 s1, $0x2  }
0xb9: {  	s3 =	sand.u32 $0x4000, s31;
	s1 =	sadd.s32 s1, s30  }
0xba: {  	s0 =	sor.u32 s3, s0;
	s1 =	sshll.u32 s1, $0x11  }
0xbb: {  	s0 =	sor.u32 s1, s0  }
0xbc: {  	s0 =	sadd.s32 $0x8F2B, s0  }
0xbd: {  	[sflag:s0] =	ssyncadd.remote.s32 $0x1  }
0xbe: {  	_ =	sfence.sel $0xFFFF  }
0xbf: {  	[dreg:$0x0] =	wrdreg $0xFFFFFFFF;
	(pc) =	sbr.abs _section_cstart, $3  }
0xc0: {  	[dreg:$0x1] =	wrdreg $0xFFFFFFFF  }
0xc1: {  	_ =	task.clear_ibuf [dreg:s7], $0x2FFFF;
	_ =	strace $0x9FFFFFFF  }
0xc2: {  	(tm) =	ssettm $0x7FFFFFFF  }
0xc3: {  	_ =	shalt  }
tec
execute0_lowered:
.L_overlay_start_1:
0x0: {  	(tag) =	ssettag $0x1  }
0x1: {  	s1 =	srdreg.scid;
	s2 =	rddreg [dreg:$0x0]  }
0x2: {  	s0 =	stileid.u32;
	s5 =	rddreg [dreg:$0x1];
	s3 =	simm.s32 $0x0  }
0x3: {  	s10 =	simm.s32 $0x7000;
	s11 =	simm.s32 $0xB000;
	s12 =	simm.s32 $0xF000  }
0x4: {  	s13 =	simm.s32 $0x1;
	s14 =	simm.s32 $0x2;
	s15 =	simm.s32 $0x3  }
0x5: {  	s16 =	simm.s32 $0x4;
	s17 =	simm.s32 $0x5;
	s18 =	simm.s32 $0x6  }
0x6: {  	s19 =	simm.s32 $0x7;
	s20 =	simm.s32 $0x8;
	s4 =	sand.u32 $0x1, s1  }
0x7: {  	s30 =	sshll.u32 s0, $0x1;
	s7 =	smul.u32 $0x60000, s0;
	[smem:$0x7FF] =	sst s3  }
0x8: {  	s1 =	sor.u32 s4, s30;
	s8 =	ssub.s32 $0x2, s4;
	s4 =	smul.u32 $0x30000, s4  }
0x9: {  	s21 =	simm.s32 $0x0;
	s6 =	smul.u32 $0x600, s1;
	s1 =	rddreg [dreg:$0x2]  }
0xa: {  	_ =	strace $0x80000047;
	s7 =	sadd.s32 s7, s5;
	s9 =	sshrl.u32 s8, $0x1  }
0xb: {  	s31 =	ssub.s32 s8, s9;
	s7 =	sadd.s32 s4, s7;
	s8 =	simm.s32 $0x80  }
0xc: {  	s9 =	simm.s32 $0x3000;
	s5 =	sadd.s32 s6, s5;
	s6 =	sadd.s32 $0x12600, s7  }
0xd: {  	s7 =	simm.s32 $0x9;
	s4 =	sadd.s32 $0x4E00, s5;
	s5 =	smax.u32 s31, $0x1  }
.LBB2_1:
0xe: {  	[tilespmem:s3], [sflag:$0x9] =	stream.linear.gather [hbm4b:s4+s3], $0x3000, $0x38;
	[tilespmem:$0x13000] =	vst v63  }
0xf: {  	_ =	swait.ge [sflag:s7], $0x3000  }
0x10: {  	[sflag:s7] =	ssyncset.done $0x0  }
0x11: {  	s22 =	simm.s32 $0x0;
	[sflag:s7] =	ssyncadd.s32 $0xFFFFD000  }
0x12: {  	[tilespmem:s9], [sflag:$0x1] =	stream.indirect.gather [hbm4b:s2+s8], $0x80, s22, s8, $0xb8;
	[tilespmem:$0x13000] =	vst v63  }
0x13: {  	s25 =	simm.s32 $0x80  }
0x14: {  	[tilespmem:s10], [sflag:$0x2] =	stream.indirect.gather [hbm4b:s2+s8], $0x80, s25, s8, $0xb8;
	[tilespmem:$0x13000] =	vst v63  }
0x15: {  	s26 =	simm.s32 $0x100  }
0x16: {  	[tilespmem:s11], [sflag:$0x3] =	stream.indirect.gather [hbm4b:s2+s8], $0x80, s26, s8, $0xb8;
	[tilespmem:$0x13000] =	vst v63  }
0x17: {  	s28 =	simm.s32 $0x180  }
0x18: {  	[tilespmem:s12], [sflag:$0x4] =	stream.indirect.gather [hbm4b:s2+s8], $0x80, s28, s8, $0xb8;
	[tilespmem:$0x13000] =	vst v63  }
0x19: {  	_ =	swait.ge [sflag:s13], $0x4000  }
0x1a: {  	[sflag:s13] =	ssyncset.done $0x0  }
0x1b: {  	s29 =	sadd.s32 $0xFFFFE800, s6;
	[sflag:s13] =	ssyncadd.s32 $0xFFFFC000  }
0x1c: {  	[hbm4b:s29+s3] =	stream.linear.scatter [tilespmem:s9], [sflag:$0x5], $0x4000, $0x38;
	[tilespmem:$0x13000] =	vst v63  }
0x1d: {  	_ =	swait.ge [sflag:s14], $0x4000  }
0x1e: {  	[sflag:s14] =	ssyncset.done $0x0  }
0x1f: {  	s30 =	sadd.s32 $0xFFFFF000, s6;
	[sflag:s14] =	ssyncadd.s32 $0xFFFFC000  }
0x20: {  	[hbm4b:s30+s3] =	stream.linear.scatter [tilespmem:s10], [sflag:$0x6], $0x4000, $0x38;
	[tilespmem:$0x13000] =	vst v63  }
0x21: {  	_ =	swait.ge [sflag:s15], $0x4000  }
0x22: {  	[sflag:s15] =	ssyncset.done $0x0  }
0x23: {  	s31 =	sadd.s32 $0xFFFFF800, s6;
	[sflag:s15] =	ssyncadd.s32 $0xFFFFC000  }
0x24: {  	[hbm4b:s31+s3] =	stream.linear.scatter [tilespmem:s11], [sflag:$0x7], $0x4000, $0x38;
	[tilespmem:$0x13000] =	vst v63  }
0x25: {  	_ =	swait.ge [sflag:s16], $0x4000  }
0x26: {  	[sflag:s16] =	ssyncset.done $0x0  }
0x27: {  	[sflag:s16] =	ssyncadd.s32 $0xFFFFC000  }
0x28: {  	[hbm4b:s6+s3] =	stream.linear.scatter [tilespmem:s12], [sflag:$0x8], $0x4000, $0x38;
	[tilespmem:$0x13000] =	vst v63  }
0x29: {  	_ =	swait.ge [sflag:s17], $0x4000  }
0x2a: {  	[sflag:s17] =	ssyncset.done $0x0  }
0x2b: {  	[sflag:s17] =	ssyncadd.s32 $0xFFFFC000  }
0x2c: {  	_ =	swait.ge [sflag:s18], $0x4000  }
0x2d: {  	[sflag:s18] =	ssyncset.done $0x0  }
0x2e: {  	[sflag:s18] =	ssyncadd.s32 $0xFFFFC000  }
0x2f: {  	_ =	swait.ge [sflag:s19], $0x4000  }
0x30: {  	[sflag:s19] =	ssyncset.done $0x0  }
0x31: {  	[sflag:s19] =	ssyncadd.s32 $0xFFFFC000  }
0x32: {  	s23 =	simm.s32 $0x800;
	_ =	swait.ge [sflag:s20], $0x4000  }
0x33: {  	s22 =	sadd.s32 $0x2000, s6;
	s25 =	simm.s32 $0x1000;
	[sflag:s20] =	ssyncset.done $0x0  }
.LBB2_2:
0x34: {  	s26 =	sshra.s32 s23, $0x2  }
0x35: {  	[sflag:s20] =	ssyncadd.s32 $0xFFFFC000;
	s23 =	smov.u32 s25;
	s24 =	sadd.s32 $0x800, s25  }
0x36: {  	[tilespmem:s9], [sflag:$0x1] =	stream.indirect.gather [hbm4b:s2+s8], $0x80, s26, s8, $0xb8;
	[tilespmem:$0x13000] =	vst v63  }
0x37: {  	p0 =	sne.s32 s25, $0xB800;
	s25 =	sadd.s32 $0x80, s26  }
0x38: {  	[tilespmem:s10], [sflag:$0x2] =	stream.indirect.gather [hbm4b:s2+s8], $0x80, s25, s8, $0xb8;
	[tilespmem:$0x13000] =	vst v63  }
0x39: {  	s25 =	sadd.s32 $0x100, s26  }
0x3a: {  	[tilespmem:s11], [sflag:$0x3] =	stream.indirect.gather [hbm4b:s2+s8], $0x80, s25, s8, $0xb8;
	[tilespmem:$0x13000] =	vst v63  }
0x3b: {  	s25 =	sadd.s32 $0x180, s26  }
0x3c: {  	[tilespmem:s12], [sflag:$0x4] =	stream.indirect.gather [hbm4b:s2+s8], $0x80, s25, s8, $0xb8;
	[tilespmem:$0x13000] =	vst v63  }
0x3d: {  	_ =	swait.ge [sflag:s13], $0x4000  }
0x3e: {  	[sflag:s13] =	ssyncset.done $0x0  }
0x3f: {  	s25 =	sadd.s32 $0xFFFFE800, s22;
	[sflag:s13] =	ssyncadd.s32 $0xFFFFC000  }
0x40: {  	[hbm4b:s25+s3] =	stream.linear.scatter [tilespmem:s9], [sflag:$0x5], $0x4000, $0x38;
	[tilespmem:$0x13000] =	vst v63  }
0x41: {  	_ =	swait.ge [sflag:s14], $0x4000  }
0x42: {  	[sflag:s14] =	ssyncset.done $0x0  }
0x43: {  	s25 =	sadd.s32 $0xFFFFF000, s22;
	[sflag:s14] =	ssyncadd.s32 $0xFFFFC000  }
0x44: {  	[hbm4b:s25+s3] =	stream.linear.scatter [tilespmem:s10], [sflag:$0x6], $0x4000, $0x38;
	[tilespmem:$0x13000] =	vst v63  }
0x45: {  	_ =	swait.ge [sflag:s15], $0x4000  }
0x46: {  	[sflag:s15] =	ssyncset.done $0x0  }
0x47: {  	s25 =	sadd.s32 $0xFFFFF800, s22;
	[sflag:s15] =	ssyncadd.s32 $0xFFFFC000  }
0x48: {  	[hbm4b:s25+s3] =	stream.linear.scatter [tilespmem:s11], [sflag:$0x7], $0x4000, $0x38;
	[tilespmem:$0x13000] =	vst v63  }
0x49: {  	_ =	swait.ge [sflag:s16], $0x4000  }
0x4a: {  	[sflag:s16] =	ssyncset.done $0x0  }
0x4b: {  	[sflag:s16] =	ssyncadd.s32 $0xFFFFC000  }
0x4c: {  	[hbm4b:s22+s3] =	stream.linear.scatter [tilespmem:s12], [sflag:$0x8], $0x4000, $0x38;
	[tilespmem:$0x13000] =	vst v63  }
0x4d: {  	_ =	swait.ge [sflag:s17], $0x4000  }
0x4e: {  	[sflag:s17] =	ssyncset.done $0x0  }
0x4f: {  	[sflag:s17] =	ssyncadd.s32 $0xFFFFC000  }
0x50: {  	_ =	swait.ge [sflag:s18], $0x4000  }
0x51: {  	[sflag:s18] =	ssyncset.done $0x0  }
0x52: {  	[sflag:s18] =	ssyncadd.s32 $0xFFFFC000  }
.Ltmp0:
0x53: {  	_ =	swait.ge [sflag:s19], $0x4000;
	(pc) =	sbr.rel @p0 .LBB2_2-.Ltmp0, $4  }
0x54: {  	[sflag:s19] =	ssyncset.done $0x0  }
0x55: {  	[sflag:s19] =	ssyncadd.s32 $0xFFFFC000  }
0x56: {  	_ =	swait.ge [sflag:s20], $0x4000  }
0x57: {  	s25 =	smov.u32 s24;
	s22 =	sadd.s32 $0x2000, s22;
	[sflag:s20] =	ssyncset.done $0x0  }
0x58: {  	s23 =	sshra.s32 s23, $0x2;
	[sflag:s20] =	ssyncadd.s32 $0xFFFFC000  }
0x59: {  	[tilespmem:s9], [sflag:$0x1] =	stream.indirect.gather [hbm4b:s2+s8], $0x80, s23, s8, $0xb8;
	[tilespmem:$0x13000] =	vst v63  }
0x5a: {  	s24 =	sadd.s32 $0x80, s23  }
0x5b: {  	[tilespmem:s10], [sflag:$0x2] =	stream.indirect.gather [hbm4b:s2+s8], $0x80, s24, s8, $0xb8;
	[tilespmem:$0x13000] =	vst v63  }
0x5c: {  	s28 =	sadd.s32 $0x100, s23  }
0x5d: {  	[tilespmem:s11], [sflag:$0x3] =	stream.indirect.gather [hbm4b:s2+s8], $0x80, s28, s8, $0xb8;
	[tilespmem:$0x13000] =	vst v63  }
0x5e: {  	s23 =	sadd.s32 $0x180, s23  }
0x5f: {  	[tilespmem:s12], [sflag:$0x4] =	stream.indirect.gather [hbm4b:s2+s8], $0x80, s23, s8, $0xb8;
	[tilespmem:$0x13000] =	vst v63  }
0x60: {  	_ =	swait.ge [sflag:s13], $0x4000  }
0x61: {  	[sflag:s13] =	ssyncset.done $0x0  }
0x62: {  	s29 =	sadd.s32 $0xFFFFE800, s22;
	[sflag:s13] =	ssyncadd.s32 $0xFFFFC000  }
0x63: {  	[hbm4b:s29+s3] =	stream.linear.scatter [tilespmem:s9], [sflag:$0x5], $0x4000, $0x38;
	[tilespmem:$0x13000] =	vst v63  }
0x64: {  	_ =	swait.ge [sflag:s14], $0x4000  }
0x65: {  	[sflag:s14] =	ssyncset.done $0x0  }
0x66: {  	s30 =	sadd.s32 $0xFFFFF000, s22;
	[sflag:s14] =	ssyncadd.s32 $0xFFFFC000  }
0x67: {  	[hbm4b:s30+s3] =	stream.linear.scatter [tilespmem:s10], [sflag:$0x6], $0x4000, $0x38;
	[tilespmem:$0x13000] =	vst v63  }
0x68: {  	_ =	swait.ge [sflag:s15], $0x4000  }
0x69: {  	[sflag:s15] =	ssyncset.done $0x0  }
0x6a: {  	s31 =	sadd.s32 $0xFFFFF800, s22;
	[sflag:s15] =	ssyncadd.s32 $0xFFFFC000  }
0x6b: {  	[hbm4b:s31+s3] =	stream.linear.scatter [tilespmem:s11], [sflag:$0x7], $0x4000, $0x38;
	[tilespmem:$0x13000] =	vst v63  }
0x6c: {  	_ =	swait.ge [sflag:s16], $0x4000  }
0x6d: {  	[sflag:s16] =	ssyncset.done $0x0  }
0x6e: {  	[sflag:s16] =	ssyncadd.s32 $0xFFFFC000  }
0x6f: {  	[hbm4b:s22+s3] =	stream.linear.scatter [tilespmem:s12], [sflag:$0x8], $0x4000, $0x38;
	[tilespmem:$0x13000] =	vst v63  }
0x70: {  	_ =	swait.ge [sflag:s17], $0x4000  }
0x71: {  	[sflag:s17] =	ssyncset.done $0x0  }
0x72: {  	[sflag:s17] =	ssyncadd.s32 $0xFFFFC000  }
0x73: {  	_ =	swait.ge [sflag:s18], $0x4000  }
0x74: {  	[sflag:s18] =	ssyncset.done $0x0  }
0x75: {  	s21 =	sadd.s32 $0x1, s21;
	[sflag:s18] =	ssyncadd.s32 $0xFFFFC000  }
0x76: {  	p0 =	sne.s32 s21, s5;
	_ =	swait.ge [sflag:s19], $0x4000  }
.Ltmp1:
0x77: {  	[sflag:s19] =	ssyncset.done $0x0;
	(pc) =	sbr.rel @p0 .LBB2_1-.Ltmp1, $4  }
0x78: {  	[sflag:s19] =	ssyncadd.s32 $0xFFFFC000  }
0x79: {  	_ =	swait.ge [sflag:s20], $0x4000  }
0x7a: {  	[sflag:s20] =	ssyncset.done $0x0  }
0x7b: {  	[sflag:s20] =	ssyncadd.s32 $0xFFFFC000  }
0x7c: {  	_ =	sfence.sel $0x180000  }
0x7d: {  	[bflag:$0x0] =	sbarrier.arrive $0xFFFF  }
0x7e: {  	p0 =	sne.s32 s0, $0x0;
	_ =	strace $0x90000047  }
0x7f: {  	s0 =	sadd.s32 @!p0 $0x100000, s1;
	[bflag:$0x2] =	sbarrier.arrive $0xFFFF  }
0x80: {  	[sflag:s0] =	ssyncadd.tile.s32 @!p0 $0x1;
	_ =	shalt  }
.Lfunc_end2:
_tile_overlayer_lowered:
.L_overlay_start_2:
0x81: {  	(tag) =	ssettag $0x2  }
0x82: {  	s0 =	rddreg [dreg:$0x0];
	s2 =	stileid.u32  }
0x83: {  	s1 =	rddreg [dreg:$0x1];
	p0 =	sne.s32 s2, $0x0  }
0x84: {  	s3 =	rddreg [dreg:$0x2];
	[bflag:$0x3] =	sbarrier.arrive $0xFFFF;
	s2 =	simm.s32 @!p0 $0x1C09  }
0x85: {  	[timem:s3], [sflag:s2] =	dma.local @!p0 [hbm:s0], s1  }
0x86: {  	s0 =	simm.s32 @!p0 $0x9  }
0x87: {  	_ =	swait.ge @!p0 [sflag:s0], s1  }
0x88: {  	s1 =	ssub.s32 @!p0 $0x0, s1;
	[sflag:s0] =	ssyncset.done @!p0 $0x0  }
0x89: {  	[sflag:s0] =	ssyncadd.s32 @!p0 s1  }
0x8a: {  	[bflag:$0x3] =	sbarrier.arrive $0xFFFF  }
0x8b: {  	_ =	shalt  }

// kernel: kernel.23.cloned.1.call-start
scs
__scs_entry_jumppad:
0x0: {  	(pc) =	sbr.rel $0x88, $3  }
0x1: {  	(tag) =	ssettag $0x0;
	lr =	simm.s32 $0x1  }
0x2: {  	[smem:$0x3F91] =	sst lr;
	_ =	strace $0xD0000000  }
0x3: {  	_ = 	snop  }
0x4: {  	_ = 	snop  }
0x5: {  	_ = 	snop  }
0x6: {  	_ = 	snop  }
0x7: {  	_ = 	snop  }
__scs_overlays_trampoline_lowered:
0x8: {  	[smem:$0x3FA0] =	sst s0  }
0x9: {  	[smem:$0x3FA1] =	sst s1  }
0xa: {  	[smem:$0x3FA2] =	sst s2  }
0xb: {  	[smem:$0x3FA3] =	sst s3  }
0xc: {  	[smem:$0x3FA4] =	sst s4  }
0xd: {  	[smem:$0x3FA5] =	sst s5  }
0xe: {  	[smem:$0x3FA6] =	sst s6  }
0xf: {  	[smem:$0x3FA7] =	sst s7  }
0x10: {  	[smem:$0x3FA8] =	sst s8  }
0x11: {  	[smem:$0x3FA9] =	sst s9;
	s0 =	simm.s32 @!p0 $0x0  }
0x12: {  	s1 =	sld [smem:$0x3F8F];
	s0 =	simm.s32 @p0 $0x1  }
0x13: {  	[smem:$0x3FAA] =	sst s0;
	s0 =	simm.s32 @!p1 $0x0  }
0x14: {  	s2 =	sld [smem:$0x3F8E];
	s0 =	simm.s32 @p1 $0x1  }
0x15: {  	[smem:$0x3FAB] =	sst s0;
	s0 =	simm.s32 @!p2 $0x0  }
0x16: {  	s3 =	sld [smem:$0x3FDB];
	s0 =	simm.s32 @p2 $0x1  }
0x17: {  	s4 =	simm.s32 $0x1BF5;
	[smem:$0x3FAD] =	sst s0  }
0x18: {  	s0 =	sld [smem:$0x3F90];
	_ =	swait.ge [sflag:s4], $0x0  }
0x19: {  	s7 =	sld [smem:$0x3F91]  }
0x1a: {  	s8 =	sadd.s32 $0xFFFFE003, lr  }
0x1b: {  	s9 =	sadd.s32 $0xFFFFFEF7, lr;
	s5 =	simm.s32 $0xFFFFFFFF;
	p2 =	slt.u32 s8, $0xFFFFF086  }
0x1c: {  	p1 =	slt.u32 s9, $0xF7A;
	s5 =	simm.s32 @!p2 $0x0  }
0x1d: {  	s5 =	simm.s32 @p1 $0x1;
	p0 =	seq.s32 s7, s2  }
0x1e: {  	s7 =	smul.u32 @!p0 $0xF7A, s2;
	p2 =	seq.s32 @!p0 s5, $0x0  }
0x1f: {  	s9 =	smul.u32 $0xF7A, s1;
	s8 =	simm.s32 @!p0 $0x1BF5;
	p2 =	por !p2, p0  }
0x20: {  	[sflag:s8] =	ssyncset.s32 @!p0 $0xFFFFF086;
	s6 =	sadd.s32 @!p0 s3, s7;
	s7 =	simm.s32 @!p0 $0x108  }
0x21: {  	s3 =	sadd.s32 s3, s9;
	s6 =	sadd.s32 @!p0 $0x88, s6;
	s7 =	simm.s32 @p2 $0x1082  }
0x22: {  	[simem:s7], [sflag:s8] =	dma.local @!p0 [hbm:s6], $0xF7A  }
0x23: {  	s9 =	sor.u32 $0xD0000000, s2;
	s6 =	simm.s32 $0x108;
	_ =	swait.ge @!p0 [sflag:s8], $0x0  }
0x24: {  	s3 =	sadd.s32 $0x88, s3;
	s6 =	simm.s32 @!p1 $0x1082;
	[sflag:s4] =	ssyncset.s32 $0xFFFFF086  }
0x25: {  	[simem:s6], [sflag:s4] =	dma.local [hbm:s3], $0xF7A  }
0x26: {  	[smem:$0x3F91] =	sst s1;
	(tag) =	ssettag s2;
	_ =	strace s9  }
0x27: {  	s1 =	sld [smem:$0x3FA1]  }
0x28: {  	s2 =	sld [smem:$0x3FA2]  }
0x29: {  	s4 =	sld [smem:$0x3FA4]  }
0x2a: {  	p0 =	seq.s32 s5, $0x0;
	s5 =	sld [smem:$0x3FA5]  }
0x2b: {  	s6 =	sld [smem:$0x3FA6]  }
0x2c: {  	s7 =	sld [smem:$0x3FA7]  }
0x2d: {  	s3 =	simm.s32 $0x108;
	s8 =	sld [smem:$0x3FA8]  }
0x2e: {  	s3 =	simm.s32 @!p0 $0x1082;
	s9 =	sld [smem:$0x3FA9]  }
0x2f: {  	lr =	sadd.s32 s0, s3;
	s0 =	sld [smem:$0x3FA0]  }
0x30: {  	s3 =	sld [smem:$0x3FA3]  }
0x31: {  	[smem:$0x3FAC] =	sst s10  }
0x32: {  	s10 =	sld [smem:$0x3FAA];
	_ =	sdelay $0x3  }
0x33: {  	p0 =	seq.s32 s10, $0x1;
	s10 =	sld [smem:$0x3FAC];
	_ =	sdelay $0x3  }
0x34: {  	[smem:$0x3FAC] =	sst s10  }
0x35: {  	s10 =	sld [smem:$0x3FAB];
	_ =	sdelay $0x3  }
0x36: {  	p1 =	seq.s32 s10, $0x1;
	s10 =	sld [smem:$0x3FAC];
	_ =	sdelay $0x3  }
0x37: {  	[smem:$0x3FAC] =	sst s10  }
0x38: {  	s10 =	sld [smem:$0x3FAD]  }
0x39: {  	_ = 	snop;
	(pc) =	sbr.ind lr, $3  }
0x3a: {  	_ = 	snop  }
0x3b: {  	_ = 	snop  }
0x3c: {  	p2 =	seq.s32 s10, $0x1;
	s10 =	sld [smem:$0x3FAC]  }
0x3d: {  	_ =	shalt  }
0x3e: {  	_ =	shalt  }
0x3f: {  	_ =	shalt  }
0x40: {  	_ =	shalt  }
0x41: {  	_ =	shalt  }
0x42: {  	_ =	shalt  }
0x43: {  	_ =	shalt  }
0x44: {  	_ =	shalt  }
0x45: {  	_ =	shalt  }
0x46: {  	_ =	shalt  }
0x47: {  	_ =	shalt  }
0x48: {  	_ =	shalt  }
0x49: {  	_ =	shalt  }
0x4a: {  	_ =	shalt  }
0x4b: {  	_ =	shalt  }
0x4c: {  	_ =	shalt  }
0x4d: {  	_ =	shalt  }
0x4e: {  	_ =	shalt  }
0x4f: {  	_ =	shalt  }
0x50: {  	_ =	shalt  }
0x51: {  	_ =	shalt  }
0x52: {  	_ =	shalt  }
0x53: {  	_ =	shalt  }
0x54: {  	_ =	shalt  }
0x55: {  	_ =	shalt  }
0x56: {  	_ =	shalt  }
0x57: {  	_ =	shalt  }
0x58: {  	_ =	shalt  }
0x59: {  	_ =	shalt  }
0x5a: {  	_ =	shalt  }
0x5b: {  	_ =	shalt  }
0x5c: {  	_ =	shalt  }
0x5d: {  	_ =	shalt  }
0x5e: {  	_ =	shalt  }
0x5f: {  	_ =	shalt  }
0x60: {  	_ =	shalt  }
0x61: {  	_ =	shalt  }
0x62: {  	_ =	shalt  }
0x63: {  	_ =	shalt  }
0x64: {  	_ =	shalt  }
0x65: {  	_ =	shalt  }
0x66: {  	_ =	shalt  }
0x67: {  	_ =	shalt  }
0x68: {  	_ =	shalt  }
0x69: {  	_ =	shalt  }
0x6a: {  	_ =	shalt  }
0x6b: {  	_ =	shalt  }
0x6c: {  	_ =	shalt  }
0x6d: {  	_ =	shalt  }
0x6e: {  	_ =	shalt  }
0x6f: {  	_ =	shalt  }
0x70: {  	_ =	shalt  }
0x71: {  	_ =	shalt  }
0x72: {  	_ =	shalt  }
0x73: {  	_ =	shalt  }
0x74: {  	_ =	shalt  }
0x75: {  	_ =	shalt  }
0x76: {  	_ =	shalt  }
0x77: {  	_ =	shalt  }
0x78: {  	_ =	shalt  }
0x79: {  	_ =	shalt  }
0x7a: {  	_ =	shalt  }
0x7b: {  	_ =	shalt  }
0x7c: {  	_ =	shalt  }
0x7d: {  	_ =	shalt  }
0x7e: {  	_ =	shalt  }
0x7f: {  	_ =	shalt  }
0x80: {  	_ =	shalt  }
0x81: {  	_ =	shalt  }
0x82: {  	_ =	shalt  }
0x83: {  	_ =	shalt  }
0x84: {  	_ =	shalt  }
0x85: {  	_ =	shalt  }
0x86: {  	_ =	shalt  }
0x87: {  	_ =	shalt  }
.Lfunc_end0:
.L_simem_size_0:
called_computation.1_lowered:
.L_overlay_start_0:
0x88: {  	s2 =	sld [smem:$0x3FD9]  }
0x89: {  	s3 =	sld [smem:$0x3FFE];
	_ =	sdelay $0x1  }
0x8a: {  	s1 =	srdreg.scid  }
0x8b: {  	s0 =	sand.u32 $0x1, s1  }
0x8c: {  	s17 =	sshll.u32 s0, $0xA;
	s2 =	sadd.s32 s3, s2  }
0x8d: {  	s2 =	sadd.s32 s2, s17  }
0x8e: {  	[smem:$0x3FB8] =	sst s2  }
0x8f: {  	_ = 	snop  }
0x90: {  	s2 =	sld [smem:$0x3FD0];
	(tm) =	ssettm $0x1  }
0x91: {  	s18 =	sld [smem:$0x3FFB];
	_ =	sdelay $0x3  }
0x92: {  	_ =	strace s18  }
0x93: {  	s3 =	sld [smem:$0x3FFC];
	_ =	sdelay $0x3  }
0x94: {  	_ =	strace s3  }
0x95: {  	s3 =	sld [smem:$0x3FFD];
	_ =	sdelay $0x3  }
0x96: {  	_ =	strace s3  }
0x97: {  	_ =	strace $0x8FFFFFFF  }
0x98: {  	s19 =	sld [smem:$0x3FDB];
	_ =	sdelay $0x1  }
0x99: {  	s4 =	simm.s32 $_scs_section_size  }
0x9a: {  	s5 =	simm.s32 $_size__tile_overlayer_lowered;
	s6 =	simm.s32 $_tile_overlayer_lowered  }
0x9b: {  	s22 =	simm.s32 $0x1BFF;
	s21 =	sshll.u32 s6, $0x1;
	s3 =	sadd.s32 s4, s19  }
0x9c: {  	s7 =	simm.s32 $0x0;
	s20 =	sshll.u32 s5, $0x1;
	s5 =	sadd.s32 s21, s3  }
0x9d: {  	[timem:s7], [sflag:s22] =	dma.local [hbm:s5], s20  }
0x9e: {  	_ =	swait.ge [sflag:s22], s20  }
0x9f: {  	s4 =	ssub.s32 $0x0, s20;
	[sflag:s22] =	ssyncset.done $0x0  }
0xa0: {  	[sflag:s22] =	ssyncadd.s32 s4;
	_ =	sdelay $0x1  }
0xa1: {  	s23 =	simm.s32 $0x1B8B  }
0xa2: {  	_ =	swait.ge [sflag:s23], $0x1  }
0xa3: {  	[sflag:s23] =	ssyncset.done $0x0  }
0xa4: {  	s25 =	simm.s32 $0x1B8E;
	s24 =	sld [smem:$0x3FFE];
	[sflag:s23] =	ssyncadd.s32 $0xFFFFFFFF  }
0xa5: {  	s26 =	simm.s32 $execute0_lowered;
	[smem:$0x3FD2] =	sst s25  }
0xa6: {  	s5 =	sshll.u32 s26, $0x1;
	_ =	strace $0x80000049;
	[dreg:$0x1] =	wrdreg $0xFFFFFFFF  }
0xa7: {  	s28 =	simm.s32 $_size_execute0_lowered;
	s3 =	sadd.s32 s3, s5;
	[dreg:$0x0] =	wrdreg $0x0  }
0xa8: {  	s5 =	sshll.u32 s28, $0x1;
	[dreg:$0x2] =	wrdreg s3  }
0xa9: {  	[dreg:$0x3] =	wrdreg s5  }
0xaa: {  	[dreg:$0x4] =	wrdreg $0xC0  }
0xab: {  	_ =	task [dreg:s7], $0x5FFFF  }
0xac: {  	[dreg:$0x1] =	wrdreg $0xFFFFFFFF  }
0xad: {  	[dreg:$0x0] =	wrdreg $0x60  }
0xae: {  	[dreg:$0x2] =	wrdreg s2  }
0xaf: {  	[dreg:$0x3] =	wrdreg s24  }
0xb0: {  	[dreg:$0x4] =	wrdreg $0x9  }
0xb1: {  	_ =	task.clear_ibuf [dreg:s7], $0x5FFFF;
	_ =	strace $0x90000049  }
0xb2: {  	s29 =	simm.s32 $0x9;
	_ =	strace $0x8000004B  }
0xb3: {  	_ =	swait.ge [sflag:s29], $0x1  }
0xb4: {  	[sflag:s29] =	ssyncadd.s32 $0xFFFFFFFF  }
0xb5: {  	_ =	strace $0x9000004B  }
0xb6: {  	_ =	sfence  }
0xb7: {  	s30 =	sld [smem:$0x0];
	_ =	sdelay $0x2  }
0xb8: {  	s31 =	sshll.u32 s1, $0xD;
	s1 =	sshrl.u32 s1, $0x2  }
0xb9: {  	s3 =	sand.u32 $0x4000, s31;
	s1 =	sadd.s32 s1, s30  }
0xba: {  	s0 =	sor.u32 s3, s0;
	s1 =	sshll.u32 s1, $0x11  }
0xbb: {  	s0 =	sor.u32 s1, s0  }
0xbc: {  	s0 =	sadd.s32 $0x8F2B, s0  }
0xbd: {  	[sflag:s0] =	ssyncadd.remote.s32 $0x1  }
0xbe: {  	_ =	sfence.sel $0xFFFF  }
0xbf: {  	[dreg:$0x0] =	wrdreg $0xFFFFFFFF;
	(pc) =	sbr.abs _section_cstart, $3  }
0xc0: {  	[dreg:$0x1] =	wrdreg $0xFFFFFFFF  }
0xc1: {  	_ =	task.clear_ibuf [dreg:s7], $0x2FFFF;
	_ =	strace $0x9FFFFFFF  }
0xc2: {  	(tm) =	ssettm $0x7FFFFFFF  }
0xc3: {  	_ =	shalt  }
tec
execute0_lowered:
.L_overlay_start_1:
0x0: {  	(tag) =	ssettag $0x1  }
0x1: {  	s1 =	srdreg.scid;
	s2 =	rddreg [dreg:$0x0]  }
0x2: {  	s0 =	stileid.u32;
	s5 =	rddreg [dreg:$0x1];
	s3 =	simm.s32 $0x0  }
0x3: {  	s10 =	simm.s32 $0x7000;
	s11 =	simm.s32 $0xB000;
	s12 =	simm.s32 $0xF000  }
0x4: {  	s13 =	simm.s32 $0x1;
	s14 =	simm.s32 $0x2;
	s15 =	simm.s32 $0x3  }
0x5: {  	s16 =	simm.s32 $0x4;
	s17 =	simm.s32 $0x5;
	s18 =	simm.s32 $0x6  }
0x6: {  	s19 =	simm.s32 $0x7;
	s20 =	simm.s32 $0x8;
	s4 =	sand.u32 $0x1, s1  }
0x7: {  	s30 =	sshll.u32 s0, $0x1;
	s7 =	smul.u32 $0x60000, s0;
	[smem:$0x7FF] =	sst s3  }
0x8: {  	s1 =	sor.u32 s4, s30;
	s8 =	ssub.s32 $0x2, s4;
	s4 =	smul.u32 $0x30000, s4  }
0x9: {  	s21 =	simm.s32 $0x0;
	s6 =	smul.u32 $0x600, s1;
	s1 =	rddreg [dreg:$0x2]  }
0xa: {  	_ =	strace $0x8000004A;
	s7 =	sadd.s32 s7, s5;
	s9 =	sshrl.u32 s8, $0x1  }
0xb: {  	s31 =	ssub.s32 s8, s9;
	s7 =	sadd.s32 s4, s7;
	s8 =	simm.s32 $0x80  }
0xc: {  	s9 =	simm.s32 $0x3000;
	s5 =	sadd.s32 s6, s5;
	s6 =	sadd.s32 $0x52600, s7  }
0xd: {  	s7 =	simm.s32 $0x9;
	s4 =	sadd.s32 $0x44E00, s5;
	s5 =	smax.u32 s31, $0x1  }
.LBB2_1:
0xe: {  	[tilespmem:s3], [sflag:$0x9] =	stream.linear.gather [hbm4b:s4+s3], $0x3000, $0x38;
	[tilespmem:$0x13000] =	vst v63  }
0xf: {  	_ =	swait.ge [sflag:s7], $0x3000  }
0x10: {  	[sflag:s7] =	ssyncset.done $0x0  }
0x11: {  	s22 =	simm.s32 $0x0;
	[sflag:s7] =	ssyncadd.s32 $0xFFFFD000  }
0x12: {  	[tilespmem:s9], [sflag:$0x1] =	stream.indirect.gather [hbm4b:s2+s8], $0x80, s22, s8, $0xb8;
	[tilespmem:$0x13000] =	vst v63  }
0x13: {  	s25 =	simm.s32 $0x80  }
0x14: {  	[tilespmem:s10], [sflag:$0x2] =	stream.indirect.gather [hbm4b:s2+s8], $0x80, s25, s8, $0xb8;
	[tilespmem:$0x13000] =	vst v63  }
0x15: {  	s26 =	simm.s32 $0x100  }
0x16: {  	[tilespmem:s11], [sflag:$0x3] =	stream.indirect.gather [hbm4b:s2+s8], $0x80, s26, s8, $0xb8;
	[tilespmem:$0x13000] =	vst v63  }
0x17: {  	s28 =	simm.s32 $0x180  }
0x18: {  	[tilespmem:s12], [sflag:$0x4] =	stream.indirect.gather [hbm4b:s2+s8], $0x80, s28, s8, $0xb8;
	[tilespmem:$0x13000] =	vst v63  }
0x19: {  	_ =	swait.ge [sflag:s13], $0x4000  }
0x1a: {  	[sflag:s13] =	ssyncset.done $0x0  }
0x1b: {  	s29 =	sadd.s32 $0xFFFFE800, s6;
	[sflag:s13] =	ssyncadd.s32 $0xFFFFC000  }
0x1c: {  	[hbm4b:s29+s3] =	stream.linear.scatter [tilespmem:s9], [sflag:$0x5], $0x4000, $0x38;
	[tilespmem:$0x13000] =	vst v63  }
0x1d: {  	_ =	swait.ge [sflag:s14], $0x4000  }
0x1e: {  	[sflag:s14] =	ssyncset.done $0x0  }
0x1f: {  	s30 =	sadd.s32 $0xFFFFF000, s6;
	[sflag:s14] =	ssyncadd.s32 $0xFFFFC000  }
0x20: {  	[hbm4b:s30+s3] =	stream.linear.scatter [tilespmem:s10], [sflag:$0x6], $0x4000, $0x38;
	[tilespmem:$0x13000] =	vst v63  }
0x21: {  	_ =	swait.ge [sflag:s15], $0x4000  }
0x22: {  	[sflag:s15] =	ssyncset.done $0x0  }
0x23: {  	s31 =	sadd.s32 $0xFFFFF800, s6;
	[sflag:s15] =	ssyncadd.s32 $0xFFFFC000  }
0x24: {  	[hbm4b:s31+s3] =	stream.linear.scatter [tilespmem:s11], [sflag:$0x7], $0x4000, $0x38;
	[tilespmem:$0x13000] =	vst v63  }
0x25: {  	_ =	swait.ge [sflag:s16], $0x4000  }
0x26: {  	[sflag:s16] =	ssyncset.done $0x0  }
0x27: {  	[sflag:s16] =	ssyncadd.s32 $0xFFFFC000  }
0x28: {  	[hbm4b:s6+s3] =	stream.linear.scatter [tilespmem:s12], [sflag:$0x8], $0x4000, $0x38;
	[tilespmem:$0x13000] =	vst v63  }
0x29: {  	_ =	swait.ge [sflag:s17], $0x4000  }
0x2a: {  	[sflag:s17] =	ssyncset.done $0x0  }
0x2b: {  	[sflag:s17] =	ssyncadd.s32 $0xFFFFC000  }
0x2c: {  	_ =	swait.ge [sflag:s18], $0x4000  }
0x2d: {  	[sflag:s18] =	ssyncset.done $0x0  }
0x2e: {  	[sflag:s18] =	ssyncadd.s32 $0xFFFFC000  }
0x2f: {  	_ =	swait.ge [sflag:s19], $0x4000  }
0x30: {  	[sflag:s19] =	ssyncset.done $0x0  }
0x31: {  	[sflag:s19] =	ssyncadd.s32 $0xFFFFC000  }
0x32: {  	s23 =	simm.s32 $0x800;
	_ =	swait.ge [sflag:s20], $0x4000  }
0x33: {  	s22 =	sadd.s32 $0x2000, s6;
	s25 =	simm.s32 $0x1000;
	[sflag:s20] =	ssyncset.done $0x0  }
.LBB2_2:
0x34: {  	s26 =	sshra.s32 s23, $0x2  }
0x35: {  	[sflag:s20] =	ssyncadd.s32 $0xFFFFC000;
	s23 =	smov.u32 s25;
	s24 =	sadd.s32 $0x800, s25  }
0x36: {  	[tilespmem:s9], [sflag:$0x1] =	stream.indirect.gather [hbm4b:s2+s8], $0x80, s26, s8, $0xb8;
	[tilespmem:$0x13000] =	vst v63  }
0x37: {  	p0 =	sne.s32 s25, $0xB800;
	s25 =	sadd.s32 $0x80, s26  }
0x38: {  	[tilespmem:s10], [sflag:$0x2] =	stream.indirect.gather [hbm4b:s2+s8], $0x80, s25, s8, $0xb8;
	[tilespmem:$0x13000] =	vst v63  }
0x39: {  	s25 =	sadd.s32 $0x100, s26  }
0x3a: {  	[tilespmem:s11], [sflag:$0x3] =	stream.indirect.gather [hbm4b:s2+s8], $0x80, s25, s8, $0xb8;
	[tilespmem:$0x13000] =	vst v63  }
0x3b: {  	s25 =	sadd.s32 $0x180, s26  }
0x3c: {  	[tilespmem:s12], [sflag:$0x4] =	stream.indirect.gather [hbm4b:s2+s8], $0x80, s25, s8, $0xb8;
	[tilespmem:$0x13000] =	vst v63  }
0x3d: {  	_ =	swait.ge [sflag:s13], $0x4000  }
0x3e: {  	[sflag:s13] =	ssyncset.done $0x0  }
0x3f: {  	s25 =	sadd.s32 $0xFFFFE800, s22;
	[sflag:s13] =	ssyncadd.s32 $0xFFFFC000  }
0x40: {  	[hbm4b:s25+s3] =	stream.linear.scatter [tilespmem:s9], [sflag:$0x5], $0x4000, $0x38;
	[tilespmem:$0x13000] =	vst v63  }
0x41: {  	_ =	swait.ge [sflag:s14], $0x4000  }
0x42: {  	[sflag:s14] =	ssyncset.done $0x0  }
0x43: {  	s25 =	sadd.s32 $0xFFFFF000, s22;
	[sflag:s14] =	ssyncadd.s32 $0xFFFFC000  }
0x44: {  	[hbm4b:s25+s3] =	stream.linear.scatter [tilespmem:s10], [sflag:$0x6], $0x4000, $0x38;
	[tilespmem:$0x13000] =	vst v63  }
0x45: {  	_ =	swait.ge [sflag:s15], $0x4000  }
0x46: {  	[sflag:s15] =	ssyncset.done $0x0  }
0x47: {  	s25 =	sadd.s32 $0xFFFFF800, s22;
	[sflag:s15] =	ssyncadd.s32 $0xFFFFC000  }
0x48: {  	[hbm4b:s25+s3] =	stream.linear.scatter [tilespmem:s11], [sflag:$0x7], $0x4000, $0x38;
	[tilespmem:$0x13000] =	vst v63  }
0x49: {  	_ =	swait.ge [sflag:s16], $0x4000  }
0x4a: {  	[sflag:s16] =	ssyncset.done $0x0  }
0x4b: {  	[sflag:s16] =	ssyncadd.s32 $0xFFFFC000  }
0x4c: {  	[hbm4b:s22+s3] =	stream.linear.scatter [tilespmem:s12], [sflag:$0x8], $0x4000, $0x38;
	[tilespmem:$0x13000] =	vst v63  }
0x4d: {  	_ =	swait.ge [sflag:s17], $0x4000  }
0x4e: {  	[sflag:s17] =	ssyncset.done $0x0  }
0x4f: {  	[sflag:s17] =	ssyncadd.s32 $0xFFFFC000  }
0x50: {  	_ =	swait.ge [sflag:s18], $0x4000  }
0x51: {  	[sflag:s18] =	ssyncset.done $0x0  }
0x52: {  	[sflag:s18] =	ssyncadd.s32 $0xFFFFC000  }
.Ltmp0:
0x53: {  	_ =	swait.ge [sflag:s19], $0x4000;
	(pc) =	sbr.rel @p0 .LBB2_2-.Ltmp0, $4  }
0x54: {  	[sflag:s19] =	ssyncset.done $0x0  }
0x55: {  	[sflag:s19] =	ssyncadd.s32 $0xFFFFC000  }
0x56: {  	_ =	swait.ge [sflag:s20], $0x4000  }
0x57: {  	s25 =	smov.u32 s24;
	s22 =	sadd.s32 $0x2000, s22;
	[sflag:s20] =	ssyncset.done $0x0  }
0x58: {  	s23 =	sshra.s32 s23, $0x2;
	[sflag:s20] =	ssyncadd.s32 $0xFFFFC000  }
0x59: {  	[tilespmem:s9], [sflag:$0x1] =	stream.indirect.gather [hbm4b:s2+s8], $0x80, s23, s8, $0xb8;
	[tilespmem:$0x13000] =	vst v63  }
0x5a: {  	s24 =	sadd.s32 $0x80, s23  }
0x5b: {  	[tilespmem:s10], [sflag:$0x2] =	stream.indirect.gather [hbm4b:s2+s8], $0x80, s24, s8, $0xb8;
	[tilespmem:$0x13000] =	vst v63  }
0x5c: {  	s28 =	sadd.s32 $0x100, s23  }
0x5d: {  	[tilespmem:s11], [sflag:$0x3] =	stream.indirect.gather [hbm4b:s2+s8], $0x80, s28, s8, $0xb8;
	[tilespmem:$0x13000] =	vst v63  }
0x5e: {  	s23 =	sadd.s32 $0x180, s23  }
0x5f: {  	[tilespmem:s12], [sflag:$0x4] =	stream.indirect.gather [hbm4b:s2+s8], $0x80, s23, s8, $0xb8;
	[tilespmem:$0x13000] =	vst v63  }
0x60: {  	_ =	swait.ge [sflag:s13], $0x4000  }
0x61: {  	[sflag:s13] =	ssyncset.done $0x0  }
0x62: {  	s29 =	sadd.s32 $0xFFFFE800, s22;
	[sflag:s13] =	ssyncadd.s32 $0xFFFFC000  }
0x63: {  	[hbm4b:s29+s3] =	stream.linear.scatter [tilespmem:s9], [sflag:$0x5], $0x4000, $0x38;
	[tilespmem:$0x13000] =	vst v63  }
0x64: {  	_ =	swait.ge [sflag:s14], $0x4000  }
0x65: {  	[sflag:s14] =	ssyncset.done $0x0  }
0x66: {  	s30 =	sadd.s32 $0xFFFFF000, s22;
	[sflag:s14] =	ssyncadd.s32 $0xFFFFC000  }
0x67: {  	[hbm4b:s30+s3] =	stream.linear.scatter [tilespmem:s10], [sflag:$0x6], $0x4000, $0x38;
	[tilespmem:$0x13000] =	vst v63  }
0x68: {  	_ =	swait.ge [sflag:s15], $0x4000  }
0x69: {  	[sflag:s15] =	ssyncset.done $0x0  }
0x6a: {  	s31 =	sadd.s32 $0xFFFFF800, s22;
	[sflag:s15] =	ssyncadd.s32 $0xFFFFC000  }
0x6b: {  	[hbm4b:s31+s3] =	stream.linear.scatter [tilespmem:s11], [sflag:$0x7], $0x4000, $0x38;
	[tilespmem:$0x13000] =	vst v63  }
0x6c: {  	_ =	swait.ge [sflag:s16], $0x4000  }
0x6d: {  	[sflag:s16] =	ssyncset.done $0x0  }
0x6e: {  	[sflag:s16] =	ssyncadd.s32 $0xFFFFC000  }
0x6f: {  	[hbm4b:s22+s3] =	stream.linear.scatter [tilespmem:s12], [sflag:$0x8], $0x4000, $0x38;
	[tilespmem:$0x13000] =	vst v63  }
0x70: {  	_ =	swait.ge [sflag:s17], $0x4000  }
0x71: {  	[sflag:s17] =	ssyncset.done $0x0  }
0x72: {  	[sflag:s17] =	ssyncadd.s32 $0xFFFFC000  }
0x73: {  	_ =	swait.ge [sflag:s18], $0x4000  }
0x74: {  	[sflag:s18] =	ssyncset.done $0x0  }
0x75: {  	s21 =	sadd.s32 $0x1, s21;
	[sflag:s18] =	ssyncadd.s32 $0xFFFFC000  }
0x76: {  	p0 =	sne.s32 s21, s5;
	_ =	swait.ge [sflag:s19], $0x4000  }
.Ltmp1:
0x77: {  	[sflag:s19] =	ssyncset.done $0x0;
	(pc) =	sbr.rel @p0 .LBB2_1-.Ltmp1, $4  }
0x78: {  	[sflag:s19] =	ssyncadd.s32 $0xFFFFC000  }
0x79: {  	_ =	swait.ge [sflag:s20], $0x4000  }
0x7a: {  	[sflag:s20] =	ssyncset.done $0x0  }
0x7b: {  	[sflag:s20] =	ssyncadd.s32 $0xFFFFC000  }
0x7c: {  	_ =	sfence.sel $0x180000  }
0x7d: {  	[bflag:$0x0] =	sbarrier.arrive $0xFFFF  }
0x7e: {  	p0 =	sne.s32 s0, $0x0;
	_ =	strace $0x9000004A  }
0x7f: {  	s0 =	sadd.s32 @!p0 $0x100000, s1;
	[bflag:$0x2] =	sbarrier.arrive $0xFFFF  }
0x80: {  	[sflag:s0] =	ssyncadd.tile.s32 @!p0 $0x1;
	_ =	shalt  }
.Lfunc_end2:
_tile_overlayer_lowered:
.L_overlay_start_2:
0x81: {  	(tag) =	ssettag $0x2  }
0x82: {  	s0 =	rddreg [dreg:$0x0];
	s2 =	stileid.u32  }
0x83: {  	s1 =	rddreg [dreg:$0x1];
	p0 =	sne.s32 s2, $0x0  }
0x84: {  	s3 =	rddreg [dreg:$0x2];
	[bflag:$0x3] =	sbarrier.arrive $0xFFFF;
	s2 =	simm.s32 @!p0 $0x1C09  }
0x85: {  	[timem:s3], [sflag:s2] =	dma.local @!p0 [hbm:s0], s1  }
0x86: {  	s0 =	simm.s32 @!p0 $0x9  }
0x87: {  	_ =	swait.ge @!p0 [sflag:s0], s1  }
0x88: {  	s1 =	ssub.s32 @!p0 $0x0, s1;
	[sflag:s0] =	ssyncset.done @!p0 $0x0  }
0x89: {  	[sflag:s0] =	ssyncadd.s32 @!p0 s1  }
0x8a: {  	[bflag:$0x3] =	sbarrier.arrive $0xFFFF  }
0x8b: {  	_ =	shalt  }

// kernel: kernel.26.cloned.1.call-start
scs
__scs_entry_jumppad:
0x0: {  	(pc) =	sbr.rel $0x88, $3  }
0x1: {  	(tag) =	ssettag $0x0;
	lr =	simm.s32 $0x1  }
0x2: {  	[smem:$0x3F91] =	sst lr;
	_ =	strace $0xD0000000  }
0x3: {  	_ = 	snop  }
0x4: {  	_ = 	snop  }
0x5: {  	_ = 	snop  }
0x6: {  	_ = 	snop  }
0x7: {  	_ = 	snop  }
__scs_overlays_trampoline_lowered:
0x8: {  	[smem:$0x3FA0] =	sst s0  }
0x9: {  	[smem:$0x3FA1] =	sst s1  }
0xa: {  	[smem:$0x3FA2] =	sst s2  }
0xb: {  	[smem:$0x3FA3] =	sst s3  }
0xc: {  	[smem:$0x3FA4] =	sst s4  }
0xd: {  	[smem:$0x3FA5] =	sst s5  }
0xe: {  	[smem:$0x3FA6] =	sst s6  }
0xf: {  	[smem:$0x3FA7] =	sst s7  }
0x10: {  	[smem:$0x3FA8] =	sst s8  }
0x11: {  	[smem:$0x3FA9] =	sst s9;
	s0 =	simm.s32 @!p0 $0x0  }
0x12: {  	s1 =	sld [smem:$0x3F8F];
	s0 =	simm.s32 @p0 $0x1  }
0x13: {  	[smem:$0x3FAA] =	sst s0;
	s0 =	simm.s32 @!p1 $0x0  }
0x14: {  	s2 =	sld [smem:$0x3F8E];
	s0 =	simm.s32 @p1 $0x1  }
0x15: {  	[smem:$0x3FAB] =	sst s0;
	s0 =	simm.s32 @!p2 $0x0  }
0x16: {  	s3 =	sld [smem:$0x3FDB];
	s0 =	simm.s32 @p2 $0x1  }
0x17: {  	s4 =	simm.s32 $0x1BF5;
	[smem:$0x3FAD] =	sst s0  }
0x18: {  	s0 =	sld [smem:$0x3F90];
	_ =	swait.ge [sflag:s4], $0x0  }
0x19: {  	s7 =	sld [smem:$0x3F91]  }
0x1a: {  	s8 =	sadd.s32 $0xFFFFE003, lr  }
0x1b: {  	s9 =	sadd.s32 $0xFFFFFEF7, lr;
	s5 =	simm.s32 $0xFFFFFFFF;
	p2 =	slt.u32 s8, $0xFFFFF086  }
0x1c: {  	p1 =	slt.u32 s9, $0xF7A;
	s5 =	simm.s32 @!p2 $0x0  }
0x1d: {  	s5 =	simm.s32 @p1 $0x1;
	p0 =	seq.s32 s7, s2  }
0x1e: {  	s7 =	smul.u32 @!p0 $0xF7A, s2;
	p2 =	seq.s32 @!p0 s5, $0x0  }
0x1f: {  	s9 =	smul.u32 $0xF7A, s1;
	s8 =	simm.s32 @!p0 $0x1BF5;
	p2 =	por !p2, p0  }
0x20: {  	[sflag:s8] =	ssyncset.s32 @!p0 $0xFFFFF086;
	s6 =	sadd.s32 @!p0 s3, s7;
	s7 =	simm.s32 @!p0 $0x108  }
0x21: {  	s3 =	sadd.s32 s3, s9;
	s6 =	sadd.s32 @!p0 $0x88, s6;
	s7 =	simm.s32 @p2 $0x1082  }
0x22: {  	[simem:s7], [sflag:s8] =	dma.local @!p0 [hbm:s6], $0xF7A  }
0x23: {  	s9 =	sor.u32 $0xD0000000, s2;
	s6 =	simm.s32 $0x108;
	_ =	swait.ge @!p0 [sflag:s8], $0x0  }
0x24: {  	s3 =	sadd.s32 $0x88, s3;
	s6 =	simm.s32 @!p1 $0x1082;
	[sflag:s4] =	ssyncset.s32 $0xFFFFF086  }
0x25: {  	[simem:s6], [sflag:s4] =	dma.local [hbm:s3], $0xF7A  }
0x26: {  	[smem:$0x3F91] =	sst s1;
	(tag) =	ssettag s2;
	_ =	strace s9  }
0x27: {  	s1 =	sld [smem:$0x3FA1]  }
0x28: {  	s2 =	sld [smem:$0x3FA2]  }
0x29: {  	s4 =	sld [smem:$0x3FA4]  }
0x2a: {  	p0 =	seq.s32 s5, $0x0;
	s5 =	sld [smem:$0x3FA5]  }
0x2b: {  	s6 =	sld [smem:$0x3FA6]  }
0x2c: {  	s7 =	sld [smem:$0x3FA7]  }
0x2d: {  	s3 =	simm.s32 $0x108;
	s8 =	sld [smem:$0x3FA8]  }
0x2e: {  	s3 =	simm.s32 @!p0 $0x1082;
	s9 =	sld [smem:$0x3FA9]  }
0x2f: {  	lr =	sadd.s32 s0, s3;
	s0 =	sld [smem:$0x3FA0]  }
0x30: {  	s3 =	sld [smem:$0x3FA3]  }
0x31: {  	[smem:$0x3FAC] =	sst s10  }
0x32: {  	s10 =	sld [smem:$0x3FAA];
	_ =	sdelay $0x3  }
0x33: {  	p0 =	seq.s32 s10, $0x1;
	s10 =	sld [smem:$0x3FAC];
	_ =	sdelay $0x3  }
0x34: {  	[smem:$0x3FAC] =	sst s10  }
0x35: {  	s10 =	sld [smem:$0x3FAB];
	_ =	sdelay $0x3  }
0x36: {  	p1 =	seq.s32 s10, $0x1;
	s10 =	sld [smem:$0x3FAC];
	_ =	sdelay $0x3  }
0x37: {  	[smem:$0x3FAC] =	sst s10  }
0x38: {  	s10 =	sld [smem:$0x3FAD]  }
0x39: {  	_ = 	snop;
	(pc) =	sbr.ind lr, $3  }
0x3a: {  	_ = 	snop  }
0x3b: {  	_ = 	snop  }
0x3c: {  	p2 =	seq.s32 s10, $0x1;
	s10 =	sld [smem:$0x3FAC]  }
0x3d: {  	_ =	shalt  }
0x3e: {  	_ =	shalt  }
0x3f: {  	_ =	shalt  }
0x40: {  	_ =	shalt  }
0x41: {  	_ =	shalt  }
0x42: {  	_ =	shalt  }
0x43: {  	_ =	shalt  }
0x44: {  	_ =	shalt  }
0x45: {  	_ =	shalt  }
0x46: {  	_ =	shalt  }
0x47: {  	_ =	shalt  }
0x48: {  	_ =	shalt  }
0x49: {  	_ =	shalt  }
0x4a: {  	_ =	shalt  }
0x4b: {  	_ =	shalt  }
0x4c: {  	_ =	shalt  }
0x4d: {  	_ =	shalt  }
0x4e: {  	_ =	shalt  }
0x4f: {  	_ =	shalt  }
0x50: {  	_ =	shalt  }
0x51: {  	_ =	shalt  }
0x52: {  	_ =	shalt  }
0x53: {  	_ =	shalt  }
0x54: {  	_ =	shalt  }
0x55: {  	_ =	shalt  }
0x56: {  	_ =	shalt  }
0x57: {  	_ =	shalt  }
0x58: {  	_ =	shalt  }
0x59: {  	_ =	shalt  }
0x5a: {  	_ =	shalt  }
0x5b: {  	_ =	shalt  }
0x5c: {  	_ =	shalt  }
0x5d: {  	_ =	shalt  }
0x5e: {  	_ =	shalt  }
0x5f: {  	_ =	shalt  }
0x60: {  	_ =	shalt  }
0x61: {  	_ =	shalt  }
0x62: {  	_ =	shalt  }
0x63: {  	_ =	shalt  }
0x64: {  	_ =	shalt  }
0x65: {  	_ =	shalt  }
0x66: {  	_ =	shalt  }
0x67: {  	_ =	shalt  }
0x68: {  	_ =	shalt  }
0x69: {  	_ =	shalt  }
0x6a: {  	_ =	shalt  }
0x6b: {  	_ =	shalt  }
0x6c: {  	_ =	shalt  }
0x6d: {  	_ =	shalt  }
0x6e: {  	_ =	shalt  }
0x6f: {  	_ =	shalt  }
0x70: {  	_ =	shalt  }
0x71: {  	_ =	shalt  }
0x72: {  	_ =	shalt  }
0x73: {  	_ =	shalt  }
0x74: {  	_ =	shalt  }
0x75: {  	_ =	shalt  }
0x76: {  	_ =	shalt  }
0x77: {  	_ =	shalt  }
0x78: {  	_ =	shalt  }
0x79: {  	_ =	shalt  }
0x7a: {  	_ =	shalt  }
0x7b: {  	_ =	shalt  }
0x7c: {  	_ =	shalt  }
0x7d: {  	_ =	shalt  }
0x7e: {  	_ =	shalt  }
0x7f: {  	_ =	shalt  }
0x80: {  	_ =	shalt  }
0x81: {  	_ =	shalt  }
0x82: {  	_ =	shalt  }
0x83: {  	_ =	shalt  }
0x84: {  	_ =	shalt  }
0x85: {  	_ =	shalt  }
0x86: {  	_ =	shalt  }
0x87: {  	_ =	shalt  }
.Lfunc_end0:
.L_simem_size_0:
called_computation.2_lowered:
.L_overlay_start_0:
0x88: {  	s2 =	sld [smem:$0x3FD9]  }
0x89: {  	s3 =	sld [smem:$0x3FFE];
	_ =	sdelay $0x1  }
0x8a: {  	s1 =	srdreg.scid  }
0x8b: {  	s0 =	sand.u32 $0x1, s1  }
0x8c: {  	s17 =	sshll.u32 s0, $0xA;
	s2 =	sadd.s32 s3, s2  }
0x8d: {  	s2 =	sadd.s32 s2, s17  }
0x8e: {  	[smem:$0x3FB8] =	sst s2  }
0x8f: {  	_ = 	snop  }
0x90: {  	s2 =	sld [smem:$0x3FD0];
	(tm) =	ssettm $0x1  }
0x91: {  	s18 =	sld [smem:$0x3FFB];
	_ =	sdelay $0x3  }
0x92: {  	_ =	strace s18  }
0x93: {  	s3 =	sld [smem:$0x3FFC];
	_ =	sdelay $0x3  }
0x94: {  	_ =	strace s3  }
0x95: {  	s3 =	sld [smem:$0x3FFD];
	_ =	sdelay $0x3  }
0x96: {  	_ =	strace s3  }
0x97: {  	_ =	strace $0x8FFFFFFF  }
0x98: {  	s19 =	sld [smem:$0x3FDB];
	_ =	sdelay $0x1  }
0x99: {  	s4 =	simm.s32 $_scs_section_size  }
0x9a: {  	s5 =	simm.s32 $_size__tile_overlayer_lowered;
	s6 =	simm.s32 $_tile_overlayer_lowered  }
0x9b: {  	s22 =	simm.s32 $0x1BFF;
	s21 =	sshll.u32 s6, $0x1;
	s3 =	sadd.s32 s4, s19  }
0x9c: {  	s7 =	simm.s32 $0x0;
	s20 =	sshll.u32 s5, $0x1;
	s5 =	sadd.s32 s21, s3  }
0x9d: {  	[timem:s7], [sflag:s22] =	dma.local [hbm:s5], s20  }
0x9e: {  	_ =	swait.ge [sflag:s22], s20  }
0x9f: {  	s4 =	ssub.s32 $0x0, s20;
	[sflag:s22] =	ssyncset.done $0x0  }
0xa0: {  	[sflag:s22] =	ssyncadd.s32 s4;
	_ =	sdelay $0x1  }
0xa1: {  	s23 =	simm.s32 $0x1B8B  }
0xa2: {  	_ =	swait.ge [sflag:s23], $0x1  }
0xa3: {  	[sflag:s23] =	ssyncset.done $0x0  }
0xa4: {  	s25 =	simm.s32 $0x1B8E;
	s24 =	sld [smem:$0x3FFE];
	[sflag:s23] =	ssyncadd.s32 $0xFFFFFFFF  }
0xa5: {  	s26 =	simm.s32 $execute0_lowered;
	[smem:$0x3FD2] =	sst s25  }
0xa6: {  	s5 =	sshll.u32 s26, $0x1;
	_ =	strace $0x8000004C;
	[dreg:$0x1] =	wrdreg $0xFFFFFFFF  }
0xa7: {  	s28 =	simm.s32 $_size_execute0_lowered;
	s3 =	sadd.s32 s3, s5;
	[dreg:$0x0] =	wrdreg $0x0  }
0xa8: {  	s5 =	sshll.u32 s28, $0x1;
	[dreg:$0x2] =	wrdreg s3  }
0xa9: {  	[dreg:$0x3] =	wrdreg s5  }
0xaa: {  	[dreg:$0x4] =	wrdreg $0xC0  }
0xab: {  	_ =	task [dreg:s7], $0x5FFFF  }
0xac: {  	[dreg:$0x1] =	wrdreg $0xFFFFFFFF  }
0xad: {  	[dreg:$0x0] =	wrdreg $0x60  }
0xae: {  	[dreg:$0x2] =	wrdreg s2  }
0xaf: {  	[dreg:$0x3] =	wrdreg s24  }
0xb0: {  	[dreg:$0x4] =	wrdreg $0x9  }
0xb1: {  	_ =	task.clear_ibuf [dreg:s7], $0x5FFFF;
	_ =	strace $0x9000004C  }
0xb2: {  	s29 =	simm.s32 $0x9;
	_ =	strace $0x8000004E  }
0xb3: {  	_ =	swait.ge [sflag:s29], $0x1  }
0xb4: {  	[sflag:s29] =	ssyncadd.s32 $0xFFFFFFFF  }
0xb5: {  	_ =	strace $0x9000004E  }
0xb6: {  	_ =	sfence  }
0xb7: {  	s30 =	sld [smem:$0x0];
	_ =	sdelay $0x2  }
0xb8: {  	s31 =	sshll.u32 s1, $0xD;
	s1 =	sshrl.u32 s1, $0x2  }
0xb9: {  	s3 =	sand.u32 $0x4000, s31;
	s1 =	sadd.s32 s1, s30  }
0xba: {  	s0 =	sor.u32 s3, s0;
	s1 =	sshll.u32 s1, $0x11  }
0xbb: {  	s0 =	sor.u32 s1, s0  }
0xbc: {  	s0 =	sadd.s32 $0x8F2B, s0  }
0xbd: {  	[sflag:s0] =	ssyncadd.remote.s32 $0x1  }
0xbe: {  	_ =	sfence.sel $0xFFFF  }
0xbf: {  	[dreg:$0x0] =	wrdreg $0xFFFFFFFF;
	(pc) =	sbr.abs _section_cstart, $3  }
0xc0: {  	[dreg:$0x1] =	wrdreg $0xFFFFFFFF  }
0xc1: {  	_ =	task.clear_ibuf [dreg:s7], $0x2FFFF;
	_ =	strace $0x9FFFFFFF  }
0xc2: {  	(tm) =	ssettm $0x7FFFFFFF  }
0xc3: {  	_ =	shalt  }
tec
execute0_lowered:
.L_overlay_start_1:
0x0: {  	(tag) =	ssettag $0x1  }
0x1: {  	s1 =	srdreg.scid;
	s2 =	rddreg [dreg:$0x0]  }
0x2: {  	s0 =	stileid.u32;
	s5 =	rddreg [dreg:$0x1];
	s3 =	simm.s32 $0x0  }
0x3: {  	s10 =	simm.s32 $0x7000;
	s11 =	simm.s32 $0xB000;
	s12 =	simm.s32 $0xF000  }
0x4: {  	s13 =	simm.s32 $0x1;
	s14 =	simm.s32 $0x2;
	s15 =	simm.s32 $0x3  }
0x5: {  	s16 =	simm.s32 $0x4;
	s17 =	simm.s32 $0x5;
	s18 =	simm.s32 $0x6  }
0x6: {  	s19 =	simm.s32 $0x7;
	s20 =	simm.s32 $0x8;
	s4 =	sand.u32 $0x1, s1  }
0x7: {  	s30 =	sshll.u32 s0, $0x1;
	s7 =	smul.u32 $0x60000, s0;
	[smem:$0x7FF] =	sst s3  }
0x8: {  	s1 =	sor.u32 s4, s30;
	s8 =	ssub.s32 $0x2, s4;
	s4 =	smul.u32 $0x30000, s4  }
0x9: {  	s21 =	simm.s32 $0x0;
	s6 =	smul.u32 $0x600, s1;
	s1 =	rddreg [dreg:$0x2]  }
0xa: {  	_ =	strace $0x8000004D;
	s7 =	sadd.s32 s7, s5;
	s9 =	sshrl.u32 s8, $0x1  }
0xb: {  	s31 =	ssub.s32 s8, s9;
	s7 =	sadd.s32 s4, s7;
	s8 =	simm.s32 $0x80  }
0xc: {  	s9 =	simm.s32 $0x3000;
	s5 =	sadd.s32 s6, s5;
	s6 =	sadd.s32 $0x92600, s7  }
0xd: {  	s7 =	simm.s32 $0x9;
	s4 =	sadd.s32 $0x84E00, s5;
	s5 =	smax.u32 s31, $0x1  }
.LBB2_1:
0xe: {  	[tilespmem:s3], [sflag:$0x9] =	stream.linear.gather [hbm4b:s4+s3], $0x3000, $0x38;
	[tilespmem:$0x13000] =	vst v63  }
0xf: {  	_ =	swait.ge [sflag:s7], $0x3000  }
0x10: {  	[sflag:s7] =	ssyncset.done $0x0  }
0x11: {  	s22 =	simm.s32 $0x0;
	[sflag:s7] =	ssyncadd.s32 $0xFFFFD000  }
0x12: {  	[tilespmem:s9], [sflag:$0x1] =	stream.indirect.gather [hbm4b:s2+s8], $0x80, s22, s8, $0xb8;
	[tilespmem:$0x13000] =	vst v63  }
0x13: {  	s25 =	simm.s32 $0x80  }
0x14: {  	[tilespmem:s10], [sflag:$0x2] =	stream.indirect.gather [hbm4b:s2+s8], $0x80, s25, s8, $0xb8;
	[tilespmem:$0x13000] =	vst v63  }
0x15: {  	s26 =	simm.s32 $0x100  }
0x16: {  	[tilespmem:s11], [sflag:$0x3] =	stream.indirect.gather [hbm4b:s2+s8], $0x80, s26, s8, $0xb8;
	[tilespmem:$0x13000] =	vst v63  }
0x17: {  	s28 =	simm.s32 $0x180  }
0x18: {  	[tilespmem:s12], [sflag:$0x4] =	stream.indirect.gather [hbm4b:s2+s8], $0x80, s28, s8, $0xb8;
	[tilespmem:$0x13000] =	vst v63  }
0x19: {  	_ =	swait.ge [sflag:s13], $0x4000  }
0x1a: {  	[sflag:s13] =	ssyncset.done $0x0  }
0x1b: {  	s29 =	sadd.s32 $0xFFFFE800, s6;
	[sflag:s13] =	ssyncadd.s32 $0xFFFFC000  }
0x1c: {  	[hbm4b:s29+s3] =	stream.linear.scatter [tilespmem:s9], [sflag:$0x5], $0x4000, $0x38;
	[tilespmem:$0x13000] =	vst v63  }
0x1d: {  	_ =	swait.ge [sflag:s14], $0x4000  }
0x1e: {  	[sflag:s14] =	ssyncset.done $0x0  }
0x1f: {  	s30 =	sadd.s32 $0xFFFFF000, s6;
	[sflag:s14] =	ssyncadd.s32 $0xFFFFC000  }
0x20: {  	[hbm4b:s30+s3] =	stream.linear.scatter [tilespmem:s10], [sflag:$0x6], $0x4000, $0x38;
	[tilespmem:$0x13000] =	vst v63  }
0x21: {  	_ =	swait.ge [sflag:s15], $0x4000  }
0x22: {  	[sflag:s15] =	ssyncset.done $0x0  }
0x23: {  	s31 =	sadd.s32 $0xFFFFF800, s6;
	[sflag:s15] =	ssyncadd.s32 $0xFFFFC000  }
0x24: {  	[hbm4b:s31+s3] =	stream.linear.scatter [tilespmem:s11], [sflag:$0x7], $0x4000, $0x38;
	[tilespmem:$0x13000] =	vst v63  }
0x25: {  	_ =	swait.ge [sflag:s16], $0x4000  }
0x26: {  	[sflag:s16] =	ssyncset.done $0x0  }
0x27: {  	[sflag:s16] =	ssyncadd.s32 $0xFFFFC000  }
0x28: {  	[hbm4b:s6+s3] =	stream.linear.scatter [tilespmem:s12], [sflag:$0x8], $0x4000, $0x38;
	[tilespmem:$0x13000] =	vst v63  }
0x29: {  	_ =	swait.ge [sflag:s17], $0x4000  }
0x2a: {  	[sflag:s17] =	ssyncset.done $0x0  }
0x2b: {  	[sflag:s17] =	ssyncadd.s32 $0xFFFFC000  }
0x2c: {  	_ =	swait.ge [sflag:s18], $0x4000  }
0x2d: {  	[sflag:s18] =	ssyncset.done $0x0  }
0x2e: {  	[sflag:s18] =	ssyncadd.s32 $0xFFFFC000  }
0x2f: {  	_ =	swait.ge [sflag:s19], $0x4000  }
0x30: {  	[sflag:s19] =	ssyncset.done $0x0  }
0x31: {  	[sflag:s19] =	ssyncadd.s32 $0xFFFFC000  }
0x32: {  	s23 =	simm.s32 $0x800;
	_ =	swait.ge [sflag:s20], $0x4000  }
0x33: {  	s22 =	sadd.s32 $0x2000, s6;
	s25 =	simm.s32 $0x1000;
	[sflag:s20] =	ssyncset.done $0x0  }
.LBB2_2:
0x34: {  	s26 =	sshra.s32 s23, $0x2  }
0x35: {  	[sflag:s20] =	ssyncadd.s32 $0xFFFFC000;
	s23 =	smov.u32 s25;
	s24 =	sadd.s32 $0x800, s25  }
0x36: {  	[tilespmem:s9], [sflag:$0x1] =	stream.indirect.gather [hbm4b:s2+s8], $0x80, s26, s8, $0xb8;
	[tilespmem:$0x13000] =	vst v63  }
0x37: {  	p0 =	sne.s32 s25, $0xB800;
	s25 =	sadd.s32 $0x80, s26  }
0x38: {  	[tilespmem:s10], [sflag:$0x2] =	stream.indirect.gather [hbm4b:s2+s8], $0x80, s25, s8, $0xb8;
	[tilespmem:$0x13000] =	vst v63  }
0x39: {  	s25 =	sadd.s32 $0x100, s26  }
0x3a: {  	[tilespmem:s11], [sflag:$0x3] =	stream.indirect.gather [hbm4b:s2+s8], $0x80, s25, s8, $0xb8;
	[tilespmem:$0x13000] =	vst v63  }
0x3b: {  	s25 =	sadd.s32 $0x180, s26  }
0x3c: {  	[tilespmem:s12], [sflag:$0x4] =	stream.indirect.gather [hbm4b:s2+s8], $0x80, s25, s8, $0xb8;
	[tilespmem:$0x13000] =	vst v63  }
0x3d: {  	_ =	swait.ge [sflag:s13], $0x4000  }
0x3e: {  	[sflag:s13] =	ssyncset.done $0x0  }
0x3f: {  	s25 =	sadd.s32 $0xFFFFE800, s22;
	[sflag:s13] =	ssyncadd.s32 $0xFFFFC000  }
0x40: {  	[hbm4b:s25+s3] =	stream.linear.scatter [tilespmem:s9], [sflag:$0x5], $0x4000, $0x38;
	[tilespmem:$0x13000] =	vst v63  }
0x41: {  	_ =	swait.ge [sflag:s14], $0x4000  }
0x42: {  	[sflag:s14] =	ssyncset.done $0x0  }
0x43: {  	s25 =	sadd.s32 $0xFFFFF000, s22;
	[sflag:s14] =	ssyncadd.s32 $0xFFFFC000  }
0x44: {  	[hbm4b:s25+s3] =	stream.linear.scatter [tilespmem:s10], [sflag:$0x6], $0x4000, $0x38;
	[tilespmem:$0x13000] =	vst v63  }
0x45: {  	_ =	swait.ge [sflag:s15], $0x4000  }
0x46: {  	[sflag:s15] =	ssyncset.done $0x0  }
0x47: {  	s25 =	sadd.s32 $0xFFFFF800, s22;
	[sflag:s15] =	ssyncadd.s32 $0xFFFFC000  }
0x48: {  	[hbm4b:s25+s3] =	stream.linear.scatter [tilespmem:s11], [sflag:$0x7], $0x4000, $0x38;
	[tilespmem:$0x13000] =	vst v63  }
0x49: {  	_ =	swait.ge [sflag:s16], $0x4000  }
0x4a: {  	[sflag:s16] =	ssyncset.done $0x0  }
0x4b: {  	[sflag:s16] =	ssyncadd.s32 $0xFFFFC000  }
0x4c: {  	[hbm4b:s22+s3] =	stream.linear.scatter [tilespmem:s12], [sflag:$0x8], $0x4000, $0x38;
	[tilespmem:$0x13000] =	vst v63  }
0x4d: {  	_ =	swait.ge [sflag:s17], $0x4000  }
0x4e: {  	[sflag:s17] =	ssyncset.done $0x0  }
0x4f: {  	[sflag:s17] =	ssyncadd.s32 $0xFFFFC000  }
0x50: {  	_ =	swait.ge [sflag:s18], $0x4000  }
0x51: {  	[sflag:s18] =	ssyncset.done $0x0  }
0x52: {  	[sflag:s18] =	ssyncadd.s32 $0xFFFFC000  }
.Ltmp0:
0x53: {  	_ =	swait.ge [sflag:s19], $0x4000;
	(pc) =	sbr.rel @p0 .LBB2_2-.Ltmp0, $4  }
0x54: {  	[sflag:s19] =	ssyncset.done $0x0  }
0x55: {  	[sflag:s19] =	ssyncadd.s32 $0xFFFFC000  }
0x56: {  	_ =	swait.ge [sflag:s20], $0x4000  }
0x57: {  	s25 =	smov.u32 s24;
	s22 =	sadd.s32 $0x2000, s22;
	[sflag:s20] =	ssyncset.done $0x0  }
0x58: {  	s23 =	sshra.s32 s23, $0x2;
	[sflag:s20] =	ssyncadd.s32 $0xFFFFC000  }
0x59: {  	[tilespmem:s9], [sflag:$0x1] =	stream.indirect.gather [hbm4b:s2+s8], $0x80, s23, s8, $0xb8;
	[tilespmem:$0x13000] =	vst v63  }
0x5a: {  	s24 =	sadd.s32 $0x80, s23  }
0x5b: {  	[tilespmem:s10], [sflag:$0x2] =	stream.indirect.gather [hbm4b:s2+s8], $0x80, s24, s8, $0xb8;
	[tilespmem:$0x13000] =	vst v63  }
0x5c: {  	s28 =	sadd.s32 $0x100, s23  }
0x5d: {  	[tilespmem:s11], [sflag:$0x3] =	stream.indirect.gather [hbm4b:s2+s8], $0x80, s28, s8, $0xb8;
	[tilespmem:$0x13000] =	vst v63  }
0x5e: {  	s23 =	sadd.s32 $0x180, s23  }
0x5f: {  	[tilespmem:s12], [sflag:$0x4] =	stream.indirect.gather [hbm4b:s2+s8], $0x80, s23, s8, $0xb8;
	[tilespmem:$0x13000] =	vst v63  }
0x60: {  	_ =	swait.ge [sflag:s13], $0x4000  }
0x61: {  	[sflag:s13] =	ssyncset.done $0x0  }
0x62: {  	s29 =	sadd.s32 $0xFFFFE800, s22;
	[sflag:s13] =	ssyncadd.s32 $0xFFFFC000  }
0x63: {  	[hbm4b:s29+s3] =	stream.linear.scatter [tilespmem:s9], [sflag:$0x5], $0x4000, $0x38;
	[tilespmem:$0x13000] =	vst v63  }
0x64: {  	_ =	swait.ge [sflag:s14], $0x4000  }
0x65: {  	[sflag:s14] =	ssyncset.done $0x0  }
0x66: {  	s30 =	sadd.s32 $0xFFFFF000, s22;
	[sflag:s14] =	ssyncadd.s32 $0xFFFFC000  }
0x67: {  	[hbm4b:s30+s3] =	stream.linear.scatter [tilespmem:s10], [sflag:$0x6], $0x4000, $0x38;
	[tilespmem:$0x13000] =	vst v63  }
0x68: {  	_ =	swait.ge [sflag:s15], $0x4000  }
0x69: {  	[sflag:s15] =	ssyncset.done $0x0  }
0x6a: {  	s31 =	sadd.s32 $0xFFFFF800, s22;
	[sflag:s15] =	ssyncadd.s32 $0xFFFFC000  }
0x6b: {  	[hbm4b:s31+s3] =	stream.linear.scatter [tilespmem:s11], [sflag:$0x7], $0x4000, $0x38;
	[tilespmem:$0x13000] =	vst v63  }
0x6c: {  	_ =	swait.ge [sflag:s16], $0x4000  }
0x6d: {  	[sflag:s16] =	ssyncset.done $0x0  }
0x6e: {  	[sflag:s16] =	ssyncadd.s32 $0xFFFFC000  }
0x6f: {  	[hbm4b:s22+s3] =	stream.linear.scatter [tilespmem:s12], [sflag:$0x8], $0x4000, $0x38;
	[tilespmem:$0x13000] =	vst v63  }
0x70: {  	_ =	swait.ge [sflag:s17], $0x4000  }
0x71: {  	[sflag:s17] =	ssyncset.done $0x0  }
0x72: {  	[sflag:s17] =	ssyncadd.s32 $0xFFFFC000  }
0x73: {  	_ =	swait.ge [sflag:s18], $0x4000  }
0x74: {  	[sflag:s18] =	ssyncset.done $0x0  }
0x75: {  	s21 =	sadd.s32 $0x1, s21;
	[sflag:s18] =	ssyncadd.s32 $0xFFFFC000  }
0x76: {  	p0 =	sne.s32 s21, s5;
	_ =	swait.ge [sflag:s19], $0x4000  }
.Ltmp1:
0x77: {  	[sflag:s19] =	ssyncset.done $0x0;
	(pc) =	sbr.rel @p0 .LBB2_1-.Ltmp1, $4  }
0x78: {  	[sflag:s19] =	ssyncadd.s32 $0xFFFFC000  }
0x79: {  	_ =	swait.ge [sflag:s20], $0x4000  }
0x7a: {  	[sflag:s20] =	ssyncset.done $0x0  }
0x7b: {  	[sflag:s20] =	ssyncadd.s32 $0xFFFFC000  }
0x7c: {  	_ =	sfence.sel $0x180000  }
0x7d: {  	[bflag:$0x0] =	sbarrier.arrive $0xFFFF  }
0x7e: {  	p0 =	sne.s32 s0, $0x0;
	_ =	strace $0x9000004D  }
0x7f: {  	s0 =	sadd.s32 @!p0 $0x100000, s1;
	[bflag:$0x2] =	sbarrier.arrive $0xFFFF  }
0x80: {  	[sflag:s0] =	ssyncadd.tile.s32 @!p0 $0x1;
	_ =	shalt  }
.Lfunc_end2:
_tile_overlayer_lowered:
.L_overlay_start_2:
0x81: {  	(tag) =	ssettag $0x2  }
0x82: {  	s0 =	rddreg [dreg:$0x0];
	s2 =	stileid.u32  }
0x83: {  	s1 =	rddreg [dreg:$0x1];
	p0 =	sne.s32 s2, $0x0  }
0x84: {  	s3 =	rddreg [dreg:$0x2];
	[bflag:$0x3] =	sbarrier.arrive $0xFFFF;
	s2 =	simm.s32 @!p0 $0x1C09  }
0x85: {  	[timem:s3], [sflag:s2] =	dma.local @!p0 [hbm:s0], s1  }
0x86: {  	s0 =	simm.s32 @!p0 $0x9  }
0x87: {  	_ =	swait.ge @!p0 [sflag:s0], s1  }
0x88: {  	s1 =	ssub.s32 @!p0 $0x0, s1;
	[sflag:s0] =	ssyncset.done @!p0 $0x0  }
0x89: {  	[sflag:s0] =	ssyncadd.s32 @!p0 s1  }
0x8a: {  	[bflag:$0x3] =	sbarrier.arrive $0xFFFF  }
0x8b: {  	_ =	shalt  }

// kernel: kernel.29.cloned.1.call-start
scs
__scs_entry_jumppad:
0x0: {  	(pc) =	sbr.rel $0x88, $3  }
0x1: {  	(tag) =	ssettag $0x0;
	lr =	simm.s32 $0x1  }
0x2: {  	[smem:$0x3F91] =	sst lr;
	_ =	strace $0xD0000000  }
0x3: {  	_ = 	snop  }
0x4: {  	_ = 	snop  }
0x5: {  	_ = 	snop  }
0x6: {  	_ = 	snop  }
0x7: {  	_ = 	snop  }
__scs_overlays_trampoline_lowered:
0x8: {  	[smem:$0x3FA0] =	sst s0  }
0x9: {  	[smem:$0x3FA1] =	sst s1  }
0xa: {  	[smem:$0x3FA2] =	sst s2  }
0xb: {  	[smem:$0x3FA3] =	sst s3  }
0xc: {  	[smem:$0x3FA4] =	sst s4  }
0xd: {  	[smem:$0x3FA5] =	sst s5  }
0xe: {  	[smem:$0x3FA6] =	sst s6  }
0xf: {  	[smem:$0x3FA7] =	sst s7  }
0x10: {  	[smem:$0x3FA8] =	sst s8  }
0x11: {  	[smem:$0x3FA9] =	sst s9;
	s0 =	simm.s32 @!p0 $0x0  }
0x12: {  	s1 =	sld [smem:$0x3F8F];
	s0 =	simm.s32 @p0 $0x1  }
0x13: {  	[smem:$0x3FAA] =	sst s0;
	s0 =	simm.s32 @!p1 $0x0  }
0x14: {  	s2 =	sld [smem:$0x3F8E];
	s0 =	simm.s32 @p1 $0x1  }
0x15: {  	[smem:$0x3FAB] =	sst s0;
	s0 =	simm.s32 @!p2 $0x0  }
0x16: {  	s3 =	sld [smem:$0x3FDB];
	s0 =	simm.s32 @p2 $0x1  }
0x17: {  	s4 =	simm.s32 $0x1BF5;
	[smem:$0x3FAD] =	sst s0  }
0x18: {  	s0 =	sld [smem:$0x3F90];
	_ =	swait.ge [sflag:s4], $0x0  }
0x19: {  	s7 =	sld [smem:$0x3F91]  }
0x1a: {  	s8 =	sadd.s32 $0xFFFFE003, lr  }
0x1b: {  	s9 =	sadd.s32 $0xFFFFFEF7, lr;
	s5 =	simm.s32 $0xFFFFFFFF;
	p2 =	slt.u32 s8, $0xFFFFF086  }
0x1c: {  	p1 =	slt.u32 s9, $0xF7A;
	s5 =	simm.s32 @!p2 $0x0  }
0x1d: {  	s5 =	simm.s32 @p1 $0x1;
	p0 =	seq.s32 s7, s2  }
0x1e: {  	s7 =	smul.u32 @!p0 $0xF7A, s2;
	p2 =	seq.s32 @!p0 s5, $0x0  }
0x1f: {  	s9 =	smul.u32 $0xF7A, s1;
	s8 =	simm.s32 @!p0 $0x1BF5;
	p2 =	por !p2, p0  }
0x20: {  	[sflag:s8] =	ssyncset.s32 @!p0 $0xFFFFF086;
	s6 =	sadd.s32 @!p0 s3, s7;
	s7 =	simm.s32 @!p0 $0x108  }
0x21: {  	s3 =	sadd.s32 s3, s9;
	s6 =	sadd.s32 @!p0 $0x88, s6;
	s7 =	simm.s32 @p2 $0x1082  }
0x22: {  	[simem:s7], [sflag:s8] =	dma.local @!p0 [hbm:s6], $0xF7A  }
0x23: {  	s9 =	sor.u32 $0xD0000000, s2;
	s6 =	simm.s32 $0x108;
	_ =	swait.ge @!p0 [sflag:s8], $0x0  }
0x24: {  	s3 =	sadd.s32 $0x88, s3;
	s6 =	simm.s32 @!p1 $0x1082;
	[sflag:s4] =	ssyncset.s32 $0xFFFFF086  }
0x25: {  	[simem:s6], [sflag:s4] =	dma.local [hbm:s3], $0xF7A  }
0x26: {  	[smem:$0x3F91] =	sst s1;
	(tag) =	ssettag s2;
	_ =	strace s9  }
0x27: {  	s1 =	sld [smem:$0x3FA1]  }
0x28: {  	s2 =	sld [smem:$0x3FA2]  }
0x29: {  	s4 =	sld [smem:$0x3FA4]  }
0x2a: {  	p0 =	seq.s32 s5, $0x0;
	s5 =	sld [smem:$0x3FA5]  }
0x2b: {  	s6 =	sld [smem:$0x3FA6]  }
0x2c: {  	s7 =	sld [smem:$0x3FA7]  }
0x2d: {  	s3 =	simm.s32 $0x108;
	s8 =	sld [smem:$0x3FA8]  }
0x2e: {  	s3 =	simm.s32 @!p0 $0x1082;
	s9 =	sld [smem:$0x3FA9]  }
0x2f: {  	lr =	sadd.s32 s0, s3;
	s0 =	sld [smem:$0x3FA0]  }
0x30: {  	s3 =	sld [smem:$0x3FA3]  }
0x31: {  	[smem:$0x3FAC] =	sst s10  }
0x32: {  	s10 =	sld [smem:$0x3FAA];
	_ =	sdelay $0x3  }
0x33: {  	p0 =	seq.s32 s10, $0x1;
	s10 =	sld [smem:$0x3FAC];
	_ =	sdelay $0x3  }
0x34: {  	[smem:$0x3FAC] =	sst s10  }
0x35: {  	s10 =	sld [smem:$0x3FAB];
	_ =	sdelay $0x3  }
0x36: {  	p1 =	seq.s32 s10, $0x1;
	s10 =	sld [smem:$0x3FAC];
	_ =	sdelay $0x3  }
0x37: {  	[smem:$0x3FAC] =	sst s10  }
0x38: {  	s10 =	sld [smem:$0x3FAD]  }
0x39: {  	_ = 	snop;
	(pc) =	sbr.ind lr, $3  }
0x3a: {  	_ = 	snop  }
0x3b: {  	_ = 	snop  }
0x3c: {  	p2 =	seq.s32 s10, $0x1;
	s10 =	sld [smem:$0x3FAC]  }
0x3d: {  	_ =	shalt  }
0x3e: {  	_ =	shalt  }
0x3f: {  	_ =	shalt  }
0x40: {  	_ =	shalt  }
0x41: {  	_ =	shalt  }
0x42: {  	_ =	shalt  }
0x43: {  	_ =	shalt  }
0x44: {  	_ =	shalt  }
0x45: {  	_ =	shalt  }
0x46: {  	_ =	shalt  }
0x47: {  	_ =	shalt  }
0x48: {  	_ =	shalt  }
0x49: {  	_ =	shalt  }
0x4a: {  	_ =	shalt  }
0x4b: {  	_ =	shalt  }
0x4c: {  	_ =	shalt  }
0x4d: {  	_ =	shalt  }
0x4e: {  	_ =	shalt  }
0x4f: {  	_ =	shalt  }
0x50: {  	_ =	shalt  }
0x51: {  	_ =	shalt  }
0x52: {  	_ =	shalt  }
0x53: {  	_ =	shalt  }
0x54: {  	_ =	shalt  }
0x55: {  	_ =	shalt  }
0x56: {  	_ =	shalt  }
0x57: {  	_ =	shalt  }
0x58: {  	_ =	shalt  }
0x59: {  	_ =	shalt  }
0x5a: {  	_ =	shalt  }
0x5b: {  	_ =	shalt  }
0x5c: {  	_ =	shalt  }
0x5d: {  	_ =	shalt  }
0x5e: {  	_ =	shalt  }
0x5f: {  	_ =	shalt  }
0x60: {  	_ =	shalt  }
0x61: {  	_ =	shalt  }
0x62: {  	_ =	shalt  }
0x63: {  	_ =	shalt  }
0x64: {  	_ =	shalt  }
0x65: {  	_ =	shalt  }
0x66: {  	_ =	shalt  }
0x67: {  	_ =	shalt  }
0x68: {  	_ =	shalt  }
0x69: {  	_ =	shalt  }
0x6a: {  	_ =	shalt  }
0x6b: {  	_ =	shalt  }
0x6c: {  	_ =	shalt  }
0x6d: {  	_ =	shalt  }
0x6e: {  	_ =	shalt  }
0x6f: {  	_ =	shalt  }
0x70: {  	_ =	shalt  }
0x71: {  	_ =	shalt  }
0x72: {  	_ =	shalt  }
0x73: {  	_ =	shalt  }
0x74: {  	_ =	shalt  }
0x75: {  	_ =	shalt  }
0x76: {  	_ =	shalt  }
0x77: {  	_ =	shalt  }
0x78: {  	_ =	shalt  }
0x79: {  	_ =	shalt  }
0x7a: {  	_ =	shalt  }
0x7b: {  	_ =	shalt  }
0x7c: {  	_ =	shalt  }
0x7d: {  	_ =	shalt  }
0x7e: {  	_ =	shalt  }
0x7f: {  	_ =	shalt  }
0x80: {  	_ =	shalt  }
0x81: {  	_ =	shalt  }
0x82: {  	_ =	shalt  }
0x83: {  	_ =	shalt  }
0x84: {  	_ =	shalt  }
0x85: {  	_ =	shalt  }
0x86: {  	_ =	shalt  }
0x87: {  	_ =	shalt  }
.Lfunc_end0:
.L_simem_size_0:
called_computation.3_lowered:
.L_overlay_start_0:
0x88: {  	s2 =	sld [smem:$0x3FD9]  }
0x89: {  	s3 =	sld [smem:$0x3FFE];
	_ =	sdelay $0x1  }
0x8a: {  	s1 =	srdreg.scid  }
0x8b: {  	s0 =	sand.u32 $0x1, s1  }
0x8c: {  	s17 =	sshll.u32 s0, $0xA;
	s2 =	sadd.s32 s3, s2  }
0x8d: {  	s2 =	sadd.s32 s2, s17  }
0x8e: {  	[smem:$0x3FB8] =	sst s2  }
0x8f: {  	_ = 	snop  }
0x90: {  	s2 =	sld [smem:$0x3FD0];
	(tm) =	ssettm $0x1  }
0x91: {  	s18 =	sld [smem:$0x3FFB];
	_ =	sdelay $0x3  }
0x92: {  	_ =	strace s18  }
0x93: {  	s3 =	sld [smem:$0x3FFC];
	_ =	sdelay $0x3  }
0x94: {  	_ =	strace s3  }
0x95: {  	s3 =	sld [smem:$0x3FFD];
	_ =	sdelay $0x3  }
0x96: {  	_ =	strace s3  }
0x97: {  	_ =	strace $0x8FFFFFFF  }
0x98: {  	s19 =	sld [smem:$0x3FDB];
	_ =	sdelay $0x1  }
0x99: {  	s4 =	simm.s32 $_scs_section_size  }
0x9a: {  	s5 =	simm.s32 $_size__tile_overlayer_lowered;
	s6 =	simm.s32 $_tile_overlayer_lowered  }
0x9b: {  	s22 =	simm.s32 $0x1BFF;
	s21 =	sshll.u32 s6, $0x1;
	s3 =	sadd.s32 s4, s19  }
0x9c: {  	s7 =	simm.s32 $0x0;
	s20 =	sshll.u32 s5, $0x1;
	s5 =	sadd.s32 s21, s3  }
0x9d: {  	[timem:s7], [sflag:s22] =	dma.local [hbm:s5], s20  }
0x9e: {  	_ =	swait.ge [sflag:s22], s20  }
0x9f: {  	s4 =	ssub.s32 $0x0, s20;
	[sflag:s22] =	ssyncset.done $0x0  }
0xa0: {  	[sflag:s22] =	ssyncadd.s32 s4;
	_ =	sdelay $0x1  }
0xa1: {  	s23 =	simm.s32 $0x1B8B  }
0xa2: {  	_ =	swait.ge [sflag:s23], $0x1  }
0xa3: {  	[sflag:s23] =	ssyncset.done $0x0  }
0xa4: {  	s25 =	simm.s32 $0x1B8E;
	s24 =	sld [smem:$0x3FFE];
	[sflag:s23] =	ssyncadd.s32 $0xFFFFFFFF  }
0xa5: {  	s26 =	simm.s32 $execute0_lowered;
	[smem:$0x3FD2] =	sst s25  }
0xa6: {  	s5 =	sshll.u32 s26, $0x1;
	_ =	strace $0x8000004F;
	[dreg:$0x1] =	wrdreg $0xFFFFFFFF  }
0xa7: {  	s28 =	simm.s32 $_size_execute0_lowered;
	s3 =	sadd.s32 s3, s5;
	[dreg:$0x0] =	wrdreg $0x0  }
0xa8: {  	s5 =	sshll.u32 s28, $0x1;
	[dreg:$0x2] =	wrdreg s3  }
0xa9: {  	[dreg:$0x3] =	wrdreg s5  }
0xaa: {  	[dreg:$0x4] =	wrdreg $0xC0  }
0xab: {  	_ =	task [dreg:s7], $0x5FFFF  }
0xac: {  	[dreg:$0x1] =	wrdreg $0xFFFFFFFF  }
0xad: {  	[dreg:$0x0] =	wrdreg $0x60  }
0xae: {  	[dreg:$0x2] =	wrdreg s2  }
0xaf: {  	[dreg:$0x3] =	wrdreg s24  }
0xb0: {  	[dreg:$0x4] =	wrdreg $0x9  }
0xb1: {  	_ =	task.clear_ibuf [dreg:s7], $0x5FFFF;
	_ =	strace $0x9000004F  }
0xb2: {  	s29 =	simm.s32 $0x9;
	_ =	strace $0x80000051  }
0xb3: {  	_ =	swait.ge [sflag:s29], $0x1  }
0xb4: {  	[sflag:s29] =	ssyncadd.s32 $0xFFFFFFFF  }
0xb5: {  	_ =	strace $0x90000051  }
0xb6: {  	_ =	sfence  }
0xb7: {  	s30 =	sld [smem:$0x0];
	_ =	sdelay $0x2  }
0xb8: {  	s31 =	sshll.u32 s1, $0xD;
	s1 =	sshrl.u32 s1, $0x2  }
0xb9: {  	s3 =	sand.u32 $0x4000, s31;
	s1 =	sadd.s32 s1, s30  }
0xba: {  	s0 =	sor.u32 s3, s0;
	s1 =	sshll.u32 s1, $0x11  }
0xbb: {  	s0 =	sor.u32 s1, s0  }
0xbc: {  	s0 =	sadd.s32 $0x8F2B, s0  }
0xbd: {  	[sflag:s0] =	ssyncadd.remote.s32 $0x1  }
0xbe: {  	_ =	sfence.sel $0xFFFF  }
0xbf: {  	[dreg:$0x0] =	wrdreg $0xFFFFFFFF;
	(pc) =	sbr.abs _section_cstart, $3  }
0xc0: {  	[dreg:$0x1] =	wrdreg $0xFFFFFFFF  }
0xc1: {  	_ =	task.clear_ibuf [dreg:s7], $0x2FFFF;
	_ =	strace $0x9FFFFFFF  }
0xc2: {  	(tm) =	ssettm $0x7FFFFFFF  }
0xc3: {  	_ =	shalt  }
tec
execute0_lowered:
.L_overlay_start_1:
0x0: {  	(tag) =	ssettag $0x1  }
0x1: {  	s1 =	srdreg.scid;
	s2 =	rddreg [dreg:$0x0]  }
0x2: {  	s0 =	stileid.u32;
	s5 =	rddreg [dreg:$0x1];
	s3 =	simm.s32 $0x0  }
0x3: {  	s10 =	simm.s32 $0x7000;
	s11 =	simm.s32 $0xB000;
	s12 =	simm.s32 $0xF000  }
0x4: {  	s13 =	simm.s32 $0x1;
	s14 =	simm.s32 $0x2;
	s15 =	simm.s32 $0x3  }
0x5: {  	s16 =	simm.s32 $0x4;
	s17 =	simm.s32 $0x5;
	s18 =	simm.s32 $0x6  }
0x6: {  	s19 =	simm.s32 $0x7;
	s20 =	simm.s32 $0x8;
	s4 =	sand.u32 $0x1, s1  }
0x7: {  	s30 =	sshll.u32 s0, $0x1;
	s7 =	smul.u32 $0x60000, s0;
	[smem:$0x7FF] =	sst s3  }
0x8: {  	s1 =	sor.u32 s4, s30;
	s8 =	ssub.s32 $0x2, s4;
	s4 =	smul.u32 $0x30000, s4  }
0x9: {  	s21 =	simm.s32 $0x0;
	s6 =	smul.u32 $0x600, s1;
	s1 =	rddreg [dreg:$0x2]  }
0xa: {  	_ =	strace $0x80000050;
	s7 =	sadd.s32 s7, s5;
	s9 =	sshrl.u32 s8, $0x1  }
0xb: {  	s31 =	ssub.s32 s8, s9;
	s7 =	sadd.s32 s4, s7;
	s8 =	simm.s32 $0x80  }
0xc: {  	s9 =	simm.s32 $0x3000;
	s5 =	sadd.s32 s6, s5;
	s6 =	sadd.s32 $0x92600, s7  }
0xd: {  	s7 =	simm.s32 $0x9;
	s4 =	sadd.s32 $0x84E00, s5;
	s5 =	smax.u32 s31, $0x1  }
.LBB2_1:
0xe: {  	[tilespmem:s3], [sflag:$0x9] =	stream.linear.gather [hbm4b:s4+s3], $0x3000, $0x38;
	[tilespmem:$0x13000] =	vst v63  }
0xf: {  	_ =	swait.ge [sflag:s7], $0x3000  }
0x10: {  	[sflag:s7] =	ssyncset.done $0x0  }
0x11: {  	s22 =	simm.s32 $0x0;
	[sflag:s7] =	ssyncadd.s32 $0xFFFFD000  }
0x12: {  	[tilespmem:s9], [sflag:$0x1] =	stream.indirect.gather [hbm4b:s2+s8], $0x80, s22, s8, $0xb8;
	[tilespmem:$0x13000] =	vst v63  }
0x13: {  	s25 =	simm.s32 $0x80  }
0x14: {  	[tilespmem:s10], [sflag:$0x2] =	stream.indirect.gather [hbm4b:s2+s8], $0x80, s25, s8, $0xb8;
	[tilespmem:$0x13000] =	vst v63  }
0x15: {  	s26 =	simm.s32 $0x100  }
0x16: {  	[tilespmem:s11], [sflag:$0x3] =	stream.indirect.gather [hbm4b:s2+s8], $0x80, s26, s8, $0xb8;
	[tilespmem:$0x13000] =	vst v63  }
0x17: {  	s28 =	simm.s32 $0x180  }
0x18: {  	[tilespmem:s12], [sflag:$0x4] =	stream.indirect.gather [hbm4b:s2+s8], $0x80, s28, s8, $0xb8;
	[tilespmem:$0x13000] =	vst v63  }
0x19: {  	_ =	swait.ge [sflag:s13], $0x4000  }
0x1a: {  	[sflag:s13] =	ssyncset.done $0x0  }
0x1b: {  	s29 =	sadd.s32 $0xFFFFE800, s6;
	[sflag:s13] =	ssyncadd.s32 $0xFFFFC000  }
0x1c: {  	[hbm4b:s29+s3] =	stream.linear.scatter [tilespmem:s9], [sflag:$0x5], $0x4000, $0x38;
	[tilespmem:$0x13000] =	vst v63  }
0x1d: {  	_ =	swait.ge [sflag:s14], $0x4000  }
0x1e: {  	[sflag:s14] =	ssyncset.done $0x0  }
0x1f: {  	s30 =	sadd.s32 $0xFFFFF000, s6;
	[sflag:s14] =	ssyncadd.s32 $0xFFFFC000  }
0x20: {  	[hbm4b:s30+s3] =	stream.linear.scatter [tilespmem:s10], [sflag:$0x6], $0x4000, $0x38;
	[tilespmem:$0x13000] =	vst v63  }
0x21: {  	_ =	swait.ge [sflag:s15], $0x4000  }
0x22: {  	[sflag:s15] =	ssyncset.done $0x0  }
0x23: {  	s31 =	sadd.s32 $0xFFFFF800, s6;
	[sflag:s15] =	ssyncadd.s32 $0xFFFFC000  }
0x24: {  	[hbm4b:s31+s3] =	stream.linear.scatter [tilespmem:s11], [sflag:$0x7], $0x4000, $0x38;
	[tilespmem:$0x13000] =	vst v63  }
0x25: {  	_ =	swait.ge [sflag:s16], $0x4000  }
0x26: {  	[sflag:s16] =	ssyncset.done $0x0  }
0x27: {  	[sflag:s16] =	ssyncadd.s32 $0xFFFFC000  }
0x28: {  	[hbm4b:s6+s3] =	stream.linear.scatter [tilespmem:s12], [sflag:$0x8], $0x4000, $0x38;
	[tilespmem:$0x13000] =	vst v63  }
0x29: {  	_ =	swait.ge [sflag:s17], $0x4000  }
0x2a: {  	[sflag:s17] =	ssyncset.done $0x0  }
0x2b: {  	[sflag:s17] =	ssyncadd.s32 $0xFFFFC000  }
0x2c: {  	_ =	swait.ge [sflag:s18], $0x4000  }
0x2d: {  	[sflag:s18] =	ssyncset.done $0x0  }
0x2e: {  	[sflag:s18] =	ssyncadd.s32 $0xFFFFC000  }
0x2f: {  	_ =	swait.ge [sflag:s19], $0x4000  }
0x30: {  	[sflag:s19] =	ssyncset.done $0x0  }
0x31: {  	[sflag:s19] =	ssyncadd.s32 $0xFFFFC000  }
0x32: {  	s23 =	simm.s32 $0x800;
	_ =	swait.ge [sflag:s20], $0x4000  }
0x33: {  	s22 =	sadd.s32 $0x2000, s6;
	s25 =	simm.s32 $0x1000;
	[sflag:s20] =	ssyncset.done $0x0  }
.LBB2_2:
0x34: {  	s26 =	sshra.s32 s23, $0x2  }
0x35: {  	[sflag:s20] =	ssyncadd.s32 $0xFFFFC000;
	s23 =	smov.u32 s25;
	s24 =	sadd.s32 $0x800, s25  }
0x36: {  	[tilespmem:s9], [sflag:$0x1] =	stream.indirect.gather [hbm4b:s2+s8], $0x80, s26, s8, $0xb8;
	[tilespmem:$0x13000] =	vst v63  }
0x37: {  	p0 =	sne.s32 s25, $0xB800;
	s25 =	sadd.s32 $0x80, s26  }
0x38: {  	[tilespmem:s10], [sflag:$0x2] =	stream.indirect.gather [hbm4b:s2+s8], $0x80, s25, s8, $0xb8;
	[tilespmem:$0x13000] =	vst v63  }
0x39: {  	s25 =	sadd.s32 $0x100, s26  }
0x3a: {  	[tilespmem:s11], [sflag:$0x3] =	stream.indirect.gather [hbm4b:s2+s8], $0x80, s25, s8, $0xb8;
	[tilespmem:$0x13000] =	vst v63  }
0x3b: {  	s25 =	sadd.s32 $0x180, s26  }
0x3c: {  	[tilespmem:s12], [sflag:$0x4] =	stream.indirect.gather [hbm4b:s2+s8], $0x80, s25, s8, $0xb8;
	[tilespmem:$0x13000] =	vst v63  }
0x3d: {  	_ =	swait.ge [sflag:s13], $0x4000  }
0x3e: {  	[sflag:s13] =	ssyncset.done $0x0  }
0x3f: {  	s25 =	sadd.s32 $0xFFFFE800, s22;
	[sflag:s13] =	ssyncadd.s32 $0xFFFFC000  }
0x40: {  	[hbm4b:s25+s3] =	stream.linear.scatter [tilespmem:s9], [sflag:$0x5], $0x4000, $0x38;
	[tilespmem:$0x13000] =	vst v63  }
0x41: {  	_ =	swait.ge [sflag:s14], $0x4000  }
0x42: {  	[sflag:s14] =	ssyncset.done $0x0  }
0x43: {  	s25 =	sadd.s32 $0xFFFFF000, s22;
	[sflag:s14] =	ssyncadd.s32 $0xFFFFC000  }
0x44: {  	[hbm4b:s25+s3] =	stream.linear.scatter [tilespmem:s10], [sflag:$0x6], $0x4000, $0x38;
	[tilespmem:$0x13000] =	vst v63  }
0x45: {  	_ =	swait.ge [sflag:s15], $0x4000  }
0x46: {  	[sflag:s15] =	ssyncset.done $0x0  }
0x47: {  	s25 =	sadd.s32 $0xFFFFF800, s22;
	[sflag:s15] =	ssyncadd.s32 $0xFFFFC000  }
0x48: {  	[hbm4b:s25+s3] =	stream.linear.scatter [tilespmem:s11], [sflag:$0x7], $0x4000, $0x38;
	[tilespmem:$0x13000] =	vst v63  }
0x49: {  	_ =	swait.ge [sflag:s16], $0x4000  }
0x4a: {  	[sflag:s16] =	ssyncset.done $0x0  }
0x4b: {  	[sflag:s16] =	ssyncadd.s32 $0xFFFFC000  }
0x4c: {  	[hbm4b:s22+s3] =	stream.linear.scatter [tilespmem:s12], [sflag:$0x8], $0x4000, $0x38;
	[tilespmem:$0x13000] =	vst v63  }
0x4d: {  	_ =	swait.ge [sflag:s17], $0x4000  }
0x4e: {  	[sflag:s17] =	ssyncset.done $0x0  }
0x4f: {  	[sflag:s17] =	ssyncadd.s32 $0xFFFFC000  }
0x50: {  	_ =	swait.ge [sflag:s18], $0x4000  }
0x51: {  	[sflag:s18] =	ssyncset.done $0x0  }
0x52: {  	[sflag:s18] =	ssyncadd.s32 $0xFFFFC000  }
.Ltmp0:
0x53: {  	_ =	swait.ge [sflag:s19], $0x4000;
	(pc) =	sbr.rel @p0 .LBB2_2-.Ltmp0, $4  }
0x54: {  	[sflag:s19] =	ssyncset.done $0x0  }
0x55: {  	[sflag:s19] =	ssyncadd.s32 $0xFFFFC000  }
0x56: {  	_ =	swait.ge [sflag:s20], $0x4000  }
0x57: {  	s25 =	smov.u32 s24;
	s22 =	sadd.s32 $0x2000, s22;
	[sflag:s20] =	ssyncset.done $0x0  }
0x58: {  	s23 =	sshra.s32 s23, $0x2;
	[sflag:s20] =	ssyncadd.s32 $0xFFFFC000  }
0x59: {  	[tilespmem:s9], [sflag:$0x1] =	stream.indirect.gather [hbm4b:s2+s8], $0x80, s23, s8, $0xb8;
	[tilespmem:$0x13000] =	vst v63  }
0x5a: {  	s24 =	sadd.s32 $0x80, s23  }
0x5b: {  	[tilespmem:s10], [sflag:$0x2] =	stream.indirect.gather [hbm4b:s2+s8], $0x80, s24, s8, $0xb8;
	[tilespmem:$0x13000] =	vst v63  }
0x5c: {  	s28 =	sadd.s32 $0x100, s23  }
0x5d: {  	[tilespmem:s11], [sflag:$0x3] =	stream.indirect.gather [hbm4b:s2+s8], $0x80, s28, s8, $0xb8;
	[tilespmem:$0x13000] =	vst v63  }
0x5e: {  	s23 =	sadd.s32 $0x180, s23  }
0x5f: {  	[tilespmem:s12], [sflag:$0x4] =	stream.indirect.gather [hbm4b:s2+s8], $0x80, s23, s8, $0xb8;
	[tilespmem:$0x13000] =	vst v63  }
0x60: {  	_ =	swait.ge [sflag:s13], $0x4000  }
0x61: {  	[sflag:s13] =	ssyncset.done $0x0  }
0x62: {  	s29 =	sadd.s32 $0xFFFFE800, s22;
	[sflag:s13] =	ssyncadd.s32 $0xFFFFC000  }
0x63: {  	[hbm4b:s29+s3] =	stream.linear.scatter [tilespmem:s9], [sflag:$0x5], $0x4000, $0x38;
	[tilespmem:$0x13000] =	vst v63  }
0x64: {  	_ =	swait.ge [sflag:s14], $0x4000  }
0x65: {  	[sflag:s14] =	ssyncset.done $0x0  }
0x66: {  	s30 =	sadd.s32 $0xFFFFF000, s22;
	[sflag:s14] =	ssyncadd.s32 $0xFFFFC000  }
0x67: {  	[hbm4b:s30+s3] =	stream.linear.scatter [tilespmem:s10], [sflag:$0x6], $0x4000, $0x38;
	[tilespmem:$0x13000] =	vst v63  }
0x68: {  	_ =	swait.ge [sflag:s15], $0x4000  }
0x69: {  	[sflag:s15] =	ssyncset.done $0x0  }
0x6a: {  	s31 =	sadd.s32 $0xFFFFF800, s22;
	[sflag:s15] =	ssyncadd.s32 $0xFFFFC000  }
0x6b: {  	[hbm4b:s31+s3] =	stream.linear.scatter [tilespmem:s11], [sflag:$0x7], $0x4000, $0x38;
	[tilespmem:$0x13000] =	vst v63  }
0x6c: {  	_ =	swait.ge [sflag:s16], $0x4000  }
0x6d: {  	[sflag:s16] =	ssyncset.done $0x0  }
0x6e: {  	[sflag:s16] =	ssyncadd.s32 $0xFFFFC000  }
0x6f: {  	[hbm4b:s22+s3] =	stream.linear.scatter [tilespmem:s12], [sflag:$0x8], $0x4000, $0x38;
	[tilespmem:$0x13000] =	vst v63  }
0x70: {  	_ =	swait.ge [sflag:s17], $0x4000  }
0x71: {  	[sflag:s17] =	ssyncset.done $0x0  }
0x72: {  	[sflag:s17] =	ssyncadd.s32 $0xFFFFC000  }
0x73: {  	_ =	swait.ge [sflag:s18], $0x4000  }
0x74: {  	[sflag:s18] =	ssyncset.done $0x0  }
0x75: {  	s21 =	sadd.s32 $0x1, s21;
	[sflag:s18] =	ssyncadd.s32 $0xFFFFC000  }
0x76: {  	p0 =	sne.s32 s21, s5;
	_ =	swait.ge [sflag:s19], $0x4000  }
.Ltmp1:
0x77: {  	[sflag:s19] =	ssyncset.done $0x0;
	(pc) =	sbr.rel @p0 .LBB2_1-.Ltmp1, $4  }
0x78: {  	[sflag:s19] =	ssyncadd.s32 $0xFFFFC000  }
0x79: {  	_ =	swait.ge [sflag:s20], $0x4000  }
0x7a: {  	[sflag:s20] =	ssyncset.done $0x0  }
0x7b: {  	[sflag:s20] =	ssyncadd.s32 $0xFFFFC000  }
0x7c: {  	_ =	sfence.sel $0x180000  }
0x7d: {  	[bflag:$0x0] =	sbarrier.arrive $0xFFFF  }
0x7e: {  	p0 =	sne.s32 s0, $0x0;
	_ =	strace $0x90000050  }
0x7f: {  	s0 =	sadd.s32 @!p0 $0x100000, s1;
	[bflag:$0x2] =	sbarrier.arrive $0xFFFF  }
0x80: {  	[sflag:s0] =	ssyncadd.tile.s32 @!p0 $0x1;
	_ =	shalt  }
.Lfunc_end2:
_tile_overlayer_lowered:
.L_overlay_start_2:
0x81: {  	(tag) =	ssettag $0x2  }
0x82: {  	s0 =	rddreg [dreg:$0x0];
	s2 =	stileid.u32  }
0x83: {  	s1 =	rddreg [dreg:$0x1];
	p0 =	sne.s32 s2, $0x0  }
0x84: {  	s3 =	rddreg [dreg:$0x2];
	[bflag:$0x3] =	sbarrier.arrive $0xFFFF;
	s2 =	simm.s32 @!p0 $0x1C09  }
0x85: {  	[timem:s3], [sflag:s2] =	dma.local @!p0 [hbm:s0], s1  }
0x86: {  	s0 =	simm.s32 @!p0 $0x9  }
0x87: {  	_ =	swait.ge @!p0 [sflag:s0], s1  }
0x88: {  	s1 =	ssub.s32 @!p0 $0x0, s1;
	[sflag:s0] =	ssyncset.done @!p0 $0x0  }
0x89: {  	[sflag:s0] =	ssyncadd.s32 @!p0 s1  }
0x8a: {  	[bflag:$0x3] =	sbarrier.arrive $0xFFFF  }
0x8b: {  	_ =	shalt  }

</sc_bundles>
